<compile_context>
chip_gen: v7x
topology: tpu7x:2x2x1
jax: 0.10.2.dev20260603
libtpu: 0.0.44.dev20260713+nightly
codegen_flags: <defaults>
</compile_context>

<pallas_src>
import functools

import jax
import jax.numpy as jnp
from jax import lax
from jax.experimental import pallas as pl
from jax.experimental.pallas import tpu as pltpu
from jax.experimental.pallas import tpu_sc as plsc

NC = 2
NS = 16
LANES = 16

_K = 80
_ZR = 40
_ZT = 10
_RED_T = 5
_RED_N = 2048



@functools.lru_cache(maxsize=None)
def _make_sc_agg(N, E, W, mode):
    EPC = E if mode == "l2" else E // NC
    EP = EPC // NS
    NCHUNK = EP // _K
    ZROWS = N // _ZT
    NP = _RED_T * _RED_N
    assert EPC % (NS * _K) == 0
    assert ZROWS % _ZR == 0 and ZROWS % 8 == 0 and N % LANES == 0
    assert NP >= N and _RED_N % LANES == 0

    mesh = plsc.VectorSubcoreMesh(core_axis_name="c", subcore_axis_name="s")

    scratch = [
        pltpu.VMEM_SHARED((N, W), jnp.float32),
        pltpu.HBM((2, NS, 1, NP), jnp.float32),
        pltpu.VMEM((2, _K), jnp.int32),
        pltpu.VMEM((2, _K), jnp.int32),
        pltpu.VMEM((2, _K, W), jnp.float32),
        pltpu.VMEM((_ZR, W), jnp.float32),
        pltpu.VMEM((NP,), jnp.float32),
        pltpu.VMEM((N,), jnp.float32),
        pltpu.VMEM((_RED_N,), jnp.float32),
        pltpu.VMEM((_RED_N,), jnp.float32),
        pltpu.SemaphoreType.DMA,
        pltpu.SemaphoreType.DMA,
        pltpu.SemaphoreType.DMA,
    ]

    def body(*refs):
        if mode == "l2":
            (ha, hb, srcarr, dst, invdeg, agg_out, side_out,
             acc, slab, srcv, dstv, rows, zbuf, sidev, invdv,
             red, tmp, semg0, semg1, semz) = refs
        else:
            (ha, srcarr, dst, agg_out, side_out,
             acc, slab, srcv, dstv, rows, zbuf, sidev, invdv,
             red, tmp, semg0, semg1, semz) = refs
            hb = ha
            invdeg = None
        semg = (semg0, semg1)

        c = lax.axis_index("c")
        s = lax.axis_index("s")

        zeros16 = jnp.zeros((LANES,), jnp.float32)

        def zrow(r, _):
            def zcol(j, _):
                zbuf[r, pl.ds(j * LANES, LANES)] = zeros16
                return 0
            return lax.fori_loop(0, W // LANES, zcol, 0)
        lax.fori_loop(0, _ZR, zrow, 0)

        def zside(i, _):
            sidev[pl.ds(i * LANES, LANES)] = zeros16
            return 0
        lax.fori_loop(0, NP // LANES, zside, 0)

        if mode == "l2":
            pltpu.sync_copy(invdeg, invdv)

        @pl.when(s < _ZT)
        def _():
            for b in range(ZROWS // _ZR):
                pltpu.async_copy(
                    zbuf, acc.at[pl.ds(s * ZROWS + b * _ZR, _ZR)], semz)
            for b in range(ZROWS // _ZR):
                pltpu.make_async_copy(
                    zbuf, acc.at[pl.ds(s * ZROWS + b * _ZR, _ZR)],
                    semz).wait()
        plsc.subcore_barrier()

        ones16 = jnp.ones((LANES,), jnp.float32)
        ebase = s * EP if mode == "l2" else c * EPC + s * EP

        def load_idx(q, b):
            off = ebase + q * _K
            pltpu.sync_copy(srcarr.at[pl.ds(off, _K)], srcv.at[b])
            pltpu.sync_copy(dst.at[pl.ds(off, _K)], dstv.at[b])

        def start_gather(b):
            if mode == "l2":
                @pl.when(c == 0)
                def _():
                    pltpu.async_copy(ha.at[srcv.at[b]], rows.at[b], semg[b])

                @pl.when(c == 1)
                def _():
                    pltpu.async_copy(hb.at[srcv.at[b]], rows.at[b], semg[b])
            else:
                pltpu.async_copy(ha.at[srcv.at[b]], rows.at[b], semg[b])

        def wait_gather(b):
            pltpu.make_async_copy(ha.at[srcv.at[b]], rows.at[b],
                                  semg[b]).wait()

        def consume(b):
            pltpu.sync_copy(rows.at[b], acc.at[dstv.at[b]], add=True)
            if mode == "l1":
                for j in range(_K // LANES):
                    d16 = dstv[b, pl.ds(j * LANES, LANES)]
                    plsc.addupdate_scatter(sidev, [d16], ones16)
            else:
                @pl.when(c == 1)
                def _():
                    for j in range(_K // LANES):
                        d16 = dstv[b, pl.ds(j * LANES, LANES)]
                        w16 = plsc.load_gather(invdv, [d16])
                        u16 = srcv[b, pl.ds(j * LANES, LANES)]
                        plsc.addupdate_scatter(sidev, [u16], w16)

        NPAIR = NCHUNK // 2
        load_idx(0, 0)
        start_gather(0)
        load_idx(1, 1)
        start_gather(1)

        def pair(p, _):
            for b in range(2):
                q = 2 * p + b
                wait_gather(b)
                consume(b)

                @pl.when(q + 2 < NCHUNK)
                def _():
                    load_idx(q + 2, b)
                    start_gather(b)
            return 0

        lax.fori_loop(0, NPAIR, pair, 0)
        if NCHUNK % 2 == 1:
            wait_gather(0)
            consume(0)

        pltpu.sync_copy(sidev, slab.at[c, s, 0])
        plsc.subcore_barrier()

        @pl.when(s < _ZT)
        def _():
            pltpu.sync_copy(acc.at[pl.ds(s * ZROWS, ZROWS)],
                            agg_out.at[c, pl.ds(s * ZROWS, ZROWS)])

        @pl.when(s < _RED_T)
        def _():
            base = s * _RED_N
            pltpu.sync_copy(slab.at[c, 0, 0, pl.ds(base, _RED_N)], red)
            for t in range(1, NS):
                pltpu.sync_copy(slab.at[c, t, 0, pl.ds(base, _RED_N)], tmp)

                def radd(j, _):
                    sl = pl.ds(j * LANES, LANES)
                    red[sl] = red[sl] + tmp[sl]
                    return 0
                lax.fori_loop(0, _RED_N // LANES, radd, 0)
            pltpu.sync_copy(red, side_out.at[c, 0, pl.ds(base, _RED_N)])

    NP = _RED_T * _RED_N
    out_types = (
        jax.ShapeDtypeStruct((2, N, W), jnp.float32),
        jax.ShapeDtypeStruct((2, 1, NP), jnp.float32),
    )
    return pl.kernel(body, out_type=out_types, mesh=mesh,
                     scratch_types=scratch,
                     compiler_params=pltpu.CompilerParams(
                         needs_layout_passes=False))



@functools.lru_cache(maxsize=None)
def _make_tc1(N, D_IN, D_HID, R):
    grid = (N // R,)
    H = D_HID // 2

    def body(x, agg, degt, Ws1, Wn1, b1, h1a_out, h1b_out, invd_out):
        deg = jnp.sum(degt[...], axis=1, keepdims=True)
        inv = 1.0 / jnp.clip(deg, 1.0, None)
        invd_out[...] = inv
        mean = (agg[0] + agg[1]) * inv
        h = (jnp.dot(x[...], Ws1[...], preferred_element_type=jnp.float32)
             + jnp.dot(mean, Wn1[...], preferred_element_type=jnp.float32)
             + b1[...])
        h = jnp.maximum(h, 0.0)
        nrm = jnp.sqrt(jnp.sum(h * h, axis=1, keepdims=True))
        h = h / jnp.maximum(nrm, 1e-12)
        h1a_out[...] = h[:, 0:H]
        h1b_out[...] = h[:, H:2 * H]

    return pl.pallas_call(
        body,
        grid=grid,
        in_specs=[
            pl.BlockSpec((R, D_IN), lambda i: (i, 0)),
            pl.BlockSpec((2, R, D_IN), lambda i: (0, i, 0)),
            pl.BlockSpec((R, 2), lambda i: (i, 0)),
            pl.BlockSpec((D_IN, D_HID), lambda i: (0, 0)),
            pl.BlockSpec((D_IN, D_HID), lambda i: (0, 0)),
            pl.BlockSpec((1, D_HID), lambda i: (0, 0)),
        ],
        out_specs=[
            pl.BlockSpec((R, H), lambda i: (i, 0)),
            pl.BlockSpec((R, H), lambda i: (i, 0)),
            pl.BlockSpec((R, 1), lambda i: (i, 0)),
        ],
        out_shape=[
            jax.ShapeDtypeStruct((N, H), jnp.float32),
            jax.ShapeDtypeStruct((N, H), jnp.float32),
            jax.ShapeDtypeStruct((N, 1), jnp.float32),
        ],
    )


@functools.lru_cache(maxsize=None)
def _make_tc2(N, D_HID, D_OUT, R):
    grid = (N // R,)
    H = D_HID // 2
    nblocks = N // R

    def body(h1a, h1b, agg, cvec, invd, Ws2, Wn2, b2, Ws3, Wn3, b3,
             out, s1, s2):
        i = pl.program_id(0)
        inv = invd[...]
        h = (jnp.dot(h1a[...], Ws2[0:H], preferred_element_type=jnp.float32)
             + jnp.dot(h1b[...], Ws2[H:2 * H],
                       preferred_element_type=jnp.float32)
             + jnp.dot(agg[0] * inv, Wn2[0:H],
                       preferred_element_type=jnp.float32)
             + jnp.dot(agg[1] * inv, Wn2[H:2 * H],
                       preferred_element_type=jnp.float32)
             + b2[...])
        h = jnp.maximum(h, 0.0)
        nrm = jnp.sqrt(jnp.sum(h * h, axis=1, keepdims=True))
        h2 = h / jnp.maximum(nrm, 1e-12)

        @pl.when(i == 0)
        def _():
            s1[...] = jnp.zeros_like(s1)
            s2[...] = jnp.zeros_like(s2)

        s1[...] += jnp.sum(h2, axis=0, keepdims=True)
        s2[...] += jnp.sum(cvec[...] * h2, axis=0, keepdims=True)

        @pl.when(i == nblocks - 1)
        def _():
            out[...] = (jnp.dot(s1[...], Ws3[...],
                                preferred_element_type=jnp.float32)
                        + jnp.dot(s2[...], Wn3[...],
                                  preferred_element_type=jnp.float32)
                        ) * (1.0 / N) + b3[...]

    return pl.pallas_call(
        body,
        grid=grid,
        in_specs=[
            pl.BlockSpec((R, H), lambda i: (i, 0)),
            pl.BlockSpec((R, H), lambda i: (i, 0)),
            pl.BlockSpec((2, R, H), lambda i: (0, i, 0)),
            pl.BlockSpec((R, 1), lambda i: (i, 0)),
            pl.BlockSpec((R, 1), lambda i: (i, 0)),
            pl.BlockSpec((D_HID, D_HID), lambda i: (0, 0)),
            pl.BlockSpec((D_HID, D_HID), lambda i: (0, 0)),
            pl.BlockSpec((1, D_HID), lambda i: (0, 0)),
            pl.BlockSpec((D_HID, D_OUT), lambda i: (0, 0)),
            pl.BlockSpec((D_HID, D_OUT), lambda i: (0, 0)),
            pl.BlockSpec((1, D_OUT), lambda i: (0, 0)),
        ],
        out_specs=pl.BlockSpec((1, D_OUT), lambda i: (0, 0)),
        out_shape=jax.ShapeDtypeStruct((1, D_OUT), jnp.float32),
        scratch_shapes=[
            pltpu.VMEM((1, D_HID), jnp.float32),
            pltpu.VMEM((1, D_HID), jnp.float32),
        ],
    )



def kernel(x, edge_index, Ws1, Wn1, b1, Ws2, Wn2, b2, Ws3, Wn3, b3):
    N, D_IN = x.shape
    E = edge_index.shape[1]
    D_HID = Ws2.shape[0]
    D_OUT = Ws3.shape[1]
    R = 1000

    src = edge_index[0]
    dst = edge_index[1]

    agg1, degp = _make_sc_agg(N, E, D_IN, "l1")(x, src, dst)
    degt = degp[:, 0, :N].T

    h1a, h1b, invd = _make_tc1(N, D_IN, D_HID, R)(
        x, agg1, degt, Ws1, Wn1, b1.reshape(1, D_HID))

    agg2, cside = _make_sc_agg(N, E, D_HID // 2, "l2")(
        h1a, h1b, src, dst, invd.reshape(N))
    cvec = cside[1, 0, :N].reshape(N, 1)

    out = _make_tc2(N, D_HID, D_OUT, R)(
        h1a, h1b, agg2, cvec, invd, Ws2, Wn2, b2.reshape(1, D_HID),
        Ws3, Wn3, b3.reshape(1, D_OUT))
    return out.reshape(D_OUT)

# --- scband reference (transcript-rebuilt; emitter-appended) ---
"""Pipeline reference for scband-gnn-11630771438171 (READ-ONLY COPY).

The authoritative reference and input builder live on the scoring server;
editing this copy changes nothing except your own understanding.
"""

import jax, jax.numpy as jnp
import numpy as np

N = 10000
E = 320000
D_IN = 128
D_HID = 256
D_OUT = 128


def setup_inputs(seed: int = 0) -> dict:
    key = jax.random.key(seed)
    ks = jax.random.split(key, 12)
    x = jax.random.normal(ks[0], (N, D_IN), dtype=jnp.float32)
    edge_index = jax.random.randint(ks[1], (2, E), 0, N, dtype=jnp.int32)
    # SAGEConv params (fc_self + fc_neigh + bias), 3 layers: in->hid, hid->hid, hid->out
    Ws1 = jax.random.normal(ks[2], (D_IN, D_HID), dtype=jnp.float32) / np.sqrt(D_IN)
    Wn1 = jax.random.normal(ks[3], (D_IN, D_HID), dtype=jnp.float32) / np.sqrt(D_IN)
    b1 = jnp.zeros((D_HID,), dtype=jnp.float32)
    Ws2 = jax.random.normal(ks[4], (D_HID, D_HID), dtype=jnp.float32) / np.sqrt(D_HID)
    Wn2 = jax.random.normal(ks[5], (D_HID, D_HID), dtype=jnp.float32) / np.sqrt(D_HID)
    b2 = jnp.zeros((D_HID,), dtype=jnp.float32)
    Ws3 = jax.random.normal(ks[6], (D_HID, D_OUT), dtype=jnp.float32) / np.sqrt(D_HID)
    Wn3 = jax.random.normal(ks[7], (D_HID, D_OUT), dtype=jnp.float32) / np.sqrt(D_HID)
    b3 = jnp.zeros((D_OUT,), dtype=jnp.float32)
    return {"x": x, "edge_index": edge_index, "Ws1": Ws1, "Wn1": Wn1, "b1": b1,
            "Ws2": Ws2, "Wn2": Wn2, "b2": b2, "Ws3": Ws3, "Wn3": Wn3, "b3": b3}


def reference(x, edge_index, Ws1, Wn1, b1, Ws2, Wn2, b2, Ws3, Wn3, b3):
    src = edge_index[0]
    dst = edge_index[1]
    deg = jax.ops.segment_sum(jnp.ones((E,), dtype=jnp.float32), dst, num_segments=N)
    inv_deg = 1.0 / jnp.clip(deg, 1.0, None)

    def sage(h, Ws, Wn, b):
        # DGL SAGEConv (mean aggregator): fc_self(h) + fc_neigh(mean_{u in N(v)} h_u)
        msgs = h[src]
        agg = jax.ops.segment_sum(msgs, dst, num_segments=N)
        mean_neigh = agg * inv_deg[:, None]
        return h @ Ws + mean_neigh @ Wn + b

    def l2norm(h):
        # F.normalize(h) with p=2, dim=1, eps=1e-12
        nrm = jnp.sqrt(jnp.sum(h * h, axis=1, keepdims=True))
        return h / jnp.maximum(nrm, 1e-12)

    h = sage(x, Ws1, Wn1, b1)
    h = l2norm(jax.nn.relu(h))  # dropout p=0.0 -> identity
    h = sage(h, Ws2, Wn2, b2)
    h = l2norm(jax.nn.relu(h))
    h = sage(h, Ws3, Wn3, b3)
    # dgl.mean_nodes over a single graph -> mean over all nodes
    return jnp.mean(h, axis=0)

if __name__ == "__main__":
    import jax
    _d = setup_inputs()
    print(jax.jit(kernel)(*tuple(_d.values())))

</pallas_src>

<mosaic_0001>
#map = affine_map<(d0, d1) -> (0, 0)>
#map1 = affine_map<(d0, d1) -> (0)>
#map2 = affine_map<(d0, d1) -> (0, 0, 0)>
module attributes {stable_mosaic.version = 14 : i64} {
  func.func @body(%arg0: i32, %arg1: i32, %arg2: memref<10000x128xf32, #tpu.memory_space<hbm>>, %arg3: memref<320000xi32, #tpu.memory_space<hbm>>, %arg4: memref<320000xi32, #tpu.memory_space<hbm>>, %arg5: memref<2x10000x128xf32, #tpu.memory_space<hbm>>, %arg6: memref<2x1x10240xf32, #tpu.memory_space<hbm>>, %arg7: memref<10000x128xf32, #tpu.memory_space<vmem_shared>>, %arg8: memref<2x16x1x10240xf32, #tpu.memory_space<hbm>>, %arg9: memref<2x80xi32, #tpu.memory_space<vmem>>, %arg10: memref<2x80xi32, #tpu.memory_space<vmem>>, %arg11: memref<2x80x128xf32, #tpu.memory_space<vmem>>, %arg12: memref<40x128xf32, #tpu.memory_space<vmem>>, %arg13: memref<10240xf32, #tpu.memory_space<vmem>>, %arg14: memref<10000xf32, #tpu.memory_space<vmem>>, %arg15: memref<2048xf32, #tpu.memory_space<vmem>>, %arg16: memref<2048xf32, #tpu.memory_space<vmem>>, %arg17: memref<!tpu.dma_semaphore, #tpu.memory_space<semaphore_mem>>, %arg18: memref<!tpu.dma_semaphore, #tpu.memory_space<semaphore_mem>>, %arg19: memref<!tpu.dma_semaphore, #tpu.memory_space<semaphore_mem>>) attributes {dimension_semantics = [#tpu.dimension_semantics<core_parallel>, #tpu.dimension_semantics<subcore_parallel>], iteration_bounds = array<i64: 2, 16>, scalar_prefetch = 0 : i64, scratch_operands = 13 : i64, tpu.core_type = #tpu.core_type<sc_vector_subcore>, window_params = [{transform_indices = #map}, {transform_indices = #map1}, {transform_indices = #map1}, {transform_indices = #map2}, {transform_indices = #map2}]} {
    %broadcast_in_dim3A = arith.constant 0.000000e+00 : f32
    %broadcast_in_dim3A_0 = vector.broadcast %broadcast_in_dim3A : f32 to vector<16xf32>
    %scan3A = arith.constant 0 : i32
    %scan3A_1 = arith.constant 0 : i32
    %scan3A_2 = arith.constant 40 : i32
    %scan3A_3 = arith.addi %scan3A_1, %scan3A_2 : i32
    %scan3A_4 = arith.constant 1 : i32
    %scan3A_5 = scf.for %scan3A_102 = %scan3A_1 to %scan3A_3 step %scan3A_4 iter_args(%scan3A_103 = %scan3A) -> (i32)  : i32 {
      %scan3A_104 = arith.constant 0 : i32
      %scan3A_105 = arith.constant 0 : i32
      %scan3A_106 = arith.constant 8 : i32
      %scan3A_107 = arith.addi %scan3A_105, %scan3A_106 : i32
      %scan3A_108 = arith.constant 1 : i32
      %scan3A_109 = scf.for %scan3A_111 = %scan3A_105 to %scan3A_107 step %scan3A_108 iter_args(%scan3A_112 = %scan3A_104) -> (i32)  : i32 {
        %mul3A_113 = arith.constant 16 : i32
        %mul3A_114 = arith.muli %scan3A_111, %mul3A_113 : i32
        %swap3A = arith.index_cast %scan3A_102 : i32 to index
        %swap3A_115 = arith.index_cast %mul3A_114 : i32 to index
        %swap3A_116 = tpu.vector_load %arg12[%swap3A, %swap3A_115] {strides = array<i32>} : memref<40x128xf32, #tpu.memory_space<vmem>>, vector<16xf32>,
        tpu.vector_store %arg12[%swap3A, %swap3A_115], %broadcast_in_dim3A_0 {strides = array<i32>} : memref<40x128xf32, #tpu.memory_space<vmem>>, vector<16xf32>,
        %scan3A_117 = arith.constant 0 : i32
        scf.yield %scan3A_117 : i32
      }
      %scan3A_110 = arith.constant 8 : i32
      scf.yield %scan3A_109 : i32
    }
    %scan3A_6 = arith.constant 40 : i32
    %scan3A_7 = arith.constant 0 : i32
    %scan3A_8 = arith.constant 0 : i32
    %scan3A_9 = arith.constant 640 : i32
    %scan3A_10 = arith.addi %scan3A_8, %scan3A_9 : i32
    %scan3A_11 = arith.constant 1 : i32
    %scan3A_12 = scf.for %scan3A_102 = %scan3A_8 to %scan3A_10 step %scan3A_11 iter_args(%scan3A_103 = %scan3A_7) -> (i32)  : i32 {
      %mul3A_104 = arith.constant 16 : i32
      %mul3A_105 = arith.muli %scan3A_102, %mul3A_104 : i32
      %swap3A = arith.index_cast %mul3A_105 : i32 to index
      %swap3A_106 = tpu.vector_load %arg13[%swap3A] {strides = array<i32>} : memref<10240xf32, #tpu.memory_space<vmem>>, vector<16xf32>,
      tpu.vector_store %arg13[%swap3A], %broadcast_in_dim3A_0 {strides = array<i32>} : memref<10240xf32, #tpu.memory_space<vmem>>, vector<16xf32>,
      %scan3A_107 = arith.constant 0 : i32
      scf.yield %scan3A_107 : i32
    }
    %scan3A_13 = arith.constant 640 : i32
    %lt3A = arith.constant 10 : i32
    %lt3A_14 = arith.cmpi slt, %arg1, %lt3A : i32
    %convert_element_type3A = arith.extui %lt3A_14 : i1 to i32
    %cond3A = arith.constant 0 : i32
    %cond3A_15 = arith.cmpi ne, %convert_element_type3A, %cond3A : i32
    scf.if %cond3A_15 {
      %mul3A_102 = arith.constant 1000 : i32
      %mul3A_103 = arith.muli %arg1, %mul3A_102 : i32
      %add3A_104 = arith.constant 0 : i32
      %add3A_105 = arith.addi %mul3A_103, %add3A_104 : i32
      %dma_start3A_106 = arith.constant 0 : i32
      %dma_start3A_107 = tpu.memref_slice %arg7[%add3A_105, %dma_start3A_106] : memref<10000x128xf32, #tpu.memory_space<vmem_shared>> -> memref<40x128xf32, #tpu.memory_space<vmem_shared>>
      %dma_start3A_108 = arith.constant 0 : i32
      %dma_start3A_109 = tpu.memref_slice %arg7[%add3A_105, %dma_start3A_108] : memref<10000x128xf32, #tpu.memory_space<vmem_shared>> -> memref<40x128xf32, #tpu.memory_space<vmem_shared>>
      tpu.enqueue_dma source(%arg12 : memref<40x128xf32, #tpu.memory_space<vmem>>) target(%dma_start3A_109 : memref<40x128xf32, #tpu.memory_space<vmem_shared>>) target_semaphore(%arg19 : memref<!tpu.dma_semaphore, #tpu.memory_space<semaphore_mem>>)
      %mul3A_110 = arith.constant 1000 : i32
      %mul3A_111 = arith.muli %arg1, %mul3A_110 : i32
      %add3A_112 = arith.constant 40 : i32
      %add3A_113 = arith.addi %mul3A_111, %add3A_112 : i32
      %dma_start3A_114 = arith.constant 0 : i32
      %dma_start3A_115 = tpu.memref_slice %arg7[%add3A_113, %dma_start3A_114] : memref<10000x128xf32, #tpu.memory_space<vmem_shared>> -> memref<40x128xf32, #tpu.memory_space<vmem_shared>>
      %dma_start3A_116 = arith.constant 0 : i32
      %dma_start3A_117 = tpu.memref_slice %arg7[%add3A_113, %dma_start3A_116] : memref<10000x128xf32, #tpu.memory_space<vmem_shared>> -> memref<40x128xf32, #tpu.memory_space<vmem_shared>>
      tpu.enqueue_dma source(%arg12 : memref<40x128xf32, #tpu.memory_space<vmem>>) target(%dma_start3A_117 : memref<40x128xf32, #tpu.memory_space<vmem_shared>>) target_semaphore(%arg19 : memref<!tpu.dma_semaphore, #tpu.memory_space<semaphore_mem>>)
      %mul3A_118 = arith.constant 1000 : i32
      %mul3A_119 = arith.muli %arg1, %mul3A_118 : i32
      %add3A_120 = arith.constant 80 : i32
      %add3A_121 = arith.addi %mul3A_119, %add3A_120 : i32
      %dma_start3A_122 = arith.constant 0 : i32
      %dma_start3A_123 = tpu.memref_slice %arg7[%add3A_121, %dma_start3A_122] : memref<10000x128xf32, #tpu.memory_space<vmem_shared>> -> memref<40x128xf32, #tpu.memory_space<vmem_shared>>
      %dma_start3A_124 = arith.constant 0 : i32
      %dma_start3A_125 = tpu.memref_slice %arg7[%add3A_121, %dma_start3A_124] : memref<10000x128xf32, #tpu.memory_space<vmem_shared>> -> memref<40x128xf32, #tpu.memory_space<vmem_shared>>
      tpu.enqueue_dma source(%arg12 : memref<40x128xf32, #tpu.memory_space<vmem>>) target(%dma_start3A_125 : memref<40x128xf32, #tpu.memory_space<vmem_shared>>) target_semaphore(%arg19 : memref<!tpu.dma_semaphore, #tpu.memory_space<semaphore_mem>>)
      %mul3A_126 = arith.constant 1000 : i32
      %mul3A_127 = arith.muli %arg1, %mul3A_126 : i32
      %add3A_128 = arith.constant 120 : i32
      %add3A_129 = arith.addi %mul3A_127, %add3A_128 : i32
      %dma_start3A_130 = arith.constant 0 : i32
      %dma_start3A_131 = tpu.memref_slice %arg7[%add3A_129, %dma_start3A_130] : memref<10000x128xf32, #tpu.memory_space<vmem_shared>> -> memref<40x128xf32, #tpu.memory_space<vmem_shared>>
      %dma_start3A_132 = arith.constant 0 : i32
      %dma_start3A_133 = tpu.memref_slice %arg7[%add3A_129, %dma_start3A_132] : memref<10000x128xf32, #tpu.memory_space<vmem_shared>> -> memref<40x128xf32, #tpu.memory_space<vmem_shared>>
      tpu.enqueue_dma source(%arg12 : memref<40x128xf32, #tpu.memory_space<vmem>>) target(%dma_start3A_133 : memref<40x128xf32, #tpu.memory_space<vmem_shared>>) target_semaphore(%arg19 : memref<!tpu.dma_semaphore, #tpu.memory_space<semaphore_mem>>)
      %mul3A_134 = arith.constant 1000 : i32
      %mul3A_135 = arith.muli %arg1, %mul3A_134 : i32
      %add3A_136 = arith.constant 160 : i32
      %add3A_137 = arith.addi %mul3A_135, %add3A_136 : i32
      %dma_start3A_138 = arith.constant 0 : i32
      %dma_start3A_139 = tpu.memref_slice %arg7[%add3A_137, %dma_start3A_138] : memref<10000x128xf32, #tpu.memory_space<vmem_shared>> -> memref<40x128xf32, #tpu.memory_space<vmem_shared>>
      %dma_start3A_140 = arith.constant 0 : i32
      %dma_start3A_141 = tpu.memref_slice %arg7[%add3A_137, %dma_start3A_140] : memref<10000x128xf32, #tpu.memory_space<vmem_shared>> -> memref<40x128xf32, #tpu.memory_space<vmem_shared>>
      tpu.enqueue_dma source(%arg12 : memref<40x128xf32, #tpu.memory_space<vmem>>) target(%dma_start3A_141 : memref<40x128xf32, #tpu.memory_space<vmem_shared>>) target_semaphore(%arg19 : memref<!tpu.dma_semaphore, #tpu.memory_space<semaphore_mem>>)
      %mul3A_142 = arith.constant 1000 : i32
      %mul3A_143 = arith.muli %arg1, %mul3A_142 : i32
      %add3A_144 = arith.constant 200 : i32
      %add3A_145 = arith.addi %mul3A_143, %add3A_144 : i32
      %dma_start3A_146 = arith.constant 0 : i32
      %dma_start3A_147 = tpu.memref_slice %arg7[%add3A_145, %dma_start3A_146] : memref<10000x128xf32, #tpu.memory_space<vmem_shared>> -> memref<40x128xf32, #tpu.memory_space<vmem_shared>>
      %dma_start3A_148 = arith.constant 0 : i32
      %dma_start3A_149 = tpu.memref_slice %arg7[%add3A_145, %dma_start3A_148] : memref<10000x128xf32, #tpu.memory_space<vmem_shared>> -> memref<40x128xf32, #tpu.memory_space<vmem_shared>>
      tpu.enqueue_dma source(%arg12 : memref<40x128xf32, #tpu.memory_space<vmem>>) target(%dma_start3A_149 : memref<40x128xf32, #tpu.memory_space<vmem_shared>>) target_semaphore(%arg19 : memref<!tpu.dma_semaphore, #tpu.memory_space<semaphore_mem>>)
      %mul3A_150 = arith.constant 1000 : i32
      %mul3A_151 = arith.muli %arg1, %mul3A_150 : i32
      %add3A_152 = arith.constant 240 : i32
      %add3A_153 = arith.addi %mul3A_151, %add3A_152 : i32
      %dma_start3A_154 = arith.constant 0 : i32
      %dma_start3A_155 = tpu.memref_slice %arg7[%add3A_153, %dma_start3A_154] : memref<10000x128xf32, #tpu.memory_space<vmem_shared>> -> memref<40x128xf32, #tpu.memory_space<vmem_shared>>
      %dma_start3A_156 = arith.constant 0 : i32
      %dma_start3A_157 = tpu.memref_slice %arg7[%add3A_153, %dma_start3A_156] : memref<10000x128xf32, #tpu.memory_space<vmem_shared>> -> memref<40x128xf32, #tpu.memory_space<vmem_shared>>
      tpu.enqueue_dma source(%arg12 : memref<40x128xf32, #tpu.memory_space<vmem>>) target(%dma_start3A_157 : memref<40x128xf32, #tpu.memory_space<vmem_shared>>) target_semaphore(%arg19 : memref<!tpu.dma_semaphore, #tpu.memory_space<semaphore_mem>>)
      %mul3A_158 = arith.constant 1000 : i32
      %mul3A_159 = arith.muli %arg1, %mul3A_158 : i32
      %add3A_160 = arith.constant 280 : i32
      %add3A_161 = arith.addi %mul3A_159, %add3A_160 : i32
      %dma_start3A_162 = arith.constant 0 : i32
      %dma_start3A_163 = tpu.memref_slice %arg7[%add3A_161, %dma_start3A_162] : memref<10000x128xf32, #tpu.memory_space<vmem_shared>> -> memref<40x128xf32, #tpu.memory_space<vmem_shared>>
      %dma_start3A_164 = arith.constant 0 : i32
      %dma_start3A_165 = tpu.memref_slice %arg7[%add3A_161, %dma_start3A_164] : memref<10000x128xf32, #tpu.memory_space<vmem_shared>> -> memref<40x128xf32, #tpu.memory_space<vmem_shared>>
      tpu.enqueue_dma source(%arg12 : memref<40x128xf32, #tpu.memory_space<vmem>>) target(%dma_start3A_165 : memref<40x128xf32, #tpu.memory_space<vmem_shared>>) target_semaphore(%arg19 : memref<!tpu.dma_semaphore, #tpu.memory_space<semaphore_mem>>)
      %mul3A_166 = arith.constant 1000 : i32
      %mul3A_167 = arith.muli %arg1, %mul3A_166 : i32
      %add3A_168 = arith.constant 320 : i32
      %add3A_169 = arith.addi %mul3A_167, %add3A_168 : i32
      %dma_start3A_170 = arith.constant 0 : i32
      %dma_start3A_171 = tpu.memref_slice %arg7[%add3A_169, %dma_start3A_170] : memref<10000x128xf32, #tpu.memory_space<vmem_shared>> -> memref<40x128xf32, #tpu.memory_space<vmem_shared>>
      %dma_start3A_172 = arith.constant 0 : i32
      %dma_start3A_173 = tpu.memref_slice %arg7[%add3A_169, %dma_start3A_172] : memref<10000x128xf32, #tpu.memory_space<vmem_shared>> -> memref<40x128xf32, #tpu.memory_space<vmem_shared>>
      tpu.enqueue_dma source(%arg12 : memref<40x128xf32, #tpu.memory_space<vmem>>) target(%dma_start3A_173 : memref<40x128xf32, #tpu.memory_space<vmem_shared>>) target_semaphore(%arg19 : memref<!tpu.dma_semaphore, #tpu.memory_space<semaphore_mem>>)
      %mul3A_174 = arith.constant 1000 : i32
      %mul3A_175 = arith.muli %arg1, %mul3A_174 : i32
      %add3A_176 = arith.constant 360 : i32
      %add3A_177 = arith.addi %mul3A_175, %add3A_176 : i32
      %dma_start3A_178 = arith.constant 0 : i32
      %dma_start3A_179 = tpu.memref_slice %arg7[%add3A_177, %dma_start3A_178] : memref<10000x128xf32, #tpu.memory_space<vmem_shared>> -> memref<40x128xf32, #tpu.memory_space<vmem_shared>>
      %dma_start3A_180 = arith.constant 0 : i32
      %dma_start3A_181 = tpu.memref_slice %arg7[%add3A_177, %dma_start3A_180] : memref<10000x128xf32, #tpu.memory_space<vmem_shared>> -> memref<40x128xf32, #tpu.memory_space<vmem_shared>>
      tpu.enqueue_dma source(%arg12 : memref<40x128xf32, #tpu.memory_space<vmem>>) target(%dma_start3A_181 : memref<40x128xf32, #tpu.memory_space<vmem_shared>>) target_semaphore(%arg19 : memref<!tpu.dma_semaphore, #tpu.memory_space<semaphore_mem>>)
      %mul3A_182 = arith.constant 1000 : i32
      %mul3A_183 = arith.muli %arg1, %mul3A_182 : i32
      %add3A_184 = arith.constant 400 : i32
      %add3A_185 = arith.addi %mul3A_183, %add3A_184 : i32
      %dma_start3A_186 = arith.constant 0 : i32
      %dma_start3A_187 = tpu.memref_slice %arg7[%add3A_185, %dma_start3A_186] : memref<10000x128xf32, #tpu.memory_space<vmem_shared>> -> memref<40x128xf32, #tpu.memory_space<vmem_shared>>
      %dma_start3A_188 = arith.constant 0 : i32
      %dma_start3A_189 = tpu.memref_slice %arg7[%add3A_185, %dma_start3A_188] : memref<10000x128xf32, #tpu.memory_space<vmem_shared>> -> memref<40x128xf32, #tpu.memory_space<vmem_shared>>
      tpu.enqueue_dma source(%arg12 : memref<40x128xf32, #tpu.memory_space<vmem>>) target(%dma_start3A_189 : memref<40x128xf32, #tpu.memory_space<vmem_shared>>) target_semaphore(%arg19 : memref<!tpu.dma_semaphore, #tpu.memory_space<semaphore_mem>>)
      %mul3A_190 = arith.constant 1000 : i32
      %mul3A_191 = arith.muli %arg1, %mul3A_190 : i32
      %add3A_192 = arith.constant 440 : i32
      %add3A_193 = arith.addi %mul3A_191, %add3A_192 : i32
      %dma_start3A_194 = arith.constant 0 : i32
      %dma_start3A_195 = tpu.memref_slice %arg7[%add3A_193, %dma_start3A_194] : memref<10000x128xf32, #tpu.memory_space<vmem_shared>> -> memref<40x128xf32, #tpu.memory_space<vmem_shared>>
      %dma_start3A_196 = arith.constant 0 : i32
      %dma_start3A_197 = tpu.memref_slice %arg7[%add3A_193, %dma_start3A_196] : memref<10000x128xf32, #tpu.memory_space<vmem_shared>> -> memref<40x128xf32, #tpu.memory_space<vmem_shared>>
      tpu.enqueue_dma source(%arg12 : memref<40x128xf32, #tpu.memory_space<vmem>>) target(%dma_start3A_197 : memref<40x128xf32, #tpu.memory_space<vmem_shared>>) target_semaphore(%arg19 : memref<!tpu.dma_semaphore, #tpu.memory_space<semaphore_mem>>)
      %mul3A_198 = arith.constant 1000 : i32
      %mul3A_199 = arith.muli %arg1, %mul3A_198 : i32
      %add3A_200 = arith.constant 480 : i32
      %add3A_201 = arith.addi %mul3A_199, %add3A_200 : i32
      %dma_start3A_202 = arith.constant 0 : i32
      %dma_start3A_203 = tpu.memref_slice %arg7[%add3A_201, %dma_start3A_202] : memref<10000x128xf32, #tpu.memory_space<vmem_shared>> -> memref<40x128xf32, #tpu.memory_space<vmem_shared>>
      %dma_start3A_204 = arith.constant 0 : i32
      %dma_start3A_205 = tpu.memref_slice %arg7[%add3A_201, %dma_start3A_204] : memref<10000x128xf32, #tpu.memory_space<vmem_shared>> -> memref<40x128xf32, #tpu.memory_space<vmem_shared>>
      tpu.enqueue_dma source(%arg12 : memref<40x128xf32, #tpu.memory_space<vmem>>) target(%dma_start3A_205 : memref<40x128xf32, #tpu.memory_space<vmem_shared>>) target_semaphore(%arg19 : memref<!tpu.dma_semaphore, #tpu.memory_space<semaphore_mem>>)
      %mul3A_206 = arith.constant 1000 : i32
      %mul3A_207 = arith.muli %arg1, %mul3A_206 : i32
      %add3A_208 = arith.constant 520 : i32
      %add3A_209 = arith.addi %mul3A_207, %add3A_208 : i32
      %dma_start3A_210 = arith.constant 0 : i32
      %dma_start3A_211 = tpu.memref_slice %arg7[%add3A_209, %dma_start3A_210] : memref<10000x128xf32, #tpu.memory_space<vmem_shared>> -> memref<40x128xf32, #tpu.memory_space<vmem_shared>>
      %dma_start3A_212 = arith.constant 0 : i32
      %dma_start3A_213 = tpu.memref_slice %arg7[%add3A_209, %dma_start3A_212] : memref<10000x128xf32, #tpu.memory_space<vmem_shared>> -> memref<40x128xf32, #tpu.memory_space<vmem_shared>>
      tpu.enqueue_dma source(%arg12 : memref<40x128xf32, #tpu.memory_space<vmem>>) target(%dma_start3A_213 : memref<40x128xf32, #tpu.memory_space<vmem_shared>>) target_semaphore(%arg19 : memref<!tpu.dma_semaphore, #tpu.memory_space<semaphore_mem>>)
      %mul3A_214 = arith.constant 1000 : i32
      %mul3A_215 = arith.muli %arg1, %mul3A_214 : i32
      %add3A_216 = arith.constant 560 : i32
      %add3A_217 = arith.addi %mul3A_215, %add3A_216 : i32
      %dma_start3A_218 = arith.constant 0 : i32
      %dma_start3A_219 = tpu.memref_slice %arg7[%add3A_217, %dma_start3A_218] : memref<10000x128xf32, #tpu.memory_space<vmem_shared>> -> memref<40x128xf32, #tpu.memory_space<vmem_shared>>
      %dma_start3A_220 = arith.constant 0 : i32
      %dma_start3A_221 = tpu.memref_slice %arg7[%add3A_217, %dma_start3A_220] : memref<10000x128xf32, #tpu.memory_space<vmem_shared>> -> memref<40x128xf32, #tpu.memory_space<vmem_shared>>
      tpu.enqueue_dma source(%arg12 : memref<40x128xf32, #tpu.memory_space<vmem>>) target(%dma_start3A_221 : memref<40x128xf32, #tpu.memory_space<vmem_shared>>) target_semaphore(%arg19 : memref<!tpu.dma_semaphore, #tpu.memory_space<semaphore_mem>>)
      %mul3A_222 = arith.constant 1000 : i32
      %mul3A_223 = arith.muli %arg1, %mul3A_222 : i32
      %add3A_224 = arith.constant 600 : i32
      %add3A_225 = arith.addi %mul3A_223, %add3A_224 : i32
      %dma_start3A_226 = arith.constant 0 : i32
      %dma_start3A_227 = tpu.memref_slice %arg7[%add3A_225, %dma_start3A_226] : memref<10000x128xf32, #tpu.memory_space<vmem_shared>> -> memref<40x128xf32, #tpu.memory_space<vmem_shared>>
      %dma_start3A_228 = arith.constant 0 : i32
      %dma_start3A_229 = tpu.memref_slice %arg7[%add3A_225, %dma_start3A_228] : memref<10000x128xf32, #tpu.memory_space<vmem_shared>> -> memref<40x128xf32, #tpu.memory_space<vmem_shared>>
      tpu.enqueue_dma source(%arg12 : memref<40x128xf32, #tpu.memory_space<vmem>>) target(%dma_start3A_229 : memref<40x128xf32, #tpu.memory_space<vmem_shared>>) target_semaphore(%arg19 : memref<!tpu.dma_semaphore, #tpu.memory_space<semaphore_mem>>)
      %mul3A_230 = arith.constant 1000 : i32
      %mul3A_231 = arith.muli %arg1, %mul3A_230 : i32
      %add3A_232 = arith.constant 640 : i32
      %add3A_233 = arith.addi %mul3A_231, %add3A_232 : i32
      %dma_start3A_234 = arith.constant 0 : i32
      %dma_start3A_235 = tpu.memref_slice %arg7[%add3A_233, %dma_start3A_234] : memref<10000x128xf32, #tpu.memory_space<vmem_shared>> -> memref<40x128xf32, #tpu.memory_space<vmem_shared>>
      %dma_start3A_236 = arith.constant 0 : i32
      %dma_start3A_237 = tpu.memref_slice %arg7[%add3A_233, %dma_start3A_236] : memref<10000x128xf32, #tpu.memory_space<vmem_shared>> -> memref<40x128xf32, #tpu.memory_space<vmem_shared>>
      tpu.enqueue_dma source(%arg12 : memref<40x128xf32, #tpu.memory_space<vmem>>) target(%dma_start3A_237 : memref<40x128xf32, #tpu.memory_space<vmem_shared>>) target_semaphore(%arg19 : memref<!tpu.dma_semaphore, #tpu.memory_space<semaphore_mem>>)
      %mul3A_238 = arith.constant 1000 : i32
      %mul3A_239 = arith.muli %arg1, %mul3A_238 : i32
      %add3A_240 = arith.constant 680 : i32
      %add3A_241 = arith.addi %mul3A_239, %add3A_240 : i32
      %dma_start3A_242 = arith.constant 0 : i32
      %dma_start3A_243 = tpu.memref_slice %arg7[%add3A_241, %dma_start3A_242] : memref<10000x128xf32, #tpu.memory_space<vmem_shared>> -> memref<40x128xf32, #tpu.memory_space<vmem_shared>>
      %dma_start3A_244 = arith.constant 0 : i32
      %dma_start3A_245 = tpu.memref_slice %arg7[%add3A_241, %dma_start3A_244] : memref<10000x128xf32, #tpu.memory_space<vmem_shared>> -> memref<40x128xf32, #tpu.memory_space<vmem_shared>>
      tpu.enqueue_dma source(%arg12 : memref<40x128xf32, #tpu.memory_space<vmem>>) target(%dma_start3A_245 : memref<40x128xf32, #tpu.memory_space<vmem_shared>>) target_semaphore(%arg19 : memref<!tpu.dma_semaphore, #tpu.memory_space<semaphore_mem>>)
      %mul3A_246 = arith.constant 1000 : i32
      %mul3A_247 = arith.muli %arg1, %mul3A_246 : i32
      %add3A_248 = arith.constant 720 : i32
      %add3A_249 = arith.addi %mul3A_247, %add3A_248 : i32
      %dma_start3A_250 = arith.constant 0 : i32
      %dma_start3A_251 = tpu.memref_slice %arg7[%add3A_249, %dma_start3A_250] : memref<10000x128xf32, #tpu.memory_space<vmem_shared>> -> memref<40x128xf32, #tpu.memory_space<vmem_shared>>
      %dma_start3A_252 = arith.constant 0 : i32
      %dma_start3A_253 = tpu.memref_slice %arg7[%add3A_249, %dma_start3A_252] : memref<10000x128xf32, #tpu.memory_space<vmem_shared>> -> memref<40x128xf32, #tpu.memory_space<vmem_shared>>
      tpu.enqueue_dma source(%arg12 : memref<40x128xf32, #tpu.memory_space<vmem>>) target(%dma_start3A_253 : memref<40x128xf32, #tpu.memory_space<vmem_shared>>) target_semaphore(%arg19 : memref<!tpu.dma_semaphore, #tpu.memory_space<semaphore_mem>>)
      %mul3A_254 = arith.constant 1000 : i32
      %mul3A_255 = arith.muli %arg1, %mul3A_254 : i32
      %add3A_256 = arith.constant 760 : i32
      %add3A_257 = arith.addi %mul3A_255, %add3A_256 : i32
      %dma_start3A_258 = arith.constant 0 : i32
      %dma_start3A_259 = tpu.memref_slice %arg7[%add3A_257, %dma_start3A_258] : memref<10000x128xf32, #tpu.memory_space<vmem_shared>> -> memref<40x128xf32, #tpu.memory_space<vmem_shared>>
      %dma_start3A_260 = arith.constant 0 : i32
      %dma_start3A_261 = tpu.memref_slice %arg7[%add3A_257, %dma_start3A_260] : memref<10000x128xf32, #tpu.memory_space<vmem_shared>> -> memref<40x128xf32, #tpu.memory_space<vmem_shared>>
      tpu.enqueue_dma source(%arg12 : memref<40x128xf32, #tpu.memory_space<vmem>>) target(%dma_start3A_261 : memref<40x128xf32, #tpu.memory_space<vmem_shared>>) target_semaphore(%arg19 : memref<!tpu.dma_semaphore, #tpu.memory_space<semaphore_mem>>)
      %mul3A_262 = arith.constant 1000 : i32
      %mul3A_263 = arith.muli %arg1, %mul3A_262 : i32
      %add3A_264 = arith.constant 800 : i32
      %add3A_265 = arith.addi %mul3A_263, %add3A_264 : i32
      %dma_start3A_266 = arith.constant 0 : i32
      %dma_start3A_267 = tpu.memref_slice %arg7[%add3A_265, %dma_start3A_266] : memref<10000x128xf32, #tpu.memory_space<vmem_shared>> -> memref<40x128xf32, #tpu.memory_space<vmem_shared>>
      %dma_start3A_268 = arith.constant 0 : i32
      %dma_start3A_269 = tpu.memref_slice %arg7[%add3A_265, %dma_start3A_268] : memref<10000x128xf32, #tpu.memory_space<vmem_shared>> -> memref<40x128xf32, #tpu.memory_space<vmem_shared>>
      tpu.enqueue_dma source(%arg12 : memref<40x128xf32, #tpu.memory_space<vmem>>) target(%dma_start3A_269 : memref<40x128xf32, #tpu.memory_space<vmem_shared>>) target_semaphore(%arg19 : memref<!tpu.dma_semaphore, #tpu.memory_space<semaphore_mem>>)
      %mul3A_270 = arith.constant 1000 : i32
      %mul3A_271 = arith.muli %arg1, %mul3A_270 : i32
      %add3A_272 = arith.constant 840 : i32
      %add3A_273 = arith.addi %mul3A_271, %add3A_272 : i32
      %dma_start3A_274 = arith.constant 0 : i32
      %dma_start3A_275 = tpu.memref_slice %arg7[%add3A_273, %dma_start3A_274] : memref<10000x128xf32, #tpu.memory_space<vmem_shared>> -> memref<40x128xf32, #tpu.memory_space<vmem_shared>>
      %dma_start3A_276 = arith.constant 0 : i32
      %dma_start3A_277 = tpu.memref_slice %arg7[%add3A_273, %dma_start3A_276] : memref<10000x128xf32, #tpu.memory_space<vmem_shared>> -> memref<40x128xf32, #tpu.memory_space<vmem_shared>>
      tpu.enqueue_dma source(%arg12 : memref<40x128xf32, #tpu.memory_space<vmem>>) target(%dma_start3A_277 : memref<40x128xf32, #tpu.memory_space<vmem_shared>>) target_semaphore(%arg19 : memref<!tpu.dma_semaphore, #tpu.memory_space<semaphore_mem>>)
      %mul3A_278 = arith.constant 1000 : i32
      %mul3A_279 = arith.muli %arg1, %mul3A_278 : i32
      %add3A_280 = arith.constant 880 : i32
      %add3A_281 = arith.addi %mul3A_279, %add3A_280 : i32
      %dma_start3A_282 = arith.constant 0 : i32
      %dma_start3A_283 = tpu.memref_slice %arg7[%add3A_281, %dma_start3A_282] : memref<10000x128xf32, #tpu.memory_space<vmem_shared>> -> memref<40x128xf32, #tpu.memory_space<vmem_shared>>
      %dma_start3A_284 = arith.constant 0 : i32
      %dma_start3A_285 = tpu.memref_slice %arg7[%add3A_281, %dma_start3A_284] : memref<10000x128xf32, #tpu.memory_space<vmem_shared>> -> memref<40x128xf32, #tpu.memory_space<vmem_shared>>
      tpu.enqueue_dma source(%arg12 : memref<40x128xf32, #tpu.memory_space<vmem>>) target(%dma_start3A_285 : memref<40x128xf32, #tpu.memory_space<vmem_shared>>) target_semaphore(%arg19 : memref<!tpu.dma_semaphore, #tpu.memory_space<semaphore_mem>>)
      %mul3A_286 = arith.constant 1000 : i32
      %mul3A_287 = arith.muli %arg1, %mul3A_286 : i32
      %add3A_288 = arith.constant 920 : i32
      %add3A_289 = arith.addi %mul3A_287, %add3A_288 : i32
      %dma_start3A_290 = arith.constant 0 : i32
      %dma_start3A_291 = tpu.memref_slice %arg7[%add3A_289, %dma_start3A_290] : memref<10000x128xf32, #tpu.memory_space<vmem_shared>> -> memref<40x128xf32, #tpu.memory_space<vmem_shared>>
      %dma_start3A_292 = arith.constant 0 : i32
      %dma_start3A_293 = tpu.memref_slice %arg7[%add3A_289, %dma_start3A_292] : memref<10000x128xf32, #tpu.memory_space<vmem_shared>> -> memref<40x128xf32, #tpu.memory_space<vmem_shared>>
      tpu.enqueue_dma source(%arg12 : memref<40x128xf32, #tpu.memory_space<vmem>>) target(%dma_start3A_293 : memref<40x128xf32, #tpu.memory_space<vmem_shared>>) target_semaphore(%arg19 : memref<!tpu.dma_semaphore, #tpu.memory_space<semaphore_mem>>)
      %mul3A_294 = arith.constant 1000 : i32
      %mul3A_295 = arith.muli %arg1, %mul3A_294 : i32
      %add3A_296 = arith.constant 960 : i32
      %add3A_297 = arith.addi %mul3A_295, %add3A_296 : i32
      %dma_start3A_298 = arith.constant 0 : i32
      %dma_start3A_299 = tpu.memref_slice %arg7[%add3A_297, %dma_start3A_298] : memref<10000x128xf32, #tpu.memory_space<vmem_shared>> -> memref<40x128xf32, #tpu.memory_space<vmem_shared>>
      %dma_start3A_300 = arith.constant 0 : i32
      %dma_start3A_301 = tpu.memref_slice %arg7[%add3A_297, %dma_start3A_300] : memref<10000x128xf32, #tpu.memory_space<vmem_shared>> -> memref<40x128xf32, #tpu.memory_space<vmem_shared>>
      tpu.enqueue_dma source(%arg12 : memref<40x128xf32, #tpu.memory_space<vmem>>) target(%dma_start3A_301 : memref<40x128xf32, #tpu.memory_space<vmem_shared>>) target_semaphore(%arg19 : memref<!tpu.dma_semaphore, #tpu.memory_space<semaphore_mem>>)
      %mul3A_302 = arith.constant 1000 : i32
      %mul3A_303 = arith.muli %arg1, %mul3A_302 : i32
      %add3A_304 = arith.constant 0 : i32
      %add3A_305 = arith.addi %mul3A_303, %add3A_304 : i32
      %dma_wait3A_306 = arith.constant 0 : i32
      %dma_wait3A_307 = tpu.memref_slice %arg7[%add3A_305, %dma_wait3A_306] : memref<10000x128xf32, #tpu.memory_space<vmem_shared>> -> memref<40x128xf32, #tpu.memory_space<vmem_shared>>
      %dma_wait3A_308 = arith.constant 0 : i32
      %dma_wait3A_309 = tpu.memref_slice %arg7[%add3A_305, %dma_wait3A_308] : memref<10000x128xf32, #tpu.memory_space<vmem_shared>> -> memref<40x128xf32, #tpu.memory_space<vmem_shared>>
      tpu.wait_dma2 semaphore(%arg19 : memref<!tpu.dma_semaphore, #tpu.memory_space<semaphore_mem>>) src(%arg12 : memref<40x128xf32, #tpu.memory_space<vmem>>) dst(%dma_wait3A_309 : memref<40x128xf32, #tpu.memory_space<vmem_shared>>)
      %mul3A_310 = arith.constant 1000 : i32
      %mul3A_311 = arith.muli %arg1, %mul3A_310 : i32
      %add3A_312 = arith.constant 40 : i32
      %add3A_313 = arith.addi %mul3A_311, %add3A_312 : i32
      %dma_wait3A_314 = arith.constant 0 : i32
      %dma_wait3A_315 = tpu.memref_slice %arg7[%add3A_313, %dma_wait3A_314] : memref<10000x128xf32, #tpu.memory_space<vmem_shared>> -> memref<40x128xf32, #tpu.memory_space<vmem_shared>>
      %dma_wait3A_316 = arith.constant 0 : i32
      %dma_wait3A_317 = tpu.memref_slice %arg7[%add3A_313, %dma_wait3A_316] : memref<10000x128xf32, #tpu.memory_space<vmem_shared>> -> memref<40x128xf32, #tpu.memory_space<vmem_shared>>
      tpu.wait_dma2 semaphore(%arg19 : memref<!tpu.dma_semaphore, #tpu.memory_space<semaphore_mem>>) src(%arg12 : memref<40x128xf32, #tpu.memory_space<vmem>>) dst(%dma_wait3A_317 : memref<40x128xf32, #tpu.memory_space<vmem_shared>>)
      %mul3A_318 = arith.constant 1000 : i32
      %mul3A_319 = arith.muli %arg1, %mul3A_318 : i32
      %add3A_320 = arith.constant 80 : i32
      %add3A_321 = arith.addi %mul3A_319, %add3A_320 : i32
      %dma_wait3A_322 = arith.constant 0 : i32
      %dma_wait3A_323 = tpu.memref_slice %arg7[%add3A_321, %dma_wait3A_322] : memref<10000x128xf32, #tpu.memory_space<vmem_shared>> -> memref<40x128xf32, #tpu.memory_space<vmem_shared>>
      %dma_wait3A_324 = arith.constant 0 : i32
      %dma_wait3A_325 = tpu.memref_slice %arg7[%add3A_321, %dma_wait3A_324] : memref<10000x128xf32, #tpu.memory_space<vmem_shared>> -> memref<40x128xf32, #tpu.memory_space<vmem_shared>>
      tpu.wait_dma2 semaphore(%arg19 : memref<!tpu.dma_semaphore, #tpu.memory_space<semaphore_mem>>) src(%arg12 : memref<40x128xf32, #tpu.memory_space<vmem>>) dst(%dma_wait3A_325 : memref<40x128xf32, #tpu.memory_space<vmem_shared>>)
      %mul3A_326 = arith.constant 1000 : i32
      %mul3A_327 = arith.muli %arg1, %mul3A_326 : i32
      %add3A_328 = arith.constant 120 : i32
      %add3A_329 = arith.addi %mul3A_327, %add3A_328 : i32
      %dma_wait3A_330 = arith.constant 0 : i32
      %dma_wait3A_331 = tpu.memref_slice %arg7[%add3A_329, %dma_wait3A_330] : memref<10000x128xf32, #tpu.memory_space<vmem_shared>> -> memref<40x128xf32, #tpu.memory_space<vmem_shared>>
      %dma_wait3A_332 = arith.constant 0 : i32
      %dma_wait3A_333 = tpu.memref_slice %arg7[%add3A_329, %dma_wait3A_332] : memref<10000x128xf32, #tpu.memory_space<vmem_shared>> -> memref<40x128xf32, #tpu.memory_space<vmem_shared>>
      tpu.wait_dma2 semaphore(%arg19 : memref<!tpu.dma_semaphore, #tpu.memory_space<semaphore_mem>>) src(%arg12 : memref<40x128xf32, #tpu.memory_space<vmem>>) dst(%dma_wait3A_333 : memref<40x128xf32, #tpu.memory_space<vmem_shared>>)
      %mul3A_334 = arith.constant 1000 : i32
      %mul3A_335 = arith.muli %arg1, %mul3A_334 : i32
      %add3A_336 = arith.constant 160 : i32
      %add3A_337 = arith.addi %mul3A_335, %add3A_336 : i32
      %dma_wait3A_338 = arith.constant 0 : i32
      %dma_wait3A_339 = tpu.memref_slice %arg7[%add3A_337, %dma_wait3A_338] : memref<10000x128xf32, #tpu.memory_space<vmem_shared>> -> memref<40x128xf32, #tpu.memory_space<vmem_shared>>
      %dma_wait3A_340 = arith.constant 0 : i32
      %dma_wait3A_341 = tpu.memref_slice %arg7[%add3A_337, %dma_wait3A_340] : memref<10000x128xf32, #tpu.memory_space<vmem_shared>> -> memref<40x128xf32, #tpu.memory_space<vmem_shared>>
      tpu.wait_dma2 semaphore(%arg19 : memref<!tpu.dma_semaphore, #tpu.memory_space<semaphore_mem>>) src(%arg12 : memref<40x128xf32, #tpu.memory_space<vmem>>) dst(%dma_wait3A_341 : memref<40x128xf32, #tpu.memory_space<vmem_shared>>)
      %mul3A_342 = arith.constant 1000 : i32
      %mul3A_343 = arith.muli %arg1, %mul3A_342 : i32
      %add3A_344 = arith.constant 200 : i32
      %add3A_345 = arith.addi %mul3A_343, %add3A_344 : i32
      %dma_wait3A_346 = arith.constant 0 : i32
      %dma_wait3A_347 = tpu.memref_slice %arg7[%add3A_345, %dma_wait3A_346] : memref<10000x128xf32, #tpu.memory_space<vmem_shared>> -> memref<40x128xf32, #tpu.memory_space<vmem_shared>>
      %dma_wait3A_348 = arith.constant 0 : i32
      %dma_wait3A_349 = tpu.memref_slice %arg7[%add3A_345, %dma_wait3A_348] : memref<10000x128xf32, #tpu.memory_space<vmem_shared>> -> memref<40x128xf32, #tpu.memory_space<vmem_shared>>
      tpu.wait_dma2 semaphore(%arg19 : memref<!tpu.dma_semaphore, #tpu.memory_space<semaphore_mem>>) src(%arg12 : memref<40x128xf32, #tpu.memory_space<vmem>>) dst(%dma_wait3A_349 : memref<40x128xf32, #tpu.memory_space<vmem_shared>>)
      %mul3A_350 = arith.constant 1000 : i32
      %mul3A_351 = arith.muli %arg1, %mul3A_350 : i32
      %add3A_352 = arith.constant 240 : i32
      %add3A_353 = arith.addi %mul3A_351, %add3A_352 : i32
      %dma_wait3A_354 = arith.constant 0 : i32
      %dma_wait3A_355 = tpu.memref_slice %arg7[%add3A_353, %dma_wait3A_354] : memref<10000x128xf32, #tpu.memory_space<vmem_shared>> -> memref<40x128xf32, #tpu.memory_space<vmem_shared>>
      %dma_wait3A_356 = arith.constant 0 : i32
      %dma_wait3A_357 = tpu.memref_slice %arg7[%add3A_353, %dma_wait3A_356] : memref<10000x128xf32, #tpu.memory_space<vmem_shared>> -> memref<40x128xf32, #tpu.memory_space<vmem_shared>>
      tpu.wait_dma2 semaphore(%arg19 : memref<!tpu.dma_semaphore, #tpu.memory_space<semaphore_mem>>) src(%arg12 : memref<40x128xf32, #tpu.memory_space<vmem>>) dst(%dma_wait3A_357 : memref<40x128xf32, #tpu.memory_space<vmem_shared>>)
      %mul3A_358 = arith.constant 1000 : i32
      %mul3A_359 = arith.muli %arg1, %mul3A_358 : i32
      %add3A_360 = arith.constant 280 : i32
      %add3A_361 = arith.addi %mul3A_359, %add3A_360 : i32
      %dma_wait3A_362 = arith.constant 0 : i32
      %dma_wait3A_363 = tpu.memref_slice %arg7[%add3A_361, %dma_wait3A_362] : memref<10000x128xf32, #tpu.memory_space<vmem_shared>> -> memref<40x128xf32, #tpu.memory_space<vmem_shared>>
      %dma_wait3A_364 = arith.constant 0 : i32
      %dma_wait3A_365 = tpu.memref_slice %arg7[%add3A_361, %dma_wait3A_364] : memref<10000x128xf32, #tpu.memory_space<vmem_shared>> -> memref<40x128xf32, #tpu.memory_space<vmem_shared>>
      tpu.wait_dma2 semaphore(%arg19 : memref<!tpu.dma_semaphore, #tpu.memory_space<semaphore_mem>>) src(%arg12 : memref<40x128xf32, #tpu.memory_space<vmem>>) dst(%dma_wait3A_365 : memref<40x128xf32, #tpu.memory_space<vmem_shared>>)
      %mul3A_366 = arith.constant 1000 : i32
      %mul3A_367 = arith.muli %arg1, %mul3A_366 : i32
      %add3A_368 = arith.constant 320 : i32
      %add3A_369 = arith.addi %mul3A_367, %add3A_368 : i32
      %dma_wait3A_370 = arith.constant 0 : i32
      %dma_wait3A_371 = tpu.memref_slice %arg7[%add3A_369, %dma_wait3A_370] : memref<10000x128xf32, #tpu.memory_space<vmem_shared>> -> memref<40x128xf32, #tpu.memory_space<vmem_shared>>
      %dma_wait3A_372 = arith.constant 0 : i32
      %dma_wait3A_373 = tpu.memref_slice %arg7[%add3A_369, %dma_wait3A_372] : memref<10000x128xf32, #tpu.memory_space<vmem_shared>> -> memref<40x128xf32, #tpu.memory_space<vmem_shared>>
      tpu.wait_dma2 semaphore(%arg19 : memref<!tpu.dma_semaphore, #tpu.memory_space<semaphore_mem>>) src(%arg12 : memref<40x128xf32, #tpu.memory_space<vmem>>) dst(%dma_wait3A_373 : memref<40x128xf32, #tpu.memory_space<vmem_shared>>)
      %mul3A_374 = arith.constant 1000 : i32
      %mul3A_375 = arith.muli %arg1, %mul3A_374 : i32
      %add3A_376 = arith.constant 360 : i32
      %add3A_377 = arith.addi %mul3A_375, %add3A_376 : i32
      %dma_wait3A_378 = arith.constant 0 : i32
      %dma_wait3A_379 = tpu.memref_slice %arg7[%add3A_377, %dma_wait3A_378] : memref<10000x128xf32, #tpu.memory_space<vmem_shared>> -> memref<40x128xf32, #tpu.memory_space<vmem_shared>>
      %dma_wait3A_380 = arith.constant 0 : i32
      %dma_wait3A_381 = tpu.memref_slice %arg7[%add3A_377, %dma_wait3A_380] : memref<10000x128xf32, #tpu.memory_space<vmem_shared>> -> memref<40x128xf32, #tpu.memory_space<vmem_shared>>
      tpu.wait_dma2 semaphore(%arg19 : memref<!tpu.dma_semaphore, #tpu.memory_space<semaphore_mem>>) src(%arg12 : memref<40x128xf32, #tpu.memory_space<vmem>>) dst(%dma_wait3A_381 : memref<40x128xf32, #tpu.memory_space<vmem_shared>>)
      %mul3A_382 = arith.constant 1000 : i32
      %mul3A_383 = arith.muli %arg1, %mul3A_382 : i32
      %add3A_384 = arith.constant 400 : i32
      %add3A_385 = arith.addi %mul3A_383, %add3A_384 : i32
      %dma_wait3A_386 = arith.constant 0 : i32
      %dma_wait3A_387 = tpu.memref_slice %arg7[%add3A_385, %dma_wait3A_386] : memref<10000x128xf32, #tpu.memory_space<vmem_shared>> -> memref<40x128xf32, #tpu.memory_space<vmem_shared>>
      %dma_wait3A_388 = arith.constant 0 : i32
      %dma_wait3A_389 = tpu.memref_slice %arg7[%add3A_385, %dma_wait3A_388] : memref<10000x128xf32, #tpu.memory_space<vmem_shared>> -> memref<40x128xf32, #tpu.memory_space<vmem_shared>>
      tpu.wait_dma2 semaphore(%arg19 : memref<!tpu.dma_semaphore, #tpu.memory_space<semaphore_mem>>) src(%arg12 : memref<40x128xf32, #tpu.memory_space<vmem>>) dst(%dma_wait3A_389 : memref<40x128xf32, #tpu.memory_space<vmem_shared>>)
      %mul3A_390 = arith.constant 1000 : i32
      %mul3A_391 = arith.muli %arg1, %mul3A_390 : i32
      %add3A_392 = arith.constant 440 : i32
      %add3A_393 = arith.addi %mul3A_391, %add3A_392 : i32
      %dma_wait3A_394 = arith.constant 0 : i32
      %dma_wait3A_395 = tpu.memref_slice %arg7[%add3A_393, %dma_wait3A_394] : memref<10000x128xf32, #tpu.memory_space<vmem_shared>> -> memref<40x128xf32, #tpu.memory_space<vmem_shared>>
      %dma_wait3A_396 = arith.constant 0 : i32
      %dma_wait3A_397 = tpu.memref_slice %arg7[%add3A_393, %dma_wait3A_396] : memref<10000x128xf32, #tpu.memory_space<vmem_shared>> -> memref<40x128xf32, #tpu.memory_space<vmem_shared>>
      tpu.wait_dma2 semaphore(%arg19 : memref<!tpu.dma_semaphore, #tpu.memory_space<semaphore_mem>>) src(%arg12 : memref<40x128xf32, #tpu.memory_space<vmem>>) dst(%dma_wait3A_397 : memref<40x128xf32, #tpu.memory_space<vmem_shared>>)
      %mul3A_398 = arith.constant 1000 : i32
      %mul3A_399 = arith.muli %arg1, %mul3A_398 : i32
      %add3A_400 = arith.constant 480 : i32
      %add3A_401 = arith.addi %mul3A_399, %add3A_400 : i32
      %dma_wait3A_402 = arith.constant 0 : i32
      %dma_wait3A_403 = tpu.memref_slice %arg7[%add3A_401, %dma_wait3A_402] : memref<10000x128xf32, #tpu.memory_space<vmem_shared>> -> memref<40x128xf32, #tpu.memory_space<vmem_shared>>
      %dma_wait3A_404 = arith.constant 0 : i32
      %dma_wait3A_405 = tpu.memref_slice %arg7[%add3A_401, %dma_wait3A_404] : memref<10000x128xf32, #tpu.memory_space<vmem_shared>> -> memref<40x128xf32, #tpu.memory_space<vmem_shared>>
      tpu.wait_dma2 semaphore(%arg19 : memref<!tpu.dma_semaphore, #tpu.memory_space<semaphore_mem>>) src(%arg12 : memref<40x128xf32, #tpu.memory_space<vmem>>) dst(%dma_wait3A_405 : memref<40x128xf32, #tpu.memory_space<vmem_shared>>)
      %mul3A_406 = arith.constant 1000 : i32
      %mul3A_407 = arith.muli %arg1, %mul3A_406 : i32
      %add3A_408 = arith.constant 520 : i32
      %add3A_409 = arith.addi %mul3A_407, %add3A_408 : i32
      %dma_wait3A_410 = arith.constant 0 : i32
      %dma_wait3A_411 = tpu.memref_slice %arg7[%add3A_409, %dma_wait3A_410] : memref<10000x128xf32, #tpu.memory_space<vmem_shared>> -> memref<40x128xf32, #tpu.memory_space<vmem_shared>>
      %dma_wait3A_412 = arith.constant 0 : i32
      %dma_wait3A_413 = tpu.memref_slice %arg7[%add3A_409, %dma_wait3A_412] : memref<10000x128xf32, #tpu.memory_space<vmem_shared>> -> memref<40x128xf32, #tpu.memory_space<vmem_shared>>
      tpu.wait_dma2 semaphore(%arg19 : memref<!tpu.dma_semaphore, #tpu.memory_space<semaphore_mem>>) src(%arg12 : memref<40x128xf32, #tpu.memory_space<vmem>>) dst(%dma_wait3A_413 : memref<40x128xf32, #tpu.memory_space<vmem_shared>>)
      %mul3A_414 = arith.constant 1000 : i32
      %mul3A_415 = arith.muli %arg1, %mul3A_414 : i32
      %add3A_416 = arith.constant 560 : i32
      %add3A_417 = arith.addi %mul3A_415, %add3A_416 : i32
      %dma_wait3A_418 = arith.constant 0 : i32
      %dma_wait3A_419 = tpu.memref_slice %arg7[%add3A_417, %dma_wait3A_418] : memref<10000x128xf32, #tpu.memory_space<vmem_shared>> -> memref<40x128xf32, #tpu.memory_space<vmem_shared>>
      %dma_wait3A_420 = arith.constant 0 : i32
      %dma_wait3A_421 = tpu.memref_slice %arg7[%add3A_417, %dma_wait3A_420] : memref<10000x128xf32, #tpu.memory_space<vmem_shared>> -> memref<40x128xf32, #tpu.memory_space<vmem_shared>>
      tpu.wait_dma2 semaphore(%arg19 : memref<!tpu.dma_semaphore, #tpu.memory_space<semaphore_mem>>) src(%arg12 : memref<40x128xf32, #tpu.memory_space<vmem>>) dst(%dma_wait3A_421 : memref<40x128xf32, #tpu.memory_space<vmem_shared>>)
      %mul3A_422 = arith.constant 1000 : i32
      %mul3A_423 = arith.muli %arg1, %mul3A_422 : i32
      %add3A_424 = arith.constant 600 : i32
      %add3A_425 = arith.addi %mul3A_423, %add3A_424 : i32
      %dma_wait3A_426 = arith.constant 0 : i32
      %dma_wait3A_427 = tpu.memref_slice %arg7[%add3A_425, %dma_wait3A_426] : memref<10000x128xf32, #tpu.memory_space<vmem_shared>> -> memref<40x128xf32, #tpu.memory_space<vmem_shared>>
      %dma_wait3A_428 = arith.constant 0 : i32
      %dma_wait3A_429 = tpu.memref_slice %arg7[%add3A_425, %dma_wait3A_428] : memref<10000x128xf32, #tpu.memory_space<vmem_shared>> -> memref<40x128xf32, #tpu.memory_space<vmem_shared>>
      tpu.wait_dma2 semaphore(%arg19 : memref<!tpu.dma_semaphore, #tpu.memory_space<semaphore_mem>>) src(%arg12 : memref<40x128xf32, #tpu.memory_space<vmem>>) dst(%dma_wait3A_429 : memref<40x128xf32, #tpu.memory_space<vmem_shared>>)
      %mul3A_430 = arith.constant 1000 : i32
      %mul3A_431 = arith.muli %arg1, %mul3A_430 : i32
      %add3A_432 = arith.constant 640 : i32
      %add3A_433 = arith.addi %mul3A_431, %add3A_432 : i32
      %dma_wait3A_434 = arith.constant 0 : i32
      %dma_wait3A_435 = tpu.memref_slice %arg7[%add3A_433, %dma_wait3A_434] : memref<10000x128xf32, #tpu.memory_space<vmem_shared>> -> memref<40x128xf32, #tpu.memory_space<vmem_shared>>
      %dma_wait3A_436 = arith.constant 0 : i32
      %dma_wait3A_437 = tpu.memref_slice %arg7[%add3A_433, %dma_wait3A_436] : memref<10000x128xf32, #tpu.memory_space<vmem_shared>> -> memref<40x128xf32, #tpu.memory_space<vmem_shared>>
      tpu.wait_dma2 semaphore(%arg19 : memref<!tpu.dma_semaphore, #tpu.memory_space<semaphore_mem>>) src(%arg12 : memref<40x128xf32, #tpu.memory_space<vmem>>) dst(%dma_wait3A_437 : memref<40x128xf32, #tpu.memory_space<vmem_shared>>)
      %mul3A_438 = arith.constant 1000 : i32
      %mul3A_439 = arith.muli %arg1, %mul3A_438 : i32
      %add3A_440 = arith.constant 680 : i32
      %add3A_441 = arith.addi %mul3A_439, %add3A_440 : i32
      %dma_wait3A_442 = arith.constant 0 : i32
      %dma_wait3A_443 = tpu.memref_slice %arg7[%add3A_441, %dma_wait3A_442] : memref<10000x128xf32, #tpu.memory_space<vmem_shared>> -> memref<40x128xf32, #tpu.memory_space<vmem_shared>>
      %dma_wait3A_444 = arith.constant 0 : i32
      %dma_wait3A_445 = tpu.memref_slice %arg7[%add3A_441, %dma_wait3A_444] : memref<10000x128xf32, #tpu.memory_space<vmem_shared>> -> memref<40x128xf32, #tpu.memory_space<vmem_shared>>
      tpu.wait_dma2 semaphore(%arg19 : memref<!tpu.dma_semaphore, #tpu.memory_space<semaphore_mem>>) src(%arg12 : memref<40x128xf32, #tpu.memory_space<vmem>>) dst(%dma_wait3A_445 : memref<40x128xf32, #tpu.memory_space<vmem_shared>>)
      %mul3A_446 = arith.constant 1000 : i32
      %mul3A_447 = arith.muli %arg1, %mul3A_446 : i32
      %add3A_448 = arith.constant 720 : i32
      %add3A_449 = arith.addi %mul3A_447, %add3A_448 : i32
      %dma_wait3A_450 = arith.constant 0 : i32
      %dma_wait3A_451 = tpu.memref_slice %arg7[%add3A_449, %dma_wait3A_450] : memref<10000x128xf32, #tpu.memory_space<vmem_shared>> -> memref<40x128xf32, #tpu.memory_space<vmem_shared>>
      %dma_wait3A_452 = arith.constant 0 : i32
      %dma_wait3A_453 = tpu.memref_slice %arg7[%add3A_449, %dma_wait3A_452] : memref<10000x128xf32, #tpu.memory_space<vmem_shared>> -> memref<40x128xf32, #tpu.memory_space<vmem_shared>>
      tpu.wait_dma2 semaphore(%arg19 : memref<!tpu.dma_semaphore, #tpu.memory_space<semaphore_mem>>) src(%arg12 : memref<40x128xf32, #tpu.memory_space<vmem>>) dst(%dma_wait3A_453 : memref<40x128xf32, #tpu.memory_space<vmem_shared>>)
      %mul3A_454 = arith.constant 1000 : i32
      %mul3A_455 = arith.muli %arg1, %mul3A_454 : i32
      %add3A_456 = arith.constant 760 : i32
      %add3A_457 = arith.addi %mul3A_455, %add3A_456 : i32
      %dma_wait3A_458 = arith.constant 0 : i32
      %dma_wait3A_459 = tpu.memref_slice %arg7[%add3A_457, %dma_wait3A_458] : memref<10000x128xf32, #tpu.memory_space<vmem_shared>> -> memref<40x128xf32, #tpu.memory_space<vmem_shared>>
      %dma_wait3A_460 = arith.constant 0 : i32
      %dma_wait3A_461 = tpu.memref_slice %arg7[%add3A_457, %dma_wait3A_460] : memref<10000x128xf32, #tpu.memory_space<vmem_shared>> -> memref<40x128xf32, #tpu.memory_space<vmem_shared>>
      tpu.wait_dma2 semaphore(%arg19 : memref<!tpu.dma_semaphore, #tpu.memory_space<semaphore_mem>>) src(%arg12 : memref<40x128xf32, #tpu.memory_space<vmem>>) dst(%dma_wait3A_461 : memref<40x128xf32, #tpu.memory_space<vmem_shared>>)
      %mul3A_462 = arith.constant 1000 : i32
      %mul3A_463 = arith.muli %arg1, %mul3A_462 : i32
      %add3A_464 = arith.constant 800 : i32
      %add3A_465 = arith.addi %mul3A_463, %add3A_464 : i32
      %dma_wait3A_466 = arith.constant 0 : i32
      %dma_wait3A_467 = tpu.memref_slice %arg7[%add3A_465, %dma_wait3A_466] : memref<10000x128xf32, #tpu.memory_space<vmem_shared>> -> memref<40x128xf32, #tpu.memory_space<vmem_shared>>
      %dma_wait3A_468 = arith.constant 0 : i32
      %dma_wait3A_469 = tpu.memref_slice %arg7[%add3A_465, %dma_wait3A_468] : memref<10000x128xf32, #tpu.memory_space<vmem_shared>> -> memref<40x128xf32, #tpu.memory_space<vmem_shared>>
      tpu.wait_dma2 semaphore(%arg19 : memref<!tpu.dma_semaphore, #tpu.memory_space<semaphore_mem>>) src(%arg12 : memref<40x128xf32, #tpu.memory_space<vmem>>) dst(%dma_wait3A_469 : memref<40x128xf32, #tpu.memory_space<vmem_shared>>)
      %mul3A_470 = arith.constant 1000 : i32
      %mul3A_471 = arith.muli %arg1, %mul3A_470 : i32
      %add3A_472 = arith.constant 840 : i32
      %add3A_473 = arith.addi %mul3A_471, %add3A_472 : i32
      %dma_wait3A_474 = arith.constant 0 : i32
      %dma_wait3A_475 = tpu.memref_slice %arg7[%add3A_473, %dma_wait3A_474] : memref<10000x128xf32, #tpu.memory_space<vmem_shared>> -> memref<40x128xf32, #tpu.memory_space<vmem_shared>>
      %dma_wait3A_476 = arith.constant 0 : i32
      %dma_wait3A_477 = tpu.memref_slice %arg7[%add3A_473, %dma_wait3A_476] : memref<10000x128xf32, #tpu.memory_space<vmem_shared>> -> memref<40x128xf32, #tpu.memory_space<vmem_shared>>
      tpu.wait_dma2 semaphore(%arg19 : memref<!tpu.dma_semaphore, #tpu.memory_space<semaphore_mem>>) src(%arg12 : memref<40x128xf32, #tpu.memory_space<vmem>>) dst(%dma_wait3A_477 : memref<40x128xf32, #tpu.memory_space<vmem_shared>>)
      %mul3A_478 = arith.constant 1000 : i32
      %mul3A_479 = arith.muli %arg1, %mul3A_478 : i32
      %add3A_480 = arith.constant 880 : i32
      %add3A_481 = arith.addi %mul3A_479, %add3A_480 : i32
      %dma_wait3A_482 = arith.constant 0 : i32
      %dma_wait3A_483 = tpu.memref_slice %arg7[%add3A_481, %dma_wait3A_482] : memref<10000x128xf32, #tpu.memory_space<vmem_shared>> -> memref<40x128xf32, #tpu.memory_space<vmem_shared>>
      %dma_wait3A_484 = arith.constant 0 : i32
      %dma_wait3A_485 = tpu.memref_slice %arg7[%add3A_481, %dma_wait3A_484] : memref<10000x128xf32, #tpu.memory_space<vmem_shared>> -> memref<40x128xf32, #tpu.memory_space<vmem_shared>>
      tpu.wait_dma2 semaphore(%arg19 : memref<!tpu.dma_semaphore, #tpu.memory_space<semaphore_mem>>) src(%arg12 : memref<40x128xf32, #tpu.memory_space<vmem>>) dst(%dma_wait3A_485 : memref<40x128xf32, #tpu.memory_space<vmem_shared>>)
      %mul3A_486 = arith.constant 1000 : i32
      %mul3A_487 = arith.muli %arg1, %mul3A_486 : i32
      %add3A_488 = arith.constant 920 : i32
      %add3A_489 = arith.addi %mul3A_487, %add3A_488 : i32
      %dma_wait3A_490 = arith.constant 0 : i32
      %dma_wait3A_491 = tpu.memref_slice %arg7[%add3A_489, %dma_wait3A_490] : memref<10000x128xf32, #tpu.memory_space<vmem_shared>> -> memref<40x128xf32, #tpu.memory_space<vmem_shared>>
      %dma_wait3A_492 = arith.constant 0 : i32
      %dma_wait3A_493 = tpu.memref_slice %arg7[%add3A_489, %dma_wait3A_492] : memref<10000x128xf32, #tpu.memory_space<vmem_shared>> -> memref<40x128xf32, #tpu.memory_space<vmem_shared>>
      tpu.wait_dma2 semaphore(%arg19 : memref<!tpu.dma_semaphore, #tpu.memory_space<semaphore_mem>>) src(%arg12 : memref<40x128xf32, #tpu.memory_space<vmem>>) dst(%dma_wait3A_493 : memref<40x128xf32, #tpu.memory_space<vmem_shared>>)
      %mul3A_494 = arith.constant 1000 : i32
      %mul3A_495 = arith.muli %arg1, %mul3A_494 : i32
      %add3A_496 = arith.constant 960 : i32
      %add3A_497 = arith.addi %mul3A_495, %add3A_496 : i32
      %dma_wait3A_498 = arith.constant 0 : i32
      %dma_wait3A_499 = tpu.memref_slice %arg7[%add3A_497, %dma_wait3A_498] : memref<10000x128xf32, #tpu.memory_space<vmem_shared>> -> memref<40x128xf32, #tpu.memory_space<vmem_shared>>
      %dma_wait3A_500 = arith.constant 0 : i32
      %dma_wait3A_501 = tpu.memref_slice %arg7[%add3A_497, %dma_wait3A_500] : memref<10000x128xf32, #tpu.memory_space<vmem_shared>> -> memref<40x128xf32, #tpu.memory_space<vmem_shared>>
      tpu.wait_dma2 semaphore(%arg19 : memref<!tpu.dma_semaphore, #tpu.memory_space<semaphore_mem>>) src(%arg12 : memref<40x128xf32, #tpu.memory_space<vmem>>) dst(%dma_wait3A_501 : memref<40x128xf32, #tpu.memory_space<vmem_shared>>)
    } else {
    }
    %barrier3A = arith.constant 0 : index
    tpu.barrier barrier_id(%barrier3A)
    %broadcast_in_dim3A_16 = arith.constant 1.000000e+00 : f32
    %broadcast_in_dim3A_17 = vector.broadcast %broadcast_in_dim3A_16 : f32 to vector<16xf32>
    %mul3A = arith.constant 160000 : i32
    %mul3A_18 = arith.muli %arg0, %mul3A : i32
    %mul3A_19 = arith.constant 10000 : i32
    %mul3A_20 = arith.muli %arg1, %mul3A_19 : i32
    %add3A = arith.addi %mul3A_18, %mul3A_20 : i32
    %add3A_21 = arith.constant 0 : i32
    %add3A_22 = arith.addi %add3A, %add3A_21 : i32
    %run_scoped3A = arith.constant 0 : i32
    "tpu.region"() ({
      %run_scoped3A_102 = tpu.sem_alloc : memref<!tpu.dma_semaphore, #tpu.memory_space<semaphore_mem>>
      %dma_start3A_103 = arith.constant 0 : i32
      %dma_start3A_104 = tpu.memref_slice %arg9[%run_scoped3A, %dma_start3A_103] : memref<2x80xi32, #tpu.memory_space<vmem>> -> memref<1x80xi32, #tpu.memory_space<vmem>>
      %dma_start3A_105 = tpu.memref_squeeze %dma_start3A_104 : memref<1x80xi32, #tpu.memory_space<vmem>> -> memref<80xi32, #tpu.memory_space<vmem>>
      %dma_start3A_106 = tpu.memref_slice %arg3[%add3A_22] : memref<320000xi32, #tpu.memory_space<hbm>> -> memref<80xi32, #tpu.memory_space<hbm>>
      %dma_start3A_107 = arith.constant 0 : i32
      %dma_start3A_108 = tpu.memref_slice %arg9[%run_scoped3A, %dma_start3A_107] : memref<2x80xi32, #tpu.memory_space<vmem>> -> memref<1x80xi32, #tpu.memory_space<vmem>>
      %dma_start3A_109 = tpu.memref_squeeze %dma_start3A_108 : memref<1x80xi32, #tpu.memory_space<vmem>> -> memref<80xi32, #tpu.memory_space<vmem>>
      %dma_start3A_110 = tpu.memref_slice %arg3[%add3A_22] : memref<320000xi32, #tpu.memory_space<hbm>> -> memref<80xi32, #tpu.memory_space<hbm>>
      tpu.enqueue_dma source(%dma_start3A_110 : memref<80xi32, #tpu.memory_space<hbm>>) target(%dma_start3A_109 : memref<80xi32, #tpu.memory_space<vmem>>) target_semaphore(%run_scoped3A_102 : memref<!tpu.dma_semaphore, #tpu.memory_space<semaphore_mem>>)
      %dma_wait3A_111 = arith.constant 0 : i32
      %dma_wait3A_112 = tpu.memref_slice %arg9[%run_scoped3A, %dma_wait3A_111] : memref<2x80xi32, #tpu.memory_space<vmem>> -> memref<1x80xi32, #tpu.memory_space<vmem>>
      %dma_wait3A_113 = tpu.memref_squeeze %dma_wait3A_112 : memref<1x80xi32, #tpu.memory_space<vmem>> -> memref<80xi32, #tpu.memory_space<vmem>>
      %dma_wait3A_114 = tpu.memref_slice %arg3[%add3A_22] : memref<320000xi32, #tpu.memory_space<hbm>> -> memref<80xi32, #tpu.memory_space<hbm>>
      %dma_wait3A_115 = arith.constant 0 : i32
      %dma_wait3A_116 = tpu.memref_slice %arg9[%run_scoped3A, %dma_wait3A_115] : memref<2x80xi32, #tpu.memory_space<vmem>> -> memref<1x80xi32, #tpu.memory_space<vmem>>
      %dma_wait3A_117 = tpu.memref_squeeze %dma_wait3A_116 : memref<1x80xi32, #tpu.memory_space<vmem>> -> memref<80xi32, #tpu.memory_space<vmem>>
      %dma_wait3A_118 = tpu.memref_slice %arg3[%add3A_22] : memref<320000xi32, #tpu.memory_space<hbm>> -> memref<80xi32, #tpu.memory_space<hbm>>
      tpu.wait_dma2 semaphore(%run_scoped3A_102 : memref<!tpu.dma_semaphore, #tpu.memory_space<semaphore_mem>>) src(%dma_wait3A_118 : memref<80xi32, #tpu.memory_space<hbm>>) dst(%dma_wait3A_117 : memref<80xi32, #tpu.memory_space<vmem>>)
      tpu.yield
    }) : () -> ()
    %run_scoped3A_23 = arith.constant 0 : i32
    "tpu.region"() ({
      %run_scoped3A_102 = tpu.sem_alloc : memref<!tpu.dma_semaphore, #tpu.memory_space<semaphore_mem>>
      %dma_start3A_103 = arith.constant 0 : i32
      %dma_start3A_104 = tpu.memref_slice %arg10[%run_scoped3A_23, %dma_start3A_103] : memref<2x80xi32, #tpu.memory_space<vmem>> -> memref<1x80xi32, #tpu.memory_space<vmem>>
      %dma_start3A_105 = tpu.memref_squeeze %dma_start3A_104 : memref<1x80xi32, #tpu.memory_space<vmem>> -> memref<80xi32, #tpu.memory_space<vmem>>
      %dma_start3A_106 = tpu.memref_slice %arg4[%add3A_22] : memref<320000xi32, #tpu.memory_space<hbm>> -> memref<80xi32, #tpu.memory_space<hbm>>
      %dma_start3A_107 = arith.constant 0 : i32
      %dma_start3A_108 = tpu.memref_slice %arg10[%run_scoped3A_23, %dma_start3A_107] : memref<2x80xi32, #tpu.memory_space<vmem>> -> memref<1x80xi32, #tpu.memory_space<vmem>>
      %dma_start3A_109 = tpu.memref_squeeze %dma_start3A_108 : memref<1x80xi32, #tpu.memory_space<vmem>> -> memref<80xi32, #tpu.memory_space<vmem>>
      %dma_start3A_110 = tpu.memref_slice %arg4[%add3A_22] : memref<320000xi32, #tpu.memory_space<hbm>> -> memref<80xi32, #tpu.memory_space<hbm>>
      tpu.enqueue_dma source(%dma_start3A_110 : memref<80xi32, #tpu.memory_space<hbm>>) target(%dma_start3A_109 : memref<80xi32, #tpu.memory_space<vmem>>) target_semaphore(%run_scoped3A_102 : memref<!tpu.dma_semaphore, #tpu.memory_space<semaphore_mem>>)
      %dma_wait3A_111 = arith.constant 0 : i32
      %dma_wait3A_112 = tpu.memref_slice %arg10[%run_scoped3A_23, %dma_wait3A_111] : memref<2x80xi32, #tpu.memory_space<vmem>> -> memref<1x80xi32, #tpu.memory_space<vmem>>
      %dma_wait3A_113 = tpu.memref_squeeze %dma_wait3A_112 : memref<1x80xi32, #tpu.memory_space<vmem>> -> memref<80xi32, #tpu.memory_space<vmem>>
      %dma_wait3A_114 = tpu.memref_slice %arg4[%add3A_22] : memref<320000xi32, #tpu.memory_space<hbm>> -> memref<80xi32, #tpu.memory_space<hbm>>
      %dma_wait3A_115 = arith.constant 0 : i32
      %dma_wait3A_116 = tpu.memref_slice %arg10[%run_scoped3A_23, %dma_wait3A_115] : memref<2x80xi32, #tpu.memory_space<vmem>> -> memref<1x80xi32, #tpu.memory_space<vmem>>
      %dma_wait3A_117 = tpu.memref_squeeze %dma_wait3A_116 : memref<1x80xi32, #tpu.memory_space<vmem>> -> memref<80xi32, #tpu.memory_space<vmem>>
      %dma_wait3A_118 = tpu.memref_slice %arg4[%add3A_22] : memref<320000xi32, #tpu.memory_space<hbm>> -> memref<80xi32, #tpu.memory_space<hbm>>
      tpu.wait_dma2 semaphore(%run_scoped3A_102 : memref<!tpu.dma_semaphore, #tpu.memory_space<semaphore_mem>>) src(%dma_wait3A_118 : memref<80xi32, #tpu.memory_space<hbm>>) dst(%dma_wait3A_117 : memref<80xi32, #tpu.memory_space<vmem>>)
      tpu.yield
    }) : () -> ()
    %dma_start3A = arith.constant 0 : i32
    %dma_start3A_24 = arith.constant 0 : i32
    %dma_start3A_25 = arith.constant 0 : i32
    %dma_start3A_26 = arith.constant 0 : i32
    %dma_start3A_27 = tpu.memref_slice %arg11[%dma_start3A_24, %dma_start3A_25, %dma_start3A_26] : memref<2x80x128xf32, #tpu.memory_space<vmem>> -> memref<1x80x128xf32, #tpu.memory_space<vmem>>
    %dma_start3A_28 = tpu.memref_squeeze %dma_start3A_27 : memref<1x80x128xf32, #tpu.memory_space<vmem>> -> memref<80x128xf32, #tpu.memory_space<vmem>>
    %dma_start3A_29 = arith.constant 0 : i32
    %dma_start3A_30 = tpu.memref_slice %arg9[%dma_start3A, %dma_start3A_29] : memref<2x80xi32, #tpu.memory_space<vmem>> -> memref<1x80xi32, #tpu.memory_space<vmem>>
    %dma_start3A_31 = tpu.memref_squeeze %dma_start3A_30 : memref<1x80xi32, #tpu.memory_space<vmem>> -> memref<80xi32, #tpu.memory_space<vmem>>
    %dma_start3A_32 = arith.constant 0 : i32
    %dma_start3A_33 = arith.constant 0 : i32
    %dma_start3A_34 = tpu.memref_slice %arg2[%dma_start3A_32, %dma_start3A_33] : memref<10000x128xf32, #tpu.memory_space<hbm>> -> memref<10000x128xf32, #tpu.memory_space<hbm>>
    tpu.enqueue_indirect_dma source(%dma_start3A_34 : memref<10000x128xf32, #tpu.memory_space<hbm>>) target(%dma_start3A_28 : memref<80x128xf32, #tpu.memory_space<vmem>>) offsets(%dma_start3A_31 : memref<80xi32, #tpu.memory_space<vmem>>) semaphore(%arg17 : memref<!tpu.dma_semaphore, #tpu.memory_space<semaphore_mem>>)
    %add3A_35 = arith.constant 80 : i32
    %add3A_36 = arith.addi %add3A, %add3A_35 : i32
    %run_scoped3A_37 = arith.constant 1 : i32
    "tpu.region"() ({
      %run_scoped3A_102 = tpu.sem_alloc : memref<!tpu.dma_semaphore, #tpu.memory_space<semaphore_mem>>
      %dma_start3A_103 = arith.constant 0 : i32
      %dma_start3A_104 = tpu.memref_slice %arg9[%run_scoped3A_37, %dma_start3A_103] : memref<2x80xi32, #tpu.memory_space<vmem>> -> memref<1x80xi32, #tpu.memory_space<vmem>>
      %dma_start3A_105 = tpu.memref_squeeze %dma_start3A_104 : memref<1x80xi32, #tpu.memory_space<vmem>> -> memref<80xi32, #tpu.memory_space<vmem>>
      %dma_start3A_106 = tpu.memref_slice %arg3[%add3A_36] : memref<320000xi32, #tpu.memory_space<hbm>> -> memref<80xi32, #tpu.memory_space<hbm>>
      %dma_start3A_107 = arith.constant 0 : i32
      %dma_start3A_108 = tpu.memref_slice %arg9[%run_scoped3A_37, %dma_start3A_107] : memref<2x80xi32, #tpu.memory_space<vmem>> -> memref<1x80xi32, #tpu.memory_space<vmem>>
      %dma_start3A_109 = tpu.memref_squeeze %dma_start3A_108 : memref<1x80xi32, #tpu.memory_space<vmem>> -> memref<80xi32, #tpu.memory_space<vmem>>
      %dma_start3A_110 = tpu.memref_slice %arg3[%add3A_36] : memref<320000xi32, #tpu.memory_space<hbm>> -> memref<80xi32, #tpu.memory_space<hbm>>
      tpu.enqueue_dma source(%dma_start3A_110 : memref<80xi32, #tpu.memory_space<hbm>>) target(%dma_start3A_109 : memref<80xi32, #tpu.memory_space<vmem>>) target_semaphore(%run_scoped3A_102 : memref<!tpu.dma_semaphore, #tpu.memory_space<semaphore_mem>>)
      %dma_wait3A_111 = arith.constant 0 : i32
      %dma_wait3A_112 = tpu.memref_slice %arg9[%run_scoped3A_37, %dma_wait3A_111] : memref<2x80xi32, #tpu.memory_space<vmem>> -> memref<1x80xi32, #tpu.memory_space<vmem>>
      %dma_wait3A_113 = tpu.memref_squeeze %dma_wait3A_112 : memref<1x80xi32, #tpu.memory_space<vmem>> -> memref<80xi32, #tpu.memory_space<vmem>>
      %dma_wait3A_114 = tpu.memref_slice %arg3[%add3A_36] : memref<320000xi32, #tpu.memory_space<hbm>> -> memref<80xi32, #tpu.memory_space<hbm>>
      %dma_wait3A_115 = arith.constant 0 : i32
      %dma_wait3A_116 = tpu.memref_slice %arg9[%run_scoped3A_37, %dma_wait3A_115] : memref<2x80xi32, #tpu.memory_space<vmem>> -> memref<1x80xi32, #tpu.memory_space<vmem>>
      %dma_wait3A_117 = tpu.memref_squeeze %dma_wait3A_116 : memref<1x80xi32, #tpu.memory_space<vmem>> -> memref<80xi32, #tpu.memory_space<vmem>>
      %dma_wait3A_118 = tpu.memref_slice %arg3[%add3A_36] : memref<320000xi32, #tpu.memory_space<hbm>> -> memref<80xi32, #tpu.memory_space<hbm>>
      tpu.wait_dma2 semaphore(%run_scoped3A_102 : memref<!tpu.dma_semaphore, #tpu.memory_space<semaphore_mem>>) src(%dma_wait3A_118 : memref<80xi32, #tpu.memory_space<hbm>>) dst(%dma_wait3A_117 : memref<80xi32, #tpu.memory_space<vmem>>)
      tpu.yield
    }) : () -> ()
    %run_scoped3A_38 = arith.constant 1 : i32
    "tpu.region"() ({
      %run_scoped3A_102 = tpu.sem_alloc : memref<!tpu.dma_semaphore, #tpu.memory_space<semaphore_mem>>
      %dma_start3A_103 = arith.constant 0 : i32
      %dma_start3A_104 = tpu.memref_slice %arg10[%run_scoped3A_38, %dma_start3A_103] : memref<2x80xi32, #tpu.memory_space<vmem>> -> memref<1x80xi32, #tpu.memory_space<vmem>>
      %dma_start3A_105 = tpu.memref_squeeze %dma_start3A_104 : memref<1x80xi32, #tpu.memory_space<vmem>> -> memref<80xi32, #tpu.memory_space<vmem>>
      %dma_start3A_106 = tpu.memref_slice %arg4[%add3A_36] : memref<320000xi32, #tpu.memory_space<hbm>> -> memref<80xi32, #tpu.memory_space<hbm>>
      %dma_start3A_107 = arith.constant 0 : i32
      %dma_start3A_108 = tpu.memref_slice %arg10[%run_scoped3A_38, %dma_start3A_107] : memref<2x80xi32, #tpu.memory_space<vmem>> -> memref<1x80xi32, #tpu.memory_space<vmem>>
      %dma_start3A_109 = tpu.memref_squeeze %dma_start3A_108 : memref<1x80xi32, #tpu.memory_space<vmem>> -> memref<80xi32, #tpu.memory_space<vmem>>
      %dma_start3A_110 = tpu.memref_slice %arg4[%add3A_36] : memref<320000xi32, #tpu.memory_space<hbm>> -> memref<80xi32, #tpu.memory_space<hbm>>
      tpu.enqueue_dma source(%dma_start3A_110 : memref<80xi32, #tpu.memory_space<hbm>>) target(%dma_start3A_109 : memref<80xi32, #tpu.memory_space<vmem>>) target_semaphore(%run_scoped3A_102 : memref<!tpu.dma_semaphore, #tpu.memory_space<semaphore_mem>>)
      %dma_wait3A_111 = arith.constant 0 : i32
      %dma_wait3A_112 = tpu.memref_slice %arg10[%run_scoped3A_38, %dma_wait3A_111] : memref<2x80xi32, #tpu.memory_space<vmem>> -> memref<1x80xi32, #tpu.memory_space<vmem>>
      %dma_wait3A_113 = tpu.memref_squeeze %dma_wait3A_112 : memref<1x80xi32, #tpu.memory_space<vmem>> -> memref<80xi32, #tpu.memory_space<vmem>>
      %dma_wait3A_114 = tpu.memref_slice %arg4[%add3A_36] : memref<320000xi32, #tpu.memory_space<hbm>> -> memref<80xi32, #tpu.memory_space<hbm>>
      %dma_wait3A_115 = arith.constant 0 : i32
      %dma_wait3A_116 = tpu.memref_slice %arg10[%run_scoped3A_38, %dma_wait3A_115] : memref<2x80xi32, #tpu.memory_space<vmem>> -> memref<1x80xi32, #tpu.memory_space<vmem>>
      %dma_wait3A_117 = tpu.memref_squeeze %dma_wait3A_116 : memref<1x80xi32, #tpu.memory_space<vmem>> -> memref<80xi32, #tpu.memory_space<vmem>>
      %dma_wait3A_118 = tpu.memref_slice %arg4[%add3A_36] : memref<320000xi32, #tpu.memory_space<hbm>> -> memref<80xi32, #tpu.memory_space<hbm>>
      tpu.wait_dma2 semaphore(%run_scoped3A_102 : memref<!tpu.dma_semaphore, #tpu.memory_space<semaphore_mem>>) src(%dma_wait3A_118 : memref<80xi32, #tpu.memory_space<hbm>>) dst(%dma_wait3A_117 : memref<80xi32, #tpu.memory_space<vmem>>)
      tpu.yield
    }) : () -> ()
    %dma_start3A_39 = arith.constant 1 : i32
    %dma_start3A_40 = arith.constant 1 : i32
    %dma_start3A_41 = arith.constant 0 : i32
    %dma_start3A_42 = arith.constant 0 : i32
    %dma_start3A_43 = tpu.memref_slice %arg11[%dma_start3A_40, %dma_start3A_41, %dma_start3A_42] : memref<2x80x128xf32, #tpu.memory_space<vmem>> -> memref<1x80x128xf32, #tpu.memory_space<vmem>>
    %dma_start3A_44 = tpu.memref_squeeze %dma_start3A_43 : memref<1x80x128xf32, #tpu.memory_space<vmem>> -> memref<80x128xf32, #tpu.memory_space<vmem>>
    %dma_start3A_45 = arith.constant 0 : i32
    %dma_start3A_46 = tpu.memref_slice %arg9[%dma_start3A_39, %dma_start3A_45] : memref<2x80xi32, #tpu.memory_space<vmem>> -> memref<1x80xi32, #tpu.memory_space<vmem>>
    %dma_start3A_47 = tpu.memref_squeeze %dma_start3A_46 : memref<1x80xi32, #tpu.memory_space<vmem>> -> memref<80xi32, #tpu.memory_space<vmem>>
    %dma_start3A_48 = arith.constant 0 : i32
    %dma_start3A_49 = arith.constant 0 : i32
    %dma_start3A_50 = tpu.memref_slice %arg2[%dma_start3A_48, %dma_start3A_49] : memref<10000x128xf32, #tpu.memory_space<hbm>> -> memref<10000x128xf32, #tpu.memory_space<hbm>>
    tpu.enqueue_indirect_dma source(%dma_start3A_50 : memref<10000x128xf32, #tpu.memory_space<hbm>>) target(%dma_start3A_44 : memref<80x128xf32, #tpu.memory_space<vmem>>) offsets(%dma_start3A_47 : memref<80xi32, #tpu.memory_space<vmem>>) semaphore(%arg18 : memref<!tpu.dma_semaphore, #tpu.memory_space<semaphore_mem>>)
    %scan3A_51 = arith.constant 0 : i32
    %scan3A_52 = arith.constant 0 : i32
    %scan3A_53 = arith.constant 62 : i32
    %scan3A_54 = arith.addi %scan3A_52, %scan3A_53 : i32
    %scan3A_55 = arith.constant 1 : i32
    %scan3A_56 = scf.for %scan3A_102 = %scan3A_52 to %scan3A_54 step %scan3A_55 iter_args(%scan3A_103 = %scan3A_51) -> (i32)  : i32 {
      %mul3A_104 = arith.constant 2 : i32
      %mul3A_105 = arith.muli %mul3A_104, %scan3A_102 : i32
      %add3A_106 = arith.constant 0 : i32
      %add3A_107 = arith.addi %mul3A_105, %add3A_106 : i32
      %dma_wait3A_108 = arith.constant 0 : i32
      %dma_wait3A_109 = arith.constant 0 : i32
      %dma_wait3A_110 = arith.constant 0 : i32
      %dma_wait3A_111 = arith.constant 0 : i32
      %dma_wait3A_112 = tpu.memref_slice %arg11[%dma_wait3A_109, %dma_wait3A_110, %dma_wait3A_111] : memref<2x80x128xf32, #tpu.memory_space<vmem>> -> memref<1x80x128xf32, #tpu.memory_space<vmem>>
      %dma_wait3A_113 = tpu.memref_squeeze %dma_wait3A_112 : memref<1x80x128xf32, #tpu.memory_space<vmem>> -> memref<80x128xf32, #tpu.memory_space<vmem>>
      %dma_wait3A_114 = arith.constant 0 : i32
      %dma_wait3A_115 = tpu.memref_slice %arg9[%dma_wait3A_108, %dma_wait3A_114] : memref<2x80xi32, #tpu.memory_space<vmem>> -> memref<1x80xi32, #tpu.memory_space<vmem>>
      %dma_wait3A_116 = tpu.memref_squeeze %dma_wait3A_115 : memref<1x80xi32, #tpu.memory_space<vmem>> -> memref<80xi32, #tpu.memory_space<vmem>>
      %dma_wait3A_117 = arith.constant 0 : i32
      %dma_wait3A_118 = arith.constant 0 : i32
      %dma_wait3A_119 = tpu.memref_slice %arg2[%dma_wait3A_117, %dma_wait3A_118] : memref<10000x128xf32, #tpu.memory_space<hbm>> -> memref<10000x128xf32, #tpu.memory_space<hbm>>
      tpu.wait_indirect_dma semaphore(%arg17 : memref<!tpu.dma_semaphore, #tpu.memory_space<semaphore_mem>>) src(%dma_wait3A_119 : memref<10000x128xf32, #tpu.memory_space<hbm>>) dst(%dma_wait3A_113 : memref<80x128xf32, #tpu.memory_space<vmem>>)
      %run_scoped3A_120 = arith.constant 0 : i32
      %run_scoped3A_121 = arith.constant 0 : i32
      "tpu.region"() ({
        %run_scoped3A_195 = tpu.sem_alloc : memref<!tpu.dma_semaphore, #tpu.memory_space<semaphore_mem>>
        %dma_start3A_196 = arith.constant 0 : i32
        %dma_start3A_197 = arith.constant 0 : i32
        %dma_start3A_198 = tpu.memref_slice %arg11[%run_scoped3A_120, %dma_start3A_196, %dma_start3A_197] : memref<2x80x128xf32, #tpu.memory_space<vmem>> -> memref<1x80x128xf32, #tpu.memory_space<vmem>>
        %dma_start3A_199 = tpu.memref_squeeze %dma_start3A_198 : memref<1x80x128xf32, #tpu.memory_space<vmem>> -> memref<80x128xf32, #tpu.memory_space<vmem>>
        %dma_start3A_200 = arith.constant 0 : i32
        %dma_start3A_201 = tpu.memref_slice %arg10[%run_scoped3A_121, %dma_start3A_200] : memref<2x80xi32, #tpu.memory_space<vmem>> -> memref<1x80xi32, #tpu.memory_space<vmem>>
        %dma_start3A_202 = tpu.memref_squeeze %dma_start3A_201 : memref<1x80xi32, #tpu.memory_space<vmem>> -> memref<80xi32, #tpu.memory_space<vmem>>
        %dma_start3A_203 = arith.constant 0 : i32
        %dma_start3A_204 = arith.constant 0 : i32
        %dma_start3A_205 = tpu.memref_slice %arg7[%dma_start3A_203, %dma_start3A_204] : memref<10000x128xf32, #tpu.memory_space<vmem_shared>> -> memref<10000x128xf32, #tpu.memory_space<vmem_shared>>
        tpu.enqueue_indirect_dma source(%dma_start3A_199 : memref<80x128xf32, #tpu.memory_space<vmem>>) target(%dma_start3A_205 : memref<10000x128xf32, #tpu.memory_space<vmem_shared>>) offsets(%dma_start3A_202 : memref<80xi32, #tpu.memory_space<vmem>>) semaphore(%run_scoped3A_195 : memref<!tpu.dma_semaphore, #tpu.memory_space<semaphore_mem>>) {add = true}
        %dma_wait3A_206 = arith.constant 0 : i32
        %dma_wait3A_207 = arith.constant 0 : i32
        %dma_wait3A_208 = tpu.memref_slice %arg11[%run_scoped3A_120, %dma_wait3A_206, %dma_wait3A_207] : memref<2x80x128xf32, #tpu.memory_space<vmem>> -> memref<1x80x128xf32, #tpu.memory_space<vmem>>
        %dma_wait3A_209 = tpu.memref_squeeze %dma_wait3A_208 : memref<1x80x128xf32, #tpu.memory_space<vmem>> -> memref<80x128xf32, #tpu.memory_space<vmem>>
        %dma_wait3A_210 = arith.constant 0 : i32
        %dma_wait3A_211 = tpu.memref_slice %arg10[%run_scoped3A_121, %dma_wait3A_210] : memref<2x80xi32, #tpu.memory_space<vmem>> -> memref<1x80xi32, #tpu.memory_space<vmem>>
        %dma_wait3A_212 = tpu.memref_squeeze %dma_wait3A_211 : memref<1x80xi32, #tpu.memory_space<vmem>> -> memref<80xi32, #tpu.memory_space<vmem>>
        %dma_wait3A_213 = arith.constant 0 : i32
        %dma_wait3A_214 = arith.constant 0 : i32
        %dma_wait3A_215 = tpu.memref_slice %arg7[%dma_wait3A_213, %dma_wait3A_214] : memref<10000x128xf32, #tpu.memory_space<vmem_shared>> -> memref<10000x128xf32, #tpu.memory_space<vmem_shared>>
        tpu.wait_indirect_dma semaphore(%run_scoped3A_195 : memref<!tpu.dma_semaphore, #tpu.memory_space<semaphore_mem>>) src(%dma_wait3A_209 : memref<80x128xf32, #tpu.memory_space<vmem>>) dst(%dma_wait3A_215 : memref<10000x128xf32, #tpu.memory_space<vmem_shared>>)
        tpu.yield
      }) : () -> ()
      %get3A_122 = arith.constant 0 : i32
      %get3A_123 = arith.index_cast %get3A_122 : i32 to index
      %get3A_124 = arith.constant 0 : index
      %get3A_125 = tpu.vector_load %arg10[%get3A_123, %get3A_124] {strides = array<i32>} : memref<2x80xi32, #tpu.memory_space<vmem>>, vector<16xi32>,
      tpu.vector_store_idx %arg13[%get3A_125], %broadcast_in_dim3A_17 {add = true} : memref<10240xf32, #tpu.memory_space<vmem>>[vector<16xi32>], vector<16xf32>,
      %get3A_126 = arith.constant 0 : i32
      %get3A_127 = arith.index_cast %get3A_126 : i32 to index
      %get3A_128 = arith.constant 16 : index
      %get3A_129 = tpu.vector_load %arg10[%get3A_127, %get3A_128] {strides = array<i32>} : memref<2x80xi32, #tpu.memory_space<vmem>>, vector<16xi32>,
      tpu.vector_store_idx %arg13[%get3A_129], %broadcast_in_dim3A_17 {add = true} : memref<10240xf32, #tpu.memory_space<vmem>>[vector<16xi32>], vector<16xf32>,
      %get3A_130 = arith.constant 0 : i32
      %get3A_131 = arith.index_cast %get3A_130 : i32 to index
      %get3A_132 = arith.constant 32 : index
      %get3A_133 = tpu.vector_load %arg10[%get3A_131, %get3A_132] {strides = array<i32>} : memref<2x80xi32, #tpu.memory_space<vmem>>, vector<16xi32>,
      tpu.vector_store_idx %arg13[%get3A_133], %broadcast_in_dim3A_17 {add = true} : memref<10240xf32, #tpu.memory_space<vmem>>[vector<16xi32>], vector<16xf32>,
      %get3A_134 = arith.constant 0 : i32
      %get3A_135 = arith.index_cast %get3A_134 : i32 to index
      %get3A_136 = arith.constant 48 : index
      %get3A_137 = tpu.vector_load %arg10[%get3A_135, %get3A_136] {strides = array<i32>} : memref<2x80xi32, #tpu.memory_space<vmem>>, vector<16xi32>,
      tpu.vector_store_idx %arg13[%get3A_137], %broadcast_in_dim3A_17 {add = true} : memref<10240xf32, #tpu.memory_space<vmem>>[vector<16xi32>], vector<16xf32>,
      %get3A_138 = arith.constant 0 : i32
      %get3A_139 = arith.index_cast %get3A_138 : i32 to index
      %get3A_140 = arith.constant 64 : index
      %get3A_141 = tpu.vector_load %arg10[%get3A_139, %get3A_140] {strides = array<i32>} : memref<2x80xi32, #tpu.memory_space<vmem>>, vector<16xi32>,
      tpu.vector_store_idx %arg13[%get3A_141], %broadcast_in_dim3A_17 {add = true} : memref<10240xf32, #tpu.memory_space<vmem>>[vector<16xi32>], vector<16xf32>,
      %add3A_142 = arith.constant 2 : i32
      %add3A_143 = arith.addi %add3A_107, %add3A_142 : i32
      %lt3A_144 = arith.constant 125 : i32
      %lt3A_145 = arith.cmpi slt, %add3A_143, %lt3A_144 : i32
      %convert_element_type3A_146 = arith.extui %lt3A_145 : i1 to i32
      %cond3A_147 = arith.constant 0 : i32
      %cond3A_148 = arith.cmpi ne, %convert_element_type3A_146, %cond3A_147 : i32
      scf.if %cond3A_148 {
        %add3A_195 = arith.constant 2 : i32
        %add3A_196 = arith.addi %add3A_107, %add3A_195 : i32
        %mul3A_197 = arith.constant 80 : i32
        %mul3A_198 = arith.muli %add3A_196, %mul3A_197 : i32
        %add3A_199 = arith.addi %add3A, %mul3A_198 : i32
        %run_scoped3A_200 = arith.constant 0 : i32
        "tpu.region"() ({
          %run_scoped3A_214 = tpu.sem_alloc : memref<!tpu.dma_semaphore, #tpu.memory_space<semaphore_mem>>
          %dma_start3A_215 = arith.constant 0 : i32
          %dma_start3A_216 = tpu.memref_slice %arg9[%run_scoped3A_200, %dma_start3A_215] : memref<2x80xi32, #tpu.memory_space<vmem>> -> memref<1x80xi32, #tpu.memory_space<vmem>>
          %dma_start3A_217 = tpu.memref_squeeze %dma_start3A_216 : memref<1x80xi32, #tpu.memory_space<vmem>> -> memref<80xi32, #tpu.memory_space<vmem>>
          %dma_start3A_218 = tpu.memref_slice %arg3[%add3A_199] : memref<320000xi32, #tpu.memory_space<hbm>> -> memref<80xi32, #tpu.memory_space<hbm>>
          %dma_start3A_219 = arith.constant 0 : i32
          %dma_start3A_220 = tpu.memref_slice %arg9[%run_scoped3A_200, %dma_start3A_219] : memref<2x80xi32, #tpu.memory_space<vmem>> -> memref<1x80xi32, #tpu.memory_space<vmem>>
          %dma_start3A_221 = tpu.memref_squeeze %dma_start3A_220 : memref<1x80xi32, #tpu.memory_space<vmem>> -> memref<80xi32, #tpu.memory_space<vmem>>
          %dma_start3A_222 = tpu.memref_slice %arg3[%add3A_199] : memref<320000xi32, #tpu.memory_space<hbm>> -> memref<80xi32, #tpu.memory_space<hbm>>
          tpu.enqueue_dma source(%dma_start3A_222 : memref<80xi32, #tpu.memory_space<hbm>>) target(%dma_start3A_221 : memref<80xi32, #tpu.memory_space<vmem>>) target_semaphore(%run_scoped3A_214 : memref<!tpu.dma_semaphore, #tpu.memory_space<semaphore_mem>>)
          %dma_wait3A_223 = arith.constant 0 : i32
          %dma_wait3A_224 = tpu.memref_slice %arg9[%run_scoped3A_200, %dma_wait3A_223] : memref<2x80xi32, #tpu.memory_space<vmem>> -> memref<1x80xi32, #tpu.memory_space<vmem>>
          %dma_wait3A_225 = tpu.memref_squeeze %dma_wait3A_224 : memref<1x80xi32, #tpu.memory_space<vmem>> -> memref<80xi32, #tpu.memory_space<vmem>>
          %dma_wait3A_226 = tpu.memref_slice %arg3[%add3A_199] : memref<320000xi32, #tpu.memory_space<hbm>> -> memref<80xi32, #tpu.memory_space<hbm>>
          %dma_wait3A_227 = arith.constant 0 : i32
          %dma_wait3A_228 = tpu.memref_slice %arg9[%run_scoped3A_200, %dma_wait3A_227] : memref<2x80xi32, #tpu.memory_space<vmem>> -> memref<1x80xi32, #tpu.memory_space<vmem>>
          %dma_wait3A_229 = tpu.memref_squeeze %dma_wait3A_228 : memref<1x80xi32, #tpu.memory_space<vmem>> -> memref<80xi32, #tpu.memory_space<vmem>>
          %dma_wait3A_230 = tpu.memref_slice %arg3[%add3A_199] : memref<320000xi32, #tpu.memory_space<hbm>> -> memref<80xi32, #tpu.memory_space<hbm>>
          tpu.wait_dma2 semaphore(%run_scoped3A_214 : memref<!tpu.dma_semaphore, #tpu.memory_space<semaphore_mem>>) src(%dma_wait3A_230 : memref<80xi32, #tpu.memory_space<hbm>>) dst(%dma_wait3A_229 : memref<80xi32, #tpu.memory_space<vmem>>)
          tpu.yield
        }) : () -> ()
        %run_scoped3A_201 = arith.constant 0 : i32
        "tpu.region"() ({
          %run_scoped3A_214 = tpu.sem_alloc : memref<!tpu.dma_semaphore, #tpu.memory_space<semaphore_mem>>
          %dma_start3A_215 = arith.constant 0 : i32
          %dma_start3A_216 = tpu.memref_slice %arg10[%run_scoped3A_201, %dma_start3A_215] : memref<2x80xi32, #tpu.memory_space<vmem>> -> memref<1x80xi32, #tpu.memory_space<vmem>>
          %dma_start3A_217 = tpu.memref_squeeze %dma_start3A_216 : memref<1x80xi32, #tpu.memory_space<vmem>> -> memref<80xi32, #tpu.memory_space<vmem>>
          %dma_start3A_218 = tpu.memref_slice %arg4[%add3A_199] : memref<320000xi32, #tpu.memory_space<hbm>> -> memref<80xi32, #tpu.memory_space<hbm>>
          %dma_start3A_219 = arith.constant 0 : i32
          %dma_start3A_220 = tpu.memref_slice %arg10[%run_scoped3A_201, %dma_start3A_219] : memref<2x80xi32, #tpu.memory_space<vmem>> -> memref<1x80xi32, #tpu.memory_space<vmem>>
          %dma_start3A_221 = tpu.memref_squeeze %dma_start3A_220 : memref<1x80xi32, #tpu.memory_space<vmem>> -> memref<80xi32, #tpu.memory_space<vmem>>
          %dma_start3A_222 = tpu.memref_slice %arg4[%add3A_199] : memref<320000xi32, #tpu.memory_space<hbm>> -> memref<80xi32, #tpu.memory_space<hbm>>
          tpu.enqueue_dma source(%dma_start3A_222 : memref<80xi32, #tpu.memory_space<hbm>>) target(%dma_start3A_221 : memref<80xi32, #tpu.memory_space<vmem>>) target_semaphore(%run_scoped3A_214 : memref<!tpu.dma_semaphore, #tpu.memory_space<semaphore_mem>>)
          %dma_wait3A_223 = arith.constant 0 : i32
          %dma_wait3A_224 = tpu.memref_slice %arg10[%run_scoped3A_201, %dma_wait3A_223] : memref<2x80xi32, #tpu.memory_space<vmem>> -> memref<1x80xi32, #tpu.memory_space<vmem>>
          %dma_wait3A_225 = tpu.memref_squeeze %dma_wait3A_224 : memref<1x80xi32, #tpu.memory_space<vmem>> -> memref<80xi32, #tpu.memory_space<vmem>>
          %dma_wait3A_226 = tpu.memref_slice %arg4[%add3A_199] : memref<320000xi32, #tpu.memory_space<hbm>> -> memref<80xi32, #tpu.memory_space<hbm>>
          %dma_wait3A_227 = arith.constant 0 : i32
          %dma_wait3A_228 = tpu.memref_slice %arg10[%run_scoped3A_201, %dma_wait3A_227] : memref<2x80xi32, #tpu.memory_space<vmem>> -> memref<1x80xi32, #tpu.memory_space<vmem>>
          %dma_wait3A_229 = tpu.memref_squeeze %dma_wait3A_228 : memref<1x80xi32, #tpu.memory_space<vmem>> -> memref<80xi32, #tpu.memory_space<vmem>>
          %dma_wait3A_230 = tpu.memref_slice %arg4[%add3A_199] : memref<320000xi32, #tpu.memory_space<hbm>> -> memref<80xi32, #tpu.memory_space<hbm>>
          tpu.wait_dma2 semaphore(%run_scoped3A_214 : memref<!tpu.dma_semaphore, #tpu.memory_space<semaphore_mem>>) src(%dma_wait3A_230 : memref<80xi32, #tpu.memory_space<hbm>>) dst(%dma_wait3A_229 : memref<80xi32, #tpu.memory_space<vmem>>)
          tpu.yield
        }) : () -> ()
        %dma_start3A_202 = arith.constant 0 : i32
        %dma_start3A_203 = arith.constant 0 : i32
        %dma_start3A_204 = arith.constant 0 : i32
        %dma_start3A_205 = arith.constant 0 : i32
        %dma_start3A_206 = tpu.memref_slice %arg11[%dma_start3A_203, %dma_start3A_204, %dma_start3A_205] : memref<2x80x128xf32, #tpu.memory_space<vmem>> -> memref<1x80x128xf32, #tpu.memory_space<vmem>>
        %dma_start3A_207 = tpu.memref_squeeze %dma_start3A_206 : memref<1x80x128xf32, #tpu.memory_space<vmem>> -> memref<80x128xf32, #tpu.memory_space<vmem>>
        %dma_start3A_208 = arith.constant 0 : i32
        %dma_start3A_209 = tpu.memref_slice %arg9[%dma_start3A_202, %dma_start3A_208] : memref<2x80xi32, #tpu.memory_space<vmem>> -> memref<1x80xi32, #tpu.memory_space<vmem>>
        %dma_start3A_210 = tpu.memref_squeeze %dma_start3A_209 : memref<1x80xi32, #tpu.memory_space<vmem>> -> memref<80xi32, #tpu.memory_space<vmem>>
        %dma_start3A_211 = arith.constant 0 : i32
        %dma_start3A_212 = arith.constant 0 : i32
        %dma_start3A_213 = tpu.memref_slice %arg2[%dma_start3A_211, %dma_start3A_212] : memref<10000x128xf32, #tpu.memory_space<hbm>> -> memref<10000x128xf32, #tpu.memory_space<hbm>>
        tpu.enqueue_indirect_dma source(%dma_start3A_213 : memref<10000x128xf32, #tpu.memory_space<hbm>>) target(%dma_start3A_207 : memref<80x128xf32, #tpu.memory_space<vmem>>) offsets(%dma_start3A_210 : memref<80xi32, #tpu.memory_space<vmem>>) semaphore(%arg17 : memref<!tpu.dma_semaphore, #tpu.memory_space<semaphore_mem>>)
      } else {
      }
      %mul3A_149 = arith.constant 2 : i32
      %mul3A_150 = arith.muli %mul3A_149, %scan3A_102 : i32
      %add3A_151 = arith.constant 1 : i32
      %add3A_152 = arith.addi %mul3A_150, %add3A_151 : i32
      %dma_wait3A_153 = arith.constant 1 : i32
      %dma_wait3A_154 = arith.constant 1 : i32
      %dma_wait3A_155 = arith.constant 0 : i32
      %dma_wait3A_156 = arith.constant 0 : i32
      %dma_wait3A_157 = tpu.memref_slice %arg11[%dma_wait3A_154, %dma_wait3A_155, %dma_wait3A_156] : memref<2x80x128xf32, #tpu.memory_space<vmem>> -> memref<1x80x128xf32, #tpu.memory_space<vmem>>
      %dma_wait3A_158 = tpu.memref_squeeze %dma_wait3A_157 : memref<1x80x128xf32, #tpu.memory_space<vmem>> -> memref<80x128xf32, #tpu.memory_space<vmem>>
      %dma_wait3A_159 = arith.constant 0 : i32
      %dma_wait3A_160 = tpu.memref_slice %arg9[%dma_wait3A_153, %dma_wait3A_159] : memref<2x80xi32, #tpu.memory_space<vmem>> -> memref<1x80xi32, #tpu.memory_space<vmem>>
      %dma_wait3A_161 = tpu.memref_squeeze %dma_wait3A_160 : memref<1x80xi32, #tpu.memory_space<vmem>> -> memref<80xi32, #tpu.memory_space<vmem>>
      %dma_wait3A_162 = arith.constant 0 : i32
      %dma_wait3A_163 = arith.constant 0 : i32
      %dma_wait3A_164 = tpu.memref_slice %arg2[%dma_wait3A_162, %dma_wait3A_163] : memref<10000x128xf32, #tpu.memory_space<hbm>> -> memref<10000x128xf32, #tpu.memory_space<hbm>>
      tpu.wait_indirect_dma semaphore(%arg18 : memref<!tpu.dma_semaphore, #tpu.memory_space<semaphore_mem>>) src(%dma_wait3A_164 : memref<10000x128xf32, #tpu.memory_space<hbm>>) dst(%dma_wait3A_158 : memref<80x128xf32, #tpu.memory_space<vmem>>)
      %run_scoped3A_165 = arith.constant 1 : i32
      %run_scoped3A_166 = arith.constant 1 : i32
      "tpu.region"() ({
        %run_scoped3A_195 = tpu.sem_alloc : memref<!tpu.dma_semaphore, #tpu.memory_space<semaphore_mem>>
        %dma_start3A_196 = arith.constant 0 : i32
        %dma_start3A_197 = arith.constant 0 : i32
        %dma_start3A_198 = tpu.memref_slice %arg11[%run_scoped3A_165, %dma_start3A_196, %dma_start3A_197] : memref<2x80x128xf32, #tpu.memory_space<vmem>> -> memref<1x80x128xf32, #tpu.memory_space<vmem>>
        %dma_start3A_199 = tpu.memref_squeeze %dma_start3A_198 : memref<1x80x128xf32, #tpu.memory_space<vmem>> -> memref<80x128xf32, #tpu.memory_space<vmem>>
        %dma_start3A_200 = arith.constant 0 : i32
        %dma_start3A_201 = tpu.memref_slice %arg10[%run_scoped3A_166, %dma_start3A_200] : memref<2x80xi32, #tpu.memory_space<vmem>> -> memref<1x80xi32, #tpu.memory_space<vmem>>
        %dma_start3A_202 = tpu.memref_squeeze %dma_start3A_201 : memref<1x80xi32, #tpu.memory_space<vmem>> -> memref<80xi32, #tpu.memory_space<vmem>>
        %dma_start3A_203 = arith.constant 0 : i32
        %dma_start3A_204 = arith.constant 0 : i32
        %dma_start3A_205 = tpu.memref_slice %arg7[%dma_start3A_203, %dma_start3A_204] : memref<10000x128xf32, #tpu.memory_space<vmem_shared>> -> memref<10000x128xf32, #tpu.memory_space<vmem_shared>>
        tpu.enqueue_indirect_dma source(%dma_start3A_199 : memref<80x128xf32, #tpu.memory_space<vmem>>) target(%dma_start3A_205 : memref<10000x128xf32, #tpu.memory_space<vmem_shared>>) offsets(%dma_start3A_202 : memref<80xi32, #tpu.memory_space<vmem>>) semaphore(%run_scoped3A_195 : memref<!tpu.dma_semaphore, #tpu.memory_space<semaphore_mem>>) {add = true}
        %dma_wait3A_206 = arith.constant 0 : i32
        %dma_wait3A_207 = arith.constant 0 : i32
        %dma_wait3A_208 = tpu.memref_slice %arg11[%run_scoped3A_165, %dma_wait3A_206, %dma_wait3A_207] : memref<2x80x128xf32, #tpu.memory_space<vmem>> -> memref<1x80x128xf32, #tpu.memory_space<vmem>>
        %dma_wait3A_209 = tpu.memref_squeeze %dma_wait3A_208 : memref<1x80x128xf32, #tpu.memory_space<vmem>> -> memref<80x128xf32, #tpu.memory_space<vmem>>
        %dma_wait3A_210 = arith.constant 0 : i32
        %dma_wait3A_211 = tpu.memref_slice %arg10[%run_scoped3A_166, %dma_wait3A_210] : memref<2x80xi32, #tpu.memory_space<vmem>> -> memref<1x80xi32, #tpu.memory_space<vmem>>
        %dma_wait3A_212 = tpu.memref_squeeze %dma_wait3A_211 : memref<1x80xi32, #tpu.memory_space<vmem>> -> memref<80xi32, #tpu.memory_space<vmem>>
        %dma_wait3A_213 = arith.constant 0 : i32
        %dma_wait3A_214 = arith.constant 0 : i32
        %dma_wait3A_215 = tpu.memref_slice %arg7[%dma_wait3A_213, %dma_wait3A_214] : memref<10000x128xf32, #tpu.memory_space<vmem_shared>> -> memref<10000x128xf32, #tpu.memory_space<vmem_shared>>
        tpu.wait_indirect_dma semaphore(%run_scoped3A_195 : memref<!tpu.dma_semaphore, #tpu.memory_space<semaphore_mem>>) src(%dma_wait3A_209 : memref<80x128xf32, #tpu.memory_space<vmem>>) dst(%dma_wait3A_215 : memref<10000x128xf32, #tpu.memory_space<vmem_shared>>)
        tpu.yield
      }) : () -> ()
      %get3A_167 = arith.constant 1 : i32
      %get3A_168 = arith.index_cast %get3A_167 : i32 to index
      %get3A_169 = arith.constant 0 : index
      %get3A_170 = tpu.vector_load %arg10[%get3A_168, %get3A_169] {strides = array<i32>} : memref<2x80xi32, #tpu.memory_space<vmem>>, vector<16xi32>,
      tpu.vector_store_idx %arg13[%get3A_170], %broadcast_in_dim3A_17 {add = true} : memref<10240xf32, #tpu.memory_space<vmem>>[vector<16xi32>], vector<16xf32>,
      %get3A_171 = arith.constant 1 : i32
      %get3A_172 = arith.index_cast %get3A_171 : i32 to index
      %get3A_173 = arith.constant 16 : index
      %get3A_174 = tpu.vector_load %arg10[%get3A_172, %get3A_173] {strides = array<i32>} : memref<2x80xi32, #tpu.memory_space<vmem>>, vector<16xi32>,
      tpu.vector_store_idx %arg13[%get3A_174], %broadcast_in_dim3A_17 {add = true} : memref<10240xf32, #tpu.memory_space<vmem>>[vector<16xi32>], vector<16xf32>,
      %get3A_175 = arith.constant 1 : i32
      %get3A_176 = arith.index_cast %get3A_175 : i32 to index
      %get3A_177 = arith.constant 32 : index
      %get3A_178 = tpu.vector_load %arg10[%get3A_176, %get3A_177] {strides = array<i32>} : memref<2x80xi32, #tpu.memory_space<vmem>>, vector<16xi32>,
      tpu.vector_store_idx %arg13[%get3A_178], %broadcast_in_dim3A_17 {add = true} : memref<10240xf32, #tpu.memory_space<vmem>>[vector<16xi32>], vector<16xf32>,
      %get3A_179 = arith.constant 1 : i32
      %get3A_180 = arith.index_cast %get3A_179 : i32 to index
      %get3A_181 = arith.constant 48 : index
      %get3A_182 = tpu.vector_load %arg10[%get3A_180, %get3A_181] {strides = array<i32>} : memref<2x80xi32, #tpu.memory_space<vmem>>, vector<16xi32>,
      tpu.vector_store_idx %arg13[%get3A_182], %broadcast_in_dim3A_17 {add = true} : memref<10240xf32, #tpu.memory_space<vmem>>[vector<16xi32>], vector<16xf32>,
      %get3A_183 = arith.constant 1 : i32
      %get3A_184 = arith.index_cast %get3A_183 : i32 to index
      %get3A_185 = arith.constant 64 : index
      %get3A_186 = tpu.vector_load %arg10[%get3A_184, %get3A_185] {strides = array<i32>} : memref<2x80xi32, #tpu.memory_space<vmem>>, vector<16xi32>,
      tpu.vector_store_idx %arg13[%get3A_186], %broadcast_in_dim3A_17 {add = true} : memref<10240xf32, #tpu.memory_space<vmem>>[vector<16xi32>], vector<16xf32>,
      %add3A_187 = arith.constant 2 : i32
      %add3A_188 = arith.addi %add3A_152, %add3A_187 : i32
      %lt3A_189 = arith.constant 125 : i32
      %lt3A_190 = arith.cmpi slt, %add3A_188, %lt3A_189 : i32
      %convert_element_type3A_191 = arith.extui %lt3A_190 : i1 to i32
      %cond3A_192 = arith.constant 0 : i32
      %cond3A_193 = arith.cmpi ne, %convert_element_type3A_191, %cond3A_192 : i32
      scf.if %cond3A_193 {
        %add3A_195 = arith.constant 2 : i32
        %add3A_196 = arith.addi %add3A_152, %add3A_195 : i32
        %mul3A_197 = arith.constant 80 : i32
        %mul3A_198 = arith.muli %add3A_196, %mul3A_197 : i32
        %add3A_199 = arith.addi %add3A, %mul3A_198 : i32
        %run_scoped3A_200 = arith.constant 1 : i32
        "tpu.region"() ({
          %run_scoped3A_214 = tpu.sem_alloc : memref<!tpu.dma_semaphore, #tpu.memory_space<semaphore_mem>>
          %dma_start3A_215 = arith.constant 0 : i32
          %dma_start3A_216 = tpu.memref_slice %arg9[%run_scoped3A_200, %dma_start3A_215] : memref<2x80xi32, #tpu.memory_space<vmem>> -> memref<1x80xi32, #tpu.memory_space<vmem>>
          %dma_start3A_217 = tpu.memref_squeeze %dma_start3A_216 : memref<1x80xi32, #tpu.memory_space<vmem>> -> memref<80xi32, #tpu.memory_space<vmem>>
          %dma_start3A_218 = tpu.memref_slice %arg3[%add3A_199] : memref<320000xi32, #tpu.memory_space<hbm>> -> memref<80xi32, #tpu.memory_space<hbm>>
          %dma_start3A_219 = arith.constant 0 : i32
          %dma_start3A_220 = tpu.memref_slice %arg9[%run_scoped3A_200, %dma_start3A_219] : memref<2x80xi32, #tpu.memory_space<vmem>> -> memref<1x80xi32, #tpu.memory_space<vmem>>
          %dma_start3A_221 = tpu.memref_squeeze %dma_start3A_220 : memref<1x80xi32, #tpu.memory_space<vmem>> -> memref<80xi32, #tpu.memory_space<vmem>>
          %dma_start3A_222 = tpu.memref_slice %arg3[%add3A_199] : memref<320000xi32, #tpu.memory_space<hbm>> -> memref<80xi32, #tpu.memory_space<hbm>>
          tpu.enqueue_dma source(%dma_start3A_222 : memref<80xi32, #tpu.memory_space<hbm>>) target(%dma_start3A_221 : memref<80xi32, #tpu.memory_space<vmem>>) target_semaphore(%run_scoped3A_214 : memref<!tpu.dma_semaphore, #tpu.memory_space<semaphore_mem>>)
          %dma_wait3A_223 = arith.constant 0 : i32
          %dma_wait3A_224 = tpu.memref_slice %arg9[%run_scoped3A_200, %dma_wait3A_223] : memref<2x80xi32, #tpu.memory_space<vmem>> -> memref<1x80xi32, #tpu.memory_space<vmem>>
          %dma_wait3A_225 = tpu.memref_squeeze %dma_wait3A_224 : memref<1x80xi32, #tpu.memory_space<vmem>> -> memref<80xi32, #tpu.memory_space<vmem>>
          %dma_wait3A_226 = tpu.memref_slice %arg3[%add3A_199] : memref<320000xi32, #tpu.memory_space<hbm>> -> memref<80xi32, #tpu.memory_space<hbm>>
          %dma_wait3A_227 = arith.constant 0 : i32
          %dma_wait3A_228 = tpu.memref_slice %arg9[%run_scoped3A_200, %dma_wait3A_227] : memref<2x80xi32, #tpu.memory_space<vmem>> -> memref<1x80xi32, #tpu.memory_space<vmem>>
          %dma_wait3A_229 = tpu.memref_squeeze %dma_wait3A_228 : memref<1x80xi32, #tpu.memory_space<vmem>> -> memref<80xi32, #tpu.memory_space<vmem>>
          %dma_wait3A_230 = tpu.memref_slice %arg3[%add3A_199] : memref<320000xi32, #tpu.memory_space<hbm>> -> memref<80xi32, #tpu.memory_space<hbm>>
          tpu.wait_dma2 semaphore(%run_scoped3A_214 : memref<!tpu.dma_semaphore, #tpu.memory_space<semaphore_mem>>) src(%dma_wait3A_230 : memref<80xi32, #tpu.memory_space<hbm>>) dst(%dma_wait3A_229 : memref<80xi32, #tpu.memory_space<vmem>>)
          tpu.yield
        }) : () -> ()
        %run_scoped3A_201 = arith.constant 1 : i32
        "tpu.region"() ({
          %run_scoped3A_214 = tpu.sem_alloc : memref<!tpu.dma_semaphore, #tpu.memory_space<semaphore_mem>>
          %dma_start3A_215 = arith.constant 0 : i32
          %dma_start3A_216 = tpu.memref_slice %arg10[%run_scoped3A_201, %dma_start3A_215] : memref<2x80xi32, #tpu.memory_space<vmem>> -> memref<1x80xi32, #tpu.memory_space<vmem>>
          %dma_start3A_217 = tpu.memref_squeeze %dma_start3A_216 : memref<1x80xi32, #tpu.memory_space<vmem>> -> memref<80xi32, #tpu.memory_space<vmem>>
          %dma_start3A_218 = tpu.memref_slice %arg4[%add3A_199] : memref<320000xi32, #tpu.memory_space<hbm>> -> memref<80xi32, #tpu.memory_space<hbm>>
          %dma_start3A_219 = arith.constant 0 : i32
          %dma_start3A_220 = tpu.memref_slice %arg10[%run_scoped3A_201, %dma_start3A_219] : memref<2x80xi32, #tpu.memory_space<vmem>> -> memref<1x80xi32, #tpu.memory_space<vmem>>
          %dma_start3A_221 = tpu.memref_squeeze %dma_start3A_220 : memref<1x80xi32, #tpu.memory_space<vmem>> -> memref<80xi32, #tpu.memory_space<vmem>>
          %dma_start3A_222 = tpu.memref_slice %arg4[%add3A_199] : memref<320000xi32, #tpu.memory_space<hbm>> -> memref<80xi32, #tpu.memory_space<hbm>>
          tpu.enqueue_dma source(%dma_start3A_222 : memref<80xi32, #tpu.memory_space<hbm>>) target(%dma_start3A_221 : memref<80xi32, #tpu.memory_space<vmem>>) target_semaphore(%run_scoped3A_214 : memref<!tpu.dma_semaphore, #tpu.memory_space<semaphore_mem>>)
          %dma_wait3A_223 = arith.constant 0 : i32
          %dma_wait3A_224 = tpu.memref_slice %arg10[%run_scoped3A_201, %dma_wait3A_223] : memref<2x80xi32, #tpu.memory_space<vmem>> -> memref<1x80xi32, #tpu.memory_space<vmem>>
          %dma_wait3A_225 = tpu.memref_squeeze %dma_wait3A_224 : memref<1x80xi32, #tpu.memory_space<vmem>> -> memref<80xi32, #tpu.memory_space<vmem>>
          %dma_wait3A_226 = tpu.memref_slice %arg4[%add3A_199] : memref<320000xi32, #tpu.memory_space<hbm>> -> memref<80xi32, #tpu.memory_space<hbm>>
          %dma_wait3A_227 = arith.constant 0 : i32
          %dma_wait3A_228 = tpu.memref_slice %arg10[%run_scoped3A_201, %dma_wait3A_227] : memref<2x80xi32, #tpu.memory_space<vmem>> -> memref<1x80xi32, #tpu.memory_space<vmem>>
          %dma_wait3A_229 = tpu.memref_squeeze %dma_wait3A_228 : memref<1x80xi32, #tpu.memory_space<vmem>> -> memref<80xi32, #tpu.memory_space<vmem>>
          %dma_wait3A_230 = tpu.memref_slice %arg4[%add3A_199] : memref<320000xi32, #tpu.memory_space<hbm>> -> memref<80xi32, #tpu.memory_space<hbm>>
          tpu.wait_dma2 semaphore(%run_scoped3A_214 : memref<!tpu.dma_semaphore, #tpu.memory_space<semaphore_mem>>) src(%dma_wait3A_230 : memref<80xi32, #tpu.memory_space<hbm>>) dst(%dma_wait3A_229 : memref<80xi32, #tpu.memory_space<vmem>>)
          tpu.yield
        }) : () -> ()
        %dma_start3A_202 = arith.constant 1 : i32
        %dma_start3A_203 = arith.constant 1 : i32
        %dma_start3A_204 = arith.constant 0 : i32
        %dma_start3A_205 = arith.constant 0 : i32
        %dma_start3A_206 = tpu.memref_slice %arg11[%dma_start3A_203, %dma_start3A_204, %dma_start3A_205] : memref<2x80x128xf32, #tpu.memory_space<vmem>> -> memref<1x80x128xf32, #tpu.memory_space<vmem>>
        %dma_start3A_207 = tpu.memref_squeeze %dma_start3A_206 : memref<1x80x128xf32, #tpu.memory_space<vmem>> -> memref<80x128xf32, #tpu.memory_space<vmem>>
        %dma_start3A_208 = arith.constant 0 : i32
        %dma_start3A_209 = tpu.memref_slice %arg9[%dma_start3A_202, %dma_start3A_208] : memref<2x80xi32, #tpu.memory_space<vmem>> -> memref<1x80xi32, #tpu.memory_space<vmem>>
        %dma_start3A_210 = tpu.memref_squeeze %dma_start3A_209 : memref<1x80xi32, #tpu.memory_space<vmem>> -> memref<80xi32, #tpu.memory_space<vmem>>
        %dma_start3A_211 = arith.constant 0 : i32
        %dma_start3A_212 = arith.constant 0 : i32
        %dma_start3A_213 = tpu.memref_slice %arg2[%dma_start3A_211, %dma_start3A_212] : memref<10000x128xf32, #tpu.memory_space<hbm>> -> memref<10000x128xf32, #tpu.memory_space<hbm>>
        tpu.enqueue_indirect_dma source(%dma_start3A_213 : memref<10000x128xf32, #tpu.memory_space<hbm>>) target(%dma_start3A_207 : memref<80x128xf32, #tpu.memory_space<vmem>>) offsets(%dma_start3A_210 : memref<80xi32, #tpu.memory_space<vmem>>) semaphore(%arg18 : memref<!tpu.dma_semaphore, #tpu.memory_space<semaphore_mem>>)
      } else {
      }
      %scan3A_194 = arith.constant 0 : i32
      scf.yield %scan3A_194 : i32
    }
    %scan3A_57 = arith.constant 62 : i32
    %dma_wait3A = arith.constant 0 : i32
    %dma_wait3A_58 = arith.constant 0 : i32
    %dma_wait3A_59 = arith.constant 0 : i32
    %dma_wait3A_60 = arith.constant 0 : i32
    %dma_wait3A_61 = tpu.memref_slice %arg11[%dma_wait3A_58, %dma_wait3A_59, %dma_wait3A_60] : memref<2x80x128xf32, #tpu.memory_space<vmem>> -> memref<1x80x128xf32, #tpu.memory_space<vmem>>
    %dma_wait3A_62 = tpu.memref_squeeze %dma_wait3A_61 : memref<1x80x128xf32, #tpu.memory_space<vmem>> -> memref<80x128xf32, #tpu.memory_space<vmem>>
    %dma_wait3A_63 = arith.constant 0 : i32
    %dma_wait3A_64 = tpu.memref_slice %arg9[%dma_wait3A, %dma_wait3A_63] : memref<2x80xi32, #tpu.memory_space<vmem>> -> memref<1x80xi32, #tpu.memory_space<vmem>>
    %dma_wait3A_65 = tpu.memref_squeeze %dma_wait3A_64 : memref<1x80xi32, #tpu.memory_space<vmem>> -> memref<80xi32, #tpu.memory_space<vmem>>
    %dma_wait3A_66 = arith.constant 0 : i32
    %dma_wait3A_67 = arith.constant 0 : i32
    %dma_wait3A_68 = tpu.memref_slice %arg2[%dma_wait3A_66, %dma_wait3A_67] : memref<10000x128xf32, #tpu.memory_space<hbm>> -> memref<10000x128xf32, #tpu.memory_space<hbm>>
    tpu.wait_indirect_dma semaphore(%arg17 : memref<!tpu.dma_semaphore, #tpu.memory_space<semaphore_mem>>) src(%dma_wait3A_68 : memref<10000x128xf32, #tpu.memory_space<hbm>>) dst(%dma_wait3A_62 : memref<80x128xf32, #tpu.memory_space<vmem>>)
    %run_scoped3A_69 = arith.constant 0 : i32
    %run_scoped3A_70 = arith.constant 0 : i32
    "tpu.region"() ({
      %run_scoped3A_102 = tpu.sem_alloc : memref<!tpu.dma_semaphore, #tpu.memory_space<semaphore_mem>>
      %dma_start3A_103 = arith.constant 0 : i32
      %dma_start3A_104 = arith.constant 0 : i32
      %dma_start3A_105 = tpu.memref_slice %arg11[%run_scoped3A_69, %dma_start3A_103, %dma_start3A_104] : memref<2x80x128xf32, #tpu.memory_space<vmem>> -> memref<1x80x128xf32, #tpu.memory_space<vmem>>
      %dma_start3A_106 = tpu.memref_squeeze %dma_start3A_105 : memref<1x80x128xf32, #tpu.memory_space<vmem>> -> memref<80x128xf32, #tpu.memory_space<vmem>>
      %dma_start3A_107 = arith.constant 0 : i32
      %dma_start3A_108 = tpu.memref_slice %arg10[%run_scoped3A_70, %dma_start3A_107] : memref<2x80xi32, #tpu.memory_space<vmem>> -> memref<1x80xi32, #tpu.memory_space<vmem>>
      %dma_start3A_109 = tpu.memref_squeeze %dma_start3A_108 : memref<1x80xi32, #tpu.memory_space<vmem>> -> memref<80xi32, #tpu.memory_space<vmem>>
      %dma_start3A_110 = arith.constant 0 : i32
      %dma_start3A_111 = arith.constant 0 : i32
      %dma_start3A_112 = tpu.memref_slice %arg7[%dma_start3A_110, %dma_start3A_111] : memref<10000x128xf32, #tpu.memory_space<vmem_shared>> -> memref<10000x128xf32, #tpu.memory_space<vmem_shared>>
      tpu.enqueue_indirect_dma source(%dma_start3A_106 : memref<80x128xf32, #tpu.memory_space<vmem>>) target(%dma_start3A_112 : memref<10000x128xf32, #tpu.memory_space<vmem_shared>>) offsets(%dma_start3A_109 : memref<80xi32, #tpu.memory_space<vmem>>) semaphore(%run_scoped3A_102 : memref<!tpu.dma_semaphore, #tpu.memory_space<semaphore_mem>>) {add = true}
      %dma_wait3A_113 = arith.constant 0 : i32
      %dma_wait3A_114 = arith.constant 0 : i32
      %dma_wait3A_115 = tpu.memref_slice %arg11[%run_scoped3A_69, %dma_wait3A_113, %dma_wait3A_114] : memref<2x80x128xf32, #tpu.memory_space<vmem>> -> memref<1x80x128xf32, #tpu.memory_space<vmem>>
      %dma_wait3A_116 = tpu.memref_squeeze %dma_wait3A_115 : memref<1x80x128xf32, #tpu.memory_space<vmem>> -> memref<80x128xf32, #tpu.memory_space<vmem>>
      %dma_wait3A_117 = arith.constant 0 : i32
      %dma_wait3A_118 = tpu.memref_slice %arg10[%run_scoped3A_70, %dma_wait3A_117] : memref<2x80xi32, #tpu.memory_space<vmem>> -> memref<1x80xi32, #tpu.memory_space<vmem>>
      %dma_wait3A_119 = tpu.memref_squeeze %dma_wait3A_118 : memref<1x80xi32, #tpu.memory_space<vmem>> -> memref<80xi32, #tpu.memory_space<vmem>>
      %dma_wait3A_120 = arith.constant 0 : i32
      %dma_wait3A_121 = arith.constant 0 : i32
      %dma_wait3A_122 = tpu.memref_slice %arg7[%dma_wait3A_120, %dma_wait3A_121] : memref<10000x128xf32, #tpu.memory_space<vmem_shared>> -> memref<10000x128xf32, #tpu.memory_space<vmem_shared>>
      tpu.wait_indirect_dma semaphore(%run_scoped3A_102 : memref<!tpu.dma_semaphore, #tpu.memory_space<semaphore_mem>>) src(%dma_wait3A_116 : memref<80x128xf32, #tpu.memory_space<vmem>>) dst(%dma_wait3A_122 : memref<10000x128xf32, #tpu.memory_space<vmem_shared>>)
      tpu.yield
    }) : () -> ()
    %get3A = arith.constant 0 : i32
    %get3A_71 = arith.index_cast %get3A : i32 to index
    %get3A_72 = arith.constant 0 : index
    %get3A_73 = tpu.vector_load %arg10[%get3A_71, %get3A_72] {strides = array<i32>} : memref<2x80xi32, #tpu.memory_space<vmem>>, vector<16xi32>,
    tpu.vector_store_idx %arg13[%get3A_73], %broadcast_in_dim3A_17 {add = true} : memref<10240xf32, #tpu.memory_space<vmem>>[vector<16xi32>], vector<16xf32>,
    %get3A_74 = arith.constant 0 : i32
    %get3A_75 = arith.index_cast %get3A_74 : i32 to index
    %get3A_76 = arith.constant 16 : index
    %get3A_77 = tpu.vector_load %arg10[%get3A_75, %get3A_76] {strides = array<i32>} : memref<2x80xi32, #tpu.memory_space<vmem>>, vector<16xi32>,
    tpu.vector_store_idx %arg13[%get3A_77], %broadcast_in_dim3A_17 {add = true} : memref<10240xf32, #tpu.memory_space<vmem>>[vector<16xi32>], vector<16xf32>,
    %get3A_78 = arith.constant 0 : i32
    %get3A_79 = arith.index_cast %get3A_78 : i32 to index
    %get3A_80 = arith.constant 32 : index
    %get3A_81 = tpu.vector_load %arg10[%get3A_79, %get3A_80] {strides = array<i32>} : memref<2x80xi32, #tpu.memory_space<vmem>>, vector<16xi32>,
    tpu.vector_store_idx %arg13[%get3A_81], %broadcast_in_dim3A_17 {add = true} : memref<10240xf32, #tpu.memory_space<vmem>>[vector<16xi32>], vector<16xf32>,
    %get3A_82 = arith.constant 0 : i32
    %get3A_83 = arith.index_cast %get3A_82 : i32 to index
    %get3A_84 = arith.constant 48 : index
    %get3A_85 = tpu.vector_load %arg10[%get3A_83, %get3A_84] {strides = array<i32>} : memref<2x80xi32, #tpu.memory_space<vmem>>, vector<16xi32>,
    tpu.vector_store_idx %arg13[%get3A_85], %broadcast_in_dim3A_17 {add = true} : memref<10240xf32, #tpu.memory_space<vmem>>[vector<16xi32>], vector<16xf32>,
    %get3A_86 = arith.constant 0 : i32
    %get3A_87 = arith.index_cast %get3A_86 : i32 to index
    %get3A_88 = arith.constant 64 : index
    %get3A_89 = tpu.vector_load %arg10[%get3A_87, %get3A_88] {strides = array<i32>} : memref<2x80xi32, #tpu.memory_space<vmem>>, vector<16xi32>,
    tpu.vector_store_idx %arg13[%get3A_89], %broadcast_in_dim3A_17 {add = true} : memref<10240xf32, #tpu.memory_space<vmem>>[vector<16xi32>], vector<16xf32>,
    %run_scoped3A_90 = arith.constant 0 : i32
    "tpu.region"() ({
      %run_scoped3A_102 = tpu.sem_alloc : memref<!tpu.dma_semaphore, #tpu.memory_space<semaphore_mem>>
      %dma_start3A_103 = arith.constant 0 : i32
      %dma_start3A_104 = tpu.memref_slice %arg8[%arg0, %arg1, %run_scoped3A_90, %dma_start3A_103] : memref<2x16x1x10240xf32, #tpu.memory_space<hbm>> -> memref<1x1x1x10240xf32, #tpu.memory_space<hbm>>
      %dma_start3A_105 = tpu.memref_squeeze %dma_start3A_104 : memref<1x1x1x10240xf32, #tpu.memory_space<hbm>> -> memref<10240xf32, #tpu.memory_space<hbm>>
      %dma_start3A_106 = arith.constant 0 : i32
      %dma_start3A_107 = tpu.memref_slice %arg8[%arg0, %arg1, %run_scoped3A_90, %dma_start3A_106] : memref<2x16x1x10240xf32, #tpu.memory_space<hbm>> -> memref<1x1x1x10240xf32, #tpu.memory_space<hbm>>
      %dma_start3A_108 = tpu.memref_squeeze %dma_start3A_107 : memref<1x1x1x10240xf32, #tpu.memory_space<hbm>> -> memref<10240xf32, #tpu.memory_space<hbm>>
      tpu.enqueue_dma source(%arg13 : memref<10240xf32, #tpu.memory_space<vmem>>) target(%dma_start3A_108 : memref<10240xf32, #tpu.memory_space<hbm>>) target_semaphore(%run_scoped3A_102 : memref<!tpu.dma_semaphore, #tpu.memory_space<semaphore_mem>>)
      %dma_wait3A_109 = arith.constant 0 : i32
      %dma_wait3A_110 = tpu.memref_slice %arg8[%arg0, %arg1, %run_scoped3A_90, %dma_wait3A_109] : memref<2x16x1x10240xf32, #tpu.memory_space<hbm>> -> memref<1x1x1x10240xf32, #tpu.memory_space<hbm>>
      %dma_wait3A_111 = tpu.memref_squeeze %dma_wait3A_110 : memref<1x1x1x10240xf32, #tpu.memory_space<hbm>> -> memref<10240xf32, #tpu.memory_space<hbm>>
      %dma_wait3A_112 = arith.constant 0 : i32
      %dma_wait3A_113 = tpu.memref_slice %arg8[%arg0, %arg1, %run_scoped3A_90, %dma_wait3A_112] : memref<2x16x1x10240xf32, #tpu.memory_space<hbm>> -> memref<1x1x1x10240xf32, #tpu.memory_space<hbm>>
      %dma_wait3A_114 = tpu.memref_squeeze %dma_wait3A_113 : memref<1x1x1x10240xf32, #tpu.memory_space<hbm>> -> memref<10240xf32, #tpu.memory_space<hbm>>
      tpu.wait_dma2 semaphore(%run_scoped3A_102 : memref<!tpu.dma_semaphore, #tpu.memory_space<semaphore_mem>>) src(%arg13 : memref<10240xf32, #tpu.memory_space<vmem>>) dst(%dma_wait3A_114 : memref<10240xf32, #tpu.memory_space<hbm>>)
      tpu.yield
    }) : () -> ()
    %barrier3A_91 = arith.constant 0 : index
    tpu.barrier barrier_id(%barrier3A_91)
    %lt3A_92 = arith.constant 10 : i32
    %lt3A_93 = arith.cmpi slt, %arg1, %lt3A_92 : i32
    %convert_element_type3A_94 = arith.extui %lt3A_93 : i1 to i32
    %cond3A_95 = arith.constant 0 : i32
    %cond3A_96 = arith.cmpi ne, %convert_element_type3A_94, %cond3A_95 : i32
    scf.if %cond3A_96 {
      %mul3A_102 = arith.constant 1000 : i32
      %mul3A_103 = arith.muli %arg1, %mul3A_102 : i32
      %mul3A_104 = arith.constant 1000 : i32
      %mul3A_105 = arith.muli %arg1, %mul3A_104 : i32
      "tpu.region"() ({
        %run_scoped3A_106 = tpu.sem_alloc : memref<!tpu.dma_semaphore, #tpu.memory_space<semaphore_mem>>
        %dma_start3A_107 = arith.constant 0 : i32
        %dma_start3A_108 = tpu.memref_slice %arg5[%arg0, %mul3A_105, %dma_start3A_107] : memref<2x10000x128xf32, #tpu.memory_space<hbm>> -> memref<1x1000x128xf32, #tpu.memory_space<hbm>>
        %dma_start3A_109 = tpu.memref_squeeze %dma_start3A_108 : memref<1x1000x128xf32, #tpu.memory_space<hbm>> -> memref<1000x128xf32, #tpu.memory_space<hbm>>
        %dma_start3A_110 = arith.constant 0 : i32
        %dma_start3A_111 = tpu.memref_slice %arg7[%mul3A_103, %dma_start3A_110] : memref<10000x128xf32, #tpu.memory_space<vmem_shared>> -> memref<1000x128xf32, #tpu.memory_space<vmem_shared>>
        tpu.enqueue_dma source(%dma_start3A_111 : memref<1000x128xf32, #tpu.memory_space<vmem_shared>>) target(%dma_start3A_109 : memref<1000x128xf32, #tpu.memory_space<hbm>>) target_semaphore(%run_scoped3A_106 : memref<!tpu.dma_semaphore, #tpu.memory_space<semaphore_mem>>)
        %dma_wait3A_112 = arith.constant 0 : i32
        %dma_wait3A_113 = tpu.memref_slice %arg5[%arg0, %mul3A_105, %dma_wait3A_112] : memref<2x10000x128xf32, #tpu.memory_space<hbm>> -> memref<1x1000x128xf32, #tpu.memory_space<hbm>>
        %dma_wait3A_114 = tpu.memref_squeeze %dma_wait3A_113 : memref<1x1000x128xf32, #tpu.memory_space<hbm>> -> memref<1000x128xf32, #tpu.memory_space<hbm>>
        %dma_wait3A_115 = arith.constant 0 : i32
        %dma_wait3A_116 = tpu.memref_slice %arg7[%mul3A_103, %dma_wait3A_115] : memref<10000x128xf32, #tpu.memory_space<vmem_shared>> -> memref<1000x128xf32, #tpu.memory_space<vmem_shared>>
        tpu.wait_dma2 semaphore(%run_scoped3A_106 : memref<!tpu.dma_semaphore, #tpu.memory_space<semaphore_mem>>) src(%dma_wait3A_116 : memref<1000x128xf32, #tpu.memory_space<vmem_shared>>) dst(%dma_wait3A_114 : memref<1000x128xf32, #tpu.memory_space<hbm>>)
        tpu.yield
      }) : () -> ()
    } else {
    }
    %lt3A_97 = arith.constant 5 : i32
    %lt3A_98 = arith.cmpi slt, %arg1, %lt3A_97 : i32
    %convert_element_type3A_99 = arith.extui %lt3A_98 : i1 to i32
    %cond3A_100 = arith.constant 0 : i32
    %cond3A_101 = arith.cmpi ne, %convert_element_type3A_99, %cond3A_100 : i32
    scf.if %cond3A_101 {
      %mul3A_102 = arith.constant 2048 : i32
      %mul3A_103 = arith.muli %arg1, %mul3A_102 : i32
      %run_scoped3A_104 = arith.constant 0 : i32
      %run_scoped3A_105 = arith.constant 0 : i32
      "tpu.region"() ({
        %run_scoped3A_242 = tpu.sem_alloc : memref<!tpu.dma_semaphore, #tpu.memory_space<semaphore_mem>>
        %dma_start3A_243 = tpu.memref_slice %arg8[%arg0, %run_scoped3A_104, %run_scoped3A_105, %mul3A_103] : memref<2x16x1x10240xf32, #tpu.memory_space<hbm>> -> memref<1x1x1x2048xf32, #tpu.memory_space<hbm>>
        %dma_start3A_244 = tpu.memref_squeeze %dma_start3A_243 : memref<1x1x1x2048xf32, #tpu.memory_space<hbm>> -> memref<2048xf32, #tpu.memory_space<hbm>>
        %dma_start3A_245 = tpu.memref_slice %arg8[%arg0, %run_scoped3A_104, %run_scoped3A_105, %mul3A_103] : memref<2x16x1x10240xf32, #tpu.memory_space<hbm>> -> memref<1x1x1x2048xf32, #tpu.memory_space<hbm>>
        %dma_start3A_246 = tpu.memref_squeeze %dma_start3A_245 : memref<1x1x1x2048xf32, #tpu.memory_space<hbm>> -> memref<2048xf32, #tpu.memory_space<hbm>>
        tpu.enqueue_dma source(%dma_start3A_246 : memref<2048xf32, #tpu.memory_space<hbm>>) target(%arg15 : memref<2048xf32, #tpu.memory_space<vmem>>) target_semaphore(%run_scoped3A_242 : memref<!tpu.dma_semaphore, #tpu.memory_space<semaphore_mem>>)
        %dma_wait3A_247 = tpu.memref_slice %arg8[%arg0, %run_scoped3A_104, %run_scoped3A_105, %mul3A_103] : memref<2x16x1x10240xf32, #tpu.memory_space<hbm>> -> memref<1x1x1x2048xf32, #tpu.memory_space<hbm>>
        %dma_wait3A_248 = tpu.memref_squeeze %dma_wait3A_247 : memref<1x1x1x2048xf32, #tpu.memory_space<hbm>> -> memref<2048xf32, #tpu.memory_space<hbm>>
        %dma_wait3A_249 = tpu.memref_slice %arg8[%arg0, %run_scoped3A_104, %run_scoped3A_105, %mul3A_103] : memref<2x16x1x10240xf32, #tpu.memory_space<hbm>> -> memref<1x1x1x2048xf32, #tpu.memory_space<hbm>>
        %dma_wait3A_250 = tpu.memref_squeeze %dma_wait3A_249 : memref<1x1x1x2048xf32, #tpu.memory_space<hbm>> -> memref<2048xf32, #tpu.memory_space<hbm>>
        tpu.wait_dma2 semaphore(%run_scoped3A_242 : memref<!tpu.dma_semaphore, #tpu.memory_space<semaphore_mem>>) src(%dma_wait3A_250 : memref<2048xf32, #tpu.memory_space<hbm>>) dst(%arg15 : memref<2048xf32, #tpu.memory_space<vmem>>)
        tpu.yield
      }) : () -> ()
      %run_scoped3A_106 = arith.constant 1 : i32
      %run_scoped3A_107 = arith.constant 0 : i32
      "tpu.region"() ({
        %run_scoped3A_242 = tpu.sem_alloc : memref<!tpu.dma_semaphore, #tpu.memory_space<semaphore_mem>>
        %dma_start3A_243 = tpu.memref_slice %arg8[%arg0, %run_scoped3A_106, %run_scoped3A_107, %mul3A_103] : memref<2x16x1x10240xf32, #tpu.memory_space<hbm>> -> memref<1x1x1x2048xf32, #tpu.memory_space<hbm>>
        %dma_start3A_244 = tpu.memref_squeeze %dma_start3A_243 : memref<1x1x1x2048xf32, #tpu.memory_space<hbm>> -> memref<2048xf32, #tpu.memory_space<hbm>>
        %dma_start3A_245 = tpu.memref_slice %arg8[%arg0, %run_scoped3A_106, %run_scoped3A_107, %mul3A_103] : memref<2x16x1x10240xf32, #tpu.memory_space<hbm>> -> memref<1x1x1x2048xf32, #tpu.memory_space<hbm>>
        %dma_start3A_246 = tpu.memref_squeeze %dma_start3A_245 : memref<1x1x1x2048xf32, #tpu.memory_space<hbm>> -> memref<2048xf32, #tpu.memory_space<hbm>>
        tpu.enqueue_dma source(%dma_start3A_246 : memref<2048xf32, #tpu.memory_space<hbm>>) target(%arg16 : memref<2048xf32, #tpu.memory_space<vmem>>) target_semaphore(%run_scoped3A_242 : memref<!tpu.dma_semaphore, #tpu.memory_space<semaphore_mem>>)
        %dma_wait3A_247 = tpu.memref_slice %arg8[%arg0, %run_scoped3A_106, %run_scoped3A_107, %mul3A_103] : memref<2x16x1x10240xf32, #tpu.memory_space<hbm>> -> memref<1x1x1x2048xf32, #tpu.memory_space<hbm>>
        %dma_wait3A_248 = tpu.memref_squeeze %dma_wait3A_247 : memref<1x1x1x2048xf32, #tpu.memory_space<hbm>> -> memref<2048xf32, #tpu.memory_space<hbm>>
        %dma_wait3A_249 = tpu.memref_slice %arg8[%arg0, %run_scoped3A_106, %run_scoped3A_107, %mul3A_103] : memref<2x16x1x10240xf32, #tpu.memory_space<hbm>> -> memref<1x1x1x2048xf32, #tpu.memory_space<hbm>>
        %dma_wait3A_250 = tpu.memref_squeeze %dma_wait3A_249 : memref<1x1x1x2048xf32, #tpu.memory_space<hbm>> -> memref<2048xf32, #tpu.memory_space<hbm>>
        tpu.wait_dma2 semaphore(%run_scoped3A_242 : memref<!tpu.dma_semaphore, #tpu.memory_space<semaphore_mem>>) src(%dma_wait3A_250 : memref<2048xf32, #tpu.memory_space<hbm>>) dst(%arg16 : memref<2048xf32, #tpu.memory_space<vmem>>)
        tpu.yield
      }) : () -> ()
      %scan3A_108 = arith.constant 0 : i32
      %scan3A_109 = arith.constant 0 : i32
      %scan3A_110 = arith.constant 128 : i32
      %scan3A_111 = arith.addi %scan3A_109, %scan3A_110 : i32
      %scan3A_112 = arith.constant 1 : i32
      %scan3A_113 = scf.for %scan3A_242 = %scan3A_109 to %scan3A_111 step %scan3A_112 iter_args(%scan3A_243 = %scan3A_108) -> (i32)  : i32 {
        %mul3A_244 = arith.constant 16 : i32
        %mul3A_245 = arith.muli %scan3A_242, %mul3A_244 : i32
        %get3A_246 = arith.index_cast %mul3A_245 : i32 to index
        %get3A_247 = tpu.vector_load %arg15[%get3A_246] {strides = array<i32>} : memref<2048xf32, #tpu.memory_space<vmem>>, vector<16xf32>,
        %get3A_248 = arith.index_cast %mul3A_245 : i32 to index
        %get3A_249 = tpu.vector_load %arg16[%get3A_248] {strides = array<i32>} : memref<2048xf32, #tpu.memory_space<vmem>>, vector<16xf32>,
        %add3A_250 = arith.addf %get3A_247, %get3A_249 : vector<16xf32>
        %swap3A = arith.index_cast %mul3A_245 : i32 to index
        %swap3A_251 = tpu.vector_load %arg15[%swap3A] {strides = array<i32>} : memref<2048xf32, #tpu.memory_space<vmem>>, vector<16xf32>,
        tpu.vector_store %arg15[%swap3A], %add3A_250 {strides = array<i32>} : memref<2048xf32, #tpu.memory_space<vmem>>, vector<16xf32>,
        %scan3A_252 = arith.constant 0 : i32
        scf.yield %scan3A_252 : i32
      }
      %scan3A_114 = arith.constant 128 : i32
      %run_scoped3A_115 = arith.constant 2 : i32
      %run_scoped3A_116 = arith.constant 0 : i32
      "tpu.region"() ({
        %run_scoped3A_242 = tpu.sem_alloc : memref<!tpu.dma_semaphore, #tpu.memory_space<semaphore_mem>>
        %dma_start3A_243 = tpu.memref_slice %arg8[%arg0, %run_scoped3A_115, %run_scoped3A_116, %mul3A_103] : memref<2x16x1x10240xf32, #tpu.memory_space<hbm>> -> memref<1x1x1x2048xf32, #tpu.memory_space<hbm>>
        %dma_start3A_244 = tpu.memref_squeeze %dma_start3A_243 : memref<1x1x1x2048xf32, #tpu.memory_space<hbm>> -> memref<2048xf32, #tpu.memory_space<hbm>>
        %dma_start3A_245 = tpu.memref_slice %arg8[%arg0, %run_scoped3A_115, %run_scoped3A_116, %mul3A_103] : memref<2x16x1x10240xf32, #tpu.memory_space<hbm>> -> memref<1x1x1x2048xf32, #tpu.memory_space<hbm>>
        %dma_start3A_246 = tpu.memref_squeeze %dma_start3A_245 : memref<1x1x1x2048xf32, #tpu.memory_space<hbm>> -> memref<2048xf32, #tpu.memory_space<hbm>>
        tpu.enqueue_dma source(%dma_start3A_246 : memref<2048xf32, #tpu.memory_space<hbm>>) target(%arg16 : memref<2048xf32, #tpu.memory_space<vmem>>) target_semaphore(%run_scoped3A_242 : memref<!tpu.dma_semaphore, #tpu.memory_space<semaphore_mem>>)
        %dma_wait3A_247 = tpu.memref_slice %arg8[%arg0, %run_scoped3A_115, %run_scoped3A_116, %mul3A_103] : memref<2x16x1x10240xf32, #tpu.memory_space<hbm>> -> memref<1x1x1x2048xf32, #tpu.memory_space<hbm>>
        %dma_wait3A_248 = tpu.memref_squeeze %dma_wait3A_247 : memref<1x1x1x2048xf32, #tpu.memory_space<hbm>> -> memref<2048xf32, #tpu.memory_space<hbm>>
        %dma_wait3A_249 = tpu.memref_slice %arg8[%arg0, %run_scoped3A_115, %run_scoped3A_116, %mul3A_103] : memref<2x16x1x10240xf32, #tpu.memory_space<hbm>> -> memref<1x1x1x2048xf32, #tpu.memory_space<hbm>>
        %dma_wait3A_250 = tpu.memref_squeeze %dma_wait3A_249 : memref<1x1x1x2048xf32, #tpu.memory_space<hbm>> -> memref<2048xf32, #tpu.memory_space<hbm>>
        tpu.wait_dma2 semaphore(%run_scoped3A_242 : memref<!tpu.dma_semaphore, #tpu.memory_space<semaphore_mem>>) src(%dma_wait3A_250 : memref<2048xf32, #tpu.memory_space<hbm>>) dst(%arg16 : memref<2048xf32, #tpu.memory_space<vmem>>)
        tpu.yield
      }) : () -> ()
      %scan3A_117 = arith.constant 0 : i32
      %scan3A_118 = arith.constant 0 : i32
      %scan3A_119 = arith.constant 128 : i32
      %scan3A_120 = arith.addi %scan3A_118, %scan3A_119 : i32
      %scan3A_121 = arith.constant 1 : i32
      %scan3A_122 = scf.for %scan3A_242 = %scan3A_118 to %scan3A_120 step %scan3A_121 iter_args(%scan3A_243 = %scan3A_117) -> (i32)  : i32 {
        %mul3A_244 = arith.constant 16 : i32
        %mul3A_245 = arith.muli %scan3A_242, %mul3A_244 : i32
        %get3A_246 = arith.index_cast %mul3A_245 : i32 to index
        %get3A_247 = tpu.vector_load %arg15[%get3A_246] {strides = array<i32>} : memref<2048xf32, #tpu.memory_space<vmem>>, vector<16xf32>,
        %get3A_248 = arith.index_cast %mul3A_245 : i32 to index
        %get3A_249 = tpu.vector_load %arg16[%get3A_248] {strides = array<i32>} : memref<2048xf32, #tpu.memory_space<vmem>>, vector<16xf32>,
        %add3A_250 = arith.addf %get3A_247, %get3A_249 : vector<16xf32>
        %swap3A = arith.index_cast %mul3A_245 : i32 to index
        %swap3A_251 = tpu.vector_load %arg15[%swap3A] {strides = array<i32>} : memref<2048xf32, #tpu.memory_space<vmem>>, vector<16xf32>,
        tpu.vector_store %arg15[%swap3A], %add3A_250 {strides = array<i32>} : memref<2048xf32, #tpu.memory_space<vmem>>, vector<16xf32>,
        %scan3A_252 = arith.constant 0 : i32
        scf.yield %scan3A_252 : i32
      }
      %scan3A_123 = arith.constant 128 : i32
      %run_scoped3A_124 = arith.constant 3 : i32
      %run_scoped3A_125 = arith.constant 0 : i32
      "tpu.region"() ({
        %run_scoped3A_242 = tpu.sem_alloc : memref<!tpu.dma_semaphore, #tpu.memory_space<semaphore_mem>>
        %dma_start3A_243 = tpu.memref_slice %arg8[%arg0, %run_scoped3A_124, %run_scoped3A_125, %mul3A_103] : memref<2x16x1x10240xf32, #tpu.memory_space<hbm>> -> memref<1x1x1x2048xf32, #tpu.memory_space<hbm>>
        %dma_start3A_244 = tpu.memref_squeeze %dma_start3A_243 : memref<1x1x1x2048xf32, #tpu.memory_space<hbm>> -> memref<2048xf32, #tpu.memory_space<hbm>>
        %dma_start3A_245 = tpu.memref_slice %arg8[%arg0, %run_scoped3A_124, %run_scoped3A_125, %mul3A_103] : memref<2x16x1x10240xf32, #tpu.memory_space<hbm>> -> memref<1x1x1x2048xf32, #tpu.memory_space<hbm>>
        %dma_start3A_246 = tpu.memref_squeeze %dma_start3A_245 : memref<1x1x1x2048xf32, #tpu.memory_space<hbm>> -> memref<2048xf32, #tpu.memory_space<hbm>>
        tpu.enqueue_dma source(%dma_start3A_246 : memref<2048xf32, #tpu.memory_space<hbm>>) target(%arg16 : memref<2048xf32, #tpu.memory_space<vmem>>) target_semaphore(%run_scoped3A_242 : memref<!tpu.dma_semaphore, #tpu.memory_space<semaphore_mem>>)
        %dma_wait3A_247 = tpu.memref_slice %arg8[%arg0, %run_scoped3A_124, %run_scoped3A_125, %mul3A_103] : memref<2x16x1x10240xf32, #tpu.memory_space<hbm>> -> memref<1x1x1x2048xf32, #tpu.memory_space<hbm>>
        %dma_wait3A_248 = tpu.memref_squeeze %dma_wait3A_247 : memref<1x1x1x2048xf32, #tpu.memory_space<hbm>> -> memref<2048xf32, #tpu.memory_space<hbm>>
        %dma_wait3A_249 = tpu.memref_slice %arg8[%arg0, %run_scoped3A_124, %run_scoped3A_125, %mul3A_103] : memref<2x16x1x10240xf32, #tpu.memory_space<hbm>> -> memref<1x1x1x2048xf32, #tpu.memory_space<hbm>>
        %dma_wait3A_250 = tpu.memref_squeeze %dma_wait3A_249 : memref<1x1x1x2048xf32, #tpu.memory_space<hbm>> -> memref<2048xf32, #tpu.memory_space<hbm>>
        tpu.wait_dma2 semaphore(%run_scoped3A_242 : memref<!tpu.dma_semaphore, #tpu.memory_space<semaphore_mem>>) src(%dma_wait3A_250 : memref<2048xf32, #tpu.memory_space<hbm>>) dst(%arg16 : memref<2048xf32, #tpu.memory_space<vmem>>)
        tpu.yield
      }) : () -> ()
      %scan3A_126 = arith.constant 0 : i32
      %scan3A_127 = arith.constant 0 : i32
      %scan3A_128 = arith.constant 128 : i32
      %scan3A_129 = arith.addi %scan3A_127, %scan3A_128 : i32
      %scan3A_130 = arith.constant 1 : i32
      %scan3A_131 = scf.for %scan3A_242 = %scan3A_127 to %scan3A_129 step %scan3A_130 iter_args(%scan3A_243 = %scan3A_126) -> (i32)  : i32 {
        %mul3A_244 = arith.constant 16 : i32
        %mul3A_245 = arith.muli %scan3A_242, %mul3A_244 : i32
        %get3A_246 = arith.index_cast %mul3A_245 : i32 to index
        %get3A_247 = tpu.vector_load %arg15[%get3A_246] {strides = array<i32>} : memref<2048xf32, #tpu.memory_space<vmem>>, vector<16xf32>,
        %get3A_248 = arith.index_cast %mul3A_245 : i32 to index
        %get3A_249 = tpu.vector_load %arg16[%get3A_248] {strides = array<i32>} : memref<2048xf32, #tpu.memory_space<vmem>>, vector<16xf32>,
        %add3A_250 = arith.addf %get3A_247, %get3A_249 : vector<16xf32>
        %swap3A = arith.index_cast %mul3A_245 : i32 to index
        %swap3A_251 = tpu.vector_load %arg15[%swap3A] {strides = array<i32>} : memref<2048xf32, #tpu.memory_space<vmem>>, vector<16xf32>,
        tpu.vector_store %arg15[%swap3A], %add3A_250 {strides = array<i32>} : memref<2048xf32, #tpu.memory_space<vmem>>, vector<16xf32>,
        %scan3A_252 = arith.constant 0 : i32
        scf.yield %scan3A_252 : i32
      }
      %scan3A_132 = arith.constant 128 : i32
      %run_scoped3A_133 = arith.constant 4 : i32
      %run_scoped3A_134 = arith.constant 0 : i32
      "tpu.region"() ({
        %run_scoped3A_242 = tpu.sem_alloc : memref<!tpu.dma_semaphore, #tpu.memory_space<semaphore_mem>>
        %dma_start3A_243 = tpu.memref_slice %arg8[%arg0, %run_scoped3A_133, %run_scoped3A_134, %mul3A_103] : memref<2x16x1x10240xf32, #tpu.memory_space<hbm>> -> memref<1x1x1x2048xf32, #tpu.memory_space<hbm>>
        %dma_start3A_244 = tpu.memref_squeeze %dma_start3A_243 : memref<1x1x1x2048xf32, #tpu.memory_space<hbm>> -> memref<2048xf32, #tpu.memory_space<hbm>>
        %dma_start3A_245 = tpu.memref_slice %arg8[%arg0, %run_scoped3A_133, %run_scoped3A_134, %mul3A_103] : memref<2x16x1x10240xf32, #tpu.memory_space<hbm>> -> memref<1x1x1x2048xf32, #tpu.memory_space<hbm>>
        %dma_start3A_246 = tpu.memref_squeeze %dma_start3A_245 : memref<1x1x1x2048xf32, #tpu.memory_space<hbm>> -> memref<2048xf32, #tpu.memory_space<hbm>>
        tpu.enqueue_dma source(%dma_start3A_246 : memref<2048xf32, #tpu.memory_space<hbm>>) target(%arg16 : memref<2048xf32, #tpu.memory_space<vmem>>) target_semaphore(%run_scoped3A_242 : memref<!tpu.dma_semaphore, #tpu.memory_space<semaphore_mem>>)
        %dma_wait3A_247 = tpu.memref_slice %arg8[%arg0, %run_scoped3A_133, %run_scoped3A_134, %mul3A_103] : memref<2x16x1x10240xf32, #tpu.memory_space<hbm>> -> memref<1x1x1x2048xf32, #tpu.memory_space<hbm>>
        %dma_wait3A_248 = tpu.memref_squeeze %dma_wait3A_247 : memref<1x1x1x2048xf32, #tpu.memory_space<hbm>> -> memref<2048xf32, #tpu.memory_space<hbm>>
        %dma_wait3A_249 = tpu.memref_slice %arg8[%arg0, %run_scoped3A_133, %run_scoped3A_134, %mul3A_103] : memref<2x16x1x10240xf32, #tpu.memory_space<hbm>> -> memref<1x1x1x2048xf32, #tpu.memory_space<hbm>>
        %dma_wait3A_250 = tpu.memref_squeeze %dma_wait3A_249 : memref<1x1x1x2048xf32, #tpu.memory_space<hbm>> -> memref<2048xf32, #tpu.memory_space<hbm>>
        tpu.wait_dma2 semaphore(%run_scoped3A_242 : memref<!tpu.dma_semaphore, #tpu.memory_space<semaphore_mem>>) src(%dma_wait3A_250 : memref<2048xf32, #tpu.memory_space<hbm>>) dst(%arg16 : memref<2048xf32, #tpu.memory_space<vmem>>)
        tpu.yield
      }) : () -> ()
      %scan3A_135 = arith.constant 0 : i32
      %scan3A_136 = arith.constant 0 : i32
      %scan3A_137 = arith.constant 128 : i32
      %scan3A_138 = arith.addi %scan3A_136, %scan3A_137 : i32
      %scan3A_139 = arith.constant 1 : i32
      %scan3A_140 = scf.for %scan3A_242 = %scan3A_136 to %scan3A_138 step %scan3A_139 iter_args(%scan3A_243 = %scan3A_135) -> (i32)  : i32 {
        %mul3A_244 = arith.constant 16 : i32
        %mul3A_245 = arith.muli %scan3A_242, %mul3A_244 : i32
        %get3A_246 = arith.index_cast %mul3A_245 : i32 to index
        %get3A_247 = tpu.vector_load %arg15[%get3A_246] {strides = array<i32>} : memref<2048xf32, #tpu.memory_space<vmem>>, vector<16xf32>,
        %get3A_248 = arith.index_cast %mul3A_245 : i32 to index
        %get3A_249 = tpu.vector_load %arg16[%get3A_248] {strides = array<i32>} : memref<2048xf32, #tpu.memory_space<vmem>>, vector<16xf32>,
        %add3A_250 = arith.addf %get3A_247, %get3A_249 : vector<16xf32>
        %swap3A = arith.index_cast %mul3A_245 : i32 to index
        %swap3A_251 = tpu.vector_load %arg15[%swap3A] {strides = array<i32>} : memref<2048xf32, #tpu.memory_space<vmem>>, vector<16xf32>,
        tpu.vector_store %arg15[%swap3A], %add3A_250 {strides = array<i32>} : memref<2048xf32, #tpu.memory_space<vmem>>, vector<16xf32>,
        %scan3A_252 = arith.constant 0 : i32
        scf.yield %scan3A_252 : i32
      }
      %scan3A_141 = arith.constant 128 : i32
      %run_scoped3A_142 = arith.constant 5 : i32
      %run_scoped3A_143 = arith.constant 0 : i32
      "tpu.region"() ({
        %run_scoped3A_242 = tpu.sem_alloc : memref<!tpu.dma_semaphore, #tpu.memory_space<semaphore_mem>>
        %dma_start3A_243 = tpu.memref_slice %arg8[%arg0, %run_scoped3A_142, %run_scoped3A_143, %mul3A_103] : memref<2x16x1x10240xf32, #tpu.memory_space<hbm>> -> memref<1x1x1x2048xf32, #tpu.memory_space<hbm>>
        %dma_start3A_244 = tpu.memref_squeeze %dma_start3A_243 : memref<1x1x1x2048xf32, #tpu.memory_space<hbm>> -> memref<2048xf32, #tpu.memory_space<hbm>>
        %dma_start3A_245 = tpu.memref_slice %arg8[%arg0, %run_scoped3A_142, %run_scoped3A_143, %mul3A_103] : memref<2x16x1x10240xf32, #tpu.memory_space<hbm>> -> memref<1x1x1x2048xf32, #tpu.memory_space<hbm>>
        %dma_start3A_246 = tpu.memref_squeeze %dma_start3A_245 : memref<1x1x1x2048xf32, #tpu.memory_space<hbm>> -> memref<2048xf32, #tpu.memory_space<hbm>>
        tpu.enqueue_dma source(%dma_start3A_246 : memref<2048xf32, #tpu.memory_space<hbm>>) target(%arg16 : memref<2048xf32, #tpu.memory_space<vmem>>) target_semaphore(%run_scoped3A_242 : memref<!tpu.dma_semaphore, #tpu.memory_space<semaphore_mem>>)
        %dma_wait3A_247 = tpu.memref_slice %arg8[%arg0, %run_scoped3A_142, %run_scoped3A_143, %mul3A_103] : memref<2x16x1x10240xf32, #tpu.memory_space<hbm>> -> memref<1x1x1x2048xf32, #tpu.memory_space<hbm>>
        %dma_wait3A_248 = tpu.memref_squeeze %dma_wait3A_247 : memref<1x1x1x2048xf32, #tpu.memory_space<hbm>> -> memref<2048xf32, #tpu.memory_space<hbm>>
        %dma_wait3A_249 = tpu.memref_slice %arg8[%arg0, %run_scoped3A_142, %run_scoped3A_143, %mul3A_103] : memref<2x16x1x10240xf32, #tpu.memory_space<hbm>> -> memref<1x1x1x2048xf32, #tpu.memory_space<hbm>>
        %dma_wait3A_250 = tpu.memref_squeeze %dma_wait3A_249 : memref<1x1x1x2048xf32, #tpu.memory_space<hbm>> -> memref<2048xf32, #tpu.memory_space<hbm>>
        tpu.wait_dma2 semaphore(%run_scoped3A_242 : memref<!tpu.dma_semaphore, #tpu.memory_space<semaphore_mem>>) src(%dma_wait3A_250 : memref<2048xf32, #tpu.memory_space<hbm>>) dst(%arg16 : memref<2048xf32, #tpu.memory_space<vmem>>)
        tpu.yield
      }) : () -> ()
      %scan3A_144 = arith.constant 0 : i32
      %scan3A_145 = arith.constant 0 : i32
      %scan3A_146 = arith.constant 128 : i32
      %scan3A_147 = arith.addi %scan3A_145, %scan3A_146 : i32
      %scan3A_148 = arith.constant 1 : i32
      %scan3A_149 = scf.for %scan3A_242 = %scan3A_145 to %scan3A_147 step %scan3A_148 iter_args(%scan3A_243 = %scan3A_144) -> (i32)  : i32 {
        %mul3A_244 = arith.constant 16 : i32
        %mul3A_245 = arith.muli %scan3A_242, %mul3A_244 : i32
        %get3A_246 = arith.index_cast %mul3A_245 : i32 to index
        %get3A_247 = tpu.vector_load %arg15[%get3A_246] {strides = array<i32>} : memref<2048xf32, #tpu.memory_space<vmem>>, vector<16xf32>,
        %get3A_248 = arith.index_cast %mul3A_245 : i32 to index
        %get3A_249 = tpu.vector_load %arg16[%get3A_248] {strides = array<i32>} : memref<2048xf32, #tpu.memory_space<vmem>>, vector<16xf32>,
        %add3A_250 = arith.addf %get3A_247, %get3A_249 : vector<16xf32>
        %swap3A = arith.index_cast %mul3A_245 : i32 to index
        %swap3A_251 = tpu.vector_load %arg15[%swap3A] {strides = array<i32>} : memref<2048xf32, #tpu.memory_space<vmem>>, vector<16xf32>,
        tpu.vector_store %arg15[%swap3A], %add3A_250 {strides = array<i32>} : memref<2048xf32, #tpu.memory_space<vmem>>, vector<16xf32>,
        %scan3A_252 = arith.constant 0 : i32
        scf.yield %scan3A_252 : i32
      }
      %scan3A_150 = arith.constant 128 : i32
      %run_scoped3A_151 = arith.constant 6 : i32
      %run_scoped3A_152 = arith.constant 0 : i32
      "tpu.region"() ({
        %run_scoped3A_242 = tpu.sem_alloc : memref<!tpu.dma_semaphore, #tpu.memory_space<semaphore_mem>>
        %dma_start3A_243 = tpu.memref_slice %arg8[%arg0, %run_scoped3A_151, %run_scoped3A_152, %mul3A_103] : memref<2x16x1x10240xf32, #tpu.memory_space<hbm>> -> memref<1x1x1x2048xf32, #tpu.memory_space<hbm>>
        %dma_start3A_244 = tpu.memref_squeeze %dma_start3A_243 : memref<1x1x1x2048xf32, #tpu.memory_space<hbm>> -> memref<2048xf32, #tpu.memory_space<hbm>>
        %dma_start3A_245 = tpu.memref_slice %arg8[%arg0, %run_scoped3A_151, %run_scoped3A_152, %mul3A_103] : memref<2x16x1x10240xf32, #tpu.memory_space<hbm>> -> memref<1x1x1x2048xf32, #tpu.memory_space<hbm>>
        %dma_start3A_246 = tpu.memref_squeeze %dma_start3A_245 : memref<1x1x1x2048xf32, #tpu.memory_space<hbm>> -> memref<2048xf32, #tpu.memory_space<hbm>>
        tpu.enqueue_dma source(%dma_start3A_246 : memref<2048xf32, #tpu.memory_space<hbm>>) target(%arg16 : memref<2048xf32, #tpu.memory_space<vmem>>) target_semaphore(%run_scoped3A_242 : memref<!tpu.dma_semaphore, #tpu.memory_space<semaphore_mem>>)
        %dma_wait3A_247 = tpu.memref_slice %arg8[%arg0, %run_scoped3A_151, %run_scoped3A_152, %mul3A_103] : memref<2x16x1x10240xf32, #tpu.memory_space<hbm>> -> memref<1x1x1x2048xf32, #tpu.memory_space<hbm>>
        %dma_wait3A_248 = tpu.memref_squeeze %dma_wait3A_247 : memref<1x1x1x2048xf32, #tpu.memory_space<hbm>> -> memref<2048xf32, #tpu.memory_space<hbm>>
        %dma_wait3A_249 = tpu.memref_slice %arg8[%arg0, %run_scoped3A_151, %run_scoped3A_152, %mul3A_103] : memref<2x16x1x10240xf32, #tpu.memory_space<hbm>> -> memref<1x1x1x2048xf32, #tpu.memory_space<hbm>>
        %dma_wait3A_250 = tpu.memref_squeeze %dma_wait3A_249 : memref<1x1x1x2048xf32, #tpu.memory_space<hbm>> -> memref<2048xf32, #tpu.memory_space<hbm>>
        tpu.wait_dma2 semaphore(%run_scoped3A_242 : memref<!tpu.dma_semaphore, #tpu.memory_space<semaphore_mem>>) src(%dma_wait3A_250 : memref<2048xf32, #tpu.memory_space<hbm>>) dst(%arg16 : memref<2048xf32, #tpu.memory_space<vmem>>)
        tpu.yield
      }) : () -> ()
      %scan3A_153 = arith.constant 0 : i32
      %scan3A_154 = arith.constant 0 : i32
      %scan3A_155 = arith.constant 128 : i32
      %scan3A_156 = arith.addi %scan3A_154, %scan3A_155 : i32
      %scan3A_157 = arith.constant 1 : i32
      %scan3A_158 = scf.for %scan3A_242 = %scan3A_154 to %scan3A_156 step %scan3A_157 iter_args(%scan3A_243 = %scan3A_153) -> (i32)  : i32 {
        %mul3A_244 = arith.constant 16 : i32
        %mul3A_245 = arith.muli %scan3A_242, %mul3A_244 : i32
        %get3A_246 = arith.index_cast %mul3A_245 : i32 to index
        %get3A_247 = tpu.vector_load %arg15[%get3A_246] {strides = array<i32>} : memref<2048xf32, #tpu.memory_space<vmem>>, vector<16xf32>,
        %get3A_248 = arith.index_cast %mul3A_245 : i32 to index
        %get3A_249 = tpu.vector_load %arg16[%get3A_248] {strides = array<i32>} : memref<2048xf32, #tpu.memory_space<vmem>>, vector<16xf32>,
        %add3A_250 = arith.addf %get3A_247, %get3A_249 : vector<16xf32>
        %swap3A = arith.index_cast %mul3A_245 : i32 to index
        %swap3A_251 = tpu.vector_load %arg15[%swap3A] {strides = array<i32>} : memref<2048xf32, #tpu.memory_space<vmem>>, vector<16xf32>,
        tpu.vector_store %arg15[%swap3A], %add3A_250 {strides = array<i32>} : memref<2048xf32, #tpu.memory_space<vmem>>, vector<16xf32>,
        %scan3A_252 = arith.constant 0 : i32
        scf.yield %scan3A_252 : i32
      }
      %scan3A_159 = arith.constant 128 : i32
      %run_scoped3A_160 = arith.constant 7 : i32
      %run_scoped3A_161 = arith.constant 0 : i32
      "tpu.region"() ({
        %run_scoped3A_242 = tpu.sem_alloc : memref<!tpu.dma_semaphore, #tpu.memory_space<semaphore_mem>>
        %dma_start3A_243 = tpu.memref_slice %arg8[%arg0, %run_scoped3A_160, %run_scoped3A_161, %mul3A_103] : memref<2x16x1x10240xf32, #tpu.memory_space<hbm>> -> memref<1x1x1x2048xf32, #tpu.memory_space<hbm>>
        %dma_start3A_244 = tpu.memref_squeeze %dma_start3A_243 : memref<1x1x1x2048xf32, #tpu.memory_space<hbm>> -> memref<2048xf32, #tpu.memory_space<hbm>>
        %dma_start3A_245 = tpu.memref_slice %arg8[%arg0, %run_scoped3A_160, %run_scoped3A_161, %mul3A_103] : memref<2x16x1x10240xf32, #tpu.memory_space<hbm>> -> memref<1x1x1x2048xf32, #tpu.memory_space<hbm>>
        %dma_start3A_246 = tpu.memref_squeeze %dma_start3A_245 : memref<1x1x1x2048xf32, #tpu.memory_space<hbm>> -> memref<2048xf32, #tpu.memory_space<hbm>>
        tpu.enqueue_dma source(%dma_start3A_246 : memref<2048xf32, #tpu.memory_space<hbm>>) target(%arg16 : memref<2048xf32, #tpu.memory_space<vmem>>) target_semaphore(%run_scoped3A_242 : memref<!tpu.dma_semaphore, #tpu.memory_space<semaphore_mem>>)
        %dma_wait3A_247 = tpu.memref_slice %arg8[%arg0, %run_scoped3A_160, %run_scoped3A_161, %mul3A_103] : memref<2x16x1x10240xf32, #tpu.memory_space<hbm>> -> memref<1x1x1x2048xf32, #tpu.memory_space<hbm>>
        %dma_wait3A_248 = tpu.memref_squeeze %dma_wait3A_247 : memref<1x1x1x2048xf32, #tpu.memory_space<hbm>> -> memref<2048xf32, #tpu.memory_space<hbm>>
        %dma_wait3A_249 = tpu.memref_slice %arg8[%arg0, %run_scoped3A_160, %run_scoped3A_161, %mul3A_103] : memref<2x16x1x10240xf32, #tpu.memory_space<hbm>> -> memref<1x1x1x2048xf32, #tpu.memory_space<hbm>>
        %dma_wait3A_250 = tpu.memref_squeeze %dma_wait3A_249 : memref<1x1x1x2048xf32, #tpu.memory_space<hbm>> -> memref<2048xf32, #tpu.memory_space<hbm>>
        tpu.wait_dma2 semaphore(%run_scoped3A_242 : memref<!tpu.dma_semaphore, #tpu.memory_space<semaphore_mem>>) src(%dma_wait3A_250 : memref<2048xf32, #tpu.memory_space<hbm>>) dst(%arg16 : memref<2048xf32, #tpu.memory_space<vmem>>)
        tpu.yield
      }) : () -> ()
      %scan3A_162 = arith.constant 0 : i32
      %scan3A_163 = arith.constant 0 : i32
      %scan3A_164 = arith.constant 128 : i32
      %scan3A_165 = arith.addi %scan3A_163, %scan3A_164 : i32
      %scan3A_166 = arith.constant 1 : i32
      %scan3A_167 = scf.for %scan3A_242 = %scan3A_163 to %scan3A_165 step %scan3A_166 iter_args(%scan3A_243 = %scan3A_162) -> (i32)  : i32 {
        %mul3A_244 = arith.constant 16 : i32
        %mul3A_245 = arith.muli %scan3A_242, %mul3A_244 : i32
        %get3A_246 = arith.index_cast %mul3A_245 : i32 to index
        %get3A_247 = tpu.vector_load %arg15[%get3A_246] {strides = array<i32>} : memref<2048xf32, #tpu.memory_space<vmem>>, vector<16xf32>,
        %get3A_248 = arith.index_cast %mul3A_245 : i32 to index
        %get3A_249 = tpu.vector_load %arg16[%get3A_248] {strides = array<i32>} : memref<2048xf32, #tpu.memory_space<vmem>>, vector<16xf32>,
        %add3A_250 = arith.addf %get3A_247, %get3A_249 : vector<16xf32>
        %swap3A = arith.index_cast %mul3A_245 : i32 to index
        %swap3A_251 = tpu.vector_load %arg15[%swap3A] {strides = array<i32>} : memref<2048xf32, #tpu.memory_space<vmem>>, vector<16xf32>,
        tpu.vector_store %arg15[%swap3A], %add3A_250 {strides = array<i32>} : memref<2048xf32, #tpu.memory_space<vmem>>, vector<16xf32>,
        %scan3A_252 = arith.constant 0 : i32
        scf.yield %scan3A_252 : i32
      }
      %scan3A_168 = arith.constant 128 : i32
      %run_scoped3A_169 = arith.constant 8 : i32
      %run_scoped3A_170 = arith.constant 0 : i32
      "tpu.region"() ({
        %run_scoped3A_242 = tpu.sem_alloc : memref<!tpu.dma_semaphore, #tpu.memory_space<semaphore_mem>>
        %dma_start3A_243 = tpu.memref_slice %arg8[%arg0, %run_scoped3A_169, %run_scoped3A_170, %mul3A_103] : memref<2x16x1x10240xf32, #tpu.memory_space<hbm>> -> memref<1x1x1x2048xf32, #tpu.memory_space<hbm>>
        %dma_start3A_244 = tpu.memref_squeeze %dma_start3A_243 : memref<1x1x1x2048xf32, #tpu.memory_space<hbm>> -> memref<2048xf32, #tpu.memory_space<hbm>>
        %dma_start3A_245 = tpu.memref_slice %arg8[%arg0, %run_scoped3A_169, %run_scoped3A_170, %mul3A_103] : memref<2x16x1x10240xf32, #tpu.memory_space<hbm>> -> memref<1x1x1x2048xf32, #tpu.memory_space<hbm>>
        %dma_start3A_246 = tpu.memref_squeeze %dma_start3A_245 : memref<1x1x1x2048xf32, #tpu.memory_space<hbm>> -> memref<2048xf32, #tpu.memory_space<hbm>>
        tpu.enqueue_dma source(%dma_start3A_246 : memref<2048xf32, #tpu.memory_space<hbm>>) target(%arg16 : memref<2048xf32, #tpu.memory_space<vmem>>) target_semaphore(%run_scoped3A_242 : memref<!tpu.dma_semaphore, #tpu.memory_space<semaphore_mem>>)
        %dma_wait3A_247 = tpu.memref_slice %arg8[%arg0, %run_scoped3A_169, %run_scoped3A_170, %mul3A_103] : memref<2x16x1x10240xf32, #tpu.memory_space<hbm>> -> memref<1x1x1x2048xf32, #tpu.memory_space<hbm>>
        %dma_wait3A_248 = tpu.memref_squeeze %dma_wait3A_247 : memref<1x1x1x2048xf32, #tpu.memory_space<hbm>> -> memref<2048xf32, #tpu.memory_space<hbm>>
        %dma_wait3A_249 = tpu.memref_slice %arg8[%arg0, %run_scoped3A_169, %run_scoped3A_170, %mul3A_103] : memref<2x16x1x10240xf32, #tpu.memory_space<hbm>> -> memref<1x1x1x2048xf32, #tpu.memory_space<hbm>>
        %dma_wait3A_250 = tpu.memref_squeeze %dma_wait3A_249 : memref<1x1x1x2048xf32, #tpu.memory_space<hbm>> -> memref<2048xf32, #tpu.memory_space<hbm>>
        tpu.wait_dma2 semaphore(%run_scoped3A_242 : memref<!tpu.dma_semaphore, #tpu.memory_space<semaphore_mem>>) src(%dma_wait3A_250 : memref<2048xf32, #tpu.memory_space<hbm>>) dst(%arg16 : memref<2048xf32, #tpu.memory_space<vmem>>)
        tpu.yield
      }) : () -> ()
      %scan3A_171 = arith.constant 0 : i32
      %scan3A_172 = arith.constant 0 : i32
      %scan3A_173 = arith.constant 128 : i32
      %scan3A_174 = arith.addi %scan3A_172, %scan3A_173 : i32
      %scan3A_175 = arith.constant 1 : i32
      %scan3A_176 = scf.for %scan3A_242 = %scan3A_172 to %scan3A_174 step %scan3A_175 iter_args(%scan3A_243 = %scan3A_171) -> (i32)  : i32 {
        %mul3A_244 = arith.constant 16 : i32
        %mul3A_245 = arith.muli %scan3A_242, %mul3A_244 : i32
        %get3A_246 = arith.index_cast %mul3A_245 : i32 to index
        %get3A_247 = tpu.vector_load %arg15[%get3A_246] {strides = array<i32>} : memref<2048xf32, #tpu.memory_space<vmem>>, vector<16xf32>,
        %get3A_248 = arith.index_cast %mul3A_245 : i32 to index
        %get3A_249 = tpu.vector_load %arg16[%get3A_248] {strides = array<i32>} : memref<2048xf32, #tpu.memory_space<vmem>>, vector<16xf32>,
        %add3A_250 = arith.addf %get3A_247, %get3A_249 : vector<16xf32>
        %swap3A = arith.index_cast %mul3A_245 : i32 to index
        %swap3A_251 = tpu.vector_load %arg15[%swap3A] {strides = array<i32>} : memref<2048xf32, #tpu.memory_space<vmem>>, vector<16xf32>,
        tpu.vector_store %arg15[%swap3A], %add3A_250 {strides = array<i32>} : memref<2048xf32, #tpu.memory_space<vmem>>, vector<16xf32>,
        %scan3A_252 = arith.constant 0 : i32
        scf.yield %scan3A_252 : i32
      }
      %scan3A_177 = arith.constant 128 : i32
      %run_scoped3A_178 = arith.constant 9 : i32
      %run_scoped3A_179 = arith.constant 0 : i32
      "tpu.region"() ({
        %run_scoped3A_242 = tpu.sem_alloc : memref<!tpu.dma_semaphore, #tpu.memory_space<semaphore_mem>>
        %dma_start3A_243 = tpu.memref_slice %arg8[%arg0, %run_scoped3A_178, %run_scoped3A_179, %mul3A_103] : memref<2x16x1x10240xf32, #tpu.memory_space<hbm>> -> memref<1x1x1x2048xf32, #tpu.memory_space<hbm>>
        %dma_start3A_244 = tpu.memref_squeeze %dma_start3A_243 : memref<1x1x1x2048xf32, #tpu.memory_space<hbm>> -> memref<2048xf32, #tpu.memory_space<hbm>>
        %dma_start3A_245 = tpu.memref_slice %arg8[%arg0, %run_scoped3A_178, %run_scoped3A_179, %mul3A_103] : memref<2x16x1x10240xf32, #tpu.memory_space<hbm>> -> memref<1x1x1x2048xf32, #tpu.memory_space<hbm>>
        %dma_start3A_246 = tpu.memref_squeeze %dma_start3A_245 : memref<1x1x1x2048xf32, #tpu.memory_space<hbm>> -> memref<2048xf32, #tpu.memory_space<hbm>>
        tpu.enqueue_dma source(%dma_start3A_246 : memref<2048xf32, #tpu.memory_space<hbm>>) target(%arg16 : memref<2048xf32, #tpu.memory_space<vmem>>) target_semaphore(%run_scoped3A_242 : memref<!tpu.dma_semaphore, #tpu.memory_space<semaphore_mem>>)
        %dma_wait3A_247 = tpu.memref_slice %arg8[%arg0, %run_scoped3A_178, %run_scoped3A_179, %mul3A_103] : memref<2x16x1x10240xf32, #tpu.memory_space<hbm>> -> memref<1x1x1x2048xf32, #tpu.memory_space<hbm>>
        %dma_wait3A_248 = tpu.memref_squeeze %dma_wait3A_247 : memref<1x1x1x2048xf32, #tpu.memory_space<hbm>> -> memref<2048xf32, #tpu.memory_space<hbm>>
        %dma_wait3A_249 = tpu.memref_slice %arg8[%arg0, %run_scoped3A_178, %run_scoped3A_179, %mul3A_103] : memref<2x16x1x10240xf32, #tpu.memory_space<hbm>> -> memref<1x1x1x2048xf32, #tpu.memory_space<hbm>>
        %dma_wait3A_250 = tpu.memref_squeeze %dma_wait3A_249 : memref<1x1x1x2048xf32, #tpu.memory_space<hbm>> -> memref<2048xf32, #tpu.memory_space<hbm>>
        tpu.wait_dma2 semaphore(%run_scoped3A_242 : memref<!tpu.dma_semaphore, #tpu.memory_space<semaphore_mem>>) src(%dma_wait3A_250 : memref<2048xf32, #tpu.memory_space<hbm>>) dst(%arg16 : memref<2048xf32, #tpu.memory_space<vmem>>)
        tpu.yield
      }) : () -> ()
      %scan3A_180 = arith.constant 0 : i32
      %scan3A_181 = arith.constant 0 : i32
      %scan3A_182 = arith.constant 128 : i32
      %scan3A_183 = arith.addi %scan3A_181, %scan3A_182 : i32
      %scan3A_184 = arith.constant 1 : i32
      %scan3A_185 = scf.for %scan3A_242 = %scan3A_181 to %scan3A_183 step %scan3A_184 iter_args(%scan3A_243 = %scan3A_180) -> (i32)  : i32 {
        %mul3A_244 = arith.constant 16 : i32
        %mul3A_245 = arith.muli %scan3A_242, %mul3A_244 : i32
        %get3A_246 = arith.index_cast %mul3A_245 : i32 to index
        %get3A_247 = tpu.vector_load %arg15[%get3A_246] {strides = array<i32>} : memref<2048xf32, #tpu.memory_space<vmem>>, vector<16xf32>,
        %get3A_248 = arith.index_cast %mul3A_245 : i32 to index
        %get3A_249 = tpu.vector_load %arg16[%get3A_248] {strides = array<i32>} : memref<2048xf32, #tpu.memory_space<vmem>>, vector<16xf32>,
        %add3A_250 = arith.addf %get3A_247, %get3A_249 : vector<16xf32>
        %swap3A = arith.index_cast %mul3A_245 : i32 to index
        %swap3A_251 = tpu.vector_load %arg15[%swap3A] {strides = array<i32>} : memref<2048xf32, #tpu.memory_space<vmem>>, vector<16xf32>,
        tpu.vector_store %arg15[%swap3A], %add3A_250 {strides = array<i32>} : memref<2048xf32, #tpu.memory_space<vmem>>, vector<16xf32>,
        %scan3A_252 = arith.constant 0 : i32
        scf.yield %scan3A_252 : i32
      }
      %scan3A_186 = arith.constant 128 : i32
      %run_scoped3A_187 = arith.constant 10 : i32
      %run_scoped3A_188 = arith.constant 0 : i32
      "tpu.region"() ({
        %run_scoped3A_242 = tpu.sem_alloc : memref<!tpu.dma_semaphore, #tpu.memory_space<semaphore_mem>>
        %dma_start3A_243 = tpu.memref_slice %arg8[%arg0, %run_scoped3A_187, %run_scoped3A_188, %mul3A_103] : memref<2x16x1x10240xf32, #tpu.memory_space<hbm>> -> memref<1x1x1x2048xf32, #tpu.memory_space<hbm>>
        %dma_start3A_244 = tpu.memref_squeeze %dma_start3A_243 : memref<1x1x1x2048xf32, #tpu.memory_space<hbm>> -> memref<2048xf32, #tpu.memory_space<hbm>>
        %dma_start3A_245 = tpu.memref_slice %arg8[%arg0, %run_scoped3A_187, %run_scoped3A_188, %mul3A_103] : memref<2x16x1x10240xf32, #tpu.memory_space<hbm>> -> memref<1x1x1x2048xf32, #tpu.memory_space<hbm>>
        %dma_start3A_246 = tpu.memref_squeeze %dma_start3A_245 : memref<1x1x1x2048xf32, #tpu.memory_space<hbm>> -> memref<2048xf32, #tpu.memory_space<hbm>>
        tpu.enqueue_dma source(%dma_start3A_246 : memref<2048xf32, #tpu.memory_space<hbm>>) target(%arg16 : memref<2048xf32, #tpu.memory_space<vmem>>) target_semaphore(%run_scoped3A_242 : memref<!tpu.dma_semaphore, #tpu.memory_space<semaphore_mem>>)
        %dma_wait3A_247 = tpu.memref_slice %arg8[%arg0, %run_scoped3A_187, %run_scoped3A_188, %mul3A_103] : memref<2x16x1x10240xf32, #tpu.memory_space<hbm>> -> memref<1x1x1x2048xf32, #tpu.memory_space<hbm>>
        %dma_wait3A_248 = tpu.memref_squeeze %dma_wait3A_247 : memref<1x1x1x2048xf32, #tpu.memory_space<hbm>> -> memref<2048xf32, #tpu.memory_space<hbm>>
        %dma_wait3A_249 = tpu.memref_slice %arg8[%arg0, %run_scoped3A_187, %run_scoped3A_188, %mul3A_103] : memref<2x16x1x10240xf32, #tpu.memory_space<hbm>> -> memref<1x1x1x2048xf32, #tpu.memory_space<hbm>>
        %dma_wait3A_250 = tpu.memref_squeeze %dma_wait3A_249 : memref<1x1x1x2048xf32, #tpu.memory_space<hbm>> -> memref<2048xf32, #tpu.memory_space<hbm>>
        tpu.wait_dma2 semaphore(%run_scoped3A_242 : memref<!tpu.dma_semaphore, #tpu.memory_space<semaphore_mem>>) src(%dma_wait3A_250 : memref<2048xf32, #tpu.memory_space<hbm>>) dst(%arg16 : memref<2048xf32, #tpu.memory_space<vmem>>)
        tpu.yield
      }) : () -> ()
      %scan3A_189 = arith.constant 0 : i32
      %scan3A_190 = arith.constant 0 : i32
      %scan3A_191 = arith.constant 128 : i32
      %scan3A_192 = arith.addi %scan3A_190, %scan3A_191 : i32
      %scan3A_193 = arith.constant 1 : i32
      %scan3A_194 = scf.for %scan3A_242 = %scan3A_190 to %scan3A_192 step %scan3A_193 iter_args(%scan3A_243 = %scan3A_189) -> (i32)  : i32 {
        %mul3A_244 = arith.constant 16 : i32
        %mul3A_245 = arith.muli %scan3A_242, %mul3A_244 : i32
        %get3A_246 = arith.index_cast %mul3A_245 : i32 to index
        %get3A_247 = tpu.vector_load %arg15[%get3A_246] {strides = array<i32>} : memref<2048xf32, #tpu.memory_space<vmem>>, vector<16xf32>,
        %get3A_248 = arith.index_cast %mul3A_245 : i32 to index
        %get3A_249 = tpu.vector_load %arg16[%get3A_248] {strides = array<i32>} : memref<2048xf32, #tpu.memory_space<vmem>>, vector<16xf32>,
        %add3A_250 = arith.addf %get3A_247, %get3A_249 : vector<16xf32>
        %swap3A = arith.index_cast %mul3A_245 : i32 to index
        %swap3A_251 = tpu.vector_load %arg15[%swap3A] {strides = array<i32>} : memref<2048xf32, #tpu.memory_space<vmem>>, vector<16xf32>,
        tpu.vector_store %arg15[%swap3A], %add3A_250 {strides = array<i32>} : memref<2048xf32, #tpu.memory_space<vmem>>, vector<16xf32>,
        %scan3A_252 = arith.constant 0 : i32
        scf.yield %scan3A_252 : i32
      }
      %scan3A_195 = arith.constant 128 : i32
      %run_scoped3A_196 = arith.constant 11 : i32
      %run_scoped3A_197 = arith.constant 0 : i32
      "tpu.region"() ({
        %run_scoped3A_242 = tpu.sem_alloc : memref<!tpu.dma_semaphore, #tpu.memory_space<semaphore_mem>>
        %dma_start3A_243 = tpu.memref_slice %arg8[%arg0, %run_scoped3A_196, %run_scoped3A_197, %mul3A_103] : memref<2x16x1x10240xf32, #tpu.memory_space<hbm>> -> memref<1x1x1x2048xf32, #tpu.memory_space<hbm>>
        %dma_start3A_244 = tpu.memref_squeeze %dma_start3A_243 : memref<1x1x1x2048xf32, #tpu.memory_space<hbm>> -> memref<2048xf32, #tpu.memory_space<hbm>>
        %dma_start3A_245 = tpu.memref_slice %arg8[%arg0, %run_scoped3A_196, %run_scoped3A_197, %mul3A_103] : memref<2x16x1x10240xf32, #tpu.memory_space<hbm>> -> memref<1x1x1x2048xf32, #tpu.memory_space<hbm>>
        %dma_start3A_246 = tpu.memref_squeeze %dma_start3A_245 : memref<1x1x1x2048xf32, #tpu.memory_space<hbm>> -> memref<2048xf32, #tpu.memory_space<hbm>>
        tpu.enqueue_dma source(%dma_start3A_246 : memref<2048xf32, #tpu.memory_space<hbm>>) target(%arg16 : memref<2048xf32, #tpu.memory_space<vmem>>) target_semaphore(%run_scoped3A_242 : memref<!tpu.dma_semaphore, #tpu.memory_space<semaphore_mem>>)
        %dma_wait3A_247 = tpu.memref_slice %arg8[%arg0, %run_scoped3A_196, %run_scoped3A_197, %mul3A_103] : memref<2x16x1x10240xf32, #tpu.memory_space<hbm>> -> memref<1x1x1x2048xf32, #tpu.memory_space<hbm>>
        %dma_wait3A_248 = tpu.memref_squeeze %dma_wait3A_247 : memref<1x1x1x2048xf32, #tpu.memory_space<hbm>> -> memref<2048xf32, #tpu.memory_space<hbm>>
        %dma_wait3A_249 = tpu.memref_slice %arg8[%arg0, %run_scoped3A_196, %run_scoped3A_197, %mul3A_103] : memref<2x16x1x10240xf32, #tpu.memory_space<hbm>> -> memref<1x1x1x2048xf32, #tpu.memory_space<hbm>>
        %dma_wait3A_250 = tpu.memref_squeeze %dma_wait3A_249 : memref<1x1x1x2048xf32, #tpu.memory_space<hbm>> -> memref<2048xf32, #tpu.memory_space<hbm>>
        tpu.wait_dma2 semaphore(%run_scoped3A_242 : memref<!tpu.dma_semaphore, #tpu.memory_space<semaphore_mem>>) src(%dma_wait3A_250 : memref<2048xf32, #tpu.memory_space<hbm>>) dst(%arg16 : memref<2048xf32, #tpu.memory_space<vmem>>)
        tpu.yield
      }) : () -> ()
      %scan3A_198 = arith.constant 0 : i32
      %scan3A_199 = arith.constant 0 : i32
      %scan3A_200 = arith.constant 128 : i32
      %scan3A_201 = arith.addi %scan3A_199, %scan3A_200 : i32
      %scan3A_202 = arith.constant 1 : i32
      %scan3A_203 = scf.for %scan3A_242 = %scan3A_199 to %scan3A_201 step %scan3A_202 iter_args(%scan3A_243 = %scan3A_198) -> (i32)  : i32 {
        %mul3A_244 = arith.constant 16 : i32
        %mul3A_245 = arith.muli %scan3A_242, %mul3A_244 : i32
        %get3A_246 = arith.index_cast %mul3A_245 : i32 to index
        %get3A_247 = tpu.vector_load %arg15[%get3A_246] {strides = array<i32>} : memref<2048xf32, #tpu.memory_space<vmem>>, vector<16xf32>,
        %get3A_248 = arith.index_cast %mul3A_245 : i32 to index
        %get3A_249 = tpu.vector_load %arg16[%get3A_248] {strides = array<i32>} : memref<2048xf32, #tpu.memory_space<vmem>>, vector<16xf32>,
        %add3A_250 = arith.addf %get3A_247, %get3A_249 : vector<16xf32>
        %swap3A = arith.index_cast %mul3A_245 : i32 to index
        %swap3A_251 = tpu.vector_load %arg15[%swap3A] {strides = array<i32>} : memref<2048xf32, #tpu.memory_space<vmem>>, vector<16xf32>,
        tpu.vector_store %arg15[%swap3A], %add3A_250 {strides = array<i32>} : memref<2048xf32, #tpu.memory_space<vmem>>, vector<16xf32>,
        %scan3A_252 = arith.constant 0 : i32
        scf.yield %scan3A_252 : i32
      }
      %scan3A_204 = arith.constant 128 : i32
      %run_scoped3A_205 = arith.constant 12 : i32
      %run_scoped3A_206 = arith.constant 0 : i32
      "tpu.region"() ({
        %run_scoped3A_242 = tpu.sem_alloc : memref<!tpu.dma_semaphore, #tpu.memory_space<semaphore_mem>>
        %dma_start3A_243 = tpu.memref_slice %arg8[%arg0, %run_scoped3A_205, %run_scoped3A_206, %mul3A_103] : memref<2x16x1x10240xf32, #tpu.memory_space<hbm>> -> memref<1x1x1x2048xf32, #tpu.memory_space<hbm>>
        %dma_start3A_244 = tpu.memref_squeeze %dma_start3A_243 : memref<1x1x1x2048xf32, #tpu.memory_space<hbm>> -> memref<2048xf32, #tpu.memory_space<hbm>>
        %dma_start3A_245 = tpu.memref_slice %arg8[%arg0, %run_scoped3A_205, %run_scoped3A_206, %mul3A_103] : memref<2x16x1x10240xf32, #tpu.memory_space<hbm>> -> memref<1x1x1x2048xf32, #tpu.memory_space<hbm>>
        %dma_start3A_246 = tpu.memref_squeeze %dma_start3A_245 : memref<1x1x1x2048xf32, #tpu.memory_space<hbm>> -> memref<2048xf32, #tpu.memory_space<hbm>>
        tpu.enqueue_dma source(%dma_start3A_246 : memref<2048xf32, #tpu.memory_space<hbm>>) target(%arg16 : memref<2048xf32, #tpu.memory_space<vmem>>) target_semaphore(%run_scoped3A_242 : memref<!tpu.dma_semaphore, #tpu.memory_space<semaphore_mem>>)
        %dma_wait3A_247 = tpu.memref_slice %arg8[%arg0, %run_scoped3A_205, %run_scoped3A_206, %mul3A_103] : memref<2x16x1x10240xf32, #tpu.memory_space<hbm>> -> memref<1x1x1x2048xf32, #tpu.memory_space<hbm>>
        %dma_wait3A_248 = tpu.memref_squeeze %dma_wait3A_247 : memref<1x1x1x2048xf32, #tpu.memory_space<hbm>> -> memref<2048xf32, #tpu.memory_space<hbm>>
        %dma_wait3A_249 = tpu.memref_slice %arg8[%arg0, %run_scoped3A_205, %run_scoped3A_206, %mul3A_103] : memref<2x16x1x10240xf32, #tpu.memory_space<hbm>> -> memref<1x1x1x2048xf32, #tpu.memory_space<hbm>>
        %dma_wait3A_250 = tpu.memref_squeeze %dma_wait3A_249 : memref<1x1x1x2048xf32, #tpu.memory_space<hbm>> -> memref<2048xf32, #tpu.memory_space<hbm>>
        tpu.wait_dma2 semaphore(%run_scoped3A_242 : memref<!tpu.dma_semaphore, #tpu.memory_space<semaphore_mem>>) src(%dma_wait3A_250 : memref<2048xf32, #tpu.memory_space<hbm>>) dst(%arg16 : memref<2048xf32, #tpu.memory_space<vmem>>)
        tpu.yield
      }) : () -> ()
      %scan3A_207 = arith.constant 0 : i32
      %scan3A_208 = arith.constant 0 : i32
      %scan3A_209 = arith.constant 128 : i32
      %scan3A_210 = arith.addi %scan3A_208, %scan3A_209 : i32
      %scan3A_211 = arith.constant 1 : i32
      %scan3A_212 = scf.for %scan3A_242 = %scan3A_208 to %scan3A_210 step %scan3A_211 iter_args(%scan3A_243 = %scan3A_207) -> (i32)  : i32 {
        %mul3A_244 = arith.constant 16 : i32
        %mul3A_245 = arith.muli %scan3A_242, %mul3A_244 : i32
        %get3A_246 = arith.index_cast %mul3A_245 : i32 to index
        %get3A_247 = tpu.vector_load %arg15[%get3A_246] {strides = array<i32>} : memref<2048xf32, #tpu.memory_space<vmem>>, vector<16xf32>,
        %get3A_248 = arith.index_cast %mul3A_245 : i32 to index
        %get3A_249 = tpu.vector_load %arg16[%get3A_248] {strides = array<i32>} : memref<2048xf32, #tpu.memory_space<vmem>>, vector<16xf32>,
        %add3A_250 = arith.addf %get3A_247, %get3A_249 : vector<16xf32>
        %swap3A = arith.index_cast %mul3A_245 : i32 to index
        %swap3A_251 = tpu.vector_load %arg15[%swap3A] {strides = array<i32>} : memref<2048xf32, #tpu.memory_space<vmem>>, vector<16xf32>,
        tpu.vector_store %arg15[%swap3A], %add3A_250 {strides = array<i32>} : memref<2048xf32, #tpu.memory_space<vmem>>, vector<16xf32>,
        %scan3A_252 = arith.constant 0 : i32
        scf.yield %scan3A_252 : i32
      }
      %scan3A_213 = arith.constant 128 : i32
      %run_scoped3A_214 = arith.constant 13 : i32
      %run_scoped3A_215 = arith.constant 0 : i32
      "tpu.region"() ({
        %run_scoped3A_242 = tpu.sem_alloc : memref<!tpu.dma_semaphore, #tpu.memory_space<semaphore_mem>>
        %dma_start3A_243 = tpu.memref_slice %arg8[%arg0, %run_scoped3A_214, %run_scoped3A_215, %mul3A_103] : memref<2x16x1x10240xf32, #tpu.memory_space<hbm>> -> memref<1x1x1x2048xf32, #tpu.memory_space<hbm>>
        %dma_start3A_244 = tpu.memref_squeeze %dma_start3A_243 : memref<1x1x1x2048xf32, #tpu.memory_space<hbm>> -> memref<2048xf32, #tpu.memory_space<hbm>>
        %dma_start3A_245 = tpu.memref_slice %arg8[%arg0, %run_scoped3A_214, %run_scoped3A_215, %mul3A_103] : memref<2x16x1x10240xf32, #tpu.memory_space<hbm>> -> memref<1x1x1x2048xf32, #tpu.memory_space<hbm>>
        %dma_start3A_246 = tpu.memref_squeeze %dma_start3A_245 : memref<1x1x1x2048xf32, #tpu.memory_space<hbm>> -> memref<2048xf32, #tpu.memory_space<hbm>>
        tpu.enqueue_dma source(%dma_start3A_246 : memref<2048xf32, #tpu.memory_space<hbm>>) target(%arg16 : memref<2048xf32, #tpu.memory_space<vmem>>) target_semaphore(%run_scoped3A_242 : memref<!tpu.dma_semaphore, #tpu.memory_space<semaphore_mem>>)
        %dma_wait3A_247 = tpu.memref_slice %arg8[%arg0, %run_scoped3A_214, %run_scoped3A_215, %mul3A_103] : memref<2x16x1x10240xf32, #tpu.memory_space<hbm>> -> memref<1x1x1x2048xf32, #tpu.memory_space<hbm>>
        %dma_wait3A_248 = tpu.memref_squeeze %dma_wait3A_247 : memref<1x1x1x2048xf32, #tpu.memory_space<hbm>> -> memref<2048xf32, #tpu.memory_space<hbm>>
        %dma_wait3A_249 = tpu.memref_slice %arg8[%arg0, %run_scoped3A_214, %run_scoped3A_215, %mul3A_103] : memref<2x16x1x10240xf32, #tpu.memory_space<hbm>> -> memref<1x1x1x2048xf32, #tpu.memory_space<hbm>>
        %dma_wait3A_250 = tpu.memref_squeeze %dma_wait3A_249 : memref<1x1x1x2048xf32, #tpu.memory_space<hbm>> -> memref<2048xf32, #tpu.memory_space<hbm>>
        tpu.wait_dma2 semaphore(%run_scoped3A_242 : memref<!tpu.dma_semaphore, #tpu.memory_space<semaphore_mem>>) src(%dma_wait3A_250 : memref<2048xf32, #tpu.memory_space<hbm>>) dst(%arg16 : memref<2048xf32, #tpu.memory_space<vmem>>)
        tpu.yield
      }) : () -> ()
      %scan3A_216 = arith.constant 0 : i32
      %scan3A_217 = arith.constant 0 : i32
      %scan3A_218 = arith.constant 128 : i32
      %scan3A_219 = arith.addi %scan3A_217, %scan3A_218 : i32
      %scan3A_220 = arith.constant 1 : i32
      %scan3A_221 = scf.for %scan3A_242 = %scan3A_217 to %scan3A_219 step %scan3A_220 iter_args(%scan3A_243 = %scan3A_216) -> (i32)  : i32 {
        %mul3A_244 = arith.constant 16 : i32
        %mul3A_245 = arith.muli %scan3A_242, %mul3A_244 : i32
        %get3A_246 = arith.index_cast %mul3A_245 : i32 to index
        %get3A_247 = tpu.vector_load %arg15[%get3A_246] {strides = array<i32>} : memref<2048xf32, #tpu.memory_space<vmem>>, vector<16xf32>,
        %get3A_248 = arith.index_cast %mul3A_245 : i32 to index
        %get3A_249 = tpu.vector_load %arg16[%get3A_248] {strides = array<i32>} : memref<2048xf32, #tpu.memory_space<vmem>>, vector<16xf32>,
        %add3A_250 = arith.addf %get3A_247, %get3A_249 : vector<16xf32>
        %swap3A = arith.index_cast %mul3A_245 : i32 to index
        %swap3A_251 = tpu.vector_load %arg15[%swap3A] {strides = array<i32>} : memref<2048xf32, #tpu.memory_space<vmem>>, vector<16xf32>,
        tpu.vector_store %arg15[%swap3A], %add3A_250 {strides = array<i32>} : memref<2048xf32, #tpu.memory_space<vmem>>, vector<16xf32>,
        %scan3A_252 = arith.constant 0 : i32
        scf.yield %scan3A_252 : i32
      }
      %scan3A_222 = arith.constant 128 : i32
      %run_scoped3A_223 = arith.constant 14 : i32
      %run_scoped3A_224 = arith.constant 0 : i32
      "tpu.region"() ({
        %run_scoped3A_242 = tpu.sem_alloc : memref<!tpu.dma_semaphore, #tpu.memory_space<semaphore_mem>>
        %dma_start3A_243 = tpu.memref_slice %arg8[%arg0, %run_scoped3A_223, %run_scoped3A_224, %mul3A_103] : memref<2x16x1x10240xf32, #tpu.memory_space<hbm>> -> memref<1x1x1x2048xf32, #tpu.memory_space<hbm>>
        %dma_start3A_244 = tpu.memref_squeeze %dma_start3A_243 : memref<1x1x1x2048xf32, #tpu.memory_space<hbm>> -> memref<2048xf32, #tpu.memory_space<hbm>>
        %dma_start3A_245 = tpu.memref_slice %arg8[%arg0, %run_scoped3A_223, %run_scoped3A_224, %mul3A_103] : memref<2x16x1x10240xf32, #tpu.memory_space<hbm>> -> memref<1x1x1x2048xf32, #tpu.memory_space<hbm>>
        %dma_start3A_246 = tpu.memref_squeeze %dma_start3A_245 : memref<1x1x1x2048xf32, #tpu.memory_space<hbm>> -> memref<2048xf32, #tpu.memory_space<hbm>>
        tpu.enqueue_dma source(%dma_start3A_246 : memref<2048xf32, #tpu.memory_space<hbm>>) target(%arg16 : memref<2048xf32, #tpu.memory_space<vmem>>) target_semaphore(%run_scoped3A_242 : memref<!tpu.dma_semaphore, #tpu.memory_space<semaphore_mem>>)
        %dma_wait3A_247 = tpu.memref_slice %arg8[%arg0, %run_scoped3A_223, %run_scoped3A_224, %mul3A_103] : memref<2x16x1x10240xf32, #tpu.memory_space<hbm>> -> memref<1x1x1x2048xf32, #tpu.memory_space<hbm>>
        %dma_wait3A_248 = tpu.memref_squeeze %dma_wait3A_247 : memref<1x1x1x2048xf32, #tpu.memory_space<hbm>> -> memref<2048xf32, #tpu.memory_space<hbm>>
        %dma_wait3A_249 = tpu.memref_slice %arg8[%arg0, %run_scoped3A_223, %run_scoped3A_224, %mul3A_103] : memref<2x16x1x10240xf32, #tpu.memory_space<hbm>> -> memref<1x1x1x2048xf32, #tpu.memory_space<hbm>>
        %dma_wait3A_250 = tpu.memref_squeeze %dma_wait3A_249 : memref<1x1x1x2048xf32, #tpu.memory_space<hbm>> -> memref<2048xf32, #tpu.memory_space<hbm>>
        tpu.wait_dma2 semaphore(%run_scoped3A_242 : memref<!tpu.dma_semaphore, #tpu.memory_space<semaphore_mem>>) src(%dma_wait3A_250 : memref<2048xf32, #tpu.memory_space<hbm>>) dst(%arg16 : memref<2048xf32, #tpu.memory_space<vmem>>)
        tpu.yield
      }) : () -> ()
      %scan3A_225 = arith.constant 0 : i32
      %scan3A_226 = arith.constant 0 : i32
      %scan3A_227 = arith.constant 128 : i32
      %scan3A_228 = arith.addi %scan3A_226, %scan3A_227 : i32
      %scan3A_229 = arith.constant 1 : i32
      %scan3A_230 = scf.for %scan3A_242 = %scan3A_226 to %scan3A_228 step %scan3A_229 iter_args(%scan3A_243 = %scan3A_225) -> (i32)  : i32 {
        %mul3A_244 = arith.constant 16 : i32
        %mul3A_245 = arith.muli %scan3A_242, %mul3A_244 : i32
        %get3A_246 = arith.index_cast %mul3A_245 : i32 to index
        %get3A_247 = tpu.vector_load %arg15[%get3A_246] {strides = array<i32>} : memref<2048xf32, #tpu.memory_space<vmem>>, vector<16xf32>,
        %get3A_248 = arith.index_cast %mul3A_245 : i32 to index
        %get3A_249 = tpu.vector_load %arg16[%get3A_248] {strides = array<i32>} : memref<2048xf32, #tpu.memory_space<vmem>>, vector<16xf32>,
        %add3A_250 = arith.addf %get3A_247, %get3A_249 : vector<16xf32>
        %swap3A = arith.index_cast %mul3A_245 : i32 to index
        %swap3A_251 = tpu.vector_load %arg15[%swap3A] {strides = array<i32>} : memref<2048xf32, #tpu.memory_space<vmem>>, vector<16xf32>,
        tpu.vector_store %arg15[%swap3A], %add3A_250 {strides = array<i32>} : memref<2048xf32, #tpu.memory_space<vmem>>, vector<16xf32>,
        %scan3A_252 = arith.constant 0 : i32
        scf.yield %scan3A_252 : i32
      }
      %scan3A_231 = arith.constant 128 : i32
      %run_scoped3A_232 = arith.constant 15 : i32
      %run_scoped3A_233 = arith.constant 0 : i32
      "tpu.region"() ({
        %run_scoped3A_242 = tpu.sem_alloc : memref<!tpu.dma_semaphore, #tpu.memory_space<semaphore_mem>>
        %dma_start3A_243 = tpu.memref_slice %arg8[%arg0, %run_scoped3A_232, %run_scoped3A_233, %mul3A_103] : memref<2x16x1x10240xf32, #tpu.memory_space<hbm>> -> memref<1x1x1x2048xf32, #tpu.memory_space<hbm>>
        %dma_start3A_244 = tpu.memref_squeeze %dma_start3A_243 : memref<1x1x1x2048xf32, #tpu.memory_space<hbm>> -> memref<2048xf32, #tpu.memory_space<hbm>>
        %dma_start3A_245 = tpu.memref_slice %arg8[%arg0, %run_scoped3A_232, %run_scoped3A_233, %mul3A_103] : memref<2x16x1x10240xf32, #tpu.memory_space<hbm>> -> memref<1x1x1x2048xf32, #tpu.memory_space<hbm>>
        %dma_start3A_246 = tpu.memref_squeeze %dma_start3A_245 : memref<1x1x1x2048xf32, #tpu.memory_space<hbm>> -> memref<2048xf32, #tpu.memory_space<hbm>>
        tpu.enqueue_dma source(%dma_start3A_246 : memref<2048xf32, #tpu.memory_space<hbm>>) target(%arg16 : memref<2048xf32, #tpu.memory_space<vmem>>) target_semaphore(%run_scoped3A_242 : memref<!tpu.dma_semaphore, #tpu.memory_space<semaphore_mem>>)
        %dma_wait3A_247 = tpu.memref_slice %arg8[%arg0, %run_scoped3A_232, %run_scoped3A_233, %mul3A_103] : memref<2x16x1x10240xf32, #tpu.memory_space<hbm>> -> memref<1x1x1x2048xf32, #tpu.memory_space<hbm>>
        %dma_wait3A_248 = tpu.memref_squeeze %dma_wait3A_247 : memref<1x1x1x2048xf32, #tpu.memory_space<hbm>> -> memref<2048xf32, #tpu.memory_space<hbm>>
        %dma_wait3A_249 = tpu.memref_slice %arg8[%arg0, %run_scoped3A_232, %run_scoped3A_233, %mul3A_103] : memref<2x16x1x10240xf32, #tpu.memory_space<hbm>> -> memref<1x1x1x2048xf32, #tpu.memory_space<hbm>>
        %dma_wait3A_250 = tpu.memref_squeeze %dma_wait3A_249 : memref<1x1x1x2048xf32, #tpu.memory_space<hbm>> -> memref<2048xf32, #tpu.memory_space<hbm>>
        tpu.wait_dma2 semaphore(%run_scoped3A_242 : memref<!tpu.dma_semaphore, #tpu.memory_space<semaphore_mem>>) src(%dma_wait3A_250 : memref<2048xf32, #tpu.memory_space<hbm>>) dst(%arg16 : memref<2048xf32, #tpu.memory_space<vmem>>)
        tpu.yield
      }) : () -> ()
      %scan3A_234 = arith.constant 0 : i32
      %scan3A_235 = arith.constant 0 : i32
      %scan3A_236 = arith.constant 128 : i32
      %scan3A_237 = arith.addi %scan3A_235, %scan3A_236 : i32
      %scan3A_238 = arith.constant 1 : i32
      %scan3A_239 = scf.for %scan3A_242 = %scan3A_235 to %scan3A_237 step %scan3A_238 iter_args(%scan3A_243 = %scan3A_234) -> (i32)  : i32 {
        %mul3A_244 = arith.constant 16 : i32
        %mul3A_245 = arith.muli %scan3A_242, %mul3A_244 : i32
        %get3A_246 = arith.index_cast %mul3A_245 : i32 to index
        %get3A_247 = tpu.vector_load %arg15[%get3A_246] {strides = array<i32>} : memref<2048xf32, #tpu.memory_space<vmem>>, vector<16xf32>,
        %get3A_248 = arith.index_cast %mul3A_245 : i32 to index
        %get3A_249 = tpu.vector_load %arg16[%get3A_248] {strides = array<i32>} : memref<2048xf32, #tpu.memory_space<vmem>>, vector<16xf32>,
        %add3A_250 = arith.addf %get3A_247, %get3A_249 : vector<16xf32>
        %swap3A = arith.index_cast %mul3A_245 : i32 to index
        %swap3A_251 = tpu.vector_load %arg15[%swap3A] {strides = array<i32>} : memref<2048xf32, #tpu.memory_space<vmem>>, vector<16xf32>,
        tpu.vector_store %arg15[%swap3A], %add3A_250 {strides = array<i32>} : memref<2048xf32, #tpu.memory_space<vmem>>, vector<16xf32>,
        %scan3A_252 = arith.constant 0 : i32
        scf.yield %scan3A_252 : i32
      }
      %scan3A_240 = arith.constant 128 : i32
      %run_scoped3A_241 = arith.constant 0 : i32
      "tpu.region"() ({
        %run_scoped3A_242 = tpu.sem_alloc : memref<!tpu.dma_semaphore, #tpu.memory_space<semaphore_mem>>
        %dma_start3A_243 = tpu.memref_slice %arg6[%arg0, %run_scoped3A_241, %mul3A_103] : memref<2x1x10240xf32, #tpu.memory_space<hbm>> -> memref<1x1x2048xf32, #tpu.memory_space<hbm>>
        %dma_start3A_244 = tpu.memref_squeeze %dma_start3A_243 : memref<1x1x2048xf32, #tpu.memory_space<hbm>> -> memref<2048xf32, #tpu.memory_space<hbm>>
        %dma_start3A_245 = tpu.memref_slice %arg6[%arg0, %run_scoped3A_241, %mul3A_103] : memref<2x1x10240xf32, #tpu.memory_space<hbm>> -> memref<1x1x2048xf32, #tpu.memory_space<hbm>>
        %dma_start3A_246 = tpu.memref_squeeze %dma_start3A_245 : memref<1x1x2048xf32, #tpu.memory_space<hbm>> -> memref<2048xf32, #tpu.memory_space<hbm>>
        tpu.enqueue_dma source(%arg15 : memref<2048xf32, #tpu.memory_space<vmem>>) target(%dma_start3A_246 : memref<2048xf32, #tpu.memory_space<hbm>>) target_semaphore(%run_scoped3A_242 : memref<!tpu.dma_semaphore, #tpu.memory_space<semaphore_mem>>)
        %dma_wait3A_247 = tpu.memref_slice %arg6[%arg0, %run_scoped3A_241, %mul3A_103] : memref<2x1x10240xf32, #tpu.memory_space<hbm>> -> memref<1x1x2048xf32, #tpu.memory_space<hbm>>
        %dma_wait3A_248 = tpu.memref_squeeze %dma_wait3A_247 : memref<1x1x2048xf32, #tpu.memory_space<hbm>> -> memref<2048xf32, #tpu.memory_space<hbm>>
        %dma_wait3A_249 = tpu.memref_slice %arg6[%arg0, %run_scoped3A_241, %mul3A_103] : memref<2x1x10240xf32, #tpu.memory_space<hbm>> -> memref<1x1x2048xf32, #tpu.memory_space<hbm>>
        %dma_wait3A_250 = tpu.memref_squeeze %dma_wait3A_249 : memref<1x1x2048xf32, #tpu.memory_space<hbm>> -> memref<2048xf32, #tpu.memory_space<hbm>>
        tpu.wait_dma2 semaphore(%run_scoped3A_242 : memref<!tpu.dma_semaphore, #tpu.memory_space<semaphore_mem>>) src(%arg15 : memref<2048xf32, #tpu.memory_space<vmem>>) dst(%dma_wait3A_250 : memref<2048xf32, #tpu.memory_space<hbm>>)
        tpu.yield
      }) : () -> ()
    } else {
    }
    return
  }
}

#map = affine_map<(d0, d1) -> (0, 0)>
#map1 = affine_map<(d0, d1) -> (0)>
#map2 = affine_map<(d0, d1) -> (0, 0, 0)>
module attributes {stable_mosaic.version = 14 : i64} {
  func.func @body(%arg0: i32, %arg1: i32, %arg2: memref<10000x128xf32, #tpu.memory_space<hbm>>, %arg3: memref<10000x128xf32, #tpu.memory_space<hbm>>, %arg4: memref<320000xi32, #tpu.memory_space<hbm>>, %arg5: memref<320000xi32, #tpu.memory_space<hbm>>, %arg6: memref<10000xf32, #tpu.memory_space<hbm>>, %arg7: memref<2x10000x128xf32, #tpu.memory_space<hbm>>, %arg8: memref<2x1x10240xf32, #tpu.memory_space<hbm>>, %arg9: memref<10000x128xf32, #tpu.memory_space<vmem_shared>>, %arg10: memref<2x16x1x10240xf32, #tpu.memory_space<hbm>>, %arg11: memref<2x80xi32, #tpu.memory_space<vmem>>, %arg12: memref<2x80xi32, #tpu.memory_space<vmem>>, %arg13: memref<2x80x128xf32, #tpu.memory_space<vmem>>, %arg14: memref<40x128xf32, #tpu.memory_space<vmem>>, %arg15: memref<10240xf32, #tpu.memory_space<vmem>>, %arg16: memref<10000xf32, #tpu.memory_space<vmem>>, %arg17: memref<2048xf32, #tpu.memory_space<vmem>>, %arg18: memref<2048xf32, #tpu.memory_space<vmem>>, %arg19: memref<!tpu.dma_semaphore, #tpu.memory_space<semaphore_mem>>, %arg20: memref<!tpu.dma_semaphore, #tpu.memory_space<semaphore_mem>>, %arg21: memref<!tpu.dma_semaphore, #tpu.memory_space<semaphore_mem>>) attributes {dimension_semantics = [#tpu.dimension_semantics<core_parallel>, #tpu.dimension_semantics<subcore_parallel>], iteration_bounds = array<i64: 2, 16>, scalar_prefetch = 0 : i64, scratch_operands = 13 : i64, tpu.core_type = #tpu.core_type<sc_vector_subcore>, window_params = [{transform_indices = #map}, {transform_indices = #map}, {transform_indices = #map1}, {transform_indices = #map1}, {transform_indices = #map1}, {transform_indices = #map2}, {transform_indices = #map2}]} {
    %broadcast_in_dim3A = arith.constant 0.000000e+00 : f32
    %broadcast_in_dim3A_0 = vector.broadcast %broadcast_in_dim3A : f32 to vector<16xf32>
    %scan3A = arith.constant 0 : i32
    %scan3A_1 = arith.constant 0 : i32
    %scan3A_2 = arith.constant 40 : i32
    %scan3A_3 = arith.addi %scan3A_1, %scan3A_2 : i32
    %scan3A_4 = arith.constant 1 : i32
    %scan3A_5 = scf.for %scan3A_63 = %scan3A_1 to %scan3A_3 step %scan3A_4 iter_args(%scan3A_64 = %scan3A) -> (i32)  : i32 {
      %scan3A_65 = arith.constant 0 : i32
      %scan3A_66 = arith.constant 0 : i32
      %scan3A_67 = arith.constant 8 : i32
      %scan3A_68 = arith.addi %scan3A_66, %scan3A_67 : i32
      %scan3A_69 = arith.constant 1 : i32
      %scan3A_70 = scf.for %scan3A_72 = %scan3A_66 to %scan3A_68 step %scan3A_69 iter_args(%scan3A_73 = %scan3A_65) -> (i32)  : i32 {
        %mul3A_74 = arith.constant 16 : i32
        %mul3A_75 = arith.muli %scan3A_72, %mul3A_74 : i32
        %swap3A = arith.index_cast %scan3A_63 : i32 to index
        %swap3A_76 = arith.index_cast %mul3A_75 : i32 to index
        %swap3A_77 = tpu.vector_load %arg14[%swap3A, %swap3A_76] {strides = array<i32>} : memref<40x128xf32, #tpu.memory_space<vmem>>, vector<16xf32>,
        tpu.vector_store %arg14[%swap3A, %swap3A_76], %broadcast_in_dim3A_0 {strides = array<i32>} : memref<40x128xf32, #tpu.memory_space<vmem>>, vector<16xf32>,
        %scan3A_78 = arith.constant 0 : i32
        scf.yield %scan3A_78 : i32
      }
      %scan3A_71 = arith.constant 8 : i32
      scf.yield %scan3A_70 : i32
    }
    %scan3A_6 = arith.constant 40 : i32
    %scan3A_7 = arith.constant 0 : i32
    %scan3A_8 = arith.constant 0 : i32
    %scan3A_9 = arith.constant 640 : i32
    %scan3A_10 = arith.addi %scan3A_8, %scan3A_9 : i32
    %scan3A_11 = arith.constant 1 : i32
    %scan3A_12 = scf.for %scan3A_63 = %scan3A_8 to %scan3A_10 step %scan3A_11 iter_args(%scan3A_64 = %scan3A_7) -> (i32)  : i32 {
      %mul3A_65 = arith.constant 16 : i32
      %mul3A_66 = arith.muli %scan3A_63, %mul3A_65 : i32
      %swap3A = arith.index_cast %mul3A_66 : i32 to index
      %swap3A_67 = tpu.vector_load %arg15[%swap3A] {strides = array<i32>} : memref<10240xf32, #tpu.memory_space<vmem>>, vector<16xf32>,
      tpu.vector_store %arg15[%swap3A], %broadcast_in_dim3A_0 {strides = array<i32>} : memref<10240xf32, #tpu.memory_space<vmem>>, vector<16xf32>,
      %scan3A_68 = arith.constant 0 : i32
      scf.yield %scan3A_68 : i32
    }
    %scan3A_13 = arith.constant 640 : i32
    "tpu.region"() ({
      %run_scoped3A_63 = tpu.sem_alloc : memref<!tpu.dma_semaphore, #tpu.memory_space<semaphore_mem>>
      tpu.enqueue_dma source(%arg6 : memref<10000xf32, #tpu.memory_space<hbm>>) target(%arg16 : memref<10000xf32, #tpu.memory_space<vmem>>) target_semaphore(%run_scoped3A_63 : memref<!tpu.dma_semaphore, #tpu.memory_space<semaphore_mem>>)
      tpu.wait_dma2 semaphore(%run_scoped3A_63 : memref<!tpu.dma_semaphore, #tpu.memory_space<semaphore_mem>>) src(%arg6 : memref<10000xf32, #tpu.memory_space<hbm>>) dst(%arg16 : memref<10000xf32, #tpu.memory_space<vmem>>)
      tpu.yield
    }) : () -> ()
    %lt3A = arith.constant 10 : i32
    %lt3A_14 = arith.cmpi slt, %arg1, %lt3A : i32
    %convert_element_type3A = arith.extui %lt3A_14 : i1 to i32
    %cond3A = arith.constant 0 : i32
    %cond3A_15 = arith.cmpi ne, %convert_element_type3A, %cond3A : i32
    scf.if %cond3A_15 {
      %mul3A_63 = arith.constant 1000 : i32
      %mul3A_64 = arith.muli %arg1, %mul3A_63 : i32
      %add3A_65 = arith.constant 0 : i32
      %add3A_66 = arith.addi %mul3A_64, %add3A_65 : i32
      %dma_start3A = arith.constant 0 : i32
      %dma_start3A_67 = tpu.memref_slice %arg9[%add3A_66, %dma_start3A] : memref<10000x128xf32, #tpu.memory_space<vmem_shared>> -> memref<40x128xf32, #tpu.memory_space<vmem_shared>>
      %dma_start3A_68 = arith.constant 0 : i32
      %dma_start3A_69 = tpu.memref_slice %arg9[%add3A_66, %dma_start3A_68] : memref<10000x128xf32, #tpu.memory_space<vmem_shared>> -> memref<40x128xf32, #tpu.memory_space<vmem_shared>>
      tpu.enqueue_dma source(%arg14 : memref<40x128xf32, #tpu.memory_space<vmem>>) target(%dma_start3A_69 : memref<40x128xf32, #tpu.memory_space<vmem_shared>>) target_semaphore(%arg21 : memref<!tpu.dma_semaphore, #tpu.memory_space<semaphore_mem>>)
      %mul3A_70 = arith.constant 1000 : i32
      %mul3A_71 = arith.muli %arg1, %mul3A_70 : i32
      %add3A_72 = arith.constant 40 : i32
      %add3A_73 = arith.addi %mul3A_71, %add3A_72 : i32
      %dma_start3A_74 = arith.constant 0 : i32
      %dma_start3A_75 = tpu.memref_slice %arg9[%add3A_73, %dma_start3A_74] : memref<10000x128xf32, #tpu.memory_space<vmem_shared>> -> memref<40x128xf32, #tpu.memory_space<vmem_shared>>
      %dma_start3A_76 = arith.constant 0 : i32
      %dma_start3A_77 = tpu.memref_slice %arg9[%add3A_73, %dma_start3A_76] : memref<10000x128xf32, #tpu.memory_space<vmem_shared>> -> memref<40x128xf32, #tpu.memory_space<vmem_shared>>
      tpu.enqueue_dma source(%arg14 : memref<40x128xf32, #tpu.memory_space<vmem>>) target(%dma_start3A_77 : memref<40x128xf32, #tpu.memory_space<vmem_shared>>) target_semaphore(%arg21 : memref<!tpu.dma_semaphore, #tpu.memory_space<semaphore_mem>>)
      %mul3A_78 = arith.constant 1000 : i32
      %mul3A_79 = arith.muli %arg1, %mul3A_78 : i32
      %add3A_80 = arith.constant 80 : i32
      %add3A_81 = arith.addi %mul3A_79, %add3A_80 : i32
      %dma_start3A_82 = arith.constant 0 : i32
      %dma_start3A_83 = tpu.memref_slice %arg9[%add3A_81, %dma_start3A_82] : memref<10000x128xf32, #tpu.memory_space<vmem_shared>> -> memref<40x128xf32, #tpu.memory_space<vmem_shared>>
      %dma_start3A_84 = arith.constant 0 : i32
      %dma_start3A_85 = tpu.memref_slice %arg9[%add3A_81, %dma_start3A_84] : memref<10000x128xf32, #tpu.memory_space<vmem_shared>> -> memref<40x128xf32, #tpu.memory_space<vmem_shared>>
      tpu.enqueue_dma source(%arg14 : memref<40x128xf32, #tpu.memory_space<vmem>>) target(%dma_start3A_85 : memref<40x128xf32, #tpu.memory_space<vmem_shared>>) target_semaphore(%arg21 : memref<!tpu.dma_semaphore, #tpu.memory_space<semaphore_mem>>)
      %mul3A_86 = arith.constant 1000 : i32
      %mul3A_87 = arith.muli %arg1, %mul3A_86 : i32
      %add3A_88 = arith.constant 120 : i32
      %add3A_89 = arith.addi %mul3A_87, %add3A_88 : i32
      %dma_start3A_90 = arith.constant 0 : i32
      %dma_start3A_91 = tpu.memref_slice %arg9[%add3A_89, %dma_start3A_90] : memref<10000x128xf32, #tpu.memory_space<vmem_shared>> -> memref<40x128xf32, #tpu.memory_space<vmem_shared>>
      %dma_start3A_92 = arith.constant 0 : i32
      %dma_start3A_93 = tpu.memref_slice %arg9[%add3A_89, %dma_start3A_92] : memref<10000x128xf32, #tpu.memory_space<vmem_shared>> -> memref<40x128xf32, #tpu.memory_space<vmem_shared>>
      tpu.enqueue_dma source(%arg14 : memref<40x128xf32, #tpu.memory_space<vmem>>) target(%dma_start3A_93 : memref<40x128xf32, #tpu.memory_space<vmem_shared>>) target_semaphore(%arg21 : memref<!tpu.dma_semaphore, #tpu.memory_space<semaphore_mem>>)
      %mul3A_94 = arith.constant 1000 : i32
      %mul3A_95 = arith.muli %arg1, %mul3A_94 : i32
      %add3A_96 = arith.constant 160 : i32
      %add3A_97 = arith.addi %mul3A_95, %add3A_96 : i32
      %dma_start3A_98 = arith.constant 0 : i32
      %dma_start3A_99 = tpu.memref_slice %arg9[%add3A_97, %dma_start3A_98] : memref<10000x128xf32, #tpu.memory_space<vmem_shared>> -> memref<40x128xf32, #tpu.memory_space<vmem_shared>>
      %dma_start3A_100 = arith.constant 0 : i32
      %dma_start3A_101 = tpu.memref_slice %arg9[%add3A_97, %dma_start3A_100] : memref<10000x128xf32, #tpu.memory_space<vmem_shared>> -> memref<40x128xf32, #tpu.memory_space<vmem_shared>>
      tpu.enqueue_dma source(%arg14 : memref<40x128xf32, #tpu.memory_space<vmem>>) target(%dma_start3A_101 : memref<40x128xf32, #tpu.memory_space<vmem_shared>>) target_semaphore(%arg21 : memref<!tpu.dma_semaphore, #tpu.memory_space<semaphore_mem>>)
      %mul3A_102 = arith.constant 1000 : i32
      %mul3A_103 = arith.muli %arg1, %mul3A_102 : i32
      %add3A_104 = arith.constant 200 : i32
      %add3A_105 = arith.addi %mul3A_103, %add3A_104 : i32
      %dma_start3A_106 = arith.constant 0 : i32
      %dma_start3A_107 = tpu.memref_slice %arg9[%add3A_105, %dma_start3A_106] : memref<10000x128xf32, #tpu.memory_space<vmem_shared>> -> memref<40x128xf32, #tpu.memory_space<vmem_shared>>
      %dma_start3A_108 = arith.constant 0 : i32
      %dma_start3A_109 = tpu.memref_slice %arg9[%add3A_105, %dma_start3A_108] : memref<10000x128xf32, #tpu.memory_space<vmem_shared>> -> memref<40x128xf32, #tpu.memory_space<vmem_shared>>
      tpu.enqueue_dma source(%arg14 : memref<40x128xf32, #tpu.memory_space<vmem>>) target(%dma_start3A_109 : memref<40x128xf32, #tpu.memory_space<vmem_shared>>) target_semaphore(%arg21 : memref<!tpu.dma_semaphore, #tpu.memory_space<semaphore_mem>>)
      %mul3A_110 = arith.constant 1000 : i32
      %mul3A_111 = arith.muli %arg1, %mul3A_110 : i32
      %add3A_112 = arith.constant 240 : i32
      %add3A_113 = arith.addi %mul3A_111, %add3A_112 : i32
      %dma_start3A_114 = arith.constant 0 : i32
      %dma_start3A_115 = tpu.memref_slice %arg9[%add3A_113, %dma_start3A_114] : memref<10000x128xf32, #tpu.memory_space<vmem_shared>> -> memref<40x128xf32, #tpu.memory_space<vmem_shared>>
      %dma_start3A_116 = arith.constant 0 : i32
      %dma_start3A_117 = tpu.memref_slice %arg9[%add3A_113, %dma_start3A_116] : memref<10000x128xf32, #tpu.memory_space<vmem_shared>> -> memref<40x128xf32, #tpu.memory_space<vmem_shared>>
      tpu.enqueue_dma source(%arg14 : memref<40x128xf32, #tpu.memory_space<vmem>>) target(%dma_start3A_117 : memref<40x128xf32, #tpu.memory_space<vmem_shared>>) target_semaphore(%arg21 : memref<!tpu.dma_semaphore, #tpu.memory_space<semaphore_mem>>)
      %mul3A_118 = arith.constant 1000 : i32
      %mul3A_119 = arith.muli %arg1, %mul3A_118 : i32
      %add3A_120 = arith.constant 280 : i32
      %add3A_121 = arith.addi %mul3A_119, %add3A_120 : i32
      %dma_start3A_122 = arith.constant 0 : i32
      %dma_start3A_123 = tpu.memref_slice %arg9[%add3A_121, %dma_start3A_122] : memref<10000x128xf32, #tpu.memory_space<vmem_shared>> -> memref<40x128xf32, #tpu.memory_space<vmem_shared>>
      %dma_start3A_124 = arith.constant 0 : i32
      %dma_start3A_125 = tpu.memref_slice %arg9[%add3A_121, %dma_start3A_124] : memref<10000x128xf32, #tpu.memory_space<vmem_shared>> -> memref<40x128xf32, #tpu.memory_space<vmem_shared>>
      tpu.enqueue_dma source(%arg14 : memref<40x128xf32, #tpu.memory_space<vmem>>) target(%dma_start3A_125 : memref<40x128xf32, #tpu.memory_space<vmem_shared>>) target_semaphore(%arg21 : memref<!tpu.dma_semaphore, #tpu.memory_space<semaphore_mem>>)
      %mul3A_126 = arith.constant 1000 : i32
      %mul3A_127 = arith.muli %arg1, %mul3A_126 : i32
      %add3A_128 = arith.constant 320 : i32
      %add3A_129 = arith.addi %mul3A_127, %add3A_128 : i32
      %dma_start3A_130 = arith.constant 0 : i32
      %dma_start3A_131 = tpu.memref_slice %arg9[%add3A_129, %dma_start3A_130] : memref<10000x128xf32, #tpu.memory_space<vmem_shared>> -> memref<40x128xf32, #tpu.memory_space<vmem_shared>>
      %dma_start3A_132 = arith.constant 0 : i32
      %dma_start3A_133 = tpu.memref_slice %arg9[%add3A_129, %dma_start3A_132] : memref<10000x128xf32, #tpu.memory_space<vmem_shared>> -> memref<40x128xf32, #tpu.memory_space<vmem_shared>>
      tpu.enqueue_dma source(%arg14 : memref<40x128xf32, #tpu.memory_space<vmem>>) target(%dma_start3A_133 : memref<40x128xf32, #tpu.memory_space<vmem_shared>>) target_semaphore(%arg21 : memref<!tpu.dma_semaphore, #tpu.memory_space<semaphore_mem>>)
      %mul3A_134 = arith.constant 1000 : i32
      %mul3A_135 = arith.muli %arg1, %mul3A_134 : i32
      %add3A_136 = arith.constant 360 : i32
      %add3A_137 = arith.addi %mul3A_135, %add3A_136 : i32
      %dma_start3A_138 = arith.constant 0 : i32
      %dma_start3A_139 = tpu.memref_slice %arg9[%add3A_137, %dma_start3A_138] : memref<10000x128xf32, #tpu.memory_space<vmem_shared>> -> memref<40x128xf32, #tpu.memory_space<vmem_shared>>
      %dma_start3A_140 = arith.constant 0 : i32
      %dma_start3A_141 = tpu.memref_slice %arg9[%add3A_137, %dma_start3A_140] : memref<10000x128xf32, #tpu.memory_space<vmem_shared>> -> memref<40x128xf32, #tpu.memory_space<vmem_shared>>
      tpu.enqueue_dma source(%arg14 : memref<40x128xf32, #tpu.memory_space<vmem>>) target(%dma_start3A_141 : memref<40x128xf32, #tpu.memory_space<vmem_shared>>) target_semaphore(%arg21 : memref<!tpu.dma_semaphore, #tpu.memory_space<semaphore_mem>>)
      %mul3A_142 = arith.constant 1000 : i32
      %mul3A_143 = arith.muli %arg1, %mul3A_142 : i32
      %add3A_144 = arith.constant 400 : i32
      %add3A_145 = arith.addi %mul3A_143, %add3A_144 : i32
      %dma_start3A_146 = arith.constant 0 : i32
      %dma_start3A_147 = tpu.memref_slice %arg9[%add3A_145, %dma_start3A_146] : memref<10000x128xf32, #tpu.memory_space<vmem_shared>> -> memref<40x128xf32, #tpu.memory_space<vmem_shared>>
      %dma_start3A_148 = arith.constant 0 : i32
      %dma_start3A_149 = tpu.memref_slice %arg9[%add3A_145, %dma_start3A_148] : memref<10000x128xf32, #tpu.memory_space<vmem_shared>> -> memref<40x128xf32, #tpu.memory_space<vmem_shared>>
      tpu.enqueue_dma source(%arg14 : memref<40x128xf32, #tpu.memory_space<vmem>>) target(%dma_start3A_149 : memref<40x128xf32, #tpu.memory_space<vmem_shared>>) target_semaphore(%arg21 : memref<!tpu.dma_semaphore, #tpu.memory_space<semaphore_mem>>)
      %mul3A_150 = arith.constant 1000 : i32
      %mul3A_151 = arith.muli %arg1, %mul3A_150 : i32
      %add3A_152 = arith.constant 440 : i32
      %add3A_153 = arith.addi %mul3A_151, %add3A_152 : i32
      %dma_start3A_154 = arith.constant 0 : i32
      %dma_start3A_155 = tpu.memref_slice %arg9[%add3A_153, %dma_start3A_154] : memref<10000x128xf32, #tpu.memory_space<vmem_shared>> -> memref<40x128xf32, #tpu.memory_space<vmem_shared>>
      %dma_start3A_156 = arith.constant 0 : i32
      %dma_start3A_157 = tpu.memref_slice %arg9[%add3A_153, %dma_start3A_156] : memref<10000x128xf32, #tpu.memory_space<vmem_shared>> -> memref<40x128xf32, #tpu.memory_space<vmem_shared>>
      tpu.enqueue_dma source(%arg14 : memref<40x128xf32, #tpu.memory_space<vmem>>) target(%dma_start3A_157 : memref<40x128xf32, #tpu.memory_space<vmem_shared>>) target_semaphore(%arg21 : memref<!tpu.dma_semaphore, #tpu.memory_space<semaphore_mem>>)
      %mul3A_158 = arith.constant 1000 : i32
      %mul3A_159 = arith.muli %arg1, %mul3A_158 : i32
      %add3A_160 = arith.constant 480 : i32
      %add3A_161 = arith.addi %mul3A_159, %add3A_160 : i32
      %dma_start3A_162 = arith.constant 0 : i32
      %dma_start3A_163 = tpu.memref_slice %arg9[%add3A_161, %dma_start3A_162] : memref<10000x128xf32, #tpu.memory_space<vmem_shared>> -> memref<40x128xf32, #tpu.memory_space<vmem_shared>>
      %dma_start3A_164 = arith.constant 0 : i32
      %dma_start3A_165 = tpu.memref_slice %arg9[%add3A_161, %dma_start3A_164] : memref<10000x128xf32, #tpu.memory_space<vmem_shared>> -> memref<40x128xf32, #tpu.memory_space<vmem_shared>>
      tpu.enqueue_dma source(%arg14 : memref<40x128xf32, #tpu.memory_space<vmem>>) target(%dma_start3A_165 : memref<40x128xf32, #tpu.memory_space<vmem_shared>>) target_semaphore(%arg21 : memref<!tpu.dma_semaphore, #tpu.memory_space<semaphore_mem>>)
      %mul3A_166 = arith.constant 1000 : i32
      %mul3A_167 = arith.muli %arg1, %mul3A_166 : i32
      %add3A_168 = arith.constant 520 : i32
      %add3A_169 = arith.addi %mul3A_167, %add3A_168 : i32
      %dma_start3A_170 = arith.constant 0 : i32
      %dma_start3A_171 = tpu.memref_slice %arg9[%add3A_169, %dma_start3A_170] : memref<10000x128xf32, #tpu.memory_space<vmem_shared>> -> memref<40x128xf32, #tpu.memory_space<vmem_shared>>
      %dma_start3A_172 = arith.constant 0 : i32
      %dma_start3A_173 = tpu.memref_slice %arg9[%add3A_169, %dma_start3A_172] : memref<10000x128xf32, #tpu.memory_space<vmem_shared>> -> memref<40x128xf32, #tpu.memory_space<vmem_shared>>
      tpu.enqueue_dma source(%arg14 : memref<40x128xf32, #tpu.memory_space<vmem>>) target(%dma_start3A_173 : memref<40x128xf32, #tpu.memory_space<vmem_shared>>) target_semaphore(%arg21 : memref<!tpu.dma_semaphore, #tpu.memory_space<semaphore_mem>>)
      %mul3A_174 = arith.constant 1000 : i32
      %mul3A_175 = arith.muli %arg1, %mul3A_174 : i32
      %add3A_176 = arith.constant 560 : i32
      %add3A_177 = arith.addi %mul3A_175, %add3A_176 : i32
      %dma_start3A_178 = arith.constant 0 : i32
      %dma_start3A_179 = tpu.memref_slice %arg9[%add3A_177, %dma_start3A_178] : memref<10000x128xf32, #tpu.memory_space<vmem_shared>> -> memref<40x128xf32, #tpu.memory_space<vmem_shared>>
      %dma_start3A_180 = arith.constant 0 : i32
      %dma_start3A_181 = tpu.memref_slice %arg9[%add3A_177, %dma_start3A_180] : memref<10000x128xf32, #tpu.memory_space<vmem_shared>> -> memref<40x128xf32, #tpu.memory_space<vmem_shared>>
      tpu.enqueue_dma source(%arg14 : memref<40x128xf32, #tpu.memory_space<vmem>>) target(%dma_start3A_181 : memref<40x128xf32, #tpu.memory_space<vmem_shared>>) target_semaphore(%arg21 : memref<!tpu.dma_semaphore, #tpu.memory_space<semaphore_mem>>)
      %mul3A_182 = arith.constant 1000 : i32
      %mul3A_183 = arith.muli %arg1, %mul3A_182 : i32
      %add3A_184 = arith.constant 600 : i32
      %add3A_185 = arith.addi %mul3A_183, %add3A_184 : i32
      %dma_start3A_186 = arith.constant 0 : i32
      %dma_start3A_187 = tpu.memref_slice %arg9[%add3A_185, %dma_start3A_186] : memref<10000x128xf32, #tpu.memory_space<vmem_shared>> -> memref<40x128xf32, #tpu.memory_space<vmem_shared>>
      %dma_start3A_188 = arith.constant 0 : i32
      %dma_start3A_189 = tpu.memref_slice %arg9[%add3A_185, %dma_start3A_188] : memref<10000x128xf32, #tpu.memory_space<vmem_shared>> -> memref<40x128xf32, #tpu.memory_space<vmem_shared>>
      tpu.enqueue_dma source(%arg14 : memref<40x128xf32, #tpu.memory_space<vmem>>) target(%dma_start3A_189 : memref<40x128xf32, #tpu.memory_space<vmem_shared>>) target_semaphore(%arg21 : memref<!tpu.dma_semaphore, #tpu.memory_space<semaphore_mem>>)
      %mul3A_190 = arith.constant 1000 : i32
      %mul3A_191 = arith.muli %arg1, %mul3A_190 : i32
      %add3A_192 = arith.constant 640 : i32
      %add3A_193 = arith.addi %mul3A_191, %add3A_192 : i32
      %dma_start3A_194 = arith.constant 0 : i32
      %dma_start3A_195 = tpu.memref_slice %arg9[%add3A_193, %dma_start3A_194] : memref<10000x128xf32, #tpu.memory_space<vmem_shared>> -> memref<40x128xf32, #tpu.memory_space<vmem_shared>>
      %dma_start3A_196 = arith.constant 0 : i32
      %dma_start3A_197 = tpu.memref_slice %arg9[%add3A_193, %dma_start3A_196] : memref<10000x128xf32, #tpu.memory_space<vmem_shared>> -> memref<40x128xf32, #tpu.memory_space<vmem_shared>>
      tpu.enqueue_dma source(%arg14 : memref<40x128xf32, #tpu.memory_space<vmem>>) target(%dma_start3A_197 : memref<40x128xf32, #tpu.memory_space<vmem_shared>>) target_semaphore(%arg21 : memref<!tpu.dma_semaphore, #tpu.memory_space<semaphore_mem>>)
      %mul3A_198 = arith.constant 1000 : i32
      %mul3A_199 = arith.muli %arg1, %mul3A_198 : i32
      %add3A_200 = arith.constant 680 : i32
      %add3A_201 = arith.addi %mul3A_199, %add3A_200 : i32
      %dma_start3A_202 = arith.constant 0 : i32
      %dma_start3A_203 = tpu.memref_slice %arg9[%add3A_201, %dma_start3A_202] : memref<10000x128xf32, #tpu.memory_space<vmem_shared>> -> memref<40x128xf32, #tpu.memory_space<vmem_shared>>
      %dma_start3A_204 = arith.constant 0 : i32
      %dma_start3A_205 = tpu.memref_slice %arg9[%add3A_201, %dma_start3A_204] : memref<10000x128xf32, #tpu.memory_space<vmem_shared>> -> memref<40x128xf32, #tpu.memory_space<vmem_shared>>
      tpu.enqueue_dma source(%arg14 : memref<40x128xf32, #tpu.memory_space<vmem>>) target(%dma_start3A_205 : memref<40x128xf32, #tpu.memory_space<vmem_shared>>) target_semaphore(%arg21 : memref<!tpu.dma_semaphore, #tpu.memory_space<semaphore_mem>>)
      %mul3A_206 = arith.constant 1000 : i32
      %mul3A_207 = arith.muli %arg1, %mul3A_206 : i32
      %add3A_208 = arith.constant 720 : i32
      %add3A_209 = arith.addi %mul3A_207, %add3A_208 : i32
      %dma_start3A_210 = arith.constant 0 : i32
      %dma_start3A_211 = tpu.memref_slice %arg9[%add3A_209, %dma_start3A_210] : memref<10000x128xf32, #tpu.memory_space<vmem_shared>> -> memref<40x128xf32, #tpu.memory_space<vmem_shared>>
      %dma_start3A_212 = arith.constant 0 : i32
      %dma_start3A_213 = tpu.memref_slice %arg9[%add3A_209, %dma_start3A_212] : memref<10000x128xf32, #tpu.memory_space<vmem_shared>> -> memref<40x128xf32, #tpu.memory_space<vmem_shared>>
      tpu.enqueue_dma source(%arg14 : memref<40x128xf32, #tpu.memory_space<vmem>>) target(%dma_start3A_213 : memref<40x128xf32, #tpu.memory_space<vmem_shared>>) target_semaphore(%arg21 : memref<!tpu.dma_semaphore, #tpu.memory_space<semaphore_mem>>)
      %mul3A_214 = arith.constant 1000 : i32
      %mul3A_215 = arith.muli %arg1, %mul3A_214 : i32
      %add3A_216 = arith.constant 760 : i32
      %add3A_217 = arith.addi %mul3A_215, %add3A_216 : i32
      %dma_start3A_218 = arith.constant 0 : i32
      %dma_start3A_219 = tpu.memref_slice %arg9[%add3A_217, %dma_start3A_218] : memref<10000x128xf32, #tpu.memory_space<vmem_shared>> -> memref<40x128xf32, #tpu.memory_space<vmem_shared>>
      %dma_start3A_220 = arith.constant 0 : i32
      %dma_start3A_221 = tpu.memref_slice %arg9[%add3A_217, %dma_start3A_220] : memref<10000x128xf32, #tpu.memory_space<vmem_shared>> -> memref<40x128xf32, #tpu.memory_space<vmem_shared>>
      tpu.enqueue_dma source(%arg14 : memref<40x128xf32, #tpu.memory_space<vmem>>) target(%dma_start3A_221 : memref<40x128xf32, #tpu.memory_space<vmem_shared>>) target_semaphore(%arg21 : memref<!tpu.dma_semaphore, #tpu.memory_space<semaphore_mem>>)
      %mul3A_222 = arith.constant 1000 : i32
      %mul3A_223 = arith.muli %arg1, %mul3A_222 : i32
      %add3A_224 = arith.constant 800 : i32
      %add3A_225 = arith.addi %mul3A_223, %add3A_224 : i32
      %dma_start3A_226 = arith.constant 0 : i32
      %dma_start3A_227 = tpu.memref_slice %arg9[%add3A_225, %dma_start3A_226] : memref<10000x128xf32, #tpu.memory_space<vmem_shared>> -> memref<40x128xf32, #tpu.memory_space<vmem_shared>>
      %dma_start3A_228 = arith.constant 0 : i32
      %dma_start3A_229 = tpu.memref_slice %arg9[%add3A_225, %dma_start3A_228] : memref<10000x128xf32, #tpu.memory_space<vmem_shared>> -> memref<40x128xf32, #tpu.memory_space<vmem_shared>>
      tpu.enqueue_dma source(%arg14 : memref<40x128xf32, #tpu.memory_space<vmem>>) target(%dma_start3A_229 : memref<40x128xf32, #tpu.memory_space<vmem_shared>>) target_semaphore(%arg21 : memref<!tpu.dma_semaphore, #tpu.memory_space<semaphore_mem>>)
      %mul3A_230 = arith.constant 1000 : i32
      %mul3A_231 = arith.muli %arg1, %mul3A_230 : i32
      %add3A_232 = arith.constant 840 : i32
      %add3A_233 = arith.addi %mul3A_231, %add3A_232 : i32
      %dma_start3A_234 = arith.constant 0 : i32
      %dma_start3A_235 = tpu.memref_slice %arg9[%add3A_233, %dma_start3A_234] : memref<10000x128xf32, #tpu.memory_space<vmem_shared>> -> memref<40x128xf32, #tpu.memory_space<vmem_shared>>
      %dma_start3A_236 = arith.constant 0 : i32
      %dma_start3A_237 = tpu.memref_slice %arg9[%add3A_233, %dma_start3A_236] : memref<10000x128xf32, #tpu.memory_space<vmem_shared>> -> memref<40x128xf32, #tpu.memory_space<vmem_shared>>
      tpu.enqueue_dma source(%arg14 : memref<40x128xf32, #tpu.memory_space<vmem>>) target(%dma_start3A_237 : memref<40x128xf32, #tpu.memory_space<vmem_shared>>) target_semaphore(%arg21 : memref<!tpu.dma_semaphore, #tpu.memory_space<semaphore_mem>>)
      %mul3A_238 = arith.constant 1000 : i32
      %mul3A_239 = arith.muli %arg1, %mul3A_238 : i32
      %add3A_240 = arith.constant 880 : i32
      %add3A_241 = arith.addi %mul3A_239, %add3A_240 : i32
      %dma_start3A_242 = arith.constant 0 : i32
      %dma_start3A_243 = tpu.memref_slice %arg9[%add3A_241, %dma_start3A_242] : memref<10000x128xf32, #tpu.memory_space<vmem_shared>> -> memref<40x128xf32, #tpu.memory_space<vmem_shared>>
      %dma_start3A_244 = arith.constant 0 : i32
      %dma_start3A_245 = tpu.memref_slice %arg9[%add3A_241, %dma_start3A_244] : memref<10000x128xf32, #tpu.memory_space<vmem_shared>> -> memref<40x128xf32, #tpu.memory_space<vmem_shared>>
      tpu.enqueue_dma source(%arg14 : memref<40x128xf32, #tpu.memory_space<vmem>>) target(%dma_start3A_245 : memref<40x128xf32, #tpu.memory_space<vmem_shared>>) target_semaphore(%arg21 : memref<!tpu.dma_semaphore, #tpu.memory_space<semaphore_mem>>)
      %mul3A_246 = arith.constant 1000 : i32
      %mul3A_247 = arith.muli %arg1, %mul3A_246 : i32
      %add3A_248 = arith.constant 920 : i32
      %add3A_249 = arith.addi %mul3A_247, %add3A_248 : i32
      %dma_start3A_250 = arith.constant 0 : i32
      %dma_start3A_251 = tpu.memref_slice %arg9[%add3A_249, %dma_start3A_250] : memref<10000x128xf32, #tpu.memory_space<vmem_shared>> -> memref<40x128xf32, #tpu.memory_space<vmem_shared>>
      %dma_start3A_252 = arith.constant 0 : i32
      %dma_start3A_253 = tpu.memref_slice %arg9[%add3A_249, %dma_start3A_252] : memref<10000x128xf32, #tpu.memory_space<vmem_shared>> -> memref<40x128xf32, #tpu.memory_space<vmem_shared>>
      tpu.enqueue_dma source(%arg14 : memref<40x128xf32, #tpu.memory_space<vmem>>) target(%dma_start3A_253 : memref<40x128xf32, #tpu.memory_space<vmem_shared>>) target_semaphore(%arg21 : memref<!tpu.dma_semaphore, #tpu.memory_space<semaphore_mem>>)
      %mul3A_254 = arith.constant 1000 : i32
      %mul3A_255 = arith.muli %arg1, %mul3A_254 : i32
      %add3A_256 = arith.constant 960 : i32
      %add3A_257 = arith.addi %mul3A_255, %add3A_256 : i32
      %dma_start3A_258 = arith.constant 0 : i32
      %dma_start3A_259 = tpu.memref_slice %arg9[%add3A_257, %dma_start3A_258] : memref<10000x128xf32, #tpu.memory_space<vmem_shared>> -> memref<40x128xf32, #tpu.memory_space<vmem_shared>>
      %dma_start3A_260 = arith.constant 0 : i32
      %dma_start3A_261 = tpu.memref_slice %arg9[%add3A_257, %dma_start3A_260] : memref<10000x128xf32, #tpu.memory_space<vmem_shared>> -> memref<40x128xf32, #tpu.memory_space<vmem_shared>>
      tpu.enqueue_dma source(%arg14 : memref<40x128xf32, #tpu.memory_space<vmem>>) target(%dma_start3A_261 : memref<40x128xf32, #tpu.memory_space<vmem_shared>>) target_semaphore(%arg21 : memref<!tpu.dma_semaphore, #tpu.memory_space<semaphore_mem>>)
      %mul3A_262 = arith.constant 1000 : i32
      %mul3A_263 = arith.muli %arg1, %mul3A_262 : i32
      %add3A_264 = arith.constant 0 : i32
      %add3A_265 = arith.addi %mul3A_263, %add3A_264 : i32
      %dma_wait3A = arith.constant 0 : i32
      %dma_wait3A_266 = tpu.memref_slice %arg9[%add3A_265, %dma_wait3A] : memref<10000x128xf32, #tpu.memory_space<vmem_shared>> -> memref<40x128xf32, #tpu.memory_space<vmem_shared>>
      %dma_wait3A_267 = arith.constant 0 : i32
      %dma_wait3A_268 = tpu.memref_slice %arg9[%add3A_265, %dma_wait3A_267] : memref<10000x128xf32, #tpu.memory_space<vmem_shared>> -> memref<40x128xf32, #tpu.memory_space<vmem_shared>>
      tpu.wait_dma2 semaphore(%arg21 : memref<!tpu.dma_semaphore, #tpu.memory_space<semaphore_mem>>) src(%arg14 : memref<40x128xf32, #tpu.memory_space<vmem>>) dst(%dma_wait3A_268 : memref<40x128xf32, #tpu.memory_space<vmem_shared>>)
      %mul3A_269 = arith.constant 1000 : i32
      %mul3A_270 = arith.muli %arg1, %mul3A_269 : i32
      %add3A_271 = arith.constant 40 : i32
      %add3A_272 = arith.addi %mul3A_270, %add3A_271 : i32
      %dma_wait3A_273 = arith.constant 0 : i32
      %dma_wait3A_274 = tpu.memref_slice %arg9[%add3A_272, %dma_wait3A_273] : memref<10000x128xf32, #tpu.memory_space<vmem_shared>> -> memref<40x128xf32, #tpu.memory_space<vmem_shared>>
      %dma_wait3A_275 = arith.constant 0 : i32
      %dma_wait3A_276 = tpu.memref_slice %arg9[%add3A_272, %dma_wait3A_275] : memref<10000x128xf32, #tpu.memory_space<vmem_shared>> -> memref<40x128xf32, #tpu.memory_space<vmem_shared>>
      tpu.wait_dma2 semaphore(%arg21 : memref<!tpu.dma_semaphore, #tpu.memory_space<semaphore_mem>>) src(%arg14 : memref<40x128xf32, #tpu.memory_space<vmem>>) dst(%dma_wait3A_276 : memref<40x128xf32, #tpu.memory_space<vmem_shared>>)
      %mul3A_277 = arith.constant 1000 : i32
      %mul3A_278 = arith.muli %arg1, %mul3A_277 : i32
      %add3A_279 = arith.constant 80 : i32
      %add3A_280 = arith.addi %mul3A_278, %add3A_279 : i32
      %dma_wait3A_281 = arith.constant 0 : i32
      %dma_wait3A_282 = tpu.memref_slice %arg9[%add3A_280, %dma_wait3A_281] : memref<10000x128xf32, #tpu.memory_space<vmem_shared>> -> memref<40x128xf32, #tpu.memory_space<vmem_shared>>
      %dma_wait3A_283 = arith.constant 0 : i32
      %dma_wait3A_284 = tpu.memref_slice %arg9[%add3A_280, %dma_wait3A_283] : memref<10000x128xf32, #tpu.memory_space<vmem_shared>> -> memref<40x128xf32, #tpu.memory_space<vmem_shared>>
      tpu.wait_dma2 semaphore(%arg21 : memref<!tpu.dma_semaphore, #tpu.memory_space<semaphore_mem>>) src(%arg14 : memref<40x128xf32, #tpu.memory_space<vmem>>) dst(%dma_wait3A_284 : memref<40x128xf32, #tpu.memory_space<vmem_shared>>)
      %mul3A_285 = arith.constant 1000 : i32
      %mul3A_286 = arith.muli %arg1, %mul3A_285 : i32
      %add3A_287 = arith.constant 120 : i32
      %add3A_288 = arith.addi %mul3A_286, %add3A_287 : i32
      %dma_wait3A_289 = arith.constant 0 : i32
      %dma_wait3A_290 = tpu.memref_slice %arg9[%add3A_288, %dma_wait3A_289] : memref<10000x128xf32, #tpu.memory_space<vmem_shared>> -> memref<40x128xf32, #tpu.memory_space<vmem_shared>>
      %dma_wait3A_291 = arith.constant 0 : i32
      %dma_wait3A_292 = tpu.memref_slice %arg9[%add3A_288, %dma_wait3A_291] : memref<10000x128xf32, #tpu.memory_space<vmem_shared>> -> memref<40x128xf32, #tpu.memory_space<vmem_shared>>
      tpu.wait_dma2 semaphore(%arg21 : memref<!tpu.dma_semaphore, #tpu.memory_space<semaphore_mem>>) src(%arg14 : memref<40x128xf32, #tpu.memory_space<vmem>>) dst(%dma_wait3A_292 : memref<40x128xf32, #tpu.memory_space<vmem_shared>>)
      %mul3A_293 = arith.constant 1000 : i32
      %mul3A_294 = arith.muli %arg1, %mul3A_293 : i32
      %add3A_295 = arith.constant 160 : i32
      %add3A_296 = arith.addi %mul3A_294, %add3A_295 : i32
      %dma_wait3A_297 = arith.constant 0 : i32
      %dma_wait3A_298 = tpu.memref_slice %arg9[%add3A_296, %dma_wait3A_297] : memref<10000x128xf32, #tpu.memory_space<vmem_shared>> -> memref<40x128xf32, #tpu.memory_space<vmem_shared>>
      %dma_wait3A_299 = arith.constant 0 : i32
      %dma_wait3A_300 = tpu.memref_slice %arg9[%add3A_296, %dma_wait3A_299] : memref<10000x128xf32, #tpu.memory_space<vmem_shared>> -> memref<40x128xf32, #tpu.memory_space<vmem_shared>>
      tpu.wait_dma2 semaphore(%arg21 : memref<!tpu.dma_semaphore, #tpu.memory_space<semaphore_mem>>) src(%arg14 : memref<40x128xf32, #tpu.memory_space<vmem>>) dst(%dma_wait3A_300 : memref<40x128xf32, #tpu.memory_space<vmem_shared>>)
      %mul3A_301 = arith.constant 1000 : i32
      %mul3A_302 = arith.muli %arg1, %mul3A_301 : i32
      %add3A_303 = arith.constant 200 : i32
      %add3A_304 = arith.addi %mul3A_302, %add3A_303 : i32
      %dma_wait3A_305 = arith.constant 0 : i32
      %dma_wait3A_306 = tpu.memref_slice %arg9[%add3A_304, %dma_wait3A_305] : memref<10000x128xf32, #tpu.memory_space<vmem_shared>> -> memref<40x128xf32, #tpu.memory_space<vmem_shared>>
      %dma_wait3A_307 = arith.constant 0 : i32
      %dma_wait3A_308 = tpu.memref_slice %arg9[%add3A_304, %dma_wait3A_307] : memref<10000x128xf32, #tpu.memory_space<vmem_shared>> -> memref<40x128xf32, #tpu.memory_space<vmem_shared>>
      tpu.wait_dma2 semaphore(%arg21 : memref<!tpu.dma_semaphore, #tpu.memory_space<semaphore_mem>>) src(%arg14 : memref<40x128xf32, #tpu.memory_space<vmem>>) dst(%dma_wait3A_308 : memref<40x128xf32, #tpu.memory_space<vmem_shared>>)
      %mul3A_309 = arith.constant 1000 : i32
      %mul3A_310 = arith.muli %arg1, %mul3A_309 : i32
      %add3A_311 = arith.constant 240 : i32
      %add3A_312 = arith.addi %mul3A_310, %add3A_311 : i32
      %dma_wait3A_313 = arith.constant 0 : i32
      %dma_wait3A_314 = tpu.memref_slice %arg9[%add3A_312, %dma_wait3A_313] : memref<10000x128xf32, #tpu.memory_space<vmem_shared>> -> memref<40x128xf32, #tpu.memory_space<vmem_shared>>
      %dma_wait3A_315 = arith.constant 0 : i32
      %dma_wait3A_316 = tpu.memref_slice %arg9[%add3A_312, %dma_wait3A_315] : memref<10000x128xf32, #tpu.memory_space<vmem_shared>> -> memref<40x128xf32, #tpu.memory_space<vmem_shared>>
      tpu.wait_dma2 semaphore(%arg21 : memref<!tpu.dma_semaphore, #tpu.memory_space<semaphore_mem>>) src(%arg14 : memref<40x128xf32, #tpu.memory_space<vmem>>) dst(%dma_wait3A_316 : memref<40x128xf32, #tpu.memory_space<vmem_shared>>)
      %mul3A_317 = arith.constant 1000 : i32
      %mul3A_318 = arith.muli %arg1, %mul3A_317 : i32
      %add3A_319 = arith.constant 280 : i32
      %add3A_320 = arith.addi %mul3A_318, %add3A_319 : i32
      %dma_wait3A_321 = arith.constant 0 : i32
      %dma_wait3A_322 = tpu.memref_slice %arg9[%add3A_320, %dma_wait3A_321] : memref<10000x128xf32, #tpu.memory_space<vmem_shared>> -> memref<40x128xf32, #tpu.memory_space<vmem_shared>>
      %dma_wait3A_323 = arith.constant 0 : i32
      %dma_wait3A_324 = tpu.memref_slice %arg9[%add3A_320, %dma_wait3A_323] : memref<10000x128xf32, #tpu.memory_space<vmem_shared>> -> memref<40x128xf32, #tpu.memory_space<vmem_shared>>
      tpu.wait_dma2 semaphore(%arg21 : memref<!tpu.dma_semaphore, #tpu.memory_space<semaphore_mem>>) src(%arg14 : memref<40x128xf32, #tpu.memory_space<vmem>>) dst(%dma_wait3A_324 : memref<40x128xf32, #tpu.memory_space<vmem_shared>>)
      %mul3A_325 = arith.constant 1000 : i32
      %mul3A_326 = arith.muli %arg1, %mul3A_325 : i32
      %add3A_327 = arith.constant 320 : i32
      %add3A_328 = arith.addi %mul3A_326, %add3A_327 : i32
      %dma_wait3A_329 = arith.constant 0 : i32
      %dma_wait3A_330 = tpu.memref_slice %arg9[%add3A_328, %dma_wait3A_329] : memref<10000x128xf32, #tpu.memory_space<vmem_shared>> -> memref<40x128xf32, #tpu.memory_space<vmem_shared>>
      %dma_wait3A_331 = arith.constant 0 : i32
      %dma_wait3A_332 = tpu.memref_slice %arg9[%add3A_328, %dma_wait3A_331] : memref<10000x128xf32, #tpu.memory_space<vmem_shared>> -> memref<40x128xf32, #tpu.memory_space<vmem_shared>>
      tpu.wait_dma2 semaphore(%arg21 : memref<!tpu.dma_semaphore, #tpu.memory_space<semaphore_mem>>) src(%arg14 : memref<40x128xf32, #tpu.memory_space<vmem>>) dst(%dma_wait3A_332 : memref<40x128xf32, #tpu.memory_space<vmem_shared>>)
      %mul3A_333 = arith.constant 1000 : i32
      %mul3A_334 = arith.muli %arg1, %mul3A_333 : i32
      %add3A_335 = arith.constant 360 : i32
      %add3A_336 = arith.addi %mul3A_334, %add3A_335 : i32
      %dma_wait3A_337 = arith.constant 0 : i32
      %dma_wait3A_338 = tpu.memref_slice %arg9[%add3A_336, %dma_wait3A_337] : memref<10000x128xf32, #tpu.memory_space<vmem_shared>> -> memref<40x128xf32, #tpu.memory_space<vmem_shared>>
      %dma_wait3A_339 = arith.constant 0 : i32
      %dma_wait3A_340 = tpu.memref_slice %arg9[%add3A_336, %dma_wait3A_339] : memref<10000x128xf32, #tpu.memory_space<vmem_shared>> -> memref<40x128xf32, #tpu.memory_space<vmem_shared>>
      tpu.wait_dma2 semaphore(%arg21 : memref<!tpu.dma_semaphore, #tpu.memory_space<semaphore_mem>>) src(%arg14 : memref<40x128xf32, #tpu.memory_space<vmem>>) dst(%dma_wait3A_340 : memref<40x128xf32, #tpu.memory_space<vmem_shared>>)
      %mul3A_341 = arith.constant 1000 : i32
      %mul3A_342 = arith.muli %arg1, %mul3A_341 : i32
      %add3A_343 = arith.constant 400 : i32
      %add3A_344 = arith.addi %mul3A_342, %add3A_343 : i32
      %dma_wait3A_345 = arith.constant 0 : i32
      %dma_wait3A_346 = tpu.memref_slice %arg9[%add3A_344, %dma_wait3A_345] : memref<10000x128xf32, #tpu.memory_space<vmem_shared>> -> memref<40x128xf32, #tpu.memory_space<vmem_shared>>
      %dma_wait3A_347 = arith.constant 0 : i32
      %dma_wait3A_348 = tpu.memref_slice %arg9[%add3A_344, %dma_wait3A_347] : memref<10000x128xf32, #tpu.memory_space<vmem_shared>> -> memref<40x128xf32, #tpu.memory_space<vmem_shared>>
      tpu.wait_dma2 semaphore(%arg21 : memref<!tpu.dma_semaphore, #tpu.memory_space<semaphore_mem>>) src(%arg14 : memref<40x128xf32, #tpu.memory_space<vmem>>) dst(%dma_wait3A_348 : memref<40x128xf32, #tpu.memory_space<vmem_shared>>)
      %mul3A_349 = arith.constant 1000 : i32
      %mul3A_350 = arith.muli %arg1, %mul3A_349 : i32
      %add3A_351 = arith.constant 440 : i32
      %add3A_352 = arith.addi %mul3A_350, %add3A_351 : i32
      %dma_wait3A_353 = arith.constant 0 : i32
      %dma_wait3A_354 = tpu.memref_slice %arg9[%add3A_352, %dma_wait3A_353] : memref<10000x128xf32, #tpu.memory_space<vmem_shared>> -> memref<40x128xf32, #tpu.memory_space<vmem_shared>>
      %dma_wait3A_355 = arith.constant 0 : i32
      %dma_wait3A_356 = tpu.memref_slice %arg9[%add3A_352, %dma_wait3A_355] : memref<10000x128xf32, #tpu.memory_space<vmem_shared>> -> memref<40x128xf32, #tpu.memory_space<vmem_shared>>
      tpu.wait_dma2 semaphore(%arg21 : memref<!tpu.dma_semaphore, #tpu.memory_space<semaphore_mem>>) src(%arg14 : memref<40x128xf32, #tpu.memory_space<vmem>>) dst(%dma_wait3A_356 : memref<40x128xf32, #tpu.memory_space<vmem_shared>>)
      %mul3A_357 = arith.constant 1000 : i32
      %mul3A_358 = arith.muli %arg1, %mul3A_357 : i32
      %add3A_359 = arith.constant 480 : i32
      %add3A_360 = arith.addi %mul3A_358, %add3A_359 : i32
      %dma_wait3A_361 = arith.constant 0 : i32
      %dma_wait3A_362 = tpu.memref_slice %arg9[%add3A_360, %dma_wait3A_361] : memref<10000x128xf32, #tpu.memory_space<vmem_shared>> -> memref<40x128xf32, #tpu.memory_space<vmem_shared>>
      %dma_wait3A_363 = arith.constant 0 : i32
      %dma_wait3A_364 = tpu.memref_slice %arg9[%add3A_360, %dma_wait3A_363] : memref<10000x128xf32, #tpu.memory_space<vmem_shared>> -> memref<40x128xf32, #tpu.memory_space<vmem_shared>>
      tpu.wait_dma2 semaphore(%arg21 : memref<!tpu.dma_semaphore, #tpu.memory_space<semaphore_mem>>) src(%arg14 : memref<40x128xf32, #tpu.memory_space<vmem>>) dst(%dma_wait3A_364 : memref<40x128xf32, #tpu.memory_space<vmem_shared>>)
      %mul3A_365 = arith.constant 1000 : i32
      %mul3A_366 = arith.muli %arg1, %mul3A_365 : i32
      %add3A_367 = arith.constant 520 : i32
      %add3A_368 = arith.addi %mul3A_366, %add3A_367 : i32
      %dma_wait3A_369 = arith.constant 0 : i32
      %dma_wait3A_370 = tpu.memref_slice %arg9[%add3A_368, %dma_wait3A_369] : memref<10000x128xf32, #tpu.memory_space<vmem_shared>> -> memref<40x128xf32, #tpu.memory_space<vmem_shared>>
      %dma_wait3A_371 = arith.constant 0 : i32
      %dma_wait3A_372 = tpu.memref_slice %arg9[%add3A_368, %dma_wait3A_371] : memref<10000x128xf32, #tpu.memory_space<vmem_shared>> -> memref<40x128xf32, #tpu.memory_space<vmem_shared>>
      tpu.wait_dma2 semaphore(%arg21 : memref<!tpu.dma_semaphore, #tpu.memory_space<semaphore_mem>>) src(%arg14 : memref<40x128xf32, #tpu.memory_space<vmem>>) dst(%dma_wait3A_372 : memref<40x128xf32, #tpu.memory_space<vmem_shared>>)
      %mul3A_373 = arith.constant 1000 : i32
      %mul3A_374 = arith.muli %arg1, %mul3A_373 : i32
      %add3A_375 = arith.constant 560 : i32
      %add3A_376 = arith.addi %mul3A_374, %add3A_375 : i32
      %dma_wait3A_377 = arith.constant 0 : i32
      %dma_wait3A_378 = tpu.memref_slice %arg9[%add3A_376, %dma_wait3A_377] : memref<10000x128xf32, #tpu.memory_space<vmem_shared>> -> memref<40x128xf32, #tpu.memory_space<vmem_shared>>
      %dma_wait3A_379 = arith.constant 0 : i32
      %dma_wait3A_380 = tpu.memref_slice %arg9[%add3A_376, %dma_wait3A_379] : memref<10000x128xf32, #tpu.memory_space<vmem_shared>> -> memref<40x128xf32, #tpu.memory_space<vmem_shared>>
      tpu.wait_dma2 semaphore(%arg21 : memref<!tpu.dma_semaphore, #tpu.memory_space<semaphore_mem>>) src(%arg14 : memref<40x128xf32, #tpu.memory_space<vmem>>) dst(%dma_wait3A_380 : memref<40x128xf32, #tpu.memory_space<vmem_shared>>)
      %mul3A_381 = arith.constant 1000 : i32
      %mul3A_382 = arith.muli %arg1, %mul3A_381 : i32
      %add3A_383 = arith.constant 600 : i32
      %add3A_384 = arith.addi %mul3A_382, %add3A_383 : i32
      %dma_wait3A_385 = arith.constant 0 : i32
      %dma_wait3A_386 = tpu.memref_slice %arg9[%add3A_384, %dma_wait3A_385] : memref<10000x128xf32, #tpu.memory_space<vmem_shared>> -> memref<40x128xf32, #tpu.memory_space<vmem_shared>>
      %dma_wait3A_387 = arith.constant 0 : i32
      %dma_wait3A_388 = tpu.memref_slice %arg9[%add3A_384, %dma_wait3A_387] : memref<10000x128xf32, #tpu.memory_space<vmem_shared>> -> memref<40x128xf32, #tpu.memory_space<vmem_shared>>
      tpu.wait_dma2 semaphore(%arg21 : memref<!tpu.dma_semaphore, #tpu.memory_space<semaphore_mem>>) src(%arg14 : memref<40x128xf32, #tpu.memory_space<vmem>>) dst(%dma_wait3A_388 : memref<40x128xf32, #tpu.memory_space<vmem_shared>>)
      %mul3A_389 = arith.constant 1000 : i32
      %mul3A_390 = arith.muli %arg1, %mul3A_389 : i32
      %add3A_391 = arith.constant 640 : i32
      %add3A_392 = arith.addi %mul3A_390, %add3A_391 : i32
      %dma_wait3A_393 = arith.constant 0 : i32
      %dma_wait3A_394 = tpu.memref_slice %arg9[%add3A_392, %dma_wait3A_393] : memref<10000x128xf32, #tpu.memory_space<vmem_shared>> -> memref<40x128xf32, #tpu.memory_space<vmem_shared>>
      %dma_wait3A_395 = arith.constant 0 : i32
      %dma_wait3A_396 = tpu.memref_slice %arg9[%add3A_392, %dma_wait3A_395] : memref<10000x128xf32, #tpu.memory_space<vmem_shared>> -> memref<40x128xf32, #tpu.memory_space<vmem_shared>>
      tpu.wait_dma2 semaphore(%arg21 : memref<!tpu.dma_semaphore, #tpu.memory_space<semaphore_mem>>) src(%arg14 : memref<40x128xf32, #tpu.memory_space<vmem>>) dst(%dma_wait3A_396 : memref<40x128xf32, #tpu.memory_space<vmem_shared>>)
      %mul3A_397 = arith.constant 1000 : i32
      %mul3A_398 = arith.muli %arg1, %mul3A_397 : i32
      %add3A_399 = arith.constant 680 : i32
      %add3A_400 = arith.addi %mul3A_398, %add3A_399 : i32
      %dma_wait3A_401 = arith.constant 0 : i32
      %dma_wait3A_402 = tpu.memref_slice %arg9[%add3A_400, %dma_wait3A_401] : memref<10000x128xf32, #tpu.memory_space<vmem_shared>> -> memref<40x128xf32, #tpu.memory_space<vmem_shared>>
      %dma_wait3A_403 = arith.constant 0 : i32
      %dma_wait3A_404 = tpu.memref_slice %arg9[%add3A_400, %dma_wait3A_403] : memref<10000x128xf32, #tpu.memory_space<vmem_shared>> -> memref<40x128xf32, #tpu.memory_space<vmem_shared>>
      tpu.wait_dma2 semaphore(%arg21 : memref<!tpu.dma_semaphore, #tpu.memory_space<semaphore_mem>>) src(%arg14 : memref<40x128xf32, #tpu.memory_space<vmem>>) dst(%dma_wait3A_404 : memref<40x128xf32, #tpu.memory_space<vmem_shared>>)
      %mul3A_405 = arith.constant 1000 : i32
      %mul3A_406 = arith.muli %arg1, %mul3A_405 : i32
      %add3A_407 = arith.constant 720 : i32
      %add3A_408 = arith.addi %mul3A_406, %add3A_407 : i32
      %dma_wait3A_409 = arith.constant 0 : i32
      %dma_wait3A_410 = tpu.memref_slice %arg9[%add3A_408, %dma_wait3A_409] : memref<10000x128xf32, #tpu.memory_space<vmem_shared>> -> memref<40x128xf32, #tpu.memory_space<vmem_shared>>
      %dma_wait3A_411 = arith.constant 0 : i32
      %dma_wait3A_412 = tpu.memref_slice %arg9[%add3A_408, %dma_wait3A_411] : memref<10000x128xf32, #tpu.memory_space<vmem_shared>> -> memref<40x128xf32, #tpu.memory_space<vmem_shared>>
      tpu.wait_dma2 semaphore(%arg21 : memref<!tpu.dma_semaphore, #tpu.memory_space<semaphore_mem>>) src(%arg14 : memref<40x128xf32, #tpu.memory_space<vmem>>) dst(%dma_wait3A_412 : memref<40x128xf32, #tpu.memory_space<vmem_shared>>)
      %mul3A_413 = arith.constant 1000 : i32
      %mul3A_414 = arith.muli %arg1, %mul3A_413 : i32
      %add3A_415 = arith.constant 760 : i32
      %add3A_416 = arith.addi %mul3A_414, %add3A_415 : i32
      %dma_wait3A_417 = arith.constant 0 : i32
      %dma_wait3A_418 = tpu.memref_slice %arg9[%add3A_416, %dma_wait3A_417] : memref<10000x128xf32, #tpu.memory_space<vmem_shared>> -> memref<40x128xf32, #tpu.memory_space<vmem_shared>>
      %dma_wait3A_419 = arith.constant 0 : i32
      %dma_wait3A_420 = tpu.memref_slice %arg9[%add3A_416, %dma_wait3A_419] : memref<10000x128xf32, #tpu.memory_space<vmem_shared>> -> memref<40x128xf32, #tpu.memory_space<vmem_shared>>
      tpu.wait_dma2 semaphore(%arg21 : memref<!tpu.dma_semaphore, #tpu.memory_space<semaphore_mem>>) src(%arg14 : memref<40x128xf32, #tpu.memory_space<vmem>>) dst(%dma_wait3A_420 : memref<40x128xf32, #tpu.memory_space<vmem_shared>>)
      %mul3A_421 = arith.constant 1000 : i32
      %mul3A_422 = arith.muli %arg1, %mul3A_421 : i32
      %add3A_423 = arith.constant 800 : i32
      %add3A_424 = arith.addi %mul3A_422, %add3A_423 : i32
      %dma_wait3A_425 = arith.constant 0 : i32
      %dma_wait3A_426 = tpu.memref_slice %arg9[%add3A_424, %dma_wait3A_425] : memref<10000x128xf32, #tpu.memory_space<vmem_shared>> -> memref<40x128xf32, #tpu.memory_space<vmem_shared>>
      %dma_wait3A_427 = arith.constant 0 : i32
      %dma_wait3A_428 = tpu.memref_slice %arg9[%add3A_424, %dma_wait3A_427] : memref<10000x128xf32, #tpu.memory_space<vmem_shared>> -> memref<40x128xf32, #tpu.memory_space<vmem_shared>>
      tpu.wait_dma2 semaphore(%arg21 : memref<!tpu.dma_semaphore, #tpu.memory_space<semaphore_mem>>) src(%arg14 : memref<40x128xf32, #tpu.memory_space<vmem>>) dst(%dma_wait3A_428 : memref<40x128xf32, #tpu.memory_space<vmem_shared>>)
      %mul3A_429 = arith.constant 1000 : i32
      %mul3A_430 = arith.muli %arg1, %mul3A_429 : i32
      %add3A_431 = arith.constant 840 : i32
      %add3A_432 = arith.addi %mul3A_430, %add3A_431 : i32
      %dma_wait3A_433 = arith.constant 0 : i32
      %dma_wait3A_434 = tpu.memref_slice %arg9[%add3A_432, %dma_wait3A_433] : memref<10000x128xf32, #tpu.memory_space<vmem_shared>> -> memref<40x128xf32, #tpu.memory_space<vmem_shared>>
      %dma_wait3A_435 = arith.constant 0 : i32
      %dma_wait3A_436 = tpu.memref_slice %arg9[%add3A_432, %dma_wait3A_435] : memref<10000x128xf32, #tpu.memory_space<vmem_shared>> -> memref<40x128xf32, #tpu.memory_space<vmem_shared>>
      tpu.wait_dma2 semaphore(%arg21 : memref<!tpu.dma_semaphore, #tpu.memory_space<semaphore_mem>>) src(%arg14 : memref<40x128xf32, #tpu.memory_space<vmem>>) dst(%dma_wait3A_436 : memref<40x128xf32, #tpu.memory_space<vmem_shared>>)
      %mul3A_437 = arith.constant 1000 : i32
      %mul3A_438 = arith.muli %arg1, %mul3A_437 : i32
      %add3A_439 = arith.constant 880 : i32
      %add3A_440 = arith.addi %mul3A_438, %add3A_439 : i32
      %dma_wait3A_441 = arith.constant 0 : i32
      %dma_wait3A_442 = tpu.memref_slice %arg9[%add3A_440, %dma_wait3A_441] : memref<10000x128xf32, #tpu.memory_space<vmem_shared>> -> memref<40x128xf32, #tpu.memory_space<vmem_shared>>
      %dma_wait3A_443 = arith.constant 0 : i32
      %dma_wait3A_444 = tpu.memref_slice %arg9[%add3A_440, %dma_wait3A_443] : memref<10000x128xf32, #tpu.memory_space<vmem_shared>> -> memref<40x128xf32, #tpu.memory_space<vmem_shared>>
      tpu.wait_dma2 semaphore(%arg21 : memref<!tpu.dma_semaphore, #tpu.memory_space<semaphore_mem>>) src(%arg14 : memref<40x128xf32, #tpu.memory_space<vmem>>) dst(%dma_wait3A_444 : memref<40x128xf32, #tpu.memory_space<vmem_shared>>)
      %mul3A_445 = arith.constant 1000 : i32
      %mul3A_446 = arith.muli %arg1, %mul3A_445 : i32
      %add3A_447 = arith.constant 920 : i32
      %add3A_448 = arith.addi %mul3A_446, %add3A_447 : i32
      %dma_wait3A_449 = arith.constant 0 : i32
      %dma_wait3A_450 = tpu.memref_slice %arg9[%add3A_448, %dma_wait3A_449] : memref<10000x128xf32, #tpu.memory_space<vmem_shared>> -> memref<40x128xf32, #tpu.memory_space<vmem_shared>>
      %dma_wait3A_451 = arith.constant 0 : i32
      %dma_wait3A_452 = tpu.memref_slice %arg9[%add3A_448, %dma_wait3A_451] : memref<10000x128xf32, #tpu.memory_space<vmem_shared>> -> memref<40x128xf32, #tpu.memory_space<vmem_shared>>
      tpu.wait_dma2 semaphore(%arg21 : memref<!tpu.dma_semaphore, #tpu.memory_space<semaphore_mem>>) src(%arg14 : memref<40x128xf32, #tpu.memory_space<vmem>>) dst(%dma_wait3A_452 : memref<40x128xf32, #tpu.memory_space<vmem_shared>>)
      %mul3A_453 = arith.constant 1000 : i32
      %mul3A_454 = arith.muli %arg1, %mul3A_453 : i32
      %add3A_455 = arith.constant 960 : i32
      %add3A_456 = arith.addi %mul3A_454, %add3A_455 : i32
      %dma_wait3A_457 = arith.constant 0 : i32
      %dma_wait3A_458 = tpu.memref_slice %arg9[%add3A_456, %dma_wait3A_457] : memref<10000x128xf32, #tpu.memory_space<vmem_shared>> -> memref<40x128xf32, #tpu.memory_space<vmem_shared>>
      %dma_wait3A_459 = arith.constant 0 : i32
      %dma_wait3A_460 = tpu.memref_slice %arg9[%add3A_456, %dma_wait3A_459] : memref<10000x128xf32, #tpu.memory_space<vmem_shared>> -> memref<40x128xf32, #tpu.memory_space<vmem_shared>>
      tpu.wait_dma2 semaphore(%arg21 : memref<!tpu.dma_semaphore, #tpu.memory_space<semaphore_mem>>) src(%arg14 : memref<40x128xf32, #tpu.memory_space<vmem>>) dst(%dma_wait3A_460 : memref<40x128xf32, #tpu.memory_space<vmem_shared>>)
    } else {
    }
    %barrier3A = arith.constant 0 : index
    tpu.barrier barrier_id(%barrier3A)
    %broadcast_in_dim3A_16 = arith.constant 1.000000e+00 : f32
    %broadcast_in_dim3A_17 = vector.broadcast %broadcast_in_dim3A_16 : f32 to vector<16xf32>
    %mul3A = arith.constant 20000 : i32
    %mul3A_18 = arith.muli %arg1, %mul3A : i32
    %add3A = arith.constant 0 : i32
    %add3A_19 = arith.addi %mul3A_18, %add3A : i32
    %run_scoped3A = arith.constant 0 : i32
    "tpu.region"() ({
      %run_scoped3A_63 = tpu.sem_alloc : memref<!tpu.dma_semaphore, #tpu.memory_space<semaphore_mem>>
      %dma_start3A = arith.constant 0 : i32
      %dma_start3A_64 = tpu.memref_slice %arg11[%run_scoped3A, %dma_start3A] : memref<2x80xi32, #tpu.memory_space<vmem>> -> memref<1x80xi32, #tpu.memory_space<vmem>>
      %dma_start3A_65 = tpu.memref_squeeze %dma_start3A_64 : memref<1x80xi32, #tpu.memory_space<vmem>> -> memref<80xi32, #tpu.memory_space<vmem>>
      %dma_start3A_66 = tpu.memref_slice %arg4[%add3A_19] : memref<320000xi32, #tpu.memory_space<hbm>> -> memref<80xi32, #tpu.memory_space<hbm>>
      %dma_start3A_67 = arith.constant 0 : i32
      %dma_start3A_68 = tpu.memref_slice %arg11[%run_scoped3A, %dma_start3A_67] : memref<2x80xi32, #tpu.memory_space<vmem>> -> memref<1x80xi32, #tpu.memory_space<vmem>>
      %dma_start3A_69 = tpu.memref_squeeze %dma_start3A_68 : memref<1x80xi32, #tpu.memory_space<vmem>> -> memref<80xi32, #tpu.memory_space<vmem>>
      %dma_start3A_70 = tpu.memref_slice %arg4[%add3A_19] : memref<320000xi32, #tpu.memory_space<hbm>> -> memref<80xi32, #tpu.memory_space<hbm>>
      tpu.enqueue_dma source(%dma_start3A_70 : memref<80xi32, #tpu.memory_space<hbm>>) target(%dma_start3A_69 : memref<80xi32, #tpu.memory_space<vmem>>) target_semaphore(%run_scoped3A_63 : memref<!tpu.dma_semaphore, #tpu.memory_space<semaphore_mem>>)
      %dma_wait3A = arith.constant 0 : i32
      %dma_wait3A_71 = tpu.memref_slice %arg11[%run_scoped3A, %dma_wait3A] : memref<2x80xi32, #tpu.memory_space<vmem>> -> memref<1x80xi32, #tpu.memory_space<vmem>>
      %dma_wait3A_72 = tpu.memref_squeeze %dma_wait3A_71 : memref<1x80xi32, #tpu.memory_space<vmem>> -> memref<80xi32, #tpu.memory_space<vmem>>
      %dma_wait3A_73 = tpu.memref_slice %arg4[%add3A_19] : memref<320000xi32, #tpu.memory_space<hbm>> -> memref<80xi32, #tpu.memory_space<hbm>>
      %dma_wait3A_74 = arith.constant 0 : i32
      %dma_wait3A_75 = tpu.memref_slice %arg11[%run_scoped3A, %dma_wait3A_74] : memref<2x80xi32, #tpu.memory_space<vmem>> -> memref<1x80xi32, #tpu.memory_space<vmem>>
      %dma_wait3A_76 = tpu.memref_squeeze %dma_wait3A_75 : memref<1x80xi32, #tpu.memory_space<vmem>> -> memref<80xi32, #tpu.memory_space<vmem>>
      %dma_wait3A_77 = tpu.memref_slice %arg4[%add3A_19] : memref<320000xi32, #tpu.memory_space<hbm>> -> memref<80xi32, #tpu.memory_space<hbm>>
      tpu.wait_dma2 semaphore(%run_scoped3A_63 : memref<!tpu.dma_semaphore, #tpu.memory_space<semaphore_mem>>) src(%dma_wait3A_77 : memref<80xi32, #tpu.memory_space<hbm>>) dst(%dma_wait3A_76 : memref<80xi32, #tpu.memory_space<vmem>>)
      tpu.yield
    }) : () -> ()
    %run_scoped3A_20 = arith.constant 0 : i32
    "tpu.region"() ({
      %run_scoped3A_63 = tpu.sem_alloc : memref<!tpu.dma_semaphore, #tpu.memory_space<semaphore_mem>>
      %dma_start3A = arith.constant 0 : i32
      %dma_start3A_64 = tpu.memref_slice %arg12[%run_scoped3A_20, %dma_start3A] : memref<2x80xi32, #tpu.memory_space<vmem>> -> memref<1x80xi32, #tpu.memory_space<vmem>>
      %dma_start3A_65 = tpu.memref_squeeze %dma_start3A_64 : memref<1x80xi32, #tpu.memory_space<vmem>> -> memref<80xi32, #tpu.memory_space<vmem>>
      %dma_start3A_66 = tpu.memref_slice %arg5[%add3A_19] : memref<320000xi32, #tpu.memory_space<hbm>> -> memref<80xi32, #tpu.memory_space<hbm>>
      %dma_start3A_67 = arith.constant 0 : i32
      %dma_start3A_68 = tpu.memref_slice %arg12[%run_scoped3A_20, %dma_start3A_67] : memref<2x80xi32, #tpu.memory_space<vmem>> -> memref<1x80xi32, #tpu.memory_space<vmem>>
      %dma_start3A_69 = tpu.memref_squeeze %dma_start3A_68 : memref<1x80xi32, #tpu.memory_space<vmem>> -> memref<80xi32, #tpu.memory_space<vmem>>
      %dma_start3A_70 = tpu.memref_slice %arg5[%add3A_19] : memref<320000xi32, #tpu.memory_space<hbm>> -> memref<80xi32, #tpu.memory_space<hbm>>
      tpu.enqueue_dma source(%dma_start3A_70 : memref<80xi32, #tpu.memory_space<hbm>>) target(%dma_start3A_69 : memref<80xi32, #tpu.memory_space<vmem>>) target_semaphore(%run_scoped3A_63 : memref<!tpu.dma_semaphore, #tpu.memory_space<semaphore_mem>>)
      %dma_wait3A = arith.constant 0 : i32
      %dma_wait3A_71 = tpu.memref_slice %arg12[%run_scoped3A_20, %dma_wait3A] : memref<2x80xi32, #tpu.memory_space<vmem>> -> memref<1x80xi32, #tpu.memory_space<vmem>>
      %dma_wait3A_72 = tpu.memref_squeeze %dma_wait3A_71 : memref<1x80xi32, #tpu.memory_space<vmem>> -> memref<80xi32, #tpu.memory_space<vmem>>
      %dma_wait3A_73 = tpu.memref_slice %arg5[%add3A_19] : memref<320000xi32, #tpu.memory_space<hbm>> -> memref<80xi32, #tpu.memory_space<hbm>>
      %dma_wait3A_74 = arith.constant 0 : i32
      %dma_wait3A_75 = tpu.memref_slice %arg12[%run_scoped3A_20, %dma_wait3A_74] : memref<2x80xi32, #tpu.memory_space<vmem>> -> memref<1x80xi32, #tpu.memory_space<vmem>>
      %dma_wait3A_76 = tpu.memref_squeeze %dma_wait3A_75 : memref<1x80xi32, #tpu.memory_space<vmem>> -> memref<80xi32, #tpu.memory_space<vmem>>
      %dma_wait3A_77 = tpu.memref_slice %arg5[%add3A_19] : memref<320000xi32, #tpu.memory_space<hbm>> -> memref<80xi32, #tpu.memory_space<hbm>>
      tpu.wait_dma2 semaphore(%run_scoped3A_63 : memref<!tpu.dma_semaphore, #tpu.memory_space<semaphore_mem>>) src(%dma_wait3A_77 : memref<80xi32, #tpu.memory_space<hbm>>) dst(%dma_wait3A_76 : memref<80xi32, #tpu.memory_space<vmem>>)
      tpu.yield
    }) : () -> ()
    %eq3A = arith.constant 0 : i32
    %eq3A_21 = arith.cmpi eq, %arg0, %eq3A : i32
    %convert_element_type3A_22 = arith.extui %eq3A_21 : i1 to i32
    %cond3A_23 = arith.constant 0 : i32
    %cond3A_24 = arith.cmpi ne, %convert_element_type3A_22, %cond3A_23 : i32
    scf.if %cond3A_24 {
      %dma_start3A = arith.constant 0 : i32
      %dma_start3A_63 = arith.constant 0 : i32
      %dma_start3A_64 = arith.constant 0 : i32
      %dma_start3A_65 = arith.constant 0 : i32
      %dma_start3A_66 = tpu.memref_slice %arg13[%dma_start3A_63, %dma_start3A_64, %dma_start3A_65] : memref<2x80x128xf32, #tpu.memory_space<vmem>> -> memref<1x80x128xf32, #tpu.memory_space<vmem>>
      %dma_start3A_67 = tpu.memref_squeeze %dma_start3A_66 : memref<1x80x128xf32, #tpu.memory_space<vmem>> -> memref<80x128xf32, #tpu.memory_space<vmem>>
      %dma_start3A_68 = arith.constant 0 : i32
      %dma_start3A_69 = tpu.memref_slice %arg11[%dma_start3A, %dma_start3A_68] : memref<2x80xi32, #tpu.memory_space<vmem>> -> memref<1x80xi32, #tpu.memory_space<vmem>>
      %dma_start3A_70 = tpu.memref_squeeze %dma_start3A_69 : memref<1x80xi32, #tpu.memory_space<vmem>> -> memref<80xi32, #tpu.memory_space<vmem>>
      %dma_start3A_71 = arith.constant 0 : i32
      %dma_start3A_72 = arith.constant 0 : i32
      %dma_start3A_73 = tpu.memref_slice %arg2[%dma_start3A_71, %dma_start3A_72] : memref<10000x128xf32, #tpu.memory_space<hbm>> -> memref<10000x128xf32, #tpu.memory_space<hbm>>
      tpu.enqueue_indirect_dma source(%dma_start3A_73 : memref<10000x128xf32, #tpu.memory_space<hbm>>) target(%dma_start3A_67 : memref<80x128xf32, #tpu.memory_space<vmem>>) offsets(%dma_start3A_70 : memref<80xi32, #tpu.memory_space<vmem>>) semaphore(%arg19 : memref<!tpu.dma_semaphore, #tpu.memory_space<semaphore_mem>>)
    } else {
    }
    %eq3A_25 = arith.constant 1 : i32
    %eq3A_26 = arith.cmpi eq, %arg0, %eq3A_25 : i32
    %convert_element_type3A_27 = arith.extui %eq3A_26 : i1 to i32
    %cond3A_28 = arith.constant 0 : i32
    %cond3A_29 = arith.cmpi ne, %convert_element_type3A_27, %cond3A_28 : i32
    scf.if %cond3A_29 {
      %dma_start3A = arith.constant 0 : i32
      %dma_start3A_63 = arith.constant 0 : i32
      %dma_start3A_64 = arith.constant 0 : i32
      %dma_start3A_65 = arith.constant 0 : i32
      %dma_start3A_66 = tpu.memref_slice %arg13[%dma_start3A_63, %dma_start3A_64, %dma_start3A_65] : memref<2x80x128xf32, #tpu.memory_space<vmem>> -> memref<1x80x128xf32, #tpu.memory_space<vmem>>
      %dma_start3A_67 = tpu.memref_squeeze %dma_start3A_66 : memref<1x80x128xf32, #tpu.memory_space<vmem>> -> memref<80x128xf32, #tpu.memory_space<vmem>>
      %dma_start3A_68 = arith.constant 0 : i32
      %dma_start3A_69 = tpu.memref_slice %arg11[%dma_start3A, %dma_start3A_68] : memref<2x80xi32, #tpu.memory_space<vmem>> -> memref<1x80xi32, #tpu.memory_space<vmem>>
      %dma_start3A_70 = tpu.memref_squeeze %dma_start3A_69 : memref<1x80xi32, #tpu.memory_space<vmem>> -> memref<80xi32, #tpu.memory_space<vmem>>
      %dma_start3A_71 = arith.constant 0 : i32
      %dma_start3A_72 = arith.constant 0 : i32
      %dma_start3A_73 = tpu.memref_slice %arg3[%dma_start3A_71, %dma_start3A_72] : memref<10000x128xf32, #tpu.memory_space<hbm>> -> memref<10000x128xf32, #tpu.memory_space<hbm>>
      tpu.enqueue_indirect_dma source(%dma_start3A_73 : memref<10000x128xf32, #tpu.memory_space<hbm>>) target(%dma_start3A_67 : memref<80x128xf32, #tpu.memory_space<vmem>>) offsets(%dma_start3A_70 : memref<80xi32, #tpu.memory_space<vmem>>) semaphore(%arg19 : memref<!tpu.dma_semaphore, #tpu.memory_space<semaphore_mem>>)
    } else {
    }
    %add3A_30 = arith.constant 80 : i32
    %add3A_31 = arith.addi %mul3A_18, %add3A_30 : i32
    %run_scoped3A_32 = arith.constant 1 : i32
    "tpu.region"() ({
      %run_scoped3A_63 = tpu.sem_alloc : memref<!tpu.dma_semaphore, #tpu.memory_space<semaphore_mem>>
      %dma_start3A = arith.constant 0 : i32
      %dma_start3A_64 = tpu.memref_slice %arg11[%run_scoped3A_32, %dma_start3A] : memref<2x80xi32, #tpu.memory_space<vmem>> -> memref<1x80xi32, #tpu.memory_space<vmem>>
      %dma_start3A_65 = tpu.memref_squeeze %dma_start3A_64 : memref<1x80xi32, #tpu.memory_space<vmem>> -> memref<80xi32, #tpu.memory_space<vmem>>
      %dma_start3A_66 = tpu.memref_slice %arg4[%add3A_31] : memref<320000xi32, #tpu.memory_space<hbm>> -> memref<80xi32, #tpu.memory_space<hbm>>
      %dma_start3A_67 = arith.constant 0 : i32
      %dma_start3A_68 = tpu.memref_slice %arg11[%run_scoped3A_32, %dma_start3A_67] : memref<2x80xi32, #tpu.memory_space<vmem>> -> memref<1x80xi32, #tpu.memory_space<vmem>>
      %dma_start3A_69 = tpu.memref_squeeze %dma_start3A_68 : memref<1x80xi32, #tpu.memory_space<vmem>> -> memref<80xi32, #tpu.memory_space<vmem>>
      %dma_start3A_70 = tpu.memref_slice %arg4[%add3A_31] : memref<320000xi32, #tpu.memory_space<hbm>> -> memref<80xi32, #tpu.memory_space<hbm>>
      tpu.enqueue_dma source(%dma_start3A_70 : memref<80xi32, #tpu.memory_space<hbm>>) target(%dma_start3A_69 : memref<80xi32, #tpu.memory_space<vmem>>) target_semaphore(%run_scoped3A_63 : memref<!tpu.dma_semaphore, #tpu.memory_space<semaphore_mem>>)
      %dma_wait3A = arith.constant 0 : i32
      %dma_wait3A_71 = tpu.memref_slice %arg11[%run_scoped3A_32, %dma_wait3A] : memref<2x80xi32, #tpu.memory_space<vmem>> -> memref<1x80xi32, #tpu.memory_space<vmem>>
      %dma_wait3A_72 = tpu.memref_squeeze %dma_wait3A_71 : memref<1x80xi32, #tpu.memory_space<vmem>> -> memref<80xi32, #tpu.memory_space<vmem>>
      %dma_wait3A_73 = tpu.memref_slice %arg4[%add3A_31] : memref<320000xi32, #tpu.memory_space<hbm>> -> memref<80xi32, #tpu.memory_space<hbm>>
      %dma_wait3A_74 = arith.constant 0 : i32
      %dma_wait3A_75 = tpu.memref_slice %arg11[%run_scoped3A_32, %dma_wait3A_74] : memref<2x80xi32, #tpu.memory_space<vmem>> -> memref<1x80xi32, #tpu.memory_space<vmem>>
      %dma_wait3A_76 = tpu.memref_squeeze %dma_wait3A_75 : memref<1x80xi32, #tpu.memory_space<vmem>> -> memref<80xi32, #tpu.memory_space<vmem>>
      %dma_wait3A_77 = tpu.memref_slice %arg4[%add3A_31] : memref<320000xi32, #tpu.memory_space<hbm>> -> memref<80xi32, #tpu.memory_space<hbm>>
      tpu.wait_dma2 semaphore(%run_scoped3A_63 : memref<!tpu.dma_semaphore, #tpu.memory_space<semaphore_mem>>) src(%dma_wait3A_77 : memref<80xi32, #tpu.memory_space<hbm>>) dst(%dma_wait3A_76 : memref<80xi32, #tpu.memory_space<vmem>>)
      tpu.yield
    }) : () -> ()
    %run_scoped3A_33 = arith.constant 1 : i32
    "tpu.region"() ({
      %run_scoped3A_63 = tpu.sem_alloc : memref<!tpu.dma_semaphore, #tpu.memory_space<semaphore_mem>>
      %dma_start3A = arith.constant 0 : i32
      %dma_start3A_64 = tpu.memref_slice %arg12[%run_scoped3A_33, %dma_start3A] : memref<2x80xi32, #tpu.memory_space<vmem>> -> memref<1x80xi32, #tpu.memory_space<vmem>>
      %dma_start3A_65 = tpu.memref_squeeze %dma_start3A_64 : memref<1x80xi32, #tpu.memory_space<vmem>> -> memref<80xi32, #tpu.memory_space<vmem>>
      %dma_start3A_66 = tpu.memref_slice %arg5[%add3A_31] : memref<320000xi32, #tpu.memory_space<hbm>> -> memref<80xi32, #tpu.memory_space<hbm>>
      %dma_start3A_67 = arith.constant 0 : i32
      %dma_start3A_68 = tpu.memref_slice %arg12[%run_scoped3A_33, %dma_start3A_67] : memref<2x80xi32, #tpu.memory_space<vmem>> -> memref<1x80xi32, #tpu.memory_space<vmem>>
      %dma_start3A_69 = tpu.memref_squeeze %dma_start3A_68 : memref<1x80xi32, #tpu.memory_space<vmem>> -> memref<80xi32, #tpu.memory_space<vmem>>
      %dma_start3A_70 = tpu.memref_slice %arg5[%add3A_31] : memref<320000xi32, #tpu.memory_space<hbm>> -> memref<80xi32, #tpu.memory_space<hbm>>
      tpu.enqueue_dma source(%dma_start3A_70 : memref<80xi32, #tpu.memory_space<hbm>>) target(%dma_start3A_69 : memref<80xi32, #tpu.memory_space<vmem>>) target_semaphore(%run_scoped3A_63 : memref<!tpu.dma_semaphore, #tpu.memory_space<semaphore_mem>>)
      %dma_wait3A = arith.constant 0 : i32
      %dma_wait3A_71 = tpu.memref_slice %arg12[%run_scoped3A_33, %dma_wait3A] : memref<2x80xi32, #tpu.memory_space<vmem>> -> memref<1x80xi32, #tpu.memory_space<vmem>>
      %dma_wait3A_72 = tpu.memref_squeeze %dma_wait3A_71 : memref<1x80xi32, #tpu.memory_space<vmem>> -> memref<80xi32, #tpu.memory_space<vmem>>
      %dma_wait3A_73 = tpu.memref_slice %arg5[%add3A_31] : memref<320000xi32, #tpu.memory_space<hbm>> -> memref<80xi32, #tpu.memory_space<hbm>>
      %dma_wait3A_74 = arith.constant 0 : i32
      %dma_wait3A_75 = tpu.memref_slice %arg12[%run_scoped3A_33, %dma_wait3A_74] : memref<2x80xi32, #tpu.memory_space<vmem>> -> memref<1x80xi32, #tpu.memory_space<vmem>>
      %dma_wait3A_76 = tpu.memref_squeeze %dma_wait3A_75 : memref<1x80xi32, #tpu.memory_space<vmem>> -> memref<80xi32, #tpu.memory_space<vmem>>
      %dma_wait3A_77 = tpu.memref_slice %arg5[%add3A_31] : memref<320000xi32, #tpu.memory_space<hbm>> -> memref<80xi32, #tpu.memory_space<hbm>>
      tpu.wait_dma2 semaphore(%run_scoped3A_63 : memref<!tpu.dma_semaphore, #tpu.memory_space<semaphore_mem>>) src(%dma_wait3A_77 : memref<80xi32, #tpu.memory_space<hbm>>) dst(%dma_wait3A_76 : memref<80xi32, #tpu.memory_space<vmem>>)
      tpu.yield
    }) : () -> ()
    %eq3A_34 = arith.constant 0 : i32
    %eq3A_35 = arith.cmpi eq, %arg0, %eq3A_34 : i32
    %convert_element_type3A_36 = arith.extui %eq3A_35 : i1 to i32
    %cond3A_37 = arith.constant 0 : i32
    %cond3A_38 = arith.cmpi ne, %convert_element_type3A_36, %cond3A_37 : i32
    scf.if %cond3A_38 {
      %dma_start3A = arith.constant 1 : i32
      %dma_start3A_63 = arith.constant 1 : i32
      %dma_start3A_64 = arith.constant 0 : i32
      %dma_start3A_65 = arith.constant 0 : i32
      %dma_start3A_66 = tpu.memref_slice %arg13[%dma_start3A_63, %dma_start3A_64, %dma_start3A_65] : memref<2x80x128xf32, #tpu.memory_space<vmem>> -> memref<1x80x128xf32, #tpu.memory_space<vmem>>
      %dma_start3A_67 = tpu.memref_squeeze %dma_start3A_66 : memref<1x80x128xf32, #tpu.memory_space<vmem>> -> memref<80x128xf32, #tpu.memory_space<vmem>>
      %dma_start3A_68 = arith.constant 0 : i32
      %dma_start3A_69 = tpu.memref_slice %arg11[%dma_start3A, %dma_start3A_68] : memref<2x80xi32, #tpu.memory_space<vmem>> -> memref<1x80xi32, #tpu.memory_space<vmem>>
      %dma_start3A_70 = tpu.memref_squeeze %dma_start3A_69 : memref<1x80xi32, #tpu.memory_space<vmem>> -> memref<80xi32, #tpu.memory_space<vmem>>
      %dma_start3A_71 = arith.constant 0 : i32
      %dma_start3A_72 = arith.constant 0 : i32
      %dma_start3A_73 = tpu.memref_slice %arg2[%dma_start3A_71, %dma_start3A_72] : memref<10000x128xf32, #tpu.memory_space<hbm>> -> memref<10000x128xf32, #tpu.memory_space<hbm>>
      tpu.enqueue_indirect_dma source(%dma_start3A_73 : memref<10000x128xf32, #tpu.memory_space<hbm>>) target(%dma_start3A_67 : memref<80x128xf32, #tpu.memory_space<vmem>>) offsets(%dma_start3A_70 : memref<80xi32, #tpu.memory_space<vmem>>) semaphore(%arg20 : memref<!tpu.dma_semaphore, #tpu.memory_space<semaphore_mem>>)
    } else {
    }
    %eq3A_39 = arith.constant 1 : i32
    %eq3A_40 = arith.cmpi eq, %arg0, %eq3A_39 : i32
    %convert_element_type3A_41 = arith.extui %eq3A_40 : i1 to i32
    %cond3A_42 = arith.constant 0 : i32
    %cond3A_43 = arith.cmpi ne, %convert_element_type3A_41, %cond3A_42 : i32
    scf.if %cond3A_43 {
      %dma_start3A = arith.constant 1 : i32
      %dma_start3A_63 = arith.constant 1 : i32
      %dma_start3A_64 = arith.constant 0 : i32
      %dma_start3A_65 = arith.constant 0 : i32
      %dma_start3A_66 = tpu.memref_slice %arg13[%dma_start3A_63, %dma_start3A_64, %dma_start3A_65] : memref<2x80x128xf32, #tpu.memory_space<vmem>> -> memref<1x80x128xf32, #tpu.memory_space<vmem>>
      %dma_start3A_67 = tpu.memref_squeeze %dma_start3A_66 : memref<1x80x128xf32, #tpu.memory_space<vmem>> -> memref<80x128xf32, #tpu.memory_space<vmem>>
      %dma_start3A_68 = arith.constant 0 : i32
      %dma_start3A_69 = tpu.memref_slice %arg11[%dma_start3A, %dma_start3A_68] : memref<2x80xi32, #tpu.memory_space<vmem>> -> memref<1x80xi32, #tpu.memory_space<vmem>>
      %dma_start3A_70 = tpu.memref_squeeze %dma_start3A_69 : memref<1x80xi32, #tpu.memory_space<vmem>> -> memref<80xi32, #tpu.memory_space<vmem>>
      %dma_start3A_71 = arith.constant 0 : i32
      %dma_start3A_72 = arith.constant 0 : i32
      %dma_start3A_73 = tpu.memref_slice %arg3[%dma_start3A_71, %dma_start3A_72] : memref<10000x128xf32, #tpu.memory_space<hbm>> -> memref<10000x128xf32, #tpu.memory_space<hbm>>
      tpu.enqueue_indirect_dma source(%dma_start3A_73 : memref<10000x128xf32, #tpu.memory_space<hbm>>) target(%dma_start3A_67 : memref<80x128xf32, #tpu.memory_space<vmem>>) offsets(%dma_start3A_70 : memref<80xi32, #tpu.memory_space<vmem>>) semaphore(%arg20 : memref<!tpu.dma_semaphore, #tpu.memory_space<semaphore_mem>>)
    } else {
    }
    %scan3A_44 = arith.constant 0 : i32
    %scan3A_45 = arith.constant 0 : i32
    %scan3A_46 = arith.constant 125 : i32
    %scan3A_47 = arith.addi %scan3A_45, %scan3A_46 : i32
    %scan3A_48 = arith.constant 1 : i32
    %scan3A_49 = scf.for %scan3A_63 = %scan3A_45 to %scan3A_47 step %scan3A_48 iter_args(%scan3A_64 = %scan3A_44) -> (i32)  : i32 {
      %mul3A_65 = arith.constant 2 : i32
      %mul3A_66 = arith.muli %mul3A_65, %scan3A_63 : i32
      %add3A_67 = arith.constant 0 : i32
      %add3A_68 = arith.addi %mul3A_66, %add3A_67 : i32
      %dma_wait3A = arith.constant 0 : i32
      %dma_wait3A_69 = arith.constant 0 : i32
      %dma_wait3A_70 = arith.constant 0 : i32
      %dma_wait3A_71 = arith.constant 0 : i32
      %dma_wait3A_72 = tpu.memref_slice %arg13[%dma_wait3A_69, %dma_wait3A_70, %dma_wait3A_71] : memref<2x80x128xf32, #tpu.memory_space<vmem>> -> memref<1x80x128xf32, #tpu.memory_space<vmem>>
      %dma_wait3A_73 = tpu.memref_squeeze %dma_wait3A_72 : memref<1x80x128xf32, #tpu.memory_space<vmem>> -> memref<80x128xf32, #tpu.memory_space<vmem>>
      %dma_wait3A_74 = arith.constant 0 : i32
      %dma_wait3A_75 = tpu.memref_slice %arg11[%dma_wait3A, %dma_wait3A_74] : memref<2x80xi32, #tpu.memory_space<vmem>> -> memref<1x80xi32, #tpu.memory_space<vmem>>
      %dma_wait3A_76 = tpu.memref_squeeze %dma_wait3A_75 : memref<1x80xi32, #tpu.memory_space<vmem>> -> memref<80xi32, #tpu.memory_space<vmem>>
      %dma_wait3A_77 = arith.constant 0 : i32
      %dma_wait3A_78 = arith.constant 0 : i32
      %dma_wait3A_79 = tpu.memref_slice %arg2[%dma_wait3A_77, %dma_wait3A_78] : memref<10000x128xf32, #tpu.memory_space<hbm>> -> memref<10000x128xf32, #tpu.memory_space<hbm>>
      tpu.wait_indirect_dma semaphore(%arg19 : memref<!tpu.dma_semaphore, #tpu.memory_space<semaphore_mem>>) src(%dma_wait3A_79 : memref<10000x128xf32, #tpu.memory_space<hbm>>) dst(%dma_wait3A_73 : memref<80x128xf32, #tpu.memory_space<vmem>>)
      %run_scoped3A_80 = arith.constant 0 : i32
      %run_scoped3A_81 = arith.constant 0 : i32
      "tpu.region"() ({
        %run_scoped3A_125 = tpu.sem_alloc : memref<!tpu.dma_semaphore, #tpu.memory_space<semaphore_mem>>
        %dma_start3A = arith.constant 0 : i32
        %dma_start3A_126 = arith.constant 0 : i32
        %dma_start3A_127 = tpu.memref_slice %arg13[%run_scoped3A_80, %dma_start3A, %dma_start3A_126] : memref<2x80x128xf32, #tpu.memory_space<vmem>> -> memref<1x80x128xf32, #tpu.memory_space<vmem>>
        %dma_start3A_128 = tpu.memref_squeeze %dma_start3A_127 : memref<1x80x128xf32, #tpu.memory_space<vmem>> -> memref<80x128xf32, #tpu.memory_space<vmem>>
        %dma_start3A_129 = arith.constant 0 : i32
        %dma_start3A_130 = tpu.memref_slice %arg12[%run_scoped3A_81, %dma_start3A_129] : memref<2x80xi32, #tpu.memory_space<vmem>> -> memref<1x80xi32, #tpu.memory_space<vmem>>
        %dma_start3A_131 = tpu.memref_squeeze %dma_start3A_130 : memref<1x80xi32, #tpu.memory_space<vmem>> -> memref<80xi32, #tpu.memory_space<vmem>>
        %dma_start3A_132 = arith.constant 0 : i32
        %dma_start3A_133 = arith.constant 0 : i32
        %dma_start3A_134 = tpu.memref_slice %arg9[%dma_start3A_132, %dma_start3A_133] : memref<10000x128xf32, #tpu.memory_space<vmem_shared>> -> memref<10000x128xf32, #tpu.memory_space<vmem_shared>>
        tpu.enqueue_indirect_dma source(%dma_start3A_128 : memref<80x128xf32, #tpu.memory_space<vmem>>) target(%dma_start3A_134 : memref<10000x128xf32, #tpu.memory_space<vmem_shared>>) offsets(%dma_start3A_131 : memref<80xi32, #tpu.memory_space<vmem>>) semaphore(%run_scoped3A_125 : memref<!tpu.dma_semaphore, #tpu.memory_space<semaphore_mem>>) {add = true}
        %dma_wait3A_135 = arith.constant 0 : i32
        %dma_wait3A_136 = arith.constant 0 : i32
        %dma_wait3A_137 = tpu.memref_slice %arg13[%run_scoped3A_80, %dma_wait3A_135, %dma_wait3A_136] : memref<2x80x128xf32, #tpu.memory_space<vmem>> -> memref<1x80x128xf32, #tpu.memory_space<vmem>>
        %dma_wait3A_138 = tpu.memref_squeeze %dma_wait3A_137 : memref<1x80x128xf32, #tpu.memory_space<vmem>> -> memref<80x128xf32, #tpu.memory_space<vmem>>
        %dma_wait3A_139 = arith.constant 0 : i32
        %dma_wait3A_140 = tpu.memref_slice %arg12[%run_scoped3A_81, %dma_wait3A_139] : memref<2x80xi32, #tpu.memory_space<vmem>> -> memref<1x80xi32, #tpu.memory_space<vmem>>
        %dma_wait3A_141 = tpu.memref_squeeze %dma_wait3A_140 : memref<1x80xi32, #tpu.memory_space<vmem>> -> memref<80xi32, #tpu.memory_space<vmem>>
        %dma_wait3A_142 = arith.constant 0 : i32
        %dma_wait3A_143 = arith.constant 0 : i32
        %dma_wait3A_144 = tpu.memref_slice %arg9[%dma_wait3A_142, %dma_wait3A_143] : memref<10000x128xf32, #tpu.memory_space<vmem_shared>> -> memref<10000x128xf32, #tpu.memory_space<vmem_shared>>
        tpu.wait_indirect_dma semaphore(%run_scoped3A_125 : memref<!tpu.dma_semaphore, #tpu.memory_space<semaphore_mem>>) src(%dma_wait3A_138 : memref<80x128xf32, #tpu.memory_space<vmem>>) dst(%dma_wait3A_144 : memref<10000x128xf32, #tpu.memory_space<vmem_shared>>)
        tpu.yield
      }) : () -> ()
      %eq3A_82 = arith.constant 1 : i32
      %eq3A_83 = arith.cmpi eq, %arg0, %eq3A_82 : i32
      %convert_element_type3A_84 = arith.extui %eq3A_83 : i1 to i32
      %cond3A_85 = arith.constant 0 : i32
      %cond3A_86 = arith.cmpi ne, %convert_element_type3A_84, %cond3A_85 : i32
      scf.if %cond3A_86 {
        %get3A = arith.constant 0 : i32
        %get3A_125 = arith.index_cast %get3A : i32 to index
        %get3A_126 = arith.constant 0 : index
        %get3A_127 = tpu.vector_load %arg12[%get3A_125, %get3A_126] {strides = array<i32>} : memref<2x80xi32, #tpu.memory_space<vmem>>, vector<16xi32>,
        %gather3A = tpu.vector_load_idx %arg16[%get3A_127] : memref<10000xf32, #tpu.memory_space<vmem>>[vector<16xi32>], vector<16xf32>,
        %get3A_128 = arith.constant 0 : i32
        %get3A_129 = arith.index_cast %get3A_128 : i32 to index
        %get3A_130 = arith.constant 0 : index
        %get3A_131 = tpu.vector_load %arg11[%get3A_129, %get3A_130] {strides = array<i32>} : memref<2x80xi32, #tpu.memory_space<vmem>>, vector<16xi32>,
        tpu.vector_store_idx %arg15[%get3A_131], %gather3A {add = true} : memref<10240xf32, #tpu.memory_space<vmem>>[vector<16xi32>], vector<16xf32>,
        %get3A_132 = arith.constant 0 : i32
        %get3A_133 = arith.index_cast %get3A_132 : i32 to index
        %get3A_134 = arith.constant 16 : index
        %get3A_135 = tpu.vector_load %arg12[%get3A_133, %get3A_134] {strides = array<i32>} : memref<2x80xi32, #tpu.memory_space<vmem>>, vector<16xi32>,
        %gather3A_136 = tpu.vector_load_idx %arg16[%get3A_135] : memref<10000xf32, #tpu.memory_space<vmem>>[vector<16xi32>], vector<16xf32>,
        %get3A_137 = arith.constant 0 : i32
        %get3A_138 = arith.index_cast %get3A_137 : i32 to index
        %get3A_139 = arith.constant 16 : index
        %get3A_140 = tpu.vector_load %arg11[%get3A_138, %get3A_139] {strides = array<i32>} : memref<2x80xi32, #tpu.memory_space<vmem>>, vector<16xi32>,
        tpu.vector_store_idx %arg15[%get3A_140], %gather3A_136 {add = true} : memref<10240xf32, #tpu.memory_space<vmem>>[vector<16xi32>], vector<16xf32>,
        %get3A_141 = arith.constant 0 : i32
        %get3A_142 = arith.index_cast %get3A_141 : i32 to index
        %get3A_143 = arith.constant 32 : index
        %get3A_144 = tpu.vector_load %arg12[%get3A_142, %get3A_143] {strides = array<i32>} : memref<2x80xi32, #tpu.memory_space<vmem>>, vector<16xi32>,
        %gather3A_145 = tpu.vector_load_idx %arg16[%get3A_144] : memref<10000xf32, #tpu.memory_space<vmem>>[vector<16xi32>], vector<16xf32>,
        %get3A_146 = arith.constant 0 : i32
        %get3A_147 = arith.index_cast %get3A_146 : i32 to index
        %get3A_148 = arith.constant 32 : index
        %get3A_149 = tpu.vector_load %arg11[%get3A_147, %get3A_148] {strides = array<i32>} : memref<2x80xi32, #tpu.memory_space<vmem>>, vector<16xi32>,
        tpu.vector_store_idx %arg15[%get3A_149], %gather3A_145 {add = true} : memref<10240xf32, #tpu.memory_space<vmem>>[vector<16xi32>], vector<16xf32>,
        %get3A_150 = arith.constant 0 : i32
        %get3A_151 = arith.index_cast %get3A_150 : i32 to index
        %get3A_152 = arith.constant 48 : index
        %get3A_153 = tpu.vector_load %arg12[%get3A_151, %get3A_152] {strides = array<i32>} : memref<2x80xi32, #tpu.memory_space<vmem>>, vector<16xi32>,
        %gather3A_154 = tpu.vector_load_idx %arg16[%get3A_153] : memref<10000xf32, #tpu.memory_space<vmem>>[vector<16xi32>], vector<16xf32>,
        %get3A_155 = arith.constant 0 : i32
        %get3A_156 = arith.index_cast %get3A_155 : i32 to index
        %get3A_157 = arith.constant 48 : index
        %get3A_158 = tpu.vector_load %arg11[%get3A_156, %get3A_157] {strides = array<i32>} : memref<2x80xi32, #tpu.memory_space<vmem>>, vector<16xi32>,
        tpu.vector_store_idx %arg15[%get3A_158], %gather3A_154 {add = true} : memref<10240xf32, #tpu.memory_space<vmem>>[vector<16xi32>], vector<16xf32>,
        %get3A_159 = arith.constant 0 : i32
        %get3A_160 = arith.index_cast %get3A_159 : i32 to index
        %get3A_161 = arith.constant 64 : index
        %get3A_162 = tpu.vector_load %arg12[%get3A_160, %get3A_161] {strides = array<i32>} : memref<2x80xi32, #tpu.memory_space<vmem>>, vector<16xi32>,
        %gather3A_163 = tpu.vector_load_idx %arg16[%get3A_162] : memref<10000xf32, #tpu.memory_space<vmem>>[vector<16xi32>], vector<16xf32>,
        %get3A_164 = arith.constant 0 : i32
        %get3A_165 = arith.index_cast %get3A_164 : i32 to index
        %get3A_166 = arith.constant 64 : index
        %get3A_167 = tpu.vector_load %arg11[%get3A_165, %get3A_166] {strides = array<i32>} : memref<2x80xi32, #tpu.memory_space<vmem>>, vector<16xi32>,
        tpu.vector_store_idx %arg15[%get3A_167], %gather3A_163 {add = true} : memref<10240xf32, #tpu.memory_space<vmem>>[vector<16xi32>], vector<16xf32>,
      } else {
      }
      %add3A_87 = arith.constant 2 : i32
      %add3A_88 = arith.addi %add3A_68, %add3A_87 : i32
      %lt3A_89 = arith.constant 250 : i32
      %lt3A_90 = arith.cmpi slt, %add3A_88, %lt3A_89 : i32
      %convert_element_type3A_91 = arith.extui %lt3A_90 : i1 to i32
      %cond3A_92 = arith.constant 0 : i32
      %cond3A_93 = arith.cmpi ne, %convert_element_type3A_91, %cond3A_92 : i32
      scf.if %cond3A_93 {
        %add3A_125 = arith.constant 2 : i32
        %add3A_126 = arith.addi %add3A_68, %add3A_125 : i32
        %mul3A_127 = arith.constant 80 : i32
        %mul3A_128 = arith.muli %add3A_126, %mul3A_127 : i32
        %add3A_129 = arith.addi %mul3A_18, %mul3A_128 : i32
        %run_scoped3A_130 = arith.constant 0 : i32
        "tpu.region"() ({
          %run_scoped3A_142 = tpu.sem_alloc : memref<!tpu.dma_semaphore, #tpu.memory_space<semaphore_mem>>
          %dma_start3A = arith.constant 0 : i32
          %dma_start3A_143 = tpu.memref_slice %arg11[%run_scoped3A_130, %dma_start3A] : memref<2x80xi32, #tpu.memory_space<vmem>> -> memref<1x80xi32, #tpu.memory_space<vmem>>
          %dma_start3A_144 = tpu.memref_squeeze %dma_start3A_143 : memref<1x80xi32, #tpu.memory_space<vmem>> -> memref<80xi32, #tpu.memory_space<vmem>>
          %dma_start3A_145 = tpu.memref_slice %arg4[%add3A_129] : memref<320000xi32, #tpu.memory_space<hbm>> -> memref<80xi32, #tpu.memory_space<hbm>>
          %dma_start3A_146 = arith.constant 0 : i32
          %dma_start3A_147 = tpu.memref_slice %arg11[%run_scoped3A_130, %dma_start3A_146] : memref<2x80xi32, #tpu.memory_space<vmem>> -> memref<1x80xi32, #tpu.memory_space<vmem>>
          %dma_start3A_148 = tpu.memref_squeeze %dma_start3A_147 : memref<1x80xi32, #tpu.memory_space<vmem>> -> memref<80xi32, #tpu.memory_space<vmem>>
          %dma_start3A_149 = tpu.memref_slice %arg4[%add3A_129] : memref<320000xi32, #tpu.memory_space<hbm>> -> memref<80xi32, #tpu.memory_space<hbm>>
          tpu.enqueue_dma source(%dma_start3A_149 : memref<80xi32, #tpu.memory_space<hbm>>) target(%dma_start3A_148 : memref<80xi32, #tpu.memory_space<vmem>>) target_semaphore(%run_scoped3A_142 : memref<!tpu.dma_semaphore, #tpu.memory_space<semaphore_mem>>)
          %dma_wait3A_150 = arith.constant 0 : i32
          %dma_wait3A_151 = tpu.memref_slice %arg11[%run_scoped3A_130, %dma_wait3A_150] : memref<2x80xi32, #tpu.memory_space<vmem>> -> memref<1x80xi32, #tpu.memory_space<vmem>>
          %dma_wait3A_152 = tpu.memref_squeeze %dma_wait3A_151 : memref<1x80xi32, #tpu.memory_space<vmem>> -> memref<80xi32, #tpu.memory_space<vmem>>
          %dma_wait3A_153 = tpu.memref_slice %arg4[%add3A_129] : memref<320000xi32, #tpu.memory_space<hbm>> -> memref<80xi32, #tpu.memory_space<hbm>>
          %dma_wait3A_154 = arith.constant 0 : i32
          %dma_wait3A_155 = tpu.memref_slice %arg11[%run_scoped3A_130, %dma_wait3A_154] : memref<2x80xi32, #tpu.memory_space<vmem>> -> memref<1x80xi32, #tpu.memory_space<vmem>>
          %dma_wait3A_156 = tpu.memref_squeeze %dma_wait3A_155 : memref<1x80xi32, #tpu.memory_space<vmem>> -> memref<80xi32, #tpu.memory_space<vmem>>
          %dma_wait3A_157 = tpu.memref_slice %arg4[%add3A_129] : memref<320000xi32, #tpu.memory_space<hbm>> -> memref<80xi32, #tpu.memory_space<hbm>>
          tpu.wait_dma2 semaphore(%run_scoped3A_142 : memref<!tpu.dma_semaphore, #tpu.memory_space<semaphore_mem>>) src(%dma_wait3A_157 : memref<80xi32, #tpu.memory_space<hbm>>) dst(%dma_wait3A_156 : memref<80xi32, #tpu.memory_space<vmem>>)
          tpu.yield
        }) : () -> ()
        %run_scoped3A_131 = arith.constant 0 : i32
        "tpu.region"() ({
          %run_scoped3A_142 = tpu.sem_alloc : memref<!tpu.dma_semaphore, #tpu.memory_space<semaphore_mem>>
          %dma_start3A = arith.constant 0 : i32
          %dma_start3A_143 = tpu.memref_slice %arg12[%run_scoped3A_131, %dma_start3A] : memref<2x80xi32, #tpu.memory_space<vmem>> -> memref<1x80xi32, #tpu.memory_space<vmem>>
          %dma_start3A_144 = tpu.memref_squeeze %dma_start3A_143 : memref<1x80xi32, #tpu.memory_space<vmem>> -> memref<80xi32, #tpu.memory_space<vmem>>
          %dma_start3A_145 = tpu.memref_slice %arg5[%add3A_129] : memref<320000xi32, #tpu.memory_space<hbm>> -> memref<80xi32, #tpu.memory_space<hbm>>
          %dma_start3A_146 = arith.constant 0 : i32
          %dma_start3A_147 = tpu.memref_slice %arg12[%run_scoped3A_131, %dma_start3A_146] : memref<2x80xi32, #tpu.memory_space<vmem>> -> memref<1x80xi32, #tpu.memory_space<vmem>>
          %dma_start3A_148 = tpu.memref_squeeze %dma_start3A_147 : memref<1x80xi32, #tpu.memory_space<vmem>> -> memref<80xi32, #tpu.memory_space<vmem>>
          %dma_start3A_149 = tpu.memref_slice %arg5[%add3A_129] : memref<320000xi32, #tpu.memory_space<hbm>> -> memref<80xi32, #tpu.memory_space<hbm>>
          tpu.enqueue_dma source(%dma_start3A_149 : memref<80xi32, #tpu.memory_space<hbm>>) target(%dma_start3A_148 : memref<80xi32, #tpu.memory_space<vmem>>) target_semaphore(%run_scoped3A_142 : memref<!tpu.dma_semaphore, #tpu.memory_space<semaphore_mem>>)
          %dma_wait3A_150 = arith.constant 0 : i32
          %dma_wait3A_151 = tpu.memref_slice %arg12[%run_scoped3A_131, %dma_wait3A_150] : memref<2x80xi32, #tpu.memory_space<vmem>> -> memref<1x80xi32, #tpu.memory_space<vmem>>
          %dma_wait3A_152 = tpu.memref_squeeze %dma_wait3A_151 : memref<1x80xi32, #tpu.memory_space<vmem>> -> memref<80xi32, #tpu.memory_space<vmem>>
          %dma_wait3A_153 = tpu.memref_slice %arg5[%add3A_129] : memref<320000xi32, #tpu.memory_space<hbm>> -> memref<80xi32, #tpu.memory_space<hbm>>
          %dma_wait3A_154 = arith.constant 0 : i32
          %dma_wait3A_155 = tpu.memref_slice %arg12[%run_scoped3A_131, %dma_wait3A_154] : memref<2x80xi32, #tpu.memory_space<vmem>> -> memref<1x80xi32, #tpu.memory_space<vmem>>
          %dma_wait3A_156 = tpu.memref_squeeze %dma_wait3A_155 : memref<1x80xi32, #tpu.memory_space<vmem>> -> memref<80xi32, #tpu.memory_space<vmem>>
          %dma_wait3A_157 = tpu.memref_slice %arg5[%add3A_129] : memref<320000xi32, #tpu.memory_space<hbm>> -> memref<80xi32, #tpu.memory_space<hbm>>
          tpu.wait_dma2 semaphore(%run_scoped3A_142 : memref<!tpu.dma_semaphore, #tpu.memory_space<semaphore_mem>>) src(%dma_wait3A_157 : memref<80xi32, #tpu.memory_space<hbm>>) dst(%dma_wait3A_156 : memref<80xi32, #tpu.memory_space<vmem>>)
          tpu.yield
        }) : () -> ()
        %eq3A_132 = arith.constant 0 : i32
        %eq3A_133 = arith.cmpi eq, %arg0, %eq3A_132 : i32
        %convert_element_type3A_134 = arith.extui %eq3A_133 : i1 to i32
        %cond3A_135 = arith.constant 0 : i32
        %cond3A_136 = arith.cmpi ne, %convert_element_type3A_134, %cond3A_135 : i32
        scf.if %cond3A_136 {
          %dma_start3A = arith.constant 0 : i32
          %dma_start3A_142 = arith.constant 0 : i32
          %dma_start3A_143 = arith.constant 0 : i32
          %dma_start3A_144 = arith.constant 0 : i32
          %dma_start3A_145 = tpu.memref_slice %arg13[%dma_start3A_142, %dma_start3A_143, %dma_start3A_144] : memref<2x80x128xf32, #tpu.memory_space<vmem>> -> memref<1x80x128xf32, #tpu.memory_space<vmem>>
          %dma_start3A_146 = tpu.memref_squeeze %dma_start3A_145 : memref<1x80x128xf32, #tpu.memory_space<vmem>> -> memref<80x128xf32, #tpu.memory_space<vmem>>
          %dma_start3A_147 = arith.constant 0 : i32
          %dma_start3A_148 = tpu.memref_slice %arg11[%dma_start3A, %dma_start3A_147] : memref<2x80xi32, #tpu.memory_space<vmem>> -> memref<1x80xi32, #tpu.memory_space<vmem>>
          %dma_start3A_149 = tpu.memref_squeeze %dma_start3A_148 : memref<1x80xi32, #tpu.memory_space<vmem>> -> memref<80xi32, #tpu.memory_space<vmem>>
          %dma_start3A_150 = arith.constant 0 : i32
          %dma_start3A_151 = arith.constant 0 : i32
          %dma_start3A_152 = tpu.memref_slice %arg2[%dma_start3A_150, %dma_start3A_151] : memref<10000x128xf32, #tpu.memory_space<hbm>> -> memref<10000x128xf32, #tpu.memory_space<hbm>>
          tpu.enqueue_indirect_dma source(%dma_start3A_152 : memref<10000x128xf32, #tpu.memory_space<hbm>>) target(%dma_start3A_146 : memref<80x128xf32, #tpu.memory_space<vmem>>) offsets(%dma_start3A_149 : memref<80xi32, #tpu.memory_space<vmem>>) semaphore(%arg19 : memref<!tpu.dma_semaphore, #tpu.memory_space<semaphore_mem>>)
        } else {
        }
        %eq3A_137 = arith.constant 1 : i32
        %eq3A_138 = arith.cmpi eq, %arg0, %eq3A_137 : i32
        %convert_element_type3A_139 = arith.extui %eq3A_138 : i1 to i32
        %cond3A_140 = arith.constant 0 : i32
        %cond3A_141 = arith.cmpi ne, %convert_element_type3A_139, %cond3A_140 : i32
        scf.if %cond3A_141 {
          %dma_start3A = arith.constant 0 : i32
          %dma_start3A_142 = arith.constant 0 : i32
          %dma_start3A_143 = arith.constant 0 : i32
          %dma_start3A_144 = arith.constant 0 : i32
          %dma_start3A_145 = tpu.memref_slice %arg13[%dma_start3A_142, %dma_start3A_143, %dma_start3A_144] : memref<2x80x128xf32, #tpu.memory_space<vmem>> -> memref<1x80x128xf32, #tpu.memory_space<vmem>>
          %dma_start3A_146 = tpu.memref_squeeze %dma_start3A_145 : memref<1x80x128xf32, #tpu.memory_space<vmem>> -> memref<80x128xf32, #tpu.memory_space<vmem>>
          %dma_start3A_147 = arith.constant 0 : i32
          %dma_start3A_148 = tpu.memref_slice %arg11[%dma_start3A, %dma_start3A_147] : memref<2x80xi32, #tpu.memory_space<vmem>> -> memref<1x80xi32, #tpu.memory_space<vmem>>
          %dma_start3A_149 = tpu.memref_squeeze %dma_start3A_148 : memref<1x80xi32, #tpu.memory_space<vmem>> -> memref<80xi32, #tpu.memory_space<vmem>>
          %dma_start3A_150 = arith.constant 0 : i32
          %dma_start3A_151 = arith.constant 0 : i32
          %dma_start3A_152 = tpu.memref_slice %arg3[%dma_start3A_150, %dma_start3A_151] : memref<10000x128xf32, #tpu.memory_space<hbm>> -> memref<10000x128xf32, #tpu.memory_space<hbm>>
          tpu.enqueue_indirect_dma source(%dma_start3A_152 : memref<10000x128xf32, #tpu.memory_space<hbm>>) target(%dma_start3A_146 : memref<80x128xf32, #tpu.memory_space<vmem>>) offsets(%dma_start3A_149 : memref<80xi32, #tpu.memory_space<vmem>>) semaphore(%arg19 : memref<!tpu.dma_semaphore, #tpu.memory_space<semaphore_mem>>)
        } else {
        }
      } else {
      }
      %mul3A_94 = arith.constant 2 : i32
      %mul3A_95 = arith.muli %mul3A_94, %scan3A_63 : i32
      %add3A_96 = arith.constant 1 : i32
      %add3A_97 = arith.addi %mul3A_95, %add3A_96 : i32
      %dma_wait3A_98 = arith.constant 1 : i32
      %dma_wait3A_99 = arith.constant 1 : i32
      %dma_wait3A_100 = arith.constant 0 : i32
      %dma_wait3A_101 = arith.constant 0 : i32
      %dma_wait3A_102 = tpu.memref_slice %arg13[%dma_wait3A_99, %dma_wait3A_100, %dma_wait3A_101] : memref<2x80x128xf32, #tpu.memory_space<vmem>> -> memref<1x80x128xf32, #tpu.memory_space<vmem>>
      %dma_wait3A_103 = tpu.memref_squeeze %dma_wait3A_102 : memref<1x80x128xf32, #tpu.memory_space<vmem>> -> memref<80x128xf32, #tpu.memory_space<vmem>>
      %dma_wait3A_104 = arith.constant 0 : i32
      %dma_wait3A_105 = tpu.memref_slice %arg11[%dma_wait3A_98, %dma_wait3A_104] : memref<2x80xi32, #tpu.memory_space<vmem>> -> memref<1x80xi32, #tpu.memory_space<vmem>>
      %dma_wait3A_106 = tpu.memref_squeeze %dma_wait3A_105 : memref<1x80xi32, #tpu.memory_space<vmem>> -> memref<80xi32, #tpu.memory_space<vmem>>
      %dma_wait3A_107 = arith.constant 0 : i32
      %dma_wait3A_108 = arith.constant 0 : i32
      %dma_wait3A_109 = tpu.memref_slice %arg2[%dma_wait3A_107, %dma_wait3A_108] : memref<10000x128xf32, #tpu.memory_space<hbm>> -> memref<10000x128xf32, #tpu.memory_space<hbm>>
      tpu.wait_indirect_dma semaphore(%arg20 : memref<!tpu.dma_semaphore, #tpu.memory_space<semaphore_mem>>) src(%dma_wait3A_109 : memref<10000x128xf32, #tpu.memory_space<hbm>>) dst(%dma_wait3A_103 : memref<80x128xf32, #tpu.memory_space<vmem>>)
      %run_scoped3A_110 = arith.constant 1 : i32
      %run_scoped3A_111 = arith.constant 1 : i32
      "tpu.region"() ({
        %run_scoped3A_125 = tpu.sem_alloc : memref<!tpu.dma_semaphore, #tpu.memory_space<semaphore_mem>>
        %dma_start3A = arith.constant 0 : i32
        %dma_start3A_126 = arith.constant 0 : i32
        %dma_start3A_127 = tpu.memref_slice %arg13[%run_scoped3A_110, %dma_start3A, %dma_start3A_126] : memref<2x80x128xf32, #tpu.memory_space<vmem>> -> memref<1x80x128xf32, #tpu.memory_space<vmem>>
        %dma_start3A_128 = tpu.memref_squeeze %dma_start3A_127 : memref<1x80x128xf32, #tpu.memory_space<vmem>> -> memref<80x128xf32, #tpu.memory_space<vmem>>
        %dma_start3A_129 = arith.constant 0 : i32
        %dma_start3A_130 = tpu.memref_slice %arg12[%run_scoped3A_111, %dma_start3A_129] : memref<2x80xi32, #tpu.memory_space<vmem>> -> memref<1x80xi32, #tpu.memory_space<vmem>>
        %dma_start3A_131 = tpu.memref_squeeze %dma_start3A_130 : memref<1x80xi32, #tpu.memory_space<vmem>> -> memref<80xi32, #tpu.memory_space<vmem>>
        %dma_start3A_132 = arith.constant 0 : i32
        %dma_start3A_133 = arith.constant 0 : i32
        %dma_start3A_134 = tpu.memref_slice %arg9[%dma_start3A_132, %dma_start3A_133] : memref<10000x128xf32, #tpu.memory_space<vmem_shared>> -> memref<10000x128xf32, #tpu.memory_space<vmem_shared>>
        tpu.enqueue_indirect_dma source(%dma_start3A_128 : memref<80x128xf32, #tpu.memory_space<vmem>>) target(%dma_start3A_134 : memref<10000x128xf32, #tpu.memory_space<vmem_shared>>) offsets(%dma_start3A_131 : memref<80xi32, #tpu.memory_space<vmem>>) semaphore(%run_scoped3A_125 : memref<!tpu.dma_semaphore, #tpu.memory_space<semaphore_mem>>) {add = true}
        %dma_wait3A_135 = arith.constant 0 : i32
        %dma_wait3A_136 = arith.constant 0 : i32
        %dma_wait3A_137 = tpu.memref_slice %arg13[%run_scoped3A_110, %dma_wait3A_135, %dma_wait3A_136] : memref<2x80x128xf32, #tpu.memory_space<vmem>> -> memref<1x80x128xf32, #tpu.memory_space<vmem>>
        %dma_wait3A_138 = tpu.memref_squeeze %dma_wait3A_137 : memref<1x80x128xf32, #tpu.memory_space<vmem>> -> memref<80x128xf32, #tpu.memory_space<vmem>>
        %dma_wait3A_139 = arith.constant 0 : i32
        %dma_wait3A_140 = tpu.memref_slice %arg12[%run_scoped3A_111, %dma_wait3A_139] : memref<2x80xi32, #tpu.memory_space<vmem>> -> memref<1x80xi32, #tpu.memory_space<vmem>>
        %dma_wait3A_141 = tpu.memref_squeeze %dma_wait3A_140 : memref<1x80xi32, #tpu.memory_space<vmem>> -> memref<80xi32, #tpu.memory_space<vmem>>
        %dma_wait3A_142 = arith.constant 0 : i32
        %dma_wait3A_143 = arith.constant 0 : i32
        %dma_wait3A_144 = tpu.memref_slice %arg9[%dma_wait3A_142, %dma_wait3A_143] : memref<10000x128xf32, #tpu.memory_space<vmem_shared>> -> memref<10000x128xf32, #tpu.memory_space<vmem_shared>>
        tpu.wait_indirect_dma semaphore(%run_scoped3A_125 : memref<!tpu.dma_semaphore, #tpu.memory_space<semaphore_mem>>) src(%dma_wait3A_138 : memref<80x128xf32, #tpu.memory_space<vmem>>) dst(%dma_wait3A_144 : memref<10000x128xf32, #tpu.memory_space<vmem_shared>>)
        tpu.yield
      }) : () -> ()
      %eq3A_112 = arith.constant 1 : i32
      %eq3A_113 = arith.cmpi eq, %arg0, %eq3A_112 : i32
      %convert_element_type3A_114 = arith.extui %eq3A_113 : i1 to i32
      %cond3A_115 = arith.constant 0 : i32
      %cond3A_116 = arith.cmpi ne, %convert_element_type3A_114, %cond3A_115 : i32
      scf.if %cond3A_116 {
        %get3A = arith.constant 1 : i32
        %get3A_125 = arith.index_cast %get3A : i32 to index
        %get3A_126 = arith.constant 0 : index
        %get3A_127 = tpu.vector_load %arg12[%get3A_125, %get3A_126] {strides = array<i32>} : memref<2x80xi32, #tpu.memory_space<vmem>>, vector<16xi32>,
        %gather3A = tpu.vector_load_idx %arg16[%get3A_127] : memref<10000xf32, #tpu.memory_space<vmem>>[vector<16xi32>], vector<16xf32>,
        %get3A_128 = arith.constant 1 : i32
        %get3A_129 = arith.index_cast %get3A_128 : i32 to index
        %get3A_130 = arith.constant 0 : index
        %get3A_131 = tpu.vector_load %arg11[%get3A_129, %get3A_130] {strides = array<i32>} : memref<2x80xi32, #tpu.memory_space<vmem>>, vector<16xi32>,
        tpu.vector_store_idx %arg15[%get3A_131], %gather3A {add = true} : memref<10240xf32, #tpu.memory_space<vmem>>[vector<16xi32>], vector<16xf32>,
        %get3A_132 = arith.constant 1 : i32
        %get3A_133 = arith.index_cast %get3A_132 : i32 to index
        %get3A_134 = arith.constant 16 : index
        %get3A_135 = tpu.vector_load %arg12[%get3A_133, %get3A_134] {strides = array<i32>} : memref<2x80xi32, #tpu.memory_space<vmem>>, vector<16xi32>,
        %gather3A_136 = tpu.vector_load_idx %arg16[%get3A_135] : memref<10000xf32, #tpu.memory_space<vmem>>[vector<16xi32>], vector<16xf32>,
        %get3A_137 = arith.constant 1 : i32
        %get3A_138 = arith.index_cast %get3A_137 : i32 to index
        %get3A_139 = arith.constant 16 : index
        %get3A_140 = tpu.vector_load %arg11[%get3A_138, %get3A_139] {strides = array<i32>} : memref<2x80xi32, #tpu.memory_space<vmem>>, vector<16xi32>,
        tpu.vector_store_idx %arg15[%get3A_140], %gather3A_136 {add = true} : memref<10240xf32, #tpu.memory_space<vmem>>[vector<16xi32>], vector<16xf32>,
        %get3A_141 = arith.constant 1 : i32
        %get3A_142 = arith.index_cast %get3A_141 : i32 to index
        %get3A_143 = arith.constant 32 : index
        %get3A_144 = tpu.vector_load %arg12[%get3A_142, %get3A_143] {strides = array<i32>} : memref<2x80xi32, #tpu.memory_space<vmem>>, vector<16xi32>,
        %gather3A_145 = tpu.vector_load_idx %arg16[%get3A_144] : memref<10000xf32, #tpu.memory_space<vmem>>[vector<16xi32>], vector<16xf32>,
        %get3A_146 = arith.constant 1 : i32
        %get3A_147 = arith.index_cast %get3A_146 : i32 to index
        %get3A_148 = arith.constant 32 : index
        %get3A_149 = tpu.vector_load %arg11[%get3A_147, %get3A_148] {strides = array<i32>} : memref<2x80xi32, #tpu.memory_space<vmem>>, vector<16xi32>,
        tpu.vector_store_idx %arg15[%get3A_149], %gather3A_145 {add = true} : memref<10240xf32, #tpu.memory_space<vmem>>[vector<16xi32>], vector<16xf32>,
        %get3A_150 = arith.constant 1 : i32
        %get3A_151 = arith.index_cast %get3A_150 : i32 to index
        %get3A_152 = arith.constant 48 : index
        %get3A_153 = tpu.vector_load %arg12[%get3A_151, %get3A_152] {strides = array<i32>} : memref<2x80xi32, #tpu.memory_space<vmem>>, vector<16xi32>,
        %gather3A_154 = tpu.vector_load_idx %arg16[%get3A_153] : memref<10000xf32, #tpu.memory_space<vmem>>[vector<16xi32>], vector<16xf32>,
        %get3A_155 = arith.constant 1 : i32
        %get3A_156 = arith.index_cast %get3A_155 : i32 to index
        %get3A_157 = arith.constant 48 : index
        %get3A_158 = tpu.vector_load %arg11[%get3A_156, %get3A_157] {strides = array<i32>} : memref<2x80xi32, #tpu.memory_space<vmem>>, vector<16xi32>,
        tpu.vector_store_idx %arg15[%get3A_158], %gather3A_154 {add = true} : memref<10240xf32, #tpu.memory_space<vmem>>[vector<16xi32>], vector<16xf32>,
        %get3A_159 = arith.constant 1 : i32
        %get3A_160 = arith.index_cast %get3A_159 : i32 to index
        %get3A_161 = arith.constant 64 : index
        %get3A_162 = tpu.vector_load %arg12[%get3A_160, %get3A_161] {strides = array<i32>} : memref<2x80xi32, #tpu.memory_space<vmem>>, vector<16xi32>,
        %gather3A_163 = tpu.vector_load_idx %arg16[%get3A_162] : memref<10000xf32, #tpu.memory_space<vmem>>[vector<16xi32>], vector<16xf32>,
        %get3A_164 = arith.constant 1 : i32
        %get3A_165 = arith.index_cast %get3A_164 : i32 to index
        %get3A_166 = arith.constant 64 : index
        %get3A_167 = tpu.vector_load %arg11[%get3A_165, %get3A_166] {strides = array<i32>} : memref<2x80xi32, #tpu.memory_space<vmem>>, vector<16xi32>,
        tpu.vector_store_idx %arg15[%get3A_167], %gather3A_163 {add = true} : memref<10240xf32, #tpu.memory_space<vmem>>[vector<16xi32>], vector<16xf32>,
      } else {
      }
      %add3A_117 = arith.constant 2 : i32
      %add3A_118 = arith.addi %add3A_97, %add3A_117 : i32
      %lt3A_119 = arith.constant 250 : i32
      %lt3A_120 = arith.cmpi slt, %add3A_118, %lt3A_119 : i32
      %convert_element_type3A_121 = arith.extui %lt3A_120 : i1 to i32
      %cond3A_122 = arith.constant 0 : i32
      %cond3A_123 = arith.cmpi ne, %convert_element_type3A_121, %cond3A_122 : i32
      scf.if %cond3A_123 {
        %add3A_125 = arith.constant 2 : i32
        %add3A_126 = arith.addi %add3A_97, %add3A_125 : i32
        %mul3A_127 = arith.constant 80 : i32
        %mul3A_128 = arith.muli %add3A_126, %mul3A_127 : i32
        %add3A_129 = arith.addi %mul3A_18, %mul3A_128 : i32
        %run_scoped3A_130 = arith.constant 1 : i32
        "tpu.region"() ({
          %run_scoped3A_142 = tpu.sem_alloc : memref<!tpu.dma_semaphore, #tpu.memory_space<semaphore_mem>>
          %dma_start3A = arith.constant 0 : i32
          %dma_start3A_143 = tpu.memref_slice %arg11[%run_scoped3A_130, %dma_start3A] : memref<2x80xi32, #tpu.memory_space<vmem>> -> memref<1x80xi32, #tpu.memory_space<vmem>>
          %dma_start3A_144 = tpu.memref_squeeze %dma_start3A_143 : memref<1x80xi32, #tpu.memory_space<vmem>> -> memref<80xi32, #tpu.memory_space<vmem>>
          %dma_start3A_145 = tpu.memref_slice %arg4[%add3A_129] : memref<320000xi32, #tpu.memory_space<hbm>> -> memref<80xi32, #tpu.memory_space<hbm>>
          %dma_start3A_146 = arith.constant 0 : i32
          %dma_start3A_147 = tpu.memref_slice %arg11[%run_scoped3A_130, %dma_start3A_146] : memref<2x80xi32, #tpu.memory_space<vmem>> -> memref<1x80xi32, #tpu.memory_space<vmem>>
          %dma_start3A_148 = tpu.memref_squeeze %dma_start3A_147 : memref<1x80xi32, #tpu.memory_space<vmem>> -> memref<80xi32, #tpu.memory_space<vmem>>
          %dma_start3A_149 = tpu.memref_slice %arg4[%add3A_129] : memref<320000xi32, #tpu.memory_space<hbm>> -> memref<80xi32, #tpu.memory_space<hbm>>
          tpu.enqueue_dma source(%dma_start3A_149 : memref<80xi32, #tpu.memory_space<hbm>>) target(%dma_start3A_148 : memref<80xi32, #tpu.memory_space<vmem>>) target_semaphore(%run_scoped3A_142 : memref<!tpu.dma_semaphore, #tpu.memory_space<semaphore_mem>>)
          %dma_wait3A_150 = arith.constant 0 : i32
          %dma_wait3A_151 = tpu.memref_slice %arg11[%run_scoped3A_130, %dma_wait3A_150] : memref<2x80xi32, #tpu.memory_space<vmem>> -> memref<1x80xi32, #tpu.memory_space<vmem>>
          %dma_wait3A_152 = tpu.memref_squeeze %dma_wait3A_151 : memref<1x80xi32, #tpu.memory_space<vmem>> -> memref<80xi32, #tpu.memory_space<vmem>>
          %dma_wait3A_153 = tpu.memref_slice %arg4[%add3A_129] : memref<320000xi32, #tpu.memory_space<hbm>> -> memref<80xi32, #tpu.memory_space<hbm>>
          %dma_wait3A_154 = arith.constant 0 : i32
          %dma_wait3A_155 = tpu.memref_slice %arg11[%run_scoped3A_130, %dma_wait3A_154] : memref<2x80xi32, #tpu.memory_space<vmem>> -> memref<1x80xi32, #tpu.memory_space<vmem>>
          %dma_wait3A_156 = tpu.memref_squeeze %dma_wait3A_155 : memref<1x80xi32, #tpu.memory_space<vmem>> -> memref<80xi32, #tpu.memory_space<vmem>>
          %dma_wait3A_157 = tpu.memref_slice %arg4[%add3A_129] : memref<320000xi32, #tpu.memory_space<hbm>> -> memref<80xi32, #tpu.memory_space<hbm>>
          tpu.wait_dma2 semaphore(%run_scoped3A_142 : memref<!tpu.dma_semaphore, #tpu.memory_space<semaphore_mem>>) src(%dma_wait3A_157 : memref<80xi32, #tpu.memory_space<hbm>>) dst(%dma_wait3A_156 : memref<80xi32, #tpu.memory_space<vmem>>)
          tpu.yield
        }) : () -> ()
        %run_scoped3A_131 = arith.constant 1 : i32
        "tpu.region"() ({
          %run_scoped3A_142 = tpu.sem_alloc : memref<!tpu.dma_semaphore, #tpu.memory_space<semaphore_mem>>
          %dma_start3A = arith.constant 0 : i32
          %dma_start3A_143 = tpu.memref_slice %arg12[%run_scoped3A_131, %dma_start3A] : memref<2x80xi32, #tpu.memory_space<vmem>> -> memref<1x80xi32, #tpu.memory_space<vmem>>
          %dma_start3A_144 = tpu.memref_squeeze %dma_start3A_143 : memref<1x80xi32, #tpu.memory_space<vmem>> -> memref<80xi32, #tpu.memory_space<vmem>>
          %dma_start3A_145 = tpu.memref_slice %arg5[%add3A_129] : memref<320000xi32, #tpu.memory_space<hbm>> -> memref<80xi32, #tpu.memory_space<hbm>>
          %dma_start3A_146 = arith.constant 0 : i32
          %dma_start3A_147 = tpu.memref_slice %arg12[%run_scoped3A_131, %dma_start3A_146] : memref<2x80xi32, #tpu.memory_space<vmem>> -> memref<1x80xi32, #tpu.memory_space<vmem>>
          %dma_start3A_148 = tpu.memref_squeeze %dma_start3A_147 : memref<1x80xi32, #tpu.memory_space<vmem>> -> memref<80xi32, #tpu.memory_space<vmem>>
          %dma_start3A_149 = tpu.memref_slice %arg5[%add3A_129] : memref<320000xi32, #tpu.memory_space<hbm>> -> memref<80xi32, #tpu.memory_space<hbm>>
          tpu.enqueue_dma source(%dma_start3A_149 : memref<80xi32, #tpu.memory_space<hbm>>) target(%dma_start3A_148 : memref<80xi32, #tpu.memory_space<vmem>>) target_semaphore(%run_scoped3A_142 : memref<!tpu.dma_semaphore, #tpu.memory_space<semaphore_mem>>)
          %dma_wait3A_150 = arith.constant 0 : i32
          %dma_wait3A_151 = tpu.memref_slice %arg12[%run_scoped3A_131, %dma_wait3A_150] : memref<2x80xi32, #tpu.memory_space<vmem>> -> memref<1x80xi32, #tpu.memory_space<vmem>>
          %dma_wait3A_152 = tpu.memref_squeeze %dma_wait3A_151 : memref<1x80xi32, #tpu.memory_space<vmem>> -> memref<80xi32, #tpu.memory_space<vmem>>
          %dma_wait3A_153 = tpu.memref_slice %arg5[%add3A_129] : memref<320000xi32, #tpu.memory_space<hbm>> -> memref<80xi32, #tpu.memory_space<hbm>>
          %dma_wait3A_154 = arith.constant 0 : i32
          %dma_wait3A_155 = tpu.memref_slice %arg12[%run_scoped3A_131, %dma_wait3A_154] : memref<2x80xi32, #tpu.memory_space<vmem>> -> memref<1x80xi32, #tpu.memory_space<vmem>>
          %dma_wait3A_156 = tpu.memref_squeeze %dma_wait3A_155 : memref<1x80xi32, #tpu.memory_space<vmem>> -> memref<80xi32, #tpu.memory_space<vmem>>
          %dma_wait3A_157 = tpu.memref_slice %arg5[%add3A_129] : memref<320000xi32, #tpu.memory_space<hbm>> -> memref<80xi32, #tpu.memory_space<hbm>>
          tpu.wait_dma2 semaphore(%run_scoped3A_142 : memref<!tpu.dma_semaphore, #tpu.memory_space<semaphore_mem>>) src(%dma_wait3A_157 : memref<80xi32, #tpu.memory_space<hbm>>) dst(%dma_wait3A_156 : memref<80xi32, #tpu.memory_space<vmem>>)
          tpu.yield
        }) : () -> ()
        %eq3A_132 = arith.constant 0 : i32
        %eq3A_133 = arith.cmpi eq, %arg0, %eq3A_132 : i32
        %convert_element_type3A_134 = arith.extui %eq3A_133 : i1 to i32
        %cond3A_135 = arith.constant 0 : i32
        %cond3A_136 = arith.cmpi ne, %convert_element_type3A_134, %cond3A_135 : i32
        scf.if %cond3A_136 {
          %dma_start3A = arith.constant 1 : i32
          %dma_start3A_142 = arith.constant 1 : i32
          %dma_start3A_143 = arith.constant 0 : i32
          %dma_start3A_144 = arith.constant 0 : i32
          %dma_start3A_145 = tpu.memref_slice %arg13[%dma_start3A_142, %dma_start3A_143, %dma_start3A_144] : memref<2x80x128xf32, #tpu.memory_space<vmem>> -> memref<1x80x128xf32, #tpu.memory_space<vmem>>
          %dma_start3A_146 = tpu.memref_squeeze %dma_start3A_145 : memref<1x80x128xf32, #tpu.memory_space<vmem>> -> memref<80x128xf32, #tpu.memory_space<vmem>>
          %dma_start3A_147 = arith.constant 0 : i32
          %dma_start3A_148 = tpu.memref_slice %arg11[%dma_start3A, %dma_start3A_147] : memref<2x80xi32, #tpu.memory_space<vmem>> -> memref<1x80xi32, #tpu.memory_space<vmem>>
          %dma_start3A_149 = tpu.memref_squeeze %dma_start3A_148 : memref<1x80xi32, #tpu.memory_space<vmem>> -> memref<80xi32, #tpu.memory_space<vmem>>
          %dma_start3A_150 = arith.constant 0 : i32
          %dma_start3A_151 = arith.constant 0 : i32
          %dma_start3A_152 = tpu.memref_slice %arg2[%dma_start3A_150, %dma_start3A_151] : memref<10000x128xf32, #tpu.memory_space<hbm>> -> memref<10000x128xf32, #tpu.memory_space<hbm>>
          tpu.enqueue_indirect_dma source(%dma_start3A_152 : memref<10000x128xf32, #tpu.memory_space<hbm>>) target(%dma_start3A_146 : memref<80x128xf32, #tpu.memory_space<vmem>>) offsets(%dma_start3A_149 : memref<80xi32, #tpu.memory_space<vmem>>) semaphore(%arg20 : memref<!tpu.dma_semaphore, #tpu.memory_space<semaphore_mem>>)
        } else {
        }
        %eq3A_137 = arith.constant 1 : i32
        %eq3A_138 = arith.cmpi eq, %arg0, %eq3A_137 : i32
        %convert_element_type3A_139 = arith.extui %eq3A_138 : i1 to i32
        %cond3A_140 = arith.constant 0 : i32
        %cond3A_141 = arith.cmpi ne, %convert_element_type3A_139, %cond3A_140 : i32
        scf.if %cond3A_141 {
          %dma_start3A = arith.constant 1 : i32
          %dma_start3A_142 = arith.constant 1 : i32
          %dma_start3A_143 = arith.constant 0 : i32
          %dma_start3A_144 = arith.constant 0 : i32
          %dma_start3A_145 = tpu.memref_slice %arg13[%dma_start3A_142, %dma_start3A_143, %dma_start3A_144] : memref<2x80x128xf32, #tpu.memory_space<vmem>> -> memref<1x80x128xf32, #tpu.memory_space<vmem>>
          %dma_start3A_146 = tpu.memref_squeeze %dma_start3A_145 : memref<1x80x128xf32, #tpu.memory_space<vmem>> -> memref<80x128xf32, #tpu.memory_space<vmem>>
          %dma_start3A_147 = arith.constant 0 : i32
          %dma_start3A_148 = tpu.memref_slice %arg11[%dma_start3A, %dma_start3A_147] : memref<2x80xi32, #tpu.memory_space<vmem>> -> memref<1x80xi32, #tpu.memory_space<vmem>>
          %dma_start3A_149 = tpu.memref_squeeze %dma_start3A_148 : memref<1x80xi32, #tpu.memory_space<vmem>> -> memref<80xi32, #tpu.memory_space<vmem>>
          %dma_start3A_150 = arith.constant 0 : i32
          %dma_start3A_151 = arith.constant 0 : i32
          %dma_start3A_152 = tpu.memref_slice %arg3[%dma_start3A_150, %dma_start3A_151] : memref<10000x128xf32, #tpu.memory_space<hbm>> -> memref<10000x128xf32, #tpu.memory_space<hbm>>
          tpu.enqueue_indirect_dma source(%dma_start3A_152 : memref<10000x128xf32, #tpu.memory_space<hbm>>) target(%dma_start3A_146 : memref<80x128xf32, #tpu.memory_space<vmem>>) offsets(%dma_start3A_149 : memref<80xi32, #tpu.memory_space<vmem>>) semaphore(%arg20 : memref<!tpu.dma_semaphore, #tpu.memory_space<semaphore_mem>>)
        } else {
        }
      } else {
      }
      %scan3A_124 = arith.constant 0 : i32
      scf.yield %scan3A_124 : i32
    }
    %scan3A_50 = arith.constant 125 : i32
    %run_scoped3A_51 = arith.constant 0 : i32
    "tpu.region"() ({
      %run_scoped3A_63 = tpu.sem_alloc : memref<!tpu.dma_semaphore, #tpu.memory_space<semaphore_mem>>
      %dma_start3A = arith.constant 0 : i32
      %dma_start3A_64 = tpu.memref_slice %arg10[%arg0, %arg1, %run_scoped3A_51, %dma_start3A] : memref<2x16x1x10240xf32, #tpu.memory_space<hbm>> -> memref<1x1x1x10240xf32, #tpu.memory_space<hbm>>
      %dma_start3A_65 = tpu.memref_squeeze %dma_start3A_64 : memref<1x1x1x10240xf32, #tpu.memory_space<hbm>> -> memref<10240xf32, #tpu.memory_space<hbm>>
      %dma_start3A_66 = arith.constant 0 : i32
      %dma_start3A_67 = tpu.memref_slice %arg10[%arg0, %arg1, %run_scoped3A_51, %dma_start3A_66] : memref<2x16x1x10240xf32, #tpu.memory_space<hbm>> -> memref<1x1x1x10240xf32, #tpu.memory_space<hbm>>
      %dma_start3A_68 = tpu.memref_squeeze %dma_start3A_67 : memref<1x1x1x10240xf32, #tpu.memory_space<hbm>> -> memref<10240xf32, #tpu.memory_space<hbm>>
      tpu.enqueue_dma source(%arg15 : memref<10240xf32, #tpu.memory_space<vmem>>) target(%dma_start3A_68 : memref<10240xf32, #tpu.memory_space<hbm>>) target_semaphore(%run_scoped3A_63 : memref<!tpu.dma_semaphore, #tpu.memory_space<semaphore_mem>>)
      %dma_wait3A = arith.constant 0 : i32
      %dma_wait3A_69 = tpu.memref_slice %arg10[%arg0, %arg1, %run_scoped3A_51, %dma_wait3A] : memref<2x16x1x10240xf32, #tpu.memory_space<hbm>> -> memref<1x1x1x10240xf32, #tpu.memory_space<hbm>>
      %dma_wait3A_70 = tpu.memref_squeeze %dma_wait3A_69 : memref<1x1x1x10240xf32, #tpu.memory_space<hbm>> -> memref<10240xf32, #tpu.memory_space<hbm>>
      %dma_wait3A_71 = arith.constant 0 : i32
      %dma_wait3A_72 = tpu.memref_slice %arg10[%arg0, %arg1, %run_scoped3A_51, %dma_wait3A_71] : memref<2x16x1x10240xf32, #tpu.memory_space<hbm>> -> memref<1x1x1x10240xf32, #tpu.memory_space<hbm>>
      %dma_wait3A_73 = tpu.memref_squeeze %dma_wait3A_72 : memref<1x1x1x10240xf32, #tpu.memory_space<hbm>> -> memref<10240xf32, #tpu.memory_space<hbm>>
      tpu.wait_dma2 semaphore(%run_scoped3A_63 : memref<!tpu.dma_semaphore, #tpu.memory_space<semaphore_mem>>) src(%arg15 : memref<10240xf32, #tpu.memory_space<vmem>>) dst(%dma_wait3A_73 : memref<10240xf32, #tpu.memory_space<hbm>>)
      tpu.yield
    }) : () -> ()
    %barrier3A_52 = arith.constant 0 : index
    tpu.barrier barrier_id(%barrier3A_52)
    %lt3A_53 = arith.constant 10 : i32
    %lt3A_54 = arith.cmpi slt, %arg1, %lt3A_53 : i32
    %convert_element_type3A_55 = arith.extui %lt3A_54 : i1 to i32
    %cond3A_56 = arith.constant 0 : i32
    %cond3A_57 = arith.cmpi ne, %convert_element_type3A_55, %cond3A_56 : i32
    scf.if %cond3A_57 {
      %mul3A_63 = arith.constant 1000 : i32
      %mul3A_64 = arith.muli %arg1, %mul3A_63 : i32
      %mul3A_65 = arith.constant 1000 : i32
      %mul3A_66 = arith.muli %arg1, %mul3A_65 : i32
      "tpu.region"() ({
        %run_scoped3A_67 = tpu.sem_alloc : memref<!tpu.dma_semaphore, #tpu.memory_space<semaphore_mem>>
        %dma_start3A = arith.constant 0 : i32
        %dma_start3A_68 = tpu.memref_slice %arg7[%arg0, %mul3A_66, %dma_start3A] : memref<2x10000x128xf32, #tpu.memory_space<hbm>> -> memref<1x1000x128xf32, #tpu.memory_space<hbm>>
        %dma_start3A_69 = tpu.memref_squeeze %dma_start3A_68 : memref<1x1000x128xf32, #tpu.memory_space<hbm>> -> memref<1000x128xf32, #tpu.memory_space<hbm>>
        %dma_start3A_70 = arith.constant 0 : i32
        %dma_start3A_71 = tpu.memref_slice %arg9[%mul3A_64, %dma_start3A_70] : memref<10000x128xf32, #tpu.memory_space<vmem_shared>> -> memref<1000x128xf32, #tpu.memory_space<vmem_shared>>
        tpu.enqueue_dma source(%dma_start3A_71 : memref<1000x128xf32, #tpu.memory_space<vmem_shared>>) target(%dma_start3A_69 : memref<1000x128xf32, #tpu.memory_space<hbm>>) target_semaphore(%run_scoped3A_67 : memref<!tpu.dma_semaphore, #tpu.memory_space<semaphore_mem>>)
        %dma_wait3A = arith.constant 0 : i32
        %dma_wait3A_72 = tpu.memref_slice %arg7[%arg0, %mul3A_66, %dma_wait3A] : memref<2x10000x128xf32, #tpu.memory_space<hbm>> -> memref<1x1000x128xf32, #tpu.memory_space<hbm>>
        %dma_wait3A_73 = tpu.memref_squeeze %dma_wait3A_72 : memref<1x1000x128xf32, #tpu.memory_space<hbm>> -> memref<1000x128xf32, #tpu.memory_space<hbm>>
        %dma_wait3A_74 = arith.constant 0 : i32
        %dma_wait3A_75 = tpu.memref_slice %arg9[%mul3A_64, %dma_wait3A_74] : memref<10000x128xf32, #tpu.memory_space<vmem_shared>> -> memref<1000x128xf32, #tpu.memory_space<vmem_shared>>
        tpu.wait_dma2 semaphore(%run_scoped3A_67 : memref<!tpu.dma_semaphore, #tpu.memory_space<semaphore_mem>>) src(%dma_wait3A_75 : memref<1000x128xf32, #tpu.memory_space<vmem_shared>>) dst(%dma_wait3A_73 : memref<1000x128xf32, #tpu.memory_space<hbm>>)
        tpu.yield
      }) : () -> ()
    } else {
    }
    %lt3A_58 = arith.constant 5 : i32
    %lt3A_59 = arith.cmpi slt, %arg1, %lt3A_58 : i32
    %convert_element_type3A_60 = arith.extui %lt3A_59 : i1 to i32
    %cond3A_61 = arith.constant 0 : i32
    %cond3A_62 = arith.cmpi ne, %convert_element_type3A_60, %cond3A_61 : i32
    scf.if %cond3A_62 {
      %mul3A_63 = arith.constant 2048 : i32
      %mul3A_64 = arith.muli %arg1, %mul3A_63 : i32
      %run_scoped3A_65 = arith.constant 0 : i32
      %run_scoped3A_66 = arith.constant 0 : i32
      "tpu.region"() ({
        %run_scoped3A_203 = tpu.sem_alloc : memref<!tpu.dma_semaphore, #tpu.memory_space<semaphore_mem>>
        %dma_start3A = tpu.memref_slice %arg10[%arg0, %run_scoped3A_65, %run_scoped3A_66, %mul3A_64] : memref<2x16x1x10240xf32, #tpu.memory_space<hbm>> -> memref<1x1x1x2048xf32, #tpu.memory_space<hbm>>
        %dma_start3A_204 = tpu.memref_squeeze %dma_start3A : memref<1x1x1x2048xf32, #tpu.memory_space<hbm>> -> memref<2048xf32, #tpu.memory_space<hbm>>
        %dma_start3A_205 = tpu.memref_slice %arg10[%arg0, %run_scoped3A_65, %run_scoped3A_66, %mul3A_64] : memref<2x16x1x10240xf32, #tpu.memory_space<hbm>> -> memref<1x1x1x2048xf32, #tpu.memory_space<hbm>>
        %dma_start3A_206 = tpu.memref_squeeze %dma_start3A_205 : memref<1x1x1x2048xf32, #tpu.memory_space<hbm>> -> memref<2048xf32, #tpu.memory_space<hbm>>
        tpu.enqueue_dma source(%dma_start3A_206 : memref<2048xf32, #tpu.memory_space<hbm>>) target(%arg17 : memref<2048xf32, #tpu.memory_space<vmem>>) target_semaphore(%run_scoped3A_203 : memref<!tpu.dma_semaphore, #tpu.memory_space<semaphore_mem>>)
        %dma_wait3A = tpu.memref_slice %arg10[%arg0, %run_scoped3A_65, %run_scoped3A_66, %mul3A_64] : memref<2x16x1x10240xf32, #tpu.memory_space<hbm>> -> memref<1x1x1x2048xf32, #tpu.memory_space<hbm>>
        %dma_wait3A_207 = tpu.memref_squeeze %dma_wait3A : memref<1x1x1x2048xf32, #tpu.memory_space<hbm>> -> memref<2048xf32, #tpu.memory_space<hbm>>
        %dma_wait3A_208 = tpu.memref_slice %arg10[%arg0, %run_scoped3A_65, %run_scoped3A_66, %mul3A_64] : memref<2x16x1x10240xf32, #tpu.memory_space<hbm>> -> memref<1x1x1x2048xf32, #tpu.memory_space<hbm>>
        %dma_wait3A_209 = tpu.memref_squeeze %dma_wait3A_208 : memref<1x1x1x2048xf32, #tpu.memory_space<hbm>> -> memref<2048xf32, #tpu.memory_space<hbm>>
        tpu.wait_dma2 semaphore(%run_scoped3A_203 : memref<!tpu.dma_semaphore, #tpu.memory_space<semaphore_mem>>) src(%dma_wait3A_209 : memref<2048xf32, #tpu.memory_space<hbm>>) dst(%arg17 : memref<2048xf32, #tpu.memory_space<vmem>>)
        tpu.yield
      }) : () -> ()
      %run_scoped3A_67 = arith.constant 1 : i32
      %run_scoped3A_68 = arith.constant 0 : i32
      "tpu.region"() ({
        %run_scoped3A_203 = tpu.sem_alloc : memref<!tpu.dma_semaphore, #tpu.memory_space<semaphore_mem>>
        %dma_start3A = tpu.memref_slice %arg10[%arg0, %run_scoped3A_67, %run_scoped3A_68, %mul3A_64] : memref<2x16x1x10240xf32, #tpu.memory_space<hbm>> -> memref<1x1x1x2048xf32, #tpu.memory_space<hbm>>
        %dma_start3A_204 = tpu.memref_squeeze %dma_start3A : memref<1x1x1x2048xf32, #tpu.memory_space<hbm>> -> memref<2048xf32, #tpu.memory_space<hbm>>
        %dma_start3A_205 = tpu.memref_slice %arg10[%arg0, %run_scoped3A_67, %run_scoped3A_68, %mul3A_64] : memref<2x16x1x10240xf32, #tpu.memory_space<hbm>> -> memref<1x1x1x2048xf32, #tpu.memory_space<hbm>>
        %dma_start3A_206 = tpu.memref_squeeze %dma_start3A_205 : memref<1x1x1x2048xf32, #tpu.memory_space<hbm>> -> memref<2048xf32, #tpu.memory_space<hbm>>
        tpu.enqueue_dma source(%dma_start3A_206 : memref<2048xf32, #tpu.memory_space<hbm>>) target(%arg18 : memref<2048xf32, #tpu.memory_space<vmem>>) target_semaphore(%run_scoped3A_203 : memref<!tpu.dma_semaphore, #tpu.memory_space<semaphore_mem>>)
        %dma_wait3A = tpu.memref_slice %arg10[%arg0, %run_scoped3A_67, %run_scoped3A_68, %mul3A_64] : memref<2x16x1x10240xf32, #tpu.memory_space<hbm>> -> memref<1x1x1x2048xf32, #tpu.memory_space<hbm>>
        %dma_wait3A_207 = tpu.memref_squeeze %dma_wait3A : memref<1x1x1x2048xf32, #tpu.memory_space<hbm>> -> memref<2048xf32, #tpu.memory_space<hbm>>
        %dma_wait3A_208 = tpu.memref_slice %arg10[%arg0, %run_scoped3A_67, %run_scoped3A_68, %mul3A_64] : memref<2x16x1x10240xf32, #tpu.memory_space<hbm>> -> memref<1x1x1x2048xf32, #tpu.memory_space<hbm>>
        %dma_wait3A_209 = tpu.memref_squeeze %dma_wait3A_208 : memref<1x1x1x2048xf32, #tpu.memory_space<hbm>> -> memref<2048xf32, #tpu.memory_space<hbm>>
        tpu.wait_dma2 semaphore(%run_scoped3A_203 : memref<!tpu.dma_semaphore, #tpu.memory_space<semaphore_mem>>) src(%dma_wait3A_209 : memref<2048xf32, #tpu.memory_space<hbm>>) dst(%arg18 : memref<2048xf32, #tpu.memory_space<vmem>>)
        tpu.yield
      }) : () -> ()
      %scan3A_69 = arith.constant 0 : i32
      %scan3A_70 = arith.constant 0 : i32
      %scan3A_71 = arith.constant 128 : i32
      %scan3A_72 = arith.addi %scan3A_70, %scan3A_71 : i32
      %scan3A_73 = arith.constant 1 : i32
      %scan3A_74 = scf.for %scan3A_203 = %scan3A_70 to %scan3A_72 step %scan3A_73 iter_args(%scan3A_204 = %scan3A_69) -> (i32)  : i32 {
        %mul3A_205 = arith.constant 16 : i32
        %mul3A_206 = arith.muli %scan3A_203, %mul3A_205 : i32
        %get3A = arith.index_cast %mul3A_206 : i32 to index
        %get3A_207 = tpu.vector_load %arg17[%get3A] {strides = array<i32>} : memref<2048xf32, #tpu.memory_space<vmem>>, vector<16xf32>,
        %get3A_208 = arith.index_cast %mul3A_206 : i32 to index
        %get3A_209 = tpu.vector_load %arg18[%get3A_208] {strides = array<i32>} : memref<2048xf32, #tpu.memory_space<vmem>>, vector<16xf32>,
        %add3A_210 = arith.addf %get3A_207, %get3A_209 : vector<16xf32>
        %swap3A = arith.index_cast %mul3A_206 : i32 to index
        %swap3A_211 = tpu.vector_load %arg17[%swap3A] {strides = array<i32>} : memref<2048xf32, #tpu.memory_space<vmem>>, vector<16xf32>,
        tpu.vector_store %arg17[%swap3A], %add3A_210 {strides = array<i32>} : memref<2048xf32, #tpu.memory_space<vmem>>, vector<16xf32>,
        %scan3A_212 = arith.constant 0 : i32
        scf.yield %scan3A_212 : i32
      }
      %scan3A_75 = arith.constant 128 : i32
      %run_scoped3A_76 = arith.constant 2 : i32
      %run_scoped3A_77 = arith.constant 0 : i32
      "tpu.region"() ({
        %run_scoped3A_203 = tpu.sem_alloc : memref<!tpu.dma_semaphore, #tpu.memory_space<semaphore_mem>>
        %dma_start3A = tpu.memref_slice %arg10[%arg0, %run_scoped3A_76, %run_scoped3A_77, %mul3A_64] : memref<2x16x1x10240xf32, #tpu.memory_space<hbm>> -> memref<1x1x1x2048xf32, #tpu.memory_space<hbm>>
        %dma_start3A_204 = tpu.memref_squeeze %dma_start3A : memref<1x1x1x2048xf32, #tpu.memory_space<hbm>> -> memref<2048xf32, #tpu.memory_space<hbm>>
        %dma_start3A_205 = tpu.memref_slice %arg10[%arg0, %run_scoped3A_76, %run_scoped3A_77, %mul3A_64] : memref<2x16x1x10240xf32, #tpu.memory_space<hbm>> -> memref<1x1x1x2048xf32, #tpu.memory_space<hbm>>
        %dma_start3A_206 = tpu.memref_squeeze %dma_start3A_205 : memref<1x1x1x2048xf32, #tpu.memory_space<hbm>> -> memref<2048xf32, #tpu.memory_space<hbm>>
        tpu.enqueue_dma source(%dma_start3A_206 : memref<2048xf32, #tpu.memory_space<hbm>>) target(%arg18 : memref<2048xf32, #tpu.memory_space<vmem>>) target_semaphore(%run_scoped3A_203 : memref<!tpu.dma_semaphore, #tpu.memory_space<semaphore_mem>>)
        %dma_wait3A = tpu.memref_slice %arg10[%arg0, %run_scoped3A_76, %run_scoped3A_77, %mul3A_64] : memref<2x16x1x10240xf32, #tpu.memory_space<hbm>> -> memref<1x1x1x2048xf32, #tpu.memory_space<hbm>>
        %dma_wait3A_207 = tpu.memref_squeeze %dma_wait3A : memref<1x1x1x2048xf32, #tpu.memory_space<hbm>> -> memref<2048xf32, #tpu.memory_space<hbm>>
        %dma_wait3A_208 = tpu.memref_slice %arg10[%arg0, %run_scoped3A_76, %run_scoped3A_77, %mul3A_64] : memref<2x16x1x10240xf32, #tpu.memory_space<hbm>> -> memref<1x1x1x2048xf32, #tpu.memory_space<hbm>>
        %dma_wait3A_209 = tpu.memref_squeeze %dma_wait3A_208 : memref<1x1x1x2048xf32, #tpu.memory_space<hbm>> -> memref<2048xf32, #tpu.memory_space<hbm>>
        tpu.wait_dma2 semaphore(%run_scoped3A_203 : memref<!tpu.dma_semaphore, #tpu.memory_space<semaphore_mem>>) src(%dma_wait3A_209 : memref<2048xf32, #tpu.memory_space<hbm>>) dst(%arg18 : memref<2048xf32, #tpu.memory_space<vmem>>)
        tpu.yield
      }) : () -> ()
      %scan3A_78 = arith.constant 0 : i32
      %scan3A_79 = arith.constant 0 : i32
      %scan3A_80 = arith.constant 128 : i32
      %scan3A_81 = arith.addi %scan3A_79, %scan3A_80 : i32
      %scan3A_82 = arith.constant 1 : i32
      %scan3A_83 = scf.for %scan3A_203 = %scan3A_79 to %scan3A_81 step %scan3A_82 iter_args(%scan3A_204 = %scan3A_78) -> (i32)  : i32 {
        %mul3A_205 = arith.constant 16 : i32
        %mul3A_206 = arith.muli %scan3A_203, %mul3A_205 : i32
        %get3A = arith.index_cast %mul3A_206 : i32 to index
        %get3A_207 = tpu.vector_load %arg17[%get3A] {strides = array<i32>} : memref<2048xf32, #tpu.memory_space<vmem>>, vector<16xf32>,
        %get3A_208 = arith.index_cast %mul3A_206 : i32 to index
        %get3A_209 = tpu.vector_load %arg18[%get3A_208] {strides = array<i32>} : memref<2048xf32, #tpu.memory_space<vmem>>, vector<16xf32>,
        %add3A_210 = arith.addf %get3A_207, %get3A_209 : vector<16xf32>
        %swap3A = arith.index_cast %mul3A_206 : i32 to index
        %swap3A_211 = tpu.vector_load %arg17[%swap3A] {strides = array<i32>} : memref<2048xf32, #tpu.memory_space<vmem>>, vector<16xf32>,
        tpu.vector_store %arg17[%swap3A], %add3A_210 {strides = array<i32>} : memref<2048xf32, #tpu.memory_space<vmem>>, vector<16xf32>,
        %scan3A_212 = arith.constant 0 : i32
        scf.yield %scan3A_212 : i32
      }
      %scan3A_84 = arith.constant 128 : i32
      %run_scoped3A_85 = arith.constant 3 : i32
      %run_scoped3A_86 = arith.constant 0 : i32
      "tpu.region"() ({
        %run_scoped3A_203 = tpu.sem_alloc : memref<!tpu.dma_semaphore, #tpu.memory_space<semaphore_mem>>
        %dma_start3A = tpu.memref_slice %arg10[%arg0, %run_scoped3A_85, %run_scoped3A_86, %mul3A_64] : memref<2x16x1x10240xf32, #tpu.memory_space<hbm>> -> memref<1x1x1x2048xf32, #tpu.memory_space<hbm>>
        %dma_start3A_204 = tpu.memref_squeeze %dma_start3A : memref<1x1x1x2048xf32, #tpu.memory_space<hbm>> -> memref<2048xf32, #tpu.memory_space<hbm>>
        %dma_start3A_205 = tpu.memref_slice %arg10[%arg0, %run_scoped3A_85, %run_scoped3A_86, %mul3A_64] : memref<2x16x1x10240xf32, #tpu.memory_space<hbm>> -> memref<1x1x1x2048xf32, #tpu.memory_space<hbm>>
        %dma_start3A_206 = tpu.memref_squeeze %dma_start3A_205 : memref<1x1x1x2048xf32, #tpu.memory_space<hbm>> -> memref<2048xf32, #tpu.memory_space<hbm>>
        tpu.enqueue_dma source(%dma_start3A_206 : memref<2048xf32, #tpu.memory_space<hbm>>) target(%arg18 : memref<2048xf32, #tpu.memory_space<vmem>>) target_semaphore(%run_scoped3A_203 : memref<!tpu.dma_semaphore, #tpu.memory_space<semaphore_mem>>)
        %dma_wait3A = tpu.memref_slice %arg10[%arg0, %run_scoped3A_85, %run_scoped3A_86, %mul3A_64] : memref<2x16x1x10240xf32, #tpu.memory_space<hbm>> -> memref<1x1x1x2048xf32, #tpu.memory_space<hbm>>
        %dma_wait3A_207 = tpu.memref_squeeze %dma_wait3A : memref<1x1x1x2048xf32, #tpu.memory_space<hbm>> -> memref<2048xf32, #tpu.memory_space<hbm>>
        %dma_wait3A_208 = tpu.memref_slice %arg10[%arg0, %run_scoped3A_85, %run_scoped3A_86, %mul3A_64] : memref<2x16x1x10240xf32, #tpu.memory_space<hbm>> -> memref<1x1x1x2048xf32, #tpu.memory_space<hbm>>
        %dma_wait3A_209 = tpu.memref_squeeze %dma_wait3A_208 : memref<1x1x1x2048xf32, #tpu.memory_space<hbm>> -> memref<2048xf32, #tpu.memory_space<hbm>>
        tpu.wait_dma2 semaphore(%run_scoped3A_203 : memref<!tpu.dma_semaphore, #tpu.memory_space<semaphore_mem>>) src(%dma_wait3A_209 : memref<2048xf32, #tpu.memory_space<hbm>>) dst(%arg18 : memref<2048xf32, #tpu.memory_space<vmem>>)
        tpu.yield
      }) : () -> ()
      %scan3A_87 = arith.constant 0 : i32
      %scan3A_88 = arith.constant 0 : i32
      %scan3A_89 = arith.constant 128 : i32
      %scan3A_90 = arith.addi %scan3A_88, %scan3A_89 : i32
      %scan3A_91 = arith.constant 1 : i32
      %scan3A_92 = scf.for %scan3A_203 = %scan3A_88 to %scan3A_90 step %scan3A_91 iter_args(%scan3A_204 = %scan3A_87) -> (i32)  : i32 {
        %mul3A_205 = arith.constant 16 : i32
        %mul3A_206 = arith.muli %scan3A_203, %mul3A_205 : i32
        %get3A = arith.index_cast %mul3A_206 : i32 to index
        %get3A_207 = tpu.vector_load %arg17[%get3A] {strides = array<i32>} : memref<2048xf32, #tpu.memory_space<vmem>>, vector<16xf32>,
        %get3A_208 = arith.index_cast %mul3A_206 : i32 to index
        %get3A_209 = tpu.vector_load %arg18[%get3A_208] {strides = array<i32>} : memref<2048xf32, #tpu.memory_space<vmem>>, vector<16xf32>,
        %add3A_210 = arith.addf %get3A_207, %get3A_209 : vector<16xf32>
        %swap3A = arith.index_cast %mul3A_206 : i32 to index
        %swap3A_211 = tpu.vector_load %arg17[%swap3A] {strides = array<i32>} : memref<2048xf32, #tpu.memory_space<vmem>>, vector<16xf32>,
        tpu.vector_store %arg17[%swap3A], %add3A_210 {strides = array<i32>} : memref<2048xf32, #tpu.memory_space<vmem>>, vector<16xf32>,
        %scan3A_212 = arith.constant 0 : i32
        scf.yield %scan3A_212 : i32
      }
      %scan3A_93 = arith.constant 128 : i32
      %run_scoped3A_94 = arith.constant 4 : i32
      %run_scoped3A_95 = arith.constant 0 : i32
      "tpu.region"() ({
        %run_scoped3A_203 = tpu.sem_alloc : memref<!tpu.dma_semaphore, #tpu.memory_space<semaphore_mem>>
        %dma_start3A = tpu.memref_slice %arg10[%arg0, %run_scoped3A_94, %run_scoped3A_95, %mul3A_64] : memref<2x16x1x10240xf32, #tpu.memory_space<hbm>> -> memref<1x1x1x2048xf32, #tpu.memory_space<hbm>>
        %dma_start3A_204 = tpu.memref_squeeze %dma_start3A : memref<1x1x1x2048xf32, #tpu.memory_space<hbm>> -> memref<2048xf32, #tpu.memory_space<hbm>>
        %dma_start3A_205 = tpu.memref_slice %arg10[%arg0, %run_scoped3A_94, %run_scoped3A_95, %mul3A_64] : memref<2x16x1x10240xf32, #tpu.memory_space<hbm>> -> memref<1x1x1x2048xf32, #tpu.memory_space<hbm>>
        %dma_start3A_206 = tpu.memref_squeeze %dma_start3A_205 : memref<1x1x1x2048xf32, #tpu.memory_space<hbm>> -> memref<2048xf32, #tpu.memory_space<hbm>>
        tpu.enqueue_dma source(%dma_start3A_206 : memref<2048xf32, #tpu.memory_space<hbm>>) target(%arg18 : memref<2048xf32, #tpu.memory_space<vmem>>) target_semaphore(%run_scoped3A_203 : memref<!tpu.dma_semaphore, #tpu.memory_space<semaphore_mem>>)
        %dma_wait3A = tpu.memref_slice %arg10[%arg0, %run_scoped3A_94, %run_scoped3A_95, %mul3A_64] : memref<2x16x1x10240xf32, #tpu.memory_space<hbm>> -> memref<1x1x1x2048xf32, #tpu.memory_space<hbm>>
        %dma_wait3A_207 = tpu.memref_squeeze %dma_wait3A : memref<1x1x1x2048xf32, #tpu.memory_space<hbm>> -> memref<2048xf32, #tpu.memory_space<hbm>>
        %dma_wait3A_208 = tpu.memref_slice %arg10[%arg0, %run_scoped3A_94, %run_scoped3A_95, %mul3A_64] : memref<2x16x1x10240xf32, #tpu.memory_space<hbm>> -> memref<1x1x1x2048xf32, #tpu.memory_space<hbm>>
        %dma_wait3A_209 = tpu.memref_squeeze %dma_wait3A_208 : memref<1x1x1x2048xf32, #tpu.memory_space<hbm>> -> memref<2048xf32, #tpu.memory_space<hbm>>
        tpu.wait_dma2 semaphore(%run_scoped3A_203 : memref<!tpu.dma_semaphore, #tpu.memory_space<semaphore_mem>>) src(%dma_wait3A_209 : memref<2048xf32, #tpu.memory_space<hbm>>) dst(%arg18 : memref<2048xf32, #tpu.memory_space<vmem>>)
        tpu.yield
      }) : () -> ()
      %scan3A_96 = arith.constant 0 : i32
      %scan3A_97 = arith.constant 0 : i32
      %scan3A_98 = arith.constant 128 : i32
      %scan3A_99 = arith.addi %scan3A_97, %scan3A_98 : i32
      %scan3A_100 = arith.constant 1 : i32
      %scan3A_101 = scf.for %scan3A_203 = %scan3A_97 to %scan3A_99 step %scan3A_100 iter_args(%scan3A_204 = %scan3A_96) -> (i32)  : i32 {
        %mul3A_205 = arith.constant 16 : i32
        %mul3A_206 = arith.muli %scan3A_203, %mul3A_205 : i32
        %get3A = arith.index_cast %mul3A_206 : i32 to index
        %get3A_207 = tpu.vector_load %arg17[%get3A] {strides = array<i32>} : memref<2048xf32, #tpu.memory_space<vmem>>, vector<16xf32>,
        %get3A_208 = arith.index_cast %mul3A_206 : i32 to index
        %get3A_209 = tpu.vector_load %arg18[%get3A_208] {strides = array<i32>} : memref<2048xf32, #tpu.memory_space<vmem>>, vector<16xf32>,
        %add3A_210 = arith.addf %get3A_207, %get3A_209 : vector<16xf32>
        %swap3A = arith.index_cast %mul3A_206 : i32 to index
        %swap3A_211 = tpu.vector_load %arg17[%swap3A] {strides = array<i32>} : memref<2048xf32, #tpu.memory_space<vmem>>, vector<16xf32>,
        tpu.vector_store %arg17[%swap3A], %add3A_210 {strides = array<i32>} : memref<2048xf32, #tpu.memory_space<vmem>>, vector<16xf32>,
        %scan3A_212 = arith.constant 0 : i32
        scf.yield %scan3A_212 : i32
      }
      %scan3A_102 = arith.constant 128 : i32
      %run_scoped3A_103 = arith.constant 5 : i32
      %run_scoped3A_104 = arith.constant 0 : i32
      "tpu.region"() ({
        %run_scoped3A_203 = tpu.sem_alloc : memref<!tpu.dma_semaphore, #tpu.memory_space<semaphore_mem>>
        %dma_start3A = tpu.memref_slice %arg10[%arg0, %run_scoped3A_103, %run_scoped3A_104, %mul3A_64] : memref<2x16x1x10240xf32, #tpu.memory_space<hbm>> -> memref<1x1x1x2048xf32, #tpu.memory_space<hbm>>
        %dma_start3A_204 = tpu.memref_squeeze %dma_start3A : memref<1x1x1x2048xf32, #tpu.memory_space<hbm>> -> memref<2048xf32, #tpu.memory_space<hbm>>
        %dma_start3A_205 = tpu.memref_slice %arg10[%arg0, %run_scoped3A_103, %run_scoped3A_104, %mul3A_64] : memref<2x16x1x10240xf32, #tpu.memory_space<hbm>> -> memref<1x1x1x2048xf32, #tpu.memory_space<hbm>>
        %dma_start3A_206 = tpu.memref_squeeze %dma_start3A_205 : memref<1x1x1x2048xf32, #tpu.memory_space<hbm>> -> memref<2048xf32, #tpu.memory_space<hbm>>
        tpu.enqueue_dma source(%dma_start3A_206 : memref<2048xf32, #tpu.memory_space<hbm>>) target(%arg18 : memref<2048xf32, #tpu.memory_space<vmem>>) target_semaphore(%run_scoped3A_203 : memref<!tpu.dma_semaphore, #tpu.memory_space<semaphore_mem>>)
        %dma_wait3A = tpu.memref_slice %arg10[%arg0, %run_scoped3A_103, %run_scoped3A_104, %mul3A_64] : memref<2x16x1x10240xf32, #tpu.memory_space<hbm>> -> memref<1x1x1x2048xf32, #tpu.memory_space<hbm>>
        %dma_wait3A_207 = tpu.memref_squeeze %dma_wait3A : memref<1x1x1x2048xf32, #tpu.memory_space<hbm>> -> memref<2048xf32, #tpu.memory_space<hbm>>
        %dma_wait3A_208 = tpu.memref_slice %arg10[%arg0, %run_scoped3A_103, %run_scoped3A_104, %mul3A_64] : memref<2x16x1x10240xf32, #tpu.memory_space<hbm>> -> memref<1x1x1x2048xf32, #tpu.memory_space<hbm>>
        %dma_wait3A_209 = tpu.memref_squeeze %dma_wait3A_208 : memref<1x1x1x2048xf32, #tpu.memory_space<hbm>> -> memref<2048xf32, #tpu.memory_space<hbm>>
        tpu.wait_dma2 semaphore(%run_scoped3A_203 : memref<!tpu.dma_semaphore, #tpu.memory_space<semaphore_mem>>) src(%dma_wait3A_209 : memref<2048xf32, #tpu.memory_space<hbm>>) dst(%arg18 : memref<2048xf32, #tpu.memory_space<vmem>>)
        tpu.yield
      }) : () -> ()
      %scan3A_105 = arith.constant 0 : i32
      %scan3A_106 = arith.constant 0 : i32
      %scan3A_107 = arith.constant 128 : i32
      %scan3A_108 = arith.addi %scan3A_106, %scan3A_107 : i32
      %scan3A_109 = arith.constant 1 : i32
      %scan3A_110 = scf.for %scan3A_203 = %scan3A_106 to %scan3A_108 step %scan3A_109 iter_args(%scan3A_204 = %scan3A_105) -> (i32)  : i32 {
        %mul3A_205 = arith.constant 16 : i32
        %mul3A_206 = arith.muli %scan3A_203, %mul3A_205 : i32
        %get3A = arith.index_cast %mul3A_206 : i32 to index
        %get3A_207 = tpu.vector_load %arg17[%get3A] {strides = array<i32>} : memref<2048xf32, #tpu.memory_space<vmem>>, vector<16xf32>,
        %get3A_208 = arith.index_cast %mul3A_206 : i32 to index
        %get3A_209 = tpu.vector_load %arg18[%get3A_208] {strides = array<i32>} : memref<2048xf32, #tpu.memory_space<vmem>>, vector<16xf32>,
        %add3A_210 = arith.addf %get3A_207, %get3A_209 : vector<16xf32>
        %swap3A = arith.index_cast %mul3A_206 : i32 to index
        %swap3A_211 = tpu.vector_load %arg17[%swap3A] {strides = array<i32>} : memref<2048xf32, #tpu.memory_space<vmem>>, vector<16xf32>,
        tpu.vector_store %arg17[%swap3A], %add3A_210 {strides = array<i32>} : memref<2048xf32, #tpu.memory_space<vmem>>, vector<16xf32>,
        %scan3A_212 = arith.constant 0 : i32
        scf.yield %scan3A_212 : i32
      }
      %scan3A_111 = arith.constant 128 : i32
      %run_scoped3A_112 = arith.constant 6 : i32
      %run_scoped3A_113 = arith.constant 0 : i32
      "tpu.region"() ({
        %run_scoped3A_203 = tpu.sem_alloc : memref<!tpu.dma_semaphore, #tpu.memory_space<semaphore_mem>>
        %dma_start3A = tpu.memref_slice %arg10[%arg0, %run_scoped3A_112, %run_scoped3A_113, %mul3A_64] : memref<2x16x1x10240xf32, #tpu.memory_space<hbm>> -> memref<1x1x1x2048xf32, #tpu.memory_space<hbm>>
        %dma_start3A_204 = tpu.memref_squeeze %dma_start3A : memref<1x1x1x2048xf32, #tpu.memory_space<hbm>> -> memref<2048xf32, #tpu.memory_space<hbm>>
        %dma_start3A_205 = tpu.memref_slice %arg10[%arg0, %run_scoped3A_112, %run_scoped3A_113, %mul3A_64] : memref<2x16x1x10240xf32, #tpu.memory_space<hbm>> -> memref<1x1x1x2048xf32, #tpu.memory_space<hbm>>
        %dma_start3A_206 = tpu.memref_squeeze %dma_start3A_205 : memref<1x1x1x2048xf32, #tpu.memory_space<hbm>> -> memref<2048xf32, #tpu.memory_space<hbm>>
        tpu.enqueue_dma source(%dma_start3A_206 : memref<2048xf32, #tpu.memory_space<hbm>>) target(%arg18 : memref<2048xf32, #tpu.memory_space<vmem>>) target_semaphore(%run_scoped3A_203 : memref<!tpu.dma_semaphore, #tpu.memory_space<semaphore_mem>>)
        %dma_wait3A = tpu.memref_slice %arg10[%arg0, %run_scoped3A_112, %run_scoped3A_113, %mul3A_64] : memref<2x16x1x10240xf32, #tpu.memory_space<hbm>> -> memref<1x1x1x2048xf32, #tpu.memory_space<hbm>>
        %dma_wait3A_207 = tpu.memref_squeeze %dma_wait3A : memref<1x1x1x2048xf32, #tpu.memory_space<hbm>> -> memref<2048xf32, #tpu.memory_space<hbm>>
        %dma_wait3A_208 = tpu.memref_slice %arg10[%arg0, %run_scoped3A_112, %run_scoped3A_113, %mul3A_64] : memref<2x16x1x10240xf32, #tpu.memory_space<hbm>> -> memref<1x1x1x2048xf32, #tpu.memory_space<hbm>>
        %dma_wait3A_209 = tpu.memref_squeeze %dma_wait3A_208 : memref<1x1x1x2048xf32, #tpu.memory_space<hbm>> -> memref<2048xf32, #tpu.memory_space<hbm>>
        tpu.wait_dma2 semaphore(%run_scoped3A_203 : memref<!tpu.dma_semaphore, #tpu.memory_space<semaphore_mem>>) src(%dma_wait3A_209 : memref<2048xf32, #tpu.memory_space<hbm>>) dst(%arg18 : memref<2048xf32, #tpu.memory_space<vmem>>)
        tpu.yield
      }) : () -> ()
      %scan3A_114 = arith.constant 0 : i32
      %scan3A_115 = arith.constant 0 : i32
      %scan3A_116 = arith.constant 128 : i32
      %scan3A_117 = arith.addi %scan3A_115, %scan3A_116 : i32
      %scan3A_118 = arith.constant 1 : i32
      %scan3A_119 = scf.for %scan3A_203 = %scan3A_115 to %scan3A_117 step %scan3A_118 iter_args(%scan3A_204 = %scan3A_114) -> (i32)  : i32 {
        %mul3A_205 = arith.constant 16 : i32
        %mul3A_206 = arith.muli %scan3A_203, %mul3A_205 : i32
        %get3A = arith.index_cast %mul3A_206 : i32 to index
        %get3A_207 = tpu.vector_load %arg17[%get3A] {strides = array<i32>} : memref<2048xf32, #tpu.memory_space<vmem>>, vector<16xf32>,
        %get3A_208 = arith.index_cast %mul3A_206 : i32 to index
        %get3A_209 = tpu.vector_load %arg18[%get3A_208] {strides = array<i32>} : memref<2048xf32, #tpu.memory_space<vmem>>, vector<16xf32>,
        %add3A_210 = arith.addf %get3A_207, %get3A_209 : vector<16xf32>
        %swap3A = arith.index_cast %mul3A_206 : i32 to index
        %swap3A_211 = tpu.vector_load %arg17[%swap3A] {strides = array<i32>} : memref<2048xf32, #tpu.memory_space<vmem>>, vector<16xf32>,
        tpu.vector_store %arg17[%swap3A], %add3A_210 {strides = array<i32>} : memref<2048xf32, #tpu.memory_space<vmem>>, vector<16xf32>,
        %scan3A_212 = arith.constant 0 : i32
        scf.yield %scan3A_212 : i32
      }
      %scan3A_120 = arith.constant 128 : i32
      %run_scoped3A_121 = arith.constant 7 : i32
      %run_scoped3A_122 = arith.constant 0 : i32
      "tpu.region"() ({
        %run_scoped3A_203 = tpu.sem_alloc : memref<!tpu.dma_semaphore, #tpu.memory_space<semaphore_mem>>
        %dma_start3A = tpu.memref_slice %arg10[%arg0, %run_scoped3A_121, %run_scoped3A_122, %mul3A_64] : memref<2x16x1x10240xf32, #tpu.memory_space<hbm>> -> memref<1x1x1x2048xf32, #tpu.memory_space<hbm>>
        %dma_start3A_204 = tpu.memref_squeeze %dma_start3A : memref<1x1x1x2048xf32, #tpu.memory_space<hbm>> -> memref<2048xf32, #tpu.memory_space<hbm>>
        %dma_start3A_205 = tpu.memref_slice %arg10[%arg0, %run_scoped3A_121, %run_scoped3A_122, %mul3A_64] : memref<2x16x1x10240xf32, #tpu.memory_space<hbm>> -> memref<1x1x1x2048xf32, #tpu.memory_space<hbm>>
        %dma_start3A_206 = tpu.memref_squeeze %dma_start3A_205 : memref<1x1x1x2048xf32, #tpu.memory_space<hbm>> -> memref<2048xf32, #tpu.memory_space<hbm>>
        tpu.enqueue_dma source(%dma_start3A_206 : memref<2048xf32, #tpu.memory_space<hbm>>) target(%arg18 : memref<2048xf32, #tpu.memory_space<vmem>>) target_semaphore(%run_scoped3A_203 : memref<!tpu.dma_semaphore, #tpu.memory_space<semaphore_mem>>)
        %dma_wait3A = tpu.memref_slice %arg10[%arg0, %run_scoped3A_121, %run_scoped3A_122, %mul3A_64] : memref<2x16x1x10240xf32, #tpu.memory_space<hbm>> -> memref<1x1x1x2048xf32, #tpu.memory_space<hbm>>
        %dma_wait3A_207 = tpu.memref_squeeze %dma_wait3A : memref<1x1x1x2048xf32, #tpu.memory_space<hbm>> -> memref<2048xf32, #tpu.memory_space<hbm>>
        %dma_wait3A_208 = tpu.memref_slice %arg10[%arg0, %run_scoped3A_121, %run_scoped3A_122, %mul3A_64] : memref<2x16x1x10240xf32, #tpu.memory_space<hbm>> -> memref<1x1x1x2048xf32, #tpu.memory_space<hbm>>
        %dma_wait3A_209 = tpu.memref_squeeze %dma_wait3A_208 : memref<1x1x1x2048xf32, #tpu.memory_space<hbm>> -> memref<2048xf32, #tpu.memory_space<hbm>>
        tpu.wait_dma2 semaphore(%run_scoped3A_203 : memref<!tpu.dma_semaphore, #tpu.memory_space<semaphore_mem>>) src(%dma_wait3A_209 : memref<2048xf32, #tpu.memory_space<hbm>>) dst(%arg18 : memref<2048xf32, #tpu.memory_space<vmem>>)
        tpu.yield
      }) : () -> ()
      %scan3A_123 = arith.constant 0 : i32
      %scan3A_124 = arith.constant 0 : i32
      %scan3A_125 = arith.constant 128 : i32
      %scan3A_126 = arith.addi %scan3A_124, %scan3A_125 : i32
      %scan3A_127 = arith.constant 1 : i32
      %scan3A_128 = scf.for %scan3A_203 = %scan3A_124 to %scan3A_126 step %scan3A_127 iter_args(%scan3A_204 = %scan3A_123) -> (i32)  : i32 {
        %mul3A_205 = arith.constant 16 : i32
        %mul3A_206 = arith.muli %scan3A_203, %mul3A_205 : i32
        %get3A = arith.index_cast %mul3A_206 : i32 to index
        %get3A_207 = tpu.vector_load %arg17[%get3A] {strides = array<i32>} : memref<2048xf32, #tpu.memory_space<vmem>>, vector<16xf32>,
        %get3A_208 = arith.index_cast %mul3A_206 : i32 to index
        %get3A_209 = tpu.vector_load %arg18[%get3A_208] {strides = array<i32>} : memref<2048xf32, #tpu.memory_space<vmem>>, vector<16xf32>,
        %add3A_210 = arith.addf %get3A_207, %get3A_209 : vector<16xf32>
        %swap3A = arith.index_cast %mul3A_206 : i32 to index
        %swap3A_211 = tpu.vector_load %arg17[%swap3A] {strides = array<i32>} : memref<2048xf32, #tpu.memory_space<vmem>>, vector<16xf32>,
        tpu.vector_store %arg17[%swap3A], %add3A_210 {strides = array<i32>} : memref<2048xf32, #tpu.memory_space<vmem>>, vector<16xf32>,
        %scan3A_212 = arith.constant 0 : i32
        scf.yield %scan3A_212 : i32
      }
      %scan3A_129 = arith.constant 128 : i32
      %run_scoped3A_130 = arith.constant 8 : i32
      %run_scoped3A_131 = arith.constant 0 : i32
      "tpu.region"() ({
        %run_scoped3A_203 = tpu.sem_alloc : memref<!tpu.dma_semaphore, #tpu.memory_space<semaphore_mem>>
        %dma_start3A = tpu.memref_slice %arg10[%arg0, %run_scoped3A_130, %run_scoped3A_131, %mul3A_64] : memref<2x16x1x10240xf32, #tpu.memory_space<hbm>> -> memref<1x1x1x2048xf32, #tpu.memory_space<hbm>>
        %dma_start3A_204 = tpu.memref_squeeze %dma_start3A : memref<1x1x1x2048xf32, #tpu.memory_space<hbm>> -> memref<2048xf32, #tpu.memory_space<hbm>>
        %dma_start3A_205 = tpu.memref_slice %arg10[%arg0, %run_scoped3A_130, %run_scoped3A_131, %mul3A_64] : memref<2x16x1x10240xf32, #tpu.memory_space<hbm>> -> memref<1x1x1x2048xf32, #tpu.memory_space<hbm>>
        %dma_start3A_206 = tpu.memref_squeeze %dma_start3A_205 : memref<1x1x1x2048xf32, #tpu.memory_space<hbm>> -> memref<2048xf32, #tpu.memory_space<hbm>>
        tpu.enqueue_dma source(%dma_start3A_206 : memref<2048xf32, #tpu.memory_space<hbm>>) target(%arg18 : memref<2048xf32, #tpu.memory_space<vmem>>) target_semaphore(%run_scoped3A_203 : memref<!tpu.dma_semaphore, #tpu.memory_space<semaphore_mem>>)
        %dma_wait3A = tpu.memref_slice %arg10[%arg0, %run_scoped3A_130, %run_scoped3A_131, %mul3A_64] : memref<2x16x1x10240xf32, #tpu.memory_space<hbm>> -> memref<1x1x1x2048xf32, #tpu.memory_space<hbm>>
        %dma_wait3A_207 = tpu.memref_squeeze %dma_wait3A : memref<1x1x1x2048xf32, #tpu.memory_space<hbm>> -> memref<2048xf32, #tpu.memory_space<hbm>>
        %dma_wait3A_208 = tpu.memref_slice %arg10[%arg0, %run_scoped3A_130, %run_scoped3A_131, %mul3A_64] : memref<2x16x1x10240xf32, #tpu.memory_space<hbm>> -> memref<1x1x1x2048xf32, #tpu.memory_space<hbm>>
        %dma_wait3A_209 = tpu.memref_squeeze %dma_wait3A_208 : memref<1x1x1x2048xf32, #tpu.memory_space<hbm>> -> memref<2048xf32, #tpu.memory_space<hbm>>
        tpu.wait_dma2 semaphore(%run_scoped3A_203 : memref<!tpu.dma_semaphore, #tpu.memory_space<semaphore_mem>>) src(%dma_wait3A_209 : memref<2048xf32, #tpu.memory_space<hbm>>) dst(%arg18 : memref<2048xf32, #tpu.memory_space<vmem>>)
        tpu.yield
      }) : () -> ()
      %scan3A_132 = arith.constant 0 : i32
      %scan3A_133 = arith.constant 0 : i32
      %scan3A_134 = arith.constant 128 : i32
      %scan3A_135 = arith.addi %scan3A_133, %scan3A_134 : i32
      %scan3A_136 = arith.constant 1 : i32
      %scan3A_137 = scf.for %scan3A_203 = %scan3A_133 to %scan3A_135 step %scan3A_136 iter_args(%scan3A_204 = %scan3A_132) -> (i32)  : i32 {
        %mul3A_205 = arith.constant 16 : i32
        %mul3A_206 = arith.muli %scan3A_203, %mul3A_205 : i32
        %get3A = arith.index_cast %mul3A_206 : i32 to index
        %get3A_207 = tpu.vector_load %arg17[%get3A] {strides = array<i32>} : memref<2048xf32, #tpu.memory_space<vmem>>, vector<16xf32>,
        %get3A_208 = arith.index_cast %mul3A_206 : i32 to index
        %get3A_209 = tpu.vector_load %arg18[%get3A_208] {strides = array<i32>} : memref<2048xf32, #tpu.memory_space<vmem>>, vector<16xf32>,
        %add3A_210 = arith.addf %get3A_207, %get3A_209 : vector<16xf32>
        %swap3A = arith.index_cast %mul3A_206 : i32 to index
        %swap3A_211 = tpu.vector_load %arg17[%swap3A] {strides = array<i32>} : memref<2048xf32, #tpu.memory_space<vmem>>, vector<16xf32>,
        tpu.vector_store %arg17[%swap3A], %add3A_210 {strides = array<i32>} : memref<2048xf32, #tpu.memory_space<vmem>>, vector<16xf32>,
        %scan3A_212 = arith.constant 0 : i32
        scf.yield %scan3A_212 : i32
      }
      %scan3A_138 = arith.constant 128 : i32
      %run_scoped3A_139 = arith.constant 9 : i32
      %run_scoped3A_140 = arith.constant 0 : i32
      "tpu.region"() ({
        %run_scoped3A_203 = tpu.sem_alloc : memref<!tpu.dma_semaphore, #tpu.memory_space<semaphore_mem>>
        %dma_start3A = tpu.memref_slice %arg10[%arg0, %run_scoped3A_139, %run_scoped3A_140, %mul3A_64] : memref<2x16x1x10240xf32, #tpu.memory_space<hbm>> -> memref<1x1x1x2048xf32, #tpu.memory_space<hbm>>
        %dma_start3A_204 = tpu.memref_squeeze %dma_start3A : memref<1x1x1x2048xf32, #tpu.memory_space<hbm>> -> memref<2048xf32, #tpu.memory_space<hbm>>
        %dma_start3A_205 = tpu.memref_slice %arg10[%arg0, %run_scoped3A_139, %run_scoped3A_140, %mul3A_64] : memref<2x16x1x10240xf32, #tpu.memory_space<hbm>> -> memref<1x1x1x2048xf32, #tpu.memory_space<hbm>>
        %dma_start3A_206 = tpu.memref_squeeze %dma_start3A_205 : memref<1x1x1x2048xf32, #tpu.memory_space<hbm>> -> memref<2048xf32, #tpu.memory_space<hbm>>
        tpu.enqueue_dma source(%dma_start3A_206 : memref<2048xf32, #tpu.memory_space<hbm>>) target(%arg18 : memref<2048xf32, #tpu.memory_space<vmem>>) target_semaphore(%run_scoped3A_203 : memref<!tpu.dma_semaphore, #tpu.memory_space<semaphore_mem>>)
        %dma_wait3A = tpu.memref_slice %arg10[%arg0, %run_scoped3A_139, %run_scoped3A_140, %mul3A_64] : memref<2x16x1x10240xf32, #tpu.memory_space<hbm>> -> memref<1x1x1x2048xf32, #tpu.memory_space<hbm>>
        %dma_wait3A_207 = tpu.memref_squeeze %dma_wait3A : memref<1x1x1x2048xf32, #tpu.memory_space<hbm>> -> memref<2048xf32, #tpu.memory_space<hbm>>
        %dma_wait3A_208 = tpu.memref_slice %arg10[%arg0, %run_scoped3A_139, %run_scoped3A_140, %mul3A_64] : memref<2x16x1x10240xf32, #tpu.memory_space<hbm>> -> memref<1x1x1x2048xf32, #tpu.memory_space<hbm>>
        %dma_wait3A_209 = tpu.memref_squeeze %dma_wait3A_208 : memref<1x1x1x2048xf32, #tpu.memory_space<hbm>> -> memref<2048xf32, #tpu.memory_space<hbm>>
        tpu.wait_dma2 semaphore(%run_scoped3A_203 : memref<!tpu.dma_semaphore, #tpu.memory_space<semaphore_mem>>) src(%dma_wait3A_209 : memref<2048xf32, #tpu.memory_space<hbm>>) dst(%arg18 : memref<2048xf32, #tpu.memory_space<vmem>>)
        tpu.yield
      }) : () -> ()
      %scan3A_141 = arith.constant 0 : i32
      %scan3A_142 = arith.constant 0 : i32
      %scan3A_143 = arith.constant 128 : i32
      %scan3A_144 = arith.addi %scan3A_142, %scan3A_143 : i32
      %scan3A_145 = arith.constant 1 : i32
      %scan3A_146 = scf.for %scan3A_203 = %scan3A_142 to %scan3A_144 step %scan3A_145 iter_args(%scan3A_204 = %scan3A_141) -> (i32)  : i32 {
        %mul3A_205 = arith.constant 16 : i32
        %mul3A_206 = arith.muli %scan3A_203, %mul3A_205 : i32
        %get3A = arith.index_cast %mul3A_206 : i32 to index
        %get3A_207 = tpu.vector_load %arg17[%get3A] {strides = array<i32>} : memref<2048xf32, #tpu.memory_space<vmem>>, vector<16xf32>,
        %get3A_208 = arith.index_cast %mul3A_206 : i32 to index
        %get3A_209 = tpu.vector_load %arg18[%get3A_208] {strides = array<i32>} : memref<2048xf32, #tpu.memory_space<vmem>>, vector<16xf32>,
        %add3A_210 = arith.addf %get3A_207, %get3A_209 : vector<16xf32>
        %swap3A = arith.index_cast %mul3A_206 : i32 to index
        %swap3A_211 = tpu.vector_load %arg17[%swap3A] {strides = array<i32>} : memref<2048xf32, #tpu.memory_space<vmem>>, vector<16xf32>,
        tpu.vector_store %arg17[%swap3A], %add3A_210 {strides = array<i32>} : memref<2048xf32, #tpu.memory_space<vmem>>, vector<16xf32>,
        %scan3A_212 = arith.constant 0 : i32
        scf.yield %scan3A_212 : i32
      }
      %scan3A_147 = arith.constant 128 : i32
      %run_scoped3A_148 = arith.constant 10 : i32
      %run_scoped3A_149 = arith.constant 0 : i32
      "tpu.region"() ({
        %run_scoped3A_203 = tpu.sem_alloc : memref<!tpu.dma_semaphore, #tpu.memory_space<semaphore_mem>>
        %dma_start3A = tpu.memref_slice %arg10[%arg0, %run_scoped3A_148, %run_scoped3A_149, %mul3A_64] : memref<2x16x1x10240xf32, #tpu.memory_space<hbm>> -> memref<1x1x1x2048xf32, #tpu.memory_space<hbm>>
        %dma_start3A_204 = tpu.memref_squeeze %dma_start3A : memref<1x1x1x2048xf32, #tpu.memory_space<hbm>> -> memref<2048xf32, #tpu.memory_space<hbm>>
        %dma_start3A_205 = tpu.memref_slice %arg10[%arg0, %run_scoped3A_148, %run_scoped3A_149, %mul3A_64] : memref<2x16x1x10240xf32, #tpu.memory_space<hbm>> -> memref<1x1x1x2048xf32, #tpu.memory_space<hbm>>
        %dma_start3A_206 = tpu.memref_squeeze %dma_start3A_205 : memref<1x1x1x2048xf32, #tpu.memory_space<hbm>> -> memref<2048xf32, #tpu.memory_space<hbm>>
        tpu.enqueue_dma source(%dma_start3A_206 : memref<2048xf32, #tpu.memory_space<hbm>>) target(%arg18 : memref<2048xf32, #tpu.memory_space<vmem>>) target_semaphore(%run_scoped3A_203 : memref<!tpu.dma_semaphore, #tpu.memory_space<semaphore_mem>>)
        %dma_wait3A = tpu.memref_slice %arg10[%arg0, %run_scoped3A_148, %run_scoped3A_149, %mul3A_64] : memref<2x16x1x10240xf32, #tpu.memory_space<hbm>> -> memref<1x1x1x2048xf32, #tpu.memory_space<hbm>>
        %dma_wait3A_207 = tpu.memref_squeeze %dma_wait3A : memref<1x1x1x2048xf32, #tpu.memory_space<hbm>> -> memref<2048xf32, #tpu.memory_space<hbm>>
        %dma_wait3A_208 = tpu.memref_slice %arg10[%arg0, %run_scoped3A_148, %run_scoped3A_149, %mul3A_64] : memref<2x16x1x10240xf32, #tpu.memory_space<hbm>> -> memref<1x1x1x2048xf32, #tpu.memory_space<hbm>>
        %dma_wait3A_209 = tpu.memref_squeeze %dma_wait3A_208 : memref<1x1x1x2048xf32, #tpu.memory_space<hbm>> -> memref<2048xf32, #tpu.memory_space<hbm>>
        tpu.wait_dma2 semaphore(%run_scoped3A_203 : memref<!tpu.dma_semaphore, #tpu.memory_space<semaphore_mem>>) src(%dma_wait3A_209 : memref<2048xf32, #tpu.memory_space<hbm>>) dst(%arg18 : memref<2048xf32, #tpu.memory_space<vmem>>)
        tpu.yield
      }) : () -> ()
      %scan3A_150 = arith.constant 0 : i32
      %scan3A_151 = arith.constant 0 : i32
      %scan3A_152 = arith.constant 128 : i32
      %scan3A_153 = arith.addi %scan3A_151, %scan3A_152 : i32
      %scan3A_154 = arith.constant 1 : i32
      %scan3A_155 = scf.for %scan3A_203 = %scan3A_151 to %scan3A_153 step %scan3A_154 iter_args(%scan3A_204 = %scan3A_150) -> (i32)  : i32 {
        %mul3A_205 = arith.constant 16 : i32
        %mul3A_206 = arith.muli %scan3A_203, %mul3A_205 : i32
        %get3A = arith.index_cast %mul3A_206 : i32 to index
        %get3A_207 = tpu.vector_load %arg17[%get3A] {strides = array<i32>} : memref<2048xf32, #tpu.memory_space<vmem>>, vector<16xf32>,
        %get3A_208 = arith.index_cast %mul3A_206 : i32 to index
        %get3A_209 = tpu.vector_load %arg18[%get3A_208] {strides = array<i32>} : memref<2048xf32, #tpu.memory_space<vmem>>, vector<16xf32>,
        %add3A_210 = arith.addf %get3A_207, %get3A_209 : vector<16xf32>
        %swap3A = arith.index_cast %mul3A_206 : i32 to index
        %swap3A_211 = tpu.vector_load %arg17[%swap3A] {strides = array<i32>} : memref<2048xf32, #tpu.memory_space<vmem>>, vector<16xf32>,
        tpu.vector_store %arg17[%swap3A], %add3A_210 {strides = array<i32>} : memref<2048xf32, #tpu.memory_space<vmem>>, vector<16xf32>,
        %scan3A_212 = arith.constant 0 : i32
        scf.yield %scan3A_212 : i32
      }
      %scan3A_156 = arith.constant 128 : i32
      %run_scoped3A_157 = arith.constant 11 : i32
      %run_scoped3A_158 = arith.constant 0 : i32
      "tpu.region"() ({
        %run_scoped3A_203 = tpu.sem_alloc : memref<!tpu.dma_semaphore, #tpu.memory_space<semaphore_mem>>
        %dma_start3A = tpu.memref_slice %arg10[%arg0, %run_scoped3A_157, %run_scoped3A_158, %mul3A_64] : memref<2x16x1x10240xf32, #tpu.memory_space<hbm>> -> memref<1x1x1x2048xf32, #tpu.memory_space<hbm>>
        %dma_start3A_204 = tpu.memref_squeeze %dma_start3A : memref<1x1x1x2048xf32, #tpu.memory_space<hbm>> -> memref<2048xf32, #tpu.memory_space<hbm>>
        %dma_start3A_205 = tpu.memref_slice %arg10[%arg0, %run_scoped3A_157, %run_scoped3A_158, %mul3A_64] : memref<2x16x1x10240xf32, #tpu.memory_space<hbm>> -> memref<1x1x1x2048xf32, #tpu.memory_space<hbm>>
        %dma_start3A_206 = tpu.memref_squeeze %dma_start3A_205 : memref<1x1x1x2048xf32, #tpu.memory_space<hbm>> -> memref<2048xf32, #tpu.memory_space<hbm>>
        tpu.enqueue_dma source(%dma_start3A_206 : memref<2048xf32, #tpu.memory_space<hbm>>) target(%arg18 : memref<2048xf32, #tpu.memory_space<vmem>>) target_semaphore(%run_scoped3A_203 : memref<!tpu.dma_semaphore, #tpu.memory_space<semaphore_mem>>)
        %dma_wait3A = tpu.memref_slice %arg10[%arg0, %run_scoped3A_157, %run_scoped3A_158, %mul3A_64] : memref<2x16x1x10240xf32, #tpu.memory_space<hbm>> -> memref<1x1x1x2048xf32, #tpu.memory_space<hbm>>
        %dma_wait3A_207 = tpu.memref_squeeze %dma_wait3A : memref<1x1x1x2048xf32, #tpu.memory_space<hbm>> -> memref<2048xf32, #tpu.memory_space<hbm>>
        %dma_wait3A_208 = tpu.memref_slice %arg10[%arg0, %run_scoped3A_157, %run_scoped3A_158, %mul3A_64] : memref<2x16x1x10240xf32, #tpu.memory_space<hbm>> -> memref<1x1x1x2048xf32, #tpu.memory_space<hbm>>
        %dma_wait3A_209 = tpu.memref_squeeze %dma_wait3A_208 : memref<1x1x1x2048xf32, #tpu.memory_space<hbm>> -> memref<2048xf32, #tpu.memory_space<hbm>>
        tpu.wait_dma2 semaphore(%run_scoped3A_203 : memref<!tpu.dma_semaphore, #tpu.memory_space<semaphore_mem>>) src(%dma_wait3A_209 : memref<2048xf32, #tpu.memory_space<hbm>>) dst(%arg18 : memref<2048xf32, #tpu.memory_space<vmem>>)
        tpu.yield
      }) : () -> ()
      %scan3A_159 = arith.constant 0 : i32
      %scan3A_160 = arith.constant 0 : i32
      %scan3A_161 = arith.constant 128 : i32
      %scan3A_162 = arith.addi %scan3A_160, %scan3A_161 : i32
      %scan3A_163 = arith.constant 1 : i32
      %scan3A_164 = scf.for %scan3A_203 = %scan3A_160 to %scan3A_162 step %scan3A_163 iter_args(%scan3A_204 = %scan3A_159) -> (i32)  : i32 {
        %mul3A_205 = arith.constant 16 : i32
        %mul3A_206 = arith.muli %scan3A_203, %mul3A_205 : i32
        %get3A = arith.index_cast %mul3A_206 : i32 to index
        %get3A_207 = tpu.vector_load %arg17[%get3A] {strides = array<i32>} : memref<2048xf32, #tpu.memory_space<vmem>>, vector<16xf32>,
        %get3A_208 = arith.index_cast %mul3A_206 : i32 to index
        %get3A_209 = tpu.vector_load %arg18[%get3A_208] {strides = array<i32>} : memref<2048xf32, #tpu.memory_space<vmem>>, vector<16xf32>,
        %add3A_210 = arith.addf %get3A_207, %get3A_209 : vector<16xf32>
        %swap3A = arith.index_cast %mul3A_206 : i32 to index
        %swap3A_211 = tpu.vector_load %arg17[%swap3A] {strides = array<i32>} : memref<2048xf32, #tpu.memory_space<vmem>>, vector<16xf32>,
        tpu.vector_store %arg17[%swap3A], %add3A_210 {strides = array<i32>} : memref<2048xf32, #tpu.memory_space<vmem>>, vector<16xf32>,
        %scan3A_212 = arith.constant 0 : i32
        scf.yield %scan3A_212 : i32
      }
      %scan3A_165 = arith.constant 128 : i32
      %run_scoped3A_166 = arith.constant 12 : i32
      %run_scoped3A_167 = arith.constant 0 : i32
      "tpu.region"() ({
        %run_scoped3A_203 = tpu.sem_alloc : memref<!tpu.dma_semaphore, #tpu.memory_space<semaphore_mem>>
        %dma_start3A = tpu.memref_slice %arg10[%arg0, %run_scoped3A_166, %run_scoped3A_167, %mul3A_64] : memref<2x16x1x10240xf32, #tpu.memory_space<hbm>> -> memref<1x1x1x2048xf32, #tpu.memory_space<hbm>>
        %dma_start3A_204 = tpu.memref_squeeze %dma_start3A : memref<1x1x1x2048xf32, #tpu.memory_space<hbm>> -> memref<2048xf32, #tpu.memory_space<hbm>>
        %dma_start3A_205 = tpu.memref_slice %arg10[%arg0, %run_scoped3A_166, %run_scoped3A_167, %mul3A_64] : memref<2x16x1x10240xf32, #tpu.memory_space<hbm>> -> memref<1x1x1x2048xf32, #tpu.memory_space<hbm>>
        %dma_start3A_206 = tpu.memref_squeeze %dma_start3A_205 : memref<1x1x1x2048xf32, #tpu.memory_space<hbm>> -> memref<2048xf32, #tpu.memory_space<hbm>>
        tpu.enqueue_dma source(%dma_start3A_206 : memref<2048xf32, #tpu.memory_space<hbm>>) target(%arg18 : memref<2048xf32, #tpu.memory_space<vmem>>) target_semaphore(%run_scoped3A_203 : memref<!tpu.dma_semaphore, #tpu.memory_space<semaphore_mem>>)
        %dma_wait3A = tpu.memref_slice %arg10[%arg0, %run_scoped3A_166, %run_scoped3A_167, %mul3A_64] : memref<2x16x1x10240xf32, #tpu.memory_space<hbm>> -> memref<1x1x1x2048xf32, #tpu.memory_space<hbm>>
        %dma_wait3A_207 = tpu.memref_squeeze %dma_wait3A : memref<1x1x1x2048xf32, #tpu.memory_space<hbm>> -> memref<2048xf32, #tpu.memory_space<hbm>>
        %dma_wait3A_208 = tpu.memref_slice %arg10[%arg0, %run_scoped3A_166, %run_scoped3A_167, %mul3A_64] : memref<2x16x1x10240xf32, #tpu.memory_space<hbm>> -> memref<1x1x1x2048xf32, #tpu.memory_space<hbm>>
        %dma_wait3A_209 = tpu.memref_squeeze %dma_wait3A_208 : memref<1x1x1x2048xf32, #tpu.memory_space<hbm>> -> memref<2048xf32, #tpu.memory_space<hbm>>
        tpu.wait_dma2 semaphore(%run_scoped3A_203 : memref<!tpu.dma_semaphore, #tpu.memory_space<semaphore_mem>>) src(%dma_wait3A_209 : memref<2048xf32, #tpu.memory_space<hbm>>) dst(%arg18 : memref<2048xf32, #tpu.memory_space<vmem>>)
        tpu.yield
      }) : () -> ()
      %scan3A_168 = arith.constant 0 : i32
      %scan3A_169 = arith.constant 0 : i32
      %scan3A_170 = arith.constant 128 : i32
      %scan3A_171 = arith.addi %scan3A_169, %scan3A_170 : i32
      %scan3A_172 = arith.constant 1 : i32
      %scan3A_173 = scf.for %scan3A_203 = %scan3A_169 to %scan3A_171 step %scan3A_172 iter_args(%scan3A_204 = %scan3A_168) -> (i32)  : i32 {
        %mul3A_205 = arith.constant 16 : i32
        %mul3A_206 = arith.muli %scan3A_203, %mul3A_205 : i32
        %get3A = arith.index_cast %mul3A_206 : i32 to index
        %get3A_207 = tpu.vector_load %arg17[%get3A] {strides = array<i32>} : memref<2048xf32, #tpu.memory_space<vmem>>, vector<16xf32>,
        %get3A_208 = arith.index_cast %mul3A_206 : i32 to index
        %get3A_209 = tpu.vector_load %arg18[%get3A_208] {strides = array<i32>} : memref<2048xf32, #tpu.memory_space<vmem>>, vector<16xf32>,
        %add3A_210 = arith.addf %get3A_207, %get3A_209 : vector<16xf32>
        %swap3A = arith.index_cast %mul3A_206 : i32 to index
        %swap3A_211 = tpu.vector_load %arg17[%swap3A] {strides = array<i32>} : memref<2048xf32, #tpu.memory_space<vmem>>, vector<16xf32>,
        tpu.vector_store %arg17[%swap3A], %add3A_210 {strides = array<i32>} : memref<2048xf32, #tpu.memory_space<vmem>>, vector<16xf32>,
        %scan3A_212 = arith.constant 0 : i32
        scf.yield %scan3A_212 : i32
      }
      %scan3A_174 = arith.constant 128 : i32
      %run_scoped3A_175 = arith.constant 13 : i32
      %run_scoped3A_176 = arith.constant 0 : i32
      "tpu.region"() ({
        %run_scoped3A_203 = tpu.sem_alloc : memref<!tpu.dma_semaphore, #tpu.memory_space<semaphore_mem>>
        %dma_start3A = tpu.memref_slice %arg10[%arg0, %run_scoped3A_175, %run_scoped3A_176, %mul3A_64] : memref<2x16x1x10240xf32, #tpu.memory_space<hbm>> -> memref<1x1x1x2048xf32, #tpu.memory_space<hbm>>
        %dma_start3A_204 = tpu.memref_squeeze %dma_start3A : memref<1x1x1x2048xf32, #tpu.memory_space<hbm>> -> memref<2048xf32, #tpu.memory_space<hbm>>
        %dma_start3A_205 = tpu.memref_slice %arg10[%arg0, %run_scoped3A_175, %run_scoped3A_176, %mul3A_64] : memref<2x16x1x10240xf32, #tpu.memory_space<hbm>> -> memref<1x1x1x2048xf32, #tpu.memory_space<hbm>>
        %dma_start3A_206 = tpu.memref_squeeze %dma_start3A_205 : memref<1x1x1x2048xf32, #tpu.memory_space<hbm>> -> memref<2048xf32, #tpu.memory_space<hbm>>
        tpu.enqueue_dma source(%dma_start3A_206 : memref<2048xf32, #tpu.memory_space<hbm>>) target(%arg18 : memref<2048xf32, #tpu.memory_space<vmem>>) target_semaphore(%run_scoped3A_203 : memref<!tpu.dma_semaphore, #tpu.memory_space<semaphore_mem>>)
        %dma_wait3A = tpu.memref_slice %arg10[%arg0, %run_scoped3A_175, %run_scoped3A_176, %mul3A_64] : memref<2x16x1x10240xf32, #tpu.memory_space<hbm>> -> memref<1x1x1x2048xf32, #tpu.memory_space<hbm>>
        %dma_wait3A_207 = tpu.memref_squeeze %dma_wait3A : memref<1x1x1x2048xf32, #tpu.memory_space<hbm>> -> memref<2048xf32, #tpu.memory_space<hbm>>
        %dma_wait3A_208 = tpu.memref_slice %arg10[%arg0, %run_scoped3A_175, %run_scoped3A_176, %mul3A_64] : memref<2x16x1x10240xf32, #tpu.memory_space<hbm>> -> memref<1x1x1x2048xf32, #tpu.memory_space<hbm>>
        %dma_wait3A_209 = tpu.memref_squeeze %dma_wait3A_208 : memref<1x1x1x2048xf32, #tpu.memory_space<hbm>> -> memref<2048xf32, #tpu.memory_space<hbm>>
        tpu.wait_dma2 semaphore(%run_scoped3A_203 : memref<!tpu.dma_semaphore, #tpu.memory_space<semaphore_mem>>) src(%dma_wait3A_209 : memref<2048xf32, #tpu.memory_space<hbm>>) dst(%arg18 : memref<2048xf32, #tpu.memory_space<vmem>>)
        tpu.yield
      }) : () -> ()
      %scan3A_177 = arith.constant 0 : i32
      %scan3A_178 = arith.constant 0 : i32
      %scan3A_179 = arith.constant 128 : i32
      %scan3A_180 = arith.addi %scan3A_178, %scan3A_179 : i32
      %scan3A_181 = arith.constant 1 : i32
      %scan3A_182 = scf.for %scan3A_203 = %scan3A_178 to %scan3A_180 step %scan3A_181 iter_args(%scan3A_204 = %scan3A_177) -> (i32)  : i32 {
        %mul3A_205 = arith.constant 16 : i32
        %mul3A_206 = arith.muli %scan3A_203, %mul3A_205 : i32
        %get3A = arith.index_cast %mul3A_206 : i32 to index
        %get3A_207 = tpu.vector_load %arg17[%get3A] {strides = array<i32>} : memref<2048xf32, #tpu.memory_space<vmem>>, vector<16xf32>,
        %get3A_208 = arith.index_cast %mul3A_206 : i32 to index
        %get3A_209 = tpu.vector_load %arg18[%get3A_208] {strides = array<i32>} : memref<2048xf32, #tpu.memory_space<vmem>>, vector<16xf32>,
        %add3A_210 = arith.addf %get3A_207, %get3A_209 : vector<16xf32>
        %swap3A = arith.index_cast %mul3A_206 : i32 to index
        %swap3A_211 = tpu.vector_load %arg17[%swap3A] {strides = array<i32>} : memref<2048xf32, #tpu.memory_space<vmem>>, vector<16xf32>,
        tpu.vector_store %arg17[%swap3A], %add3A_210 {strides = array<i32>} : memref<2048xf32, #tpu.memory_space<vmem>>, vector<16xf32>,
        %scan3A_212 = arith.constant 0 : i32
        scf.yield %scan3A_212 : i32
      }
      %scan3A_183 = arith.constant 128 : i32
      %run_scoped3A_184 = arith.constant 14 : i32
      %run_scoped3A_185 = arith.constant 0 : i32
      "tpu.region"() ({
        %run_scoped3A_203 = tpu.sem_alloc : memref<!tpu.dma_semaphore, #tpu.memory_space<semaphore_mem>>
        %dma_start3A = tpu.memref_slice %arg10[%arg0, %run_scoped3A_184, %run_scoped3A_185, %mul3A_64] : memref<2x16x1x10240xf32, #tpu.memory_space<hbm>> -> memref<1x1x1x2048xf32, #tpu.memory_space<hbm>>
        %dma_start3A_204 = tpu.memref_squeeze %dma_start3A : memref<1x1x1x2048xf32, #tpu.memory_space<hbm>> -> memref<2048xf32, #tpu.memory_space<hbm>>
        %dma_start3A_205 = tpu.memref_slice %arg10[%arg0, %run_scoped3A_184, %run_scoped3A_185, %mul3A_64] : memref<2x16x1x10240xf32, #tpu.memory_space<hbm>> -> memref<1x1x1x2048xf32, #tpu.memory_space<hbm>>
        %dma_start3A_206 = tpu.memref_squeeze %dma_start3A_205 : memref<1x1x1x2048xf32, #tpu.memory_space<hbm>> -> memref<2048xf32, #tpu.memory_space<hbm>>
        tpu.enqueue_dma source(%dma_start3A_206 : memref<2048xf32, #tpu.memory_space<hbm>>) target(%arg18 : memref<2048xf32, #tpu.memory_space<vmem>>) target_semaphore(%run_scoped3A_203 : memref<!tpu.dma_semaphore, #tpu.memory_space<semaphore_mem>>)
        %dma_wait3A = tpu.memref_slice %arg10[%arg0, %run_scoped3A_184, %run_scoped3A_185, %mul3A_64] : memref<2x16x1x10240xf32, #tpu.memory_space<hbm>> -> memref<1x1x1x2048xf32, #tpu.memory_space<hbm>>
        %dma_wait3A_207 = tpu.memref_squeeze %dma_wait3A : memref<1x1x1x2048xf32, #tpu.memory_space<hbm>> -> memref<2048xf32, #tpu.memory_space<hbm>>
        %dma_wait3A_208 = tpu.memref_slice %arg10[%arg0, %run_scoped3A_184, %run_scoped3A_185, %mul3A_64] : memref<2x16x1x10240xf32, #tpu.memory_space<hbm>> -> memref<1x1x1x2048xf32, #tpu.memory_space<hbm>>
        %dma_wait3A_209 = tpu.memref_squeeze %dma_wait3A_208 : memref<1x1x1x2048xf32, #tpu.memory_space<hbm>> -> memref<2048xf32, #tpu.memory_space<hbm>>
        tpu.wait_dma2 semaphore(%run_scoped3A_203 : memref<!tpu.dma_semaphore, #tpu.memory_space<semaphore_mem>>) src(%dma_wait3A_209 : memref<2048xf32, #tpu.memory_space<hbm>>) dst(%arg18 : memref<2048xf32, #tpu.memory_space<vmem>>)
        tpu.yield
      }) : () -> ()
      %scan3A_186 = arith.constant 0 : i32
      %scan3A_187 = arith.constant 0 : i32
      %scan3A_188 = arith.constant 128 : i32
      %scan3A_189 = arith.addi %scan3A_187, %scan3A_188 : i32
      %scan3A_190 = arith.constant 1 : i32
      %scan3A_191 = scf.for %scan3A_203 = %scan3A_187 to %scan3A_189 step %scan3A_190 iter_args(%scan3A_204 = %scan3A_186) -> (i32)  : i32 {
        %mul3A_205 = arith.constant 16 : i32
        %mul3A_206 = arith.muli %scan3A_203, %mul3A_205 : i32
        %get3A = arith.index_cast %mul3A_206 : i32 to index
        %get3A_207 = tpu.vector_load %arg17[%get3A] {strides = array<i32>} : memref<2048xf32, #tpu.memory_space<vmem>>, vector<16xf32>,
        %get3A_208 = arith.index_cast %mul3A_206 : i32 to index
        %get3A_209 = tpu.vector_load %arg18[%get3A_208] {strides = array<i32>} : memref<2048xf32, #tpu.memory_space<vmem>>, vector<16xf32>,
        %add3A_210 = arith.addf %get3A_207, %get3A_209 : vector<16xf32>
        %swap3A = arith.index_cast %mul3A_206 : i32 to index
        %swap3A_211 = tpu.vector_load %arg17[%swap3A] {strides = array<i32>} : memref<2048xf32, #tpu.memory_space<vmem>>, vector<16xf32>,
        tpu.vector_store %arg17[%swap3A], %add3A_210 {strides = array<i32>} : memref<2048xf32, #tpu.memory_space<vmem>>, vector<16xf32>,
        %scan3A_212 = arith.constant 0 : i32
        scf.yield %scan3A_212 : i32
      }
      %scan3A_192 = arith.constant 128 : i32
      %run_scoped3A_193 = arith.constant 15 : i32
      %run_scoped3A_194 = arith.constant 0 : i32
      "tpu.region"() ({
        %run_scoped3A_203 = tpu.sem_alloc : memref<!tpu.dma_semaphore, #tpu.memory_space<semaphore_mem>>
        %dma_start3A = tpu.memref_slice %arg10[%arg0, %run_scoped3A_193, %run_scoped3A_194, %mul3A_64] : memref<2x16x1x10240xf32, #tpu.memory_space<hbm>> -> memref<1x1x1x2048xf32, #tpu.memory_space<hbm>>
        %dma_start3A_204 = tpu.memref_squeeze %dma_start3A : memref<1x1x1x2048xf32, #tpu.memory_space<hbm>> -> memref<2048xf32, #tpu.memory_space<hbm>>
        %dma_start3A_205 = tpu.memref_slice %arg10[%arg0, %run_scoped3A_193, %run_scoped3A_194, %mul3A_64] : memref<2x16x1x10240xf32, #tpu.memory_space<hbm>> -> memref<1x1x1x2048xf32, #tpu.memory_space<hbm>>
        %dma_start3A_206 = tpu.memref_squeeze %dma_start3A_205 : memref<1x1x1x2048xf32, #tpu.memory_space<hbm>> -> memref<2048xf32, #tpu.memory_space<hbm>>
        tpu.enqueue_dma source(%dma_start3A_206 : memref<2048xf32, #tpu.memory_space<hbm>>) target(%arg18 : memref<2048xf32, #tpu.memory_space<vmem>>) target_semaphore(%run_scoped3A_203 : memref<!tpu.dma_semaphore, #tpu.memory_space<semaphore_mem>>)
        %dma_wait3A = tpu.memref_slice %arg10[%arg0, %run_scoped3A_193, %run_scoped3A_194, %mul3A_64] : memref<2x16x1x10240xf32, #tpu.memory_space<hbm>> -> memref<1x1x1x2048xf32, #tpu.memory_space<hbm>>
        %dma_wait3A_207 = tpu.memref_squeeze %dma_wait3A : memref<1x1x1x2048xf32, #tpu.memory_space<hbm>> -> memref<2048xf32, #tpu.memory_space<hbm>>
        %dma_wait3A_208 = tpu.memref_slice %arg10[%arg0, %run_scoped3A_193, %run_scoped3A_194, %mul3A_64] : memref<2x16x1x10240xf32, #tpu.memory_space<hbm>> -> memref<1x1x1x2048xf32, #tpu.memory_space<hbm>>
        %dma_wait3A_209 = tpu.memref_squeeze %dma_wait3A_208 : memref<1x1x1x2048xf32, #tpu.memory_space<hbm>> -> memref<2048xf32, #tpu.memory_space<hbm>>
        tpu.wait_dma2 semaphore(%run_scoped3A_203 : memref<!tpu.dma_semaphore, #tpu.memory_space<semaphore_mem>>) src(%dma_wait3A_209 : memref<2048xf32, #tpu.memory_space<hbm>>) dst(%arg18 : memref<2048xf32, #tpu.memory_space<vmem>>)
        tpu.yield
      }) : () -> ()
      %scan3A_195 = arith.constant 0 : i32
      %scan3A_196 = arith.constant 0 : i32
      %scan3A_197 = arith.constant 128 : i32
      %scan3A_198 = arith.addi %scan3A_196, %scan3A_197 : i32
      %scan3A_199 = arith.constant 1 : i32
      %scan3A_200 = scf.for %scan3A_203 = %scan3A_196 to %scan3A_198 step %scan3A_199 iter_args(%scan3A_204 = %scan3A_195) -> (i32)  : i32 {
        %mul3A_205 = arith.constant 16 : i32
        %mul3A_206 = arith.muli %scan3A_203, %mul3A_205 : i32
        %get3A = arith.index_cast %mul3A_206 : i32 to index
        %get3A_207 = tpu.vector_load %arg17[%get3A] {strides = array<i32>} : memref<2048xf32, #tpu.memory_space<vmem>>, vector<16xf32>,
        %get3A_208 = arith.index_cast %mul3A_206 : i32 to index
        %get3A_209 = tpu.vector_load %arg18[%get3A_208] {strides = array<i32>} : memref<2048xf32, #tpu.memory_space<vmem>>, vector<16xf32>,
        %add3A_210 = arith.addf %get3A_207, %get3A_209 : vector<16xf32>
        %swap3A = arith.index_cast %mul3A_206 : i32 to index
        %swap3A_211 = tpu.vector_load %arg17[%swap3A] {strides = array<i32>} : memref<2048xf32, #tpu.memory_space<vmem>>, vector<16xf32>,
        tpu.vector_store %arg17[%swap3A], %add3A_210 {strides = array<i32>} : memref<2048xf32, #tpu.memory_space<vmem>>, vector<16xf32>,
        %scan3A_212 = arith.constant 0 : i32
        scf.yield %scan3A_212 : i32
      }
      %scan3A_201 = arith.constant 128 : i32
      %run_scoped3A_202 = arith.constant 0 : i32
      "tpu.region"() ({
        %run_scoped3A_203 = tpu.sem_alloc : memref<!tpu.dma_semaphore, #tpu.memory_space<semaphore_mem>>
        %dma_start3A = tpu.memref_slice %arg8[%arg0, %run_scoped3A_202, %mul3A_64] : memref<2x1x10240xf32, #tpu.memory_space<hbm>> -> memref<1x1x2048xf32, #tpu.memory_space<hbm>>
        %dma_start3A_204 = tpu.memref_squeeze %dma_start3A : memref<1x1x2048xf32, #tpu.memory_space<hbm>> -> memref<2048xf32, #tpu.memory_space<hbm>>
        %dma_start3A_205 = tpu.memref_slice %arg8[%arg0, %run_scoped3A_202, %mul3A_64] : memref<2x1x10240xf32, #tpu.memory_space<hbm>> -> memref<1x1x2048xf32, #tpu.memory_space<hbm>>
        %dma_start3A_206 = tpu.memref_squeeze %dma_start3A_205 : memref<1x1x2048xf32, #tpu.memory_space<hbm>> -> memref<2048xf32, #tpu.memory_space<hbm>>
        tpu.enqueue_dma source(%arg17 : memref<2048xf32, #tpu.memory_space<vmem>>) target(%dma_start3A_206 : memref<2048xf32, #tpu.memory_space<hbm>>) target_semaphore(%run_scoped3A_203 : memref<!tpu.dma_semaphore, #tpu.memory_space<semaphore_mem>>)
        %dma_wait3A = tpu.memref_slice %arg8[%arg0, %run_scoped3A_202, %mul3A_64] : memref<2x1x10240xf32, #tpu.memory_space<hbm>> -> memref<1x1x2048xf32, #tpu.memory_space<hbm>>
        %dma_wait3A_207 = tpu.memref_squeeze %dma_wait3A : memref<1x1x2048xf32, #tpu.memory_space<hbm>> -> memref<2048xf32, #tpu.memory_space<hbm>>
        %dma_wait3A_208 = tpu.memref_slice %arg8[%arg0, %run_scoped3A_202, %mul3A_64] : memref<2x1x10240xf32, #tpu.memory_space<hbm>> -> memref<1x1x2048xf32, #tpu.memory_space<hbm>>
        %dma_wait3A_209 = tpu.memref_squeeze %dma_wait3A_208 : memref<1x1x2048xf32, #tpu.memory_space<hbm>> -> memref<2048xf32, #tpu.memory_space<hbm>>
        tpu.wait_dma2 semaphore(%run_scoped3A_203 : memref<!tpu.dma_semaphore, #tpu.memory_space<semaphore_mem>>) src(%arg17 : memref<2048xf32, #tpu.memory_space<vmem>>) dst(%dma_wait3A_209 : memref<2048xf32, #tpu.memory_space<hbm>>)
        tpu.yield
      }) : () -> ()
    } else {
    }
    return
  }
}

module attributes {stable_mosaic.version = 14 : i64} {
  func.func @body(%arg0: i32, %arg1: memref<1000x128xf32, #tpu.memory_space<vmem>>, %arg2: memref<2x1000x128xf32, #tpu.memory_space<vmem>>, %arg3: memref<1000x2xf32, #tpu.memory_space<vmem>>, %arg4: memref<128x256xf32, #tpu.memory_space<vmem>>, %arg5: memref<128x256xf32, #tpu.memory_space<vmem>>, %arg6: memref<1x256xf32, #tpu.memory_space<vmem>>, %arg7: memref<1000x128xf32, #tpu.memory_space<vmem>>, %arg8: memref<1000x128xf32, #tpu.memory_space<vmem>>, %arg9: memref<1000x1xf32, #tpu.memory_space<vmem>>) attributes {dimension_semantics = [#tpu.dimension_semantics<arbitrary>], iteration_bounds = array<i64: 10>, scalar_prefetch = 0 : i64, scratch_operands = 0 : i64, tpu.core_type = #tpu.core_type<tc>, window_params = [{transform_indices = @transform_0, window_bounds = array<i64: 1000, 128>}, {transform_indices = @transform_1, window_bounds = array<i64: 2, 1000, 128>}, {transform_indices = @transform_2, window_bounds = array<i64: 1000, 2>}, {pipeline_mode = #tpu.pipeline_mode<synchronous>, transform_indices = @transform_3, window_bounds = array<i64: 128, 256>}, {pipeline_mode = #tpu.pipeline_mode<synchronous>, transform_indices = @transform_4, window_bounds = array<i64: 128, 256>}, {pipeline_mode = #tpu.pipeline_mode<synchronous>, transform_indices = @transform_5, window_bounds = array<i64: 1, 256>}, {transform_indices = @transform_6, window_bounds = array<i64: 1000, 128>}, {transform_indices = @transform_7, window_bounds = array<i64: 1000, 128>}, {transform_indices = @transform_8, window_bounds = array<i64: 1000, 1>}]} {
    %get3A = arith.constant 0 : index
    %get3A_0 = arith.constant 0 : index
    %get3A_1 = vector.load %arg3[%get3A, %get3A_0] : memref<1000x2xf32, #tpu.memory_space<vmem>>, vector<1000x2xf32>
    %reduce_sum3A = arith.constant dense<0.000000e+00> : vector<1000xf32>
    %reduce_sum3A_2 = vector.multi_reduction <add>, %get3A_1, %reduce_sum3A [1] : vector<1000x2xf32> to vector<1000xf32>
    %broadcast_in_dim3A = vector.shape_cast %reduce_sum3A_2 : vector<1000xf32> to vector<1000x1xf32>
    %jit3A = arith.constant 1.000000e+00 : f32
    %max3A = vector.broadcast %jit3A : f32 to vector<1000x1xf32>
    %max3A_3 = arith.maximumf %max3A, %broadcast_in_dim3A : vector<1000x1xf32>
    %div3A = arith.constant 1.000000e+00 : f32
    %div3A_4 = vector.broadcast %div3A : f32 to vector<1000x1xf32>
    %div3A_5 = arith.divf %div3A_4, %max3A_3 : vector<1000x1xf32>
    %swap3A = arith.constant 0 : index
    %swap3A_6 = arith.constant 0 : index
    %swap3A_7 = vector.load %arg9[%swap3A, %swap3A_6] : memref<1000x1xf32, #tpu.memory_space<vmem>>, vector<1000x1xf32>
    tpu.vector_store %arg9[%swap3A, %swap3A_6], %div3A_5 {strides = array<i32>} : memref<1000x1xf32, #tpu.memory_space<vmem>>, vector<1000x1xf32>,
    %get3A_8 = arith.constant 0 : index
    %get3A_9 = arith.constant 0 : index
    %get3A_10 = arith.constant 0 : index
    %get3A_11 = vector.load %arg2[%get3A_8, %get3A_9, %get3A_10] : memref<2x1000x128xf32, #tpu.memory_space<vmem>>, vector<1x1000x128xf32>
    %get3A_12 = vector.shape_cast %get3A_11 : vector<1x1000x128xf32> to vector<1000x128xf32>
    %get3A_13 = arith.constant 1 : index
    %get3A_14 = arith.constant 0 : index
    %get3A_15 = arith.constant 0 : index
    %get3A_16 = vector.load %arg2[%get3A_13, %get3A_14, %get3A_15] : memref<2x1000x128xf32, #tpu.memory_space<vmem>>, vector<1x1000x128xf32>
    %get3A_17 = vector.shape_cast %get3A_16 : vector<1x1000x128xf32> to vector<1000x128xf32>
    %add3A = arith.addf %get3A_12, %get3A_17 : vector<1000x128xf32>
    %mul3A = vector.broadcast %div3A_5 : vector<1000x1xf32> to vector<1000x128xf32>
    %mul3A_18 = arith.mulf %add3A, %mul3A : vector<1000x128xf32>
    %get3A_19 = arith.constant 0 : index
    %get3A_20 = arith.constant 0 : index
    %get3A_21 = vector.load %arg1[%get3A_19, %get3A_20] : memref<1000x128xf32, #tpu.memory_space<vmem>>, vector<1000x128xf32>
    %get3A_22 = arith.constant 0 : index
    %get3A_23 = arith.constant 0 : index
    %get3A_24 = vector.load %arg4[%get3A_22, %get3A_23] : memref<128x256xf32, #tpu.memory_space<vmem>>, vector<128x256xf32>
    %dot_general3A = arith.constant dense<0.000000e+00> : vector<1000x256xf32>
    %dot_general3A_25 = tpu.matmul %get3A_21, %get3A_24, %dot_general3A {dimension_numbers = #tpu.dot_dimension_numbers<[1], [0], [0], [1], [0, 0, 1, 1], [], []>, transpose_lhs_hint = false} : vector<1000x128xf32>, vector<128x256xf32>, vector<1000x256xf32> -> vector<1000x256xf32>
    %get3A_26 = arith.constant 0 : index
    %get3A_27 = arith.constant 0 : index
    %get3A_28 = vector.load %arg5[%get3A_26, %get3A_27] : memref<128x256xf32, #tpu.memory_space<vmem>>, vector<128x256xf32>
    %dot_general3A_29 = arith.constant dense<0.000000e+00> : vector<1000x256xf32>
    %dot_general3A_30 = tpu.matmul %mul3A_18, %get3A_28, %dot_general3A_29 {dimension_numbers = #tpu.dot_dimension_numbers<[1], [0], [0], [1], [0, 0, 1, 1], [], []>, transpose_lhs_hint = false} : vector<1000x128xf32>, vector<128x256xf32>, vector<1000x256xf32> -> vector<1000x256xf32>
    %add3A_31 = arith.addf %dot_general3A_25, %dot_general3A_30 : vector<1000x256xf32>
    %get3A_32 = arith.constant 0 : index
    %get3A_33 = arith.constant 0 : index
    %get3A_34 = vector.load %arg6[%get3A_32, %get3A_33] : memref<1x256xf32, #tpu.memory_space<vmem>>, vector<1x256xf32>
    %add3A_35 = vector.broadcast %get3A_34 : vector<1x256xf32> to vector<1000x256xf32>
    %add3A_36 = arith.addf %add3A_31, %add3A_35 : vector<1000x256xf32>
    %max3A_37 = arith.constant 0.000000e+00 : f32
    %max3A_38 = vector.broadcast %max3A_37 : f32 to vector<1000x256xf32>
    %max3A_39 = arith.maximumf %add3A_36, %max3A_38 : vector<1000x256xf32>
    %mul3A_40 = arith.mulf %max3A_39, %max3A_39 : vector<1000x256xf32>
    %reduce_sum3A_41 = arith.constant dense<0.000000e+00> : vector<1000xf32>
    %reduce_sum3A_42 = vector.multi_reduction <add>, %mul3A_40, %reduce_sum3A_41 [1] : vector<1000x256xf32> to vector<1000xf32>
    %broadcast_in_dim3A_43 = vector.shape_cast %reduce_sum3A_42 : vector<1000xf32> to vector<1000x1xf32>
    %sqrt3A = math.sqrt %broadcast_in_dim3A_43 : vector<1000x1xf32>
    %max3A_44 = arith.constant 9.99999996E-13 : f32
    %max3A_45 = vector.broadcast %max3A_44 : f32 to vector<1000x1xf32>
    %max3A_46 = arith.maximumf %sqrt3A, %max3A_45 : vector<1000x1xf32>
    %div3A_47 = vector.broadcast %max3A_46 : vector<1000x1xf32> to vector<1000x256xf32>
    %div3A_48 = arith.divf %max3A_39, %div3A_47 : vector<1000x256xf32>
    %slice3A = vector.extract_strided_slice %div3A_48 {offsets = [0, 0], sizes = [1000, 128], strides = [1, 1]} : vector<1000x256xf32> to vector<1000x128xf32>
    %swap3A_49 = arith.constant 0 : index
    %swap3A_50 = arith.constant 0 : index
    %swap3A_51 = vector.load %arg7[%swap3A_49, %swap3A_50] : memref<1000x128xf32, #tpu.memory_space<vmem>>, vector<1000x128xf32>
    tpu.vector_store %arg7[%swap3A_49, %swap3A_50], %slice3A {strides = array<i32>} : memref<1000x128xf32, #tpu.memory_space<vmem>>, vector<1000x128xf32>,
    %slice3A_52 = vector.extract_strided_slice %div3A_48 {offsets = [0, 128], sizes = [1000, 128], strides = [1, 1]} : vector<1000x256xf32> to vector<1000x128xf32>
    %swap3A_53 = arith.constant 0 : index
    %swap3A_54 = arith.constant 0 : index
    %swap3A_55 = vector.load %arg8[%swap3A_53, %swap3A_54] : memref<1000x128xf32, #tpu.memory_space<vmem>>, vector<1000x128xf32>
    tpu.vector_store %arg8[%swap3A_53, %swap3A_54], %slice3A_52 {strides = array<i32>} : memref<1000x128xf32, #tpu.memory_space<vmem>>, vector<1000x128xf32>,
    return
  }
  func.func @transform_0(%arg0: i32) -> (i32, i32) {
    %c0_i32 = arith.constant 0 : i32
    %c0_i32_0 = arith.constant 0 : i32
    return %arg0, %c0_i32 : i32, i32
  }
  func.func @transform_1(%arg0: i32) -> (i32, i32, i32) {
    %c0_i32 = arith.constant 0 : i32
    %c0_i32_0 = arith.constant 0 : i32
    %c0_i32_1 = arith.constant 0 : i32
    return %c0_i32, %arg0, %c0_i32_0 : i32, i32, i32
  }
  func.func @transform_2(%arg0: i32) -> (i32, i32) {
    %c0_i32 = arith.constant 0 : i32
    %c0_i32_0 = arith.constant 0 : i32
    return %arg0, %c0_i32 : i32, i32
  }
  func.func @transform_3(%arg0: i32) -> (i32, i32) {
    %c0_i32 = arith.constant 0 : i32
    %c0_i32_0 = arith.constant 0 : i32
    %c0_i32_1 = arith.constant 0 : i32
    return %c0_i32, %c0_i32_0 : i32, i32
  }
  func.func @transform_4(%arg0: i32) -> (i32, i32) {
    %c0_i32 = arith.constant 0 : i32
    %c0_i32_0 = arith.constant 0 : i32
    %c0_i32_1 = arith.constant 0 : i32
    return %c0_i32, %c0_i32_0 : i32, i32
  }
  func.func @transform_5(%arg0: i32) -> (i32, i32) {
    %c0_i32 = arith.constant 0 : i32
    %c0_i32_0 = arith.constant 0 : i32
    %c0_i32_1 = arith.constant 0 : i32
    return %c0_i32, %c0_i32_0 : i32, i32
  }
  func.func @transform_6(%arg0: i32) -> (i32, i32) {
    %c0_i32 = arith.constant 0 : i32
    %c0_i32_0 = arith.constant 0 : i32
    return %arg0, %c0_i32 : i32, i32
  }
  func.func @transform_7(%arg0: i32) -> (i32, i32) {
    %c0_i32 = arith.constant 0 : i32
    %c0_i32_0 = arith.constant 0 : i32
    return %arg0, %c0_i32 : i32, i32
  }
  func.func @transform_8(%arg0: i32) -> (i32, i32) {
    %c0_i32 = arith.constant 0 : i32
    %c0_i32_0 = arith.constant 0 : i32
    return %arg0, %c0_i32 : i32, i32
  }
}

module attributes {stable_mosaic.version = 14 : i64} {
  func.func @body(%arg0: i32, %arg1: memref<1000x128xf32, #tpu.memory_space<vmem>>, %arg2: memref<1000x128xf32, #tpu.memory_space<vmem>>, %arg3: memref<2x1000x128xf32, #tpu.memory_space<vmem>>, %arg4: memref<1000x1xf32, #tpu.memory_space<vmem>>, %arg5: memref<1000x1xf32, #tpu.memory_space<vmem>>, %arg6: memref<256x256xf32, #tpu.memory_space<vmem>>, %arg7: memref<256x256xf32, #tpu.memory_space<vmem>>, %arg8: memref<1x256xf32, #tpu.memory_space<vmem>>, %arg9: memref<256x128xf32, #tpu.memory_space<vmem>>, %arg10: memref<256x128xf32, #tpu.memory_space<vmem>>, %arg11: memref<1x128xf32, #tpu.memory_space<vmem>>, %arg12: memref<1x128xf32, #tpu.memory_space<vmem>>, %arg13: memref<1x256xf32, #tpu.memory_space<vmem>>, %arg14: memref<1x256xf32, #tpu.memory_space<vmem>>) attributes {dimension_semantics = [#tpu.dimension_semantics<arbitrary>], iteration_bounds = array<i64: 10>, scalar_prefetch = 0 : i64, scratch_operands = 2 : i64, tpu.core_type = #tpu.core_type<tc>, window_params = [{transform_indices = @transform_0, window_bounds = array<i64: 1000, 128>}, {transform_indices = @transform_1, window_bounds = array<i64: 1000, 128>}, {transform_indices = @transform_2, window_bounds = array<i64: 2, 1000, 128>}, {transform_indices = @transform_3, window_bounds = array<i64: 1000, 1>}, {transform_indices = @transform_4, window_bounds = array<i64: 1000, 1>}, {pipeline_mode = #tpu.pipeline_mode<synchronous>, transform_indices = @transform_5, window_bounds = array<i64: 256, 256>}, {pipeline_mode = #tpu.pipeline_mode<synchronous>, transform_indices = @transform_6, window_bounds = array<i64: 256, 256>}, {pipeline_mode = #tpu.pipeline_mode<synchronous>, transform_indices = @transform_7, window_bounds = array<i64: 1, 256>}, {pipeline_mode = #tpu.pipeline_mode<synchronous>, transform_indices = @transform_8, window_bounds = array<i64: 256, 128>}, {pipeline_mode = #tpu.pipeline_mode<synchronous>, transform_indices = @transform_9, window_bounds = array<i64: 256, 128>}, {pipeline_mode = #tpu.pipeline_mode<synchronous>, transform_indices = @transform_10, window_bounds = array<i64: 1, 128>}, {pipeline_mode = #tpu.pipeline_mode<synchronous>, transform_indices = @transform_11, window_bounds = array<i64: 1, 128>}]} {
    %get3A = arith.constant 0 : index
    %get3A_0 = arith.constant 0 : index
    %get3A_1 = vector.load %arg5[%get3A, %get3A_0] : memref<1000x1xf32, #tpu.memory_space<vmem>>, vector<1000x1xf32>
    %get3A_2 = arith.constant 0 : index
    %get3A_3 = arith.constant 0 : index
    %get3A_4 = vector.load %arg1[%get3A_2, %get3A_3] : memref<1000x128xf32, #tpu.memory_space<vmem>>, vector<1000x128xf32>
    %get3A_5 = arith.constant 0 : index
    %get3A_6 = arith.constant 0 : index
    %get3A_7 = vector.load %arg6[%get3A_5, %get3A_6] : memref<256x256xf32, #tpu.memory_space<vmem>>, vector<128x256xf32>
    %dot_general3A = arith.constant dense<0.000000e+00> : vector<1000x256xf32>
    %dot_general3A_8 = tpu.matmul %get3A_4, %get3A_7, %dot_general3A {dimension_numbers = #tpu.dot_dimension_numbers<[1], [0], [0], [1], [0, 0, 1, 1], [], []>, transpose_lhs_hint = false} : vector<1000x128xf32>, vector<128x256xf32>, vector<1000x256xf32> -> vector<1000x256xf32>
    %get3A_9 = arith.constant 0 : index
    %get3A_10 = arith.constant 0 : index
    %get3A_11 = vector.load %arg2[%get3A_9, %get3A_10] : memref<1000x128xf32, #tpu.memory_space<vmem>>, vector<1000x128xf32>
    %get3A_12 = arith.constant 128 : index
    %get3A_13 = arith.constant 0 : index
    %get3A_14 = vector.load %arg6[%get3A_12, %get3A_13] : memref<256x256xf32, #tpu.memory_space<vmem>>, vector<128x256xf32>
    %dot_general3A_15 = arith.constant dense<0.000000e+00> : vector<1000x256xf32>
    %dot_general3A_16 = tpu.matmul %get3A_11, %get3A_14, %dot_general3A_15 {dimension_numbers = #tpu.dot_dimension_numbers<[1], [0], [0], [1], [0, 0, 1, 1], [], []>, transpose_lhs_hint = false} : vector<1000x128xf32>, vector<128x256xf32>, vector<1000x256xf32> -> vector<1000x256xf32>
    %add3A = arith.addf %dot_general3A_8, %dot_general3A_16 : vector<1000x256xf32>
    %get3A_17 = arith.constant 0 : index
    %get3A_18 = arith.constant 0 : index
    %get3A_19 = arith.constant 0 : index
    %get3A_20 = vector.load %arg3[%get3A_17, %get3A_18, %get3A_19] : memref<2x1000x128xf32, #tpu.memory_space<vmem>>, vector<1x1000x128xf32>
    %get3A_21 = vector.shape_cast %get3A_20 : vector<1x1000x128xf32> to vector<1000x128xf32>
    %mul3A = vector.broadcast %get3A_1 : vector<1000x1xf32> to vector<1000x128xf32>
    %mul3A_22 = arith.mulf %get3A_21, %mul3A : vector<1000x128xf32>
    %get3A_23 = arith.constant 0 : index
    %get3A_24 = arith.constant 0 : index
    %get3A_25 = vector.load %arg7[%get3A_23, %get3A_24] : memref<256x256xf32, #tpu.memory_space<vmem>>, vector<128x256xf32>
    %dot_general3A_26 = arith.constant dense<0.000000e+00> : vector<1000x256xf32>
    %dot_general3A_27 = tpu.matmul %mul3A_22, %get3A_25, %dot_general3A_26 {dimension_numbers = #tpu.dot_dimension_numbers<[1], [0], [0], [1], [0, 0, 1, 1], [], []>, transpose_lhs_hint = false} : vector<1000x128xf32>, vector<128x256xf32>, vector<1000x256xf32> -> vector<1000x256xf32>
    %add3A_28 = arith.addf %add3A, %dot_general3A_27 : vector<1000x256xf32>
    %get3A_29 = arith.constant 1 : index
    %get3A_30 = arith.constant 0 : index
    %get3A_31 = arith.constant 0 : index
    %get3A_32 = vector.load %arg3[%get3A_29, %get3A_30, %get3A_31] : memref<2x1000x128xf32, #tpu.memory_space<vmem>>, vector<1x1000x128xf32>
    %get3A_33 = vector.shape_cast %get3A_32 : vector<1x1000x128xf32> to vector<1000x128xf32>
    %mul3A_34 = vector.broadcast %get3A_1 : vector<1000x1xf32> to vector<1000x128xf32>
    %mul3A_35 = arith.mulf %get3A_33, %mul3A_34 : vector<1000x128xf32>
    %get3A_36 = arith.constant 128 : index
    %get3A_37 = arith.constant 0 : index
    %get3A_38 = vector.load %arg7[%get3A_36, %get3A_37] : memref<256x256xf32, #tpu.memory_space<vmem>>, vector<128x256xf32>
    %dot_general3A_39 = arith.constant dense<0.000000e+00> : vector<1000x256xf32>
    %dot_general3A_40 = tpu.matmul %mul3A_35, %get3A_38, %dot_general3A_39 {dimension_numbers = #tpu.dot_dimension_numbers<[1], [0], [0], [1], [0, 0, 1, 1], [], []>, transpose_lhs_hint = false} : vector<1000x128xf32>, vector<128x256xf32>, vector<1000x256xf32> -> vector<1000x256xf32>
    %add3A_41 = arith.addf %add3A_28, %dot_general3A_40 : vector<1000x256xf32>
    %get3A_42 = arith.constant 0 : index
    %get3A_43 = arith.constant 0 : index
    %get3A_44 = vector.load %arg8[%get3A_42, %get3A_43] : memref<1x256xf32, #tpu.memory_space<vmem>>, vector<1x256xf32>
    %add3A_45 = vector.broadcast %get3A_44 : vector<1x256xf32> to vector<1000x256xf32>
    %add3A_46 = arith.addf %add3A_41, %add3A_45 : vector<1000x256xf32>
    %max3A = arith.constant 0.000000e+00 : f32
    %max3A_47 = vector.broadcast %max3A : f32 to vector<1000x256xf32>
    %max3A_48 = arith.maximumf %add3A_46, %max3A_47 : vector<1000x256xf32>
    %mul3A_49 = arith.mulf %max3A_48, %max3A_48 : vector<1000x256xf32>
    %reduce_sum3A = arith.constant dense<0.000000e+00> : vector<1000xf32>
    %reduce_sum3A_50 = vector.multi_reduction <add>, %mul3A_49, %reduce_sum3A [1] : vector<1000x256xf32> to vector<1000xf32>
    %broadcast_in_dim3A = vector.shape_cast %reduce_sum3A_50 : vector<1000xf32> to vector<1000x1xf32>
    %sqrt3A = math.sqrt %broadcast_in_dim3A : vector<1000x1xf32>
    %max3A_51 = arith.constant 9.99999996E-13 : f32
    %max3A_52 = vector.broadcast %max3A_51 : f32 to vector<1000x1xf32>
    %max3A_53 = arith.maximumf %sqrt3A, %max3A_52 : vector<1000x1xf32>
    %div3A = vector.broadcast %max3A_53 : vector<1000x1xf32> to vector<1000x256xf32>
    %div3A_54 = arith.divf %max3A_48, %div3A : vector<1000x256xf32>
    %eq3A = arith.constant 0 : i32
    %eq3A_55 = arith.cmpi eq, %arg0, %eq3A : i32
    %convert_element_type3A = arith.extui %eq3A_55 : i1 to i32
    %cond3A = arith.constant 0 : i32
    %cond3A_56 = arith.cmpi ne, %convert_element_type3A, %cond3A : i32
    scf.if %cond3A_56 {
      %broadcast_in_dim3A_86 = arith.constant 0.000000e+00 : f32
      %broadcast_in_dim3A_87 = vector.broadcast %broadcast_in_dim3A_86 : f32 to vector<1x256xf32>
      %swap3A_88 = arith.constant 0 : index
      %swap3A_89 = arith.constant 0 : index
      %swap3A_90 = vector.load %arg13[%swap3A_88, %swap3A_89] : memref<1x256xf32, #tpu.memory_space<vmem>>, vector<1x256xf32>
      tpu.vector_store %arg13[%swap3A_88, %swap3A_89], %broadcast_in_dim3A_87 {strides = array<i32>} : memref<1x256xf32, #tpu.memory_space<vmem>>, vector<1x256xf32>,
      %broadcast_in_dim3A_91 = arith.constant 0.000000e+00 : f32
      %broadcast_in_dim3A_92 = vector.broadcast %broadcast_in_dim3A_91 : f32 to vector<1x256xf32>
      %swap3A_93 = arith.constant 0 : index
      %swap3A_94 = arith.constant 0 : index
      %swap3A_95 = vector.load %arg14[%swap3A_93, %swap3A_94] : memref<1x256xf32, #tpu.memory_space<vmem>>, vector<1x256xf32>
      tpu.vector_store %arg14[%swap3A_93, %swap3A_94], %broadcast_in_dim3A_92 {strides = array<i32>} : memref<1x256xf32, #tpu.memory_space<vmem>>, vector<1x256xf32>,
    } else {
    }
    %get3A_57 = arith.constant 0 : index
    %get3A_58 = arith.constant 0 : index
    %get3A_59 = vector.load %arg13[%get3A_57, %get3A_58] : memref<1x256xf32, #tpu.memory_space<vmem>>, vector<1x256xf32>
    %reduce_sum3A_60 = arith.constant dense<0.000000e+00> : vector<256xf32>
    %reduce_sum3A_61 = vector.multi_reduction <add>, %div3A_54, %reduce_sum3A_60 [0] : vector<1000x256xf32> to vector<256xf32>
    %broadcast_in_dim3A_62 = vector.shape_cast %reduce_sum3A_61 : vector<256xf32> to vector<1x256xf32>
    %add3A_63 = arith.addf %get3A_59, %broadcast_in_dim3A_62 : vector<1x256xf32>
    %swap3A = arith.constant 0 : index
    %swap3A_64 = arith.constant 0 : index
    %swap3A_65 = vector.load %arg13[%swap3A, %swap3A_64] : memref<1x256xf32, #tpu.memory_space<vmem>>, vector<1x256xf32>
    tpu.vector_store %arg13[%swap3A, %swap3A_64], %add3A_63 {strides = array<i32>} : memref<1x256xf32, #tpu.memory_space<vmem>>, vector<1x256xf32>,
    %get3A_66 = arith.constant 0 : index
    %get3A_67 = arith.constant 0 : index
    %get3A_68 = vector.load %arg14[%get3A_66, %get3A_67] : memref<1x256xf32, #tpu.memory_space<vmem>>, vector<1x256xf32>
    %get3A_69 = arith.constant 0 : index
    %get3A_70 = arith.constant 0 : index
    %get3A_71 = vector.load %arg4[%get3A_69, %get3A_70] : memref<1000x1xf32, #tpu.memory_space<vmem>>, vector<1000x1xf32>
    %mul3A_72 = vector.broadcast %get3A_71 : vector<1000x1xf32> to vector<1000x256xf32>
    %mul3A_73 = arith.mulf %mul3A_72, %div3A_54 : vector<1000x256xf32>
    %reduce_sum3A_74 = arith.constant dense<0.000000e+00> : vector<256xf32>
    %reduce_sum3A_75 = vector.multi_reduction <add>, %mul3A_73, %reduce_sum3A_74 [0] : vector<1000x256xf32> to vector<256xf32>
    %broadcast_in_dim3A_76 = vector.shape_cast %reduce_sum3A_75 : vector<256xf32> to vector<1x256xf32>
    %add3A_77 = arith.addf %get3A_68, %broadcast_in_dim3A_76 : vector<1x256xf32>
    %swap3A_78 = arith.constant 0 : index
    %swap3A_79 = arith.constant 0 : index
    %swap3A_80 = vector.load %arg14[%swap3A_78, %swap3A_79] : memref<1x256xf32, #tpu.memory_space<vmem>>, vector<1x256xf32>
    tpu.vector_store %arg14[%swap3A_78, %swap3A_79], %add3A_77 {strides = array<i32>} : memref<1x256xf32, #tpu.memory_space<vmem>>, vector<1x256xf32>,
    %eq3A_81 = arith.constant 9 : i32
    %eq3A_82 = arith.cmpi eq, %arg0, %eq3A_81 : i32
    %convert_element_type3A_83 = arith.extui %eq3A_82 : i1 to i32
    %cond3A_84 = arith.constant 0 : i32
    %cond3A_85 = arith.cmpi ne, %convert_element_type3A_83, %cond3A_84 : i32
    scf.if %cond3A_85 {
      %get3A_86 = arith.constant 0 : index
      %get3A_87 = arith.constant 0 : index
      %get3A_88 = vector.load %arg13[%get3A_86, %get3A_87] : memref<1x256xf32, #tpu.memory_space<vmem>>, vector<1x256xf32>
      %get3A_89 = arith.constant 0 : index
      %get3A_90 = arith.constant 0 : index
      %get3A_91 = vector.load %arg9[%get3A_89, %get3A_90] : memref<256x128xf32, #tpu.memory_space<vmem>>, vector<256x128xf32>
      %dot_general3A_92 = arith.constant dense<0.000000e+00> : vector<1x128xf32>
      %dot_general3A_93 = tpu.matmul %get3A_88, %get3A_91, %dot_general3A_92 {dimension_numbers = #tpu.dot_dimension_numbers<[1], [0], [0], [1], [0, 0, 1, 1], [], []>, transpose_lhs_hint = false} : vector<1x256xf32>, vector<256x128xf32>, vector<1x128xf32> -> vector<1x128xf32>
      %get3A_94 = arith.constant 0 : index
      %get3A_95 = arith.constant 0 : index
      %get3A_96 = vector.load %arg14[%get3A_94, %get3A_95] : memref<1x256xf32, #tpu.memory_space<vmem>>, vector<1x256xf32>
      %get3A_97 = arith.constant 0 : index
      %get3A_98 = arith.constant 0 : index
      %get3A_99 = vector.load %arg10[%get3A_97, %get3A_98] : memref<256x128xf32, #tpu.memory_space<vmem>>, vector<256x128xf32>
      %dot_general3A_100 = arith.constant dense<0.000000e+00> : vector<1x128xf32>
      %dot_general3A_101 = tpu.matmul %get3A_96, %get3A_99, %dot_general3A_100 {dimension_numbers = #tpu.dot_dimension_numbers<[1], [0], [0], [1], [0, 0, 1, 1], [], []>, transpose_lhs_hint = false} : vector<1x256xf32>, vector<256x128xf32>, vector<1x128xf32> -> vector<1x128xf32>
      %add3A_102 = arith.addf %dot_general3A_93, %dot_general3A_101 : vector<1x128xf32>
      %mul3A_103 = arith.constant 9.99999974E-5 : f32
      %mul3A_104 = vector.broadcast %mul3A_103 : f32 to vector<1x128xf32>
      %mul3A_105 = arith.mulf %add3A_102, %mul3A_104 : vector<1x128xf32>
      %get3A_106 = arith.constant 0 : index
      %get3A_107 = arith.constant 0 : index
      %get3A_108 = vector.load %arg11[%get3A_106, %get3A_107] : memref<1x128xf32, #tpu.memory_space<vmem>>, vector<1x128xf32>
      %add3A_109 = arith.addf %mul3A_105, %get3A_108 : vector<1x128xf32>
      %swap3A_110 = arith.constant 0 : index
      %swap3A_111 = arith.constant 0 : index
      %swap3A_112 = vector.load %arg12[%swap3A_110, %swap3A_111] : memref<1x128xf32, #tpu.memory_space<vmem>>, vector<1x128xf32>
      tpu.vector_store %arg12[%swap3A_110, %swap3A_111], %add3A_109 {strides = array<i32>} : memref<1x128xf32, #tpu.memory_space<vmem>>, vector<1x128xf32>,
    } else {
    }
    return
  }
  func.func @transform_0(%arg0: i32) -> (i32, i32) {
    %c0_i32 = arith.constant 0 : i32
    %c0_i32_0 = arith.constant 0 : i32
    return %arg0, %c0_i32 : i32, i32
  }
  func.func @transform_1(%arg0: i32) -> (i32, i32) {
    %c0_i32 = arith.constant 0 : i32
    %c0_i32_0 = arith.constant 0 : i32
    return %arg0, %c0_i32 : i32, i32
  }
  func.func @transform_2(%arg0: i32) -> (i32, i32, i32) {
    %c0_i32 = arith.constant 0 : i32
    %c0_i32_0 = arith.constant 0 : i32
    %c0_i32_1 = arith.constant 0 : i32
    return %c0_i32, %arg0, %c0_i32_0 : i32, i32, i32
  }
  func.func @transform_3(%arg0: i32) -> (i32, i32) {
    %c0_i32 = arith.constant 0 : i32
    %c0_i32_0 = arith.constant 0 : i32
    return %arg0, %c0_i32 : i32, i32
  }
  func.func @transform_4(%arg0: i32) -> (i32, i32) {
    %c0_i32 = arith.constant 0 : i32
    %c0_i32_0 = arith.constant 0 : i32
    return %arg0, %c0_i32 : i32, i32
  }
  func.func @transform_5(%arg0: i32) -> (i32, i32) {
    %c0_i32 = arith.constant 0 : i32
    %c0_i32_0 = arith.constant 0 : i32
    %c0_i32_1 = arith.constant 0 : i32
    return %c0_i32, %c0_i32_0 : i32, i32
  }
  func.func @transform_6(%arg0: i32) -> (i32, i32) {
    %c0_i32 = arith.constant 0 : i32
    %c0_i32_0 = arith.constant 0 : i32
    %c0_i32_1 = arith.constant 0 : i32
    return %c0_i32, %c0_i32_0 : i32, i32
  }
  func.func @transform_7(%arg0: i32) -> (i32, i32) {
    %c0_i32 = arith.constant 0 : i32
    %c0_i32_0 = arith.constant 0 : i32
    %c0_i32_1 = arith.constant 0 : i32
    return %c0_i32, %c0_i32_0 : i32, i32
  }
  func.func @transform_8(%arg0: i32) -> (i32, i32) {
    %c0_i32 = arith.constant 0 : i32
    %c0_i32_0 = arith.constant 0 : i32
    %c0_i32_1 = arith.constant 0 : i32
    return %c0_i32, %c0_i32_0 : i32, i32
  }
  func.func @transform_9(%arg0: i32) -> (i32, i32) {
    %c0_i32 = arith.constant 0 : i32
    %c0_i32_0 = arith.constant 0 : i32
    %c0_i32_1 = arith.constant 0 : i32
    return %c0_i32, %c0_i32_0 : i32, i32
  }
  func.func @transform_10(%arg0: i32) -> (i32, i32) {
    %c0_i32 = arith.constant 0 : i32
    %c0_i32_0 = arith.constant 0 : i32
    %c0_i32_1 = arith.constant 0 : i32
    return %c0_i32, %c0_i32_0 : i32, i32
  }
  func.func @transform_11(%arg0: i32) -> (i32, i32) {
    %c0_i32 = arith.constant 0 : i32
    %c0_i32_0 = arith.constant 0 : i32
    %c0_i32_1 = arith.constant 0 : i32
    return %c0_i32, %c0_i32_0 : i32, i32
  }
}

</mosaic_0001>

<sc_bundles>
// kernel: kernel.6.cloned.1.call-start
scs
__scs_entry_jumppad:
0x0: {  	(pc) =	sbr.rel $0x88, $3  }
0x1: {  	(tag) =	ssettag $0x0;
	lr =	simm.s32 $0x1  }
0x2: {  	[smem:$0x3F96] =	sst lr;
	_ =	strace $0xD0000000  }
0x3: {  	_ = 	snop  }
0x4: {  	_ = 	snop  }
0x5: {  	_ = 	snop  }
0x6: {  	_ = 	snop  }
0x7: {  	_ = 	snop  }
__scs_overlays_trampoline_lowered:
0x8: {  	[smem:$0x3FA5] =	sst s0  }
0x9: {  	[smem:$0x3FA6] =	sst s1  }
0xa: {  	[smem:$0x3FA7] =	sst s2  }
0xb: {  	[smem:$0x3FA8] =	sst s3  }
0xc: {  	[smem:$0x3FA9] =	sst s4  }
0xd: {  	[smem:$0x3FAA] =	sst s5  }
0xe: {  	[smem:$0x3FAB] =	sst s6  }
0xf: {  	[smem:$0x3FAC] =	sst s7  }
0x10: {  	[smem:$0x3FAD] =	sst s8  }
0x11: {  	[smem:$0x3FAE] =	sst s9;
	s0 =	simm.s32 @!p0 $0x0  }
0x12: {  	s1 =	sld [smem:$0x3F94];
	s0 =	simm.s32 @p0 $0x1  }
0x13: {  	[smem:$0x3FAF] =	sst s0;
	s0 =	simm.s32 @!p1 $0x0  }
0x14: {  	s2 =	sld [smem:$0x3F93];
	s0 =	simm.s32 @p1 $0x1  }
0x15: {  	[smem:$0x3FB0] =	sst s0;
	s0 =	simm.s32 @!p2 $0x0  }
0x16: {  	s3 =	sld [smem:$0x3FDB];
	s0 =	simm.s32 @p2 $0x1  }
0x17: {  	s4 =	simm.s32 $0x1BF5;
	[smem:$0x3FB2] =	sst s0  }
0x18: {  	s0 =	sld [smem:$0x3F95];
	_ =	swait.ge [sflag:s4], $0x0  }
0x19: {  	s7 =	sld [smem:$0x3F96]  }
0x1a: {  	s8 =	sadd.s32 $0xFFFFE003, lr  }
0x1b: {  	s9 =	sadd.s32 $0xFFFFFEF7, lr;
	s5 =	simm.s32 $0xFFFFFFFF;
	p2 =	slt.u32 s8, $0xFFFFF086  }
0x1c: {  	p1 =	slt.u32 s9, $0xF7A;
	s5 =	simm.s32 @!p2 $0x0  }
0x1d: {  	s5 =	simm.s32 @p1 $0x1;
	p0 =	seq.s32 s7, s2  }
0x1e: {  	s7 =	smul.u32 @!p0 $0xF7A, s2;
	p2 =	seq.s32 @!p0 s5, $0x0  }
0x1f: {  	s9 =	smul.u32 $0xF7A, s1;
	s8 =	simm.s32 @!p0 $0x1BF5;
	p2 =	por !p2, p0  }
0x20: {  	[sflag:s8] =	ssyncset.s32 @!p0 $0xFFFFF086;
	s6 =	sadd.s32 @!p0 s3, s7;
	s7 =	simm.s32 @!p0 $0x108  }
0x21: {  	s3 =	sadd.s32 s3, s9;
	s6 =	sadd.s32 @!p0 $0x88, s6;
	s7 =	simm.s32 @p2 $0x1082  }
0x22: {  	[simem:s7], [sflag:s8] =	dma.local @!p0 [hbm:s6], $0xF7A  }
0x23: {  	s9 =	sor.u32 $0xD0000000, s2;
	s6 =	simm.s32 $0x108;
	_ =	swait.ge @!p0 [sflag:s8], $0x0  }
0x24: {  	s3 =	sadd.s32 $0x88, s3;
	s6 =	simm.s32 @!p1 $0x1082;
	[sflag:s4] =	ssyncset.s32 $0xFFFFF086  }
0x25: {  	[simem:s6], [sflag:s4] =	dma.local [hbm:s3], $0xF7A  }
0x26: {  	[smem:$0x3F96] =	sst s1;
	(tag) =	ssettag s2;
	_ =	strace s9  }
0x27: {  	s1 =	sld [smem:$0x3FA6]  }
0x28: {  	s2 =	sld [smem:$0x3FA7]  }
0x29: {  	s4 =	sld [smem:$0x3FA9]  }
0x2a: {  	p0 =	seq.s32 s5, $0x0;
	s5 =	sld [smem:$0x3FAA]  }
0x2b: {  	s6 =	sld [smem:$0x3FAB]  }
0x2c: {  	s7 =	sld [smem:$0x3FAC]  }
0x2d: {  	s3 =	simm.s32 $0x108;
	s8 =	sld [smem:$0x3FAD]  }
0x2e: {  	s3 =	simm.s32 @!p0 $0x1082;
	s9 =	sld [smem:$0x3FAE]  }
0x2f: {  	lr =	sadd.s32 s0, s3;
	s0 =	sld [smem:$0x3FA5]  }
0x30: {  	s3 =	sld [smem:$0x3FA8]  }
0x31: {  	[smem:$0x3FB1] =	sst s10  }
0x32: {  	s10 =	sld [smem:$0x3FAF];
	_ =	sdelay $0x3  }
0x33: {  	p0 =	seq.s32 s10, $0x1;
	s10 =	sld [smem:$0x3FB1];
	_ =	sdelay $0x3  }
0x34: {  	[smem:$0x3FB1] =	sst s10  }
0x35: {  	s10 =	sld [smem:$0x3FB0];
	_ =	sdelay $0x3  }
0x36: {  	p1 =	seq.s32 s10, $0x1;
	s10 =	sld [smem:$0x3FB1];
	_ =	sdelay $0x3  }
0x37: {  	[smem:$0x3FB1] =	sst s10  }
0x38: {  	s10 =	sld [smem:$0x3FB2]  }
0x39: {  	_ = 	snop;
	(pc) =	sbr.ind lr, $3  }
0x3a: {  	_ = 	snop  }
0x3b: {  	_ = 	snop  }
0x3c: {  	p2 =	seq.s32 s10, $0x1;
	s10 =	sld [smem:$0x3FB1]  }
0x3d: {  	_ =	shalt  }
0x3e: {  	_ =	shalt  }
0x3f: {  	_ =	shalt  }
0x40: {  	_ =	shalt  }
0x41: {  	_ =	shalt  }
0x42: {  	_ =	shalt  }
0x43: {  	_ =	shalt  }
0x44: {  	_ =	shalt  }
0x45: {  	_ =	shalt  }
0x46: {  	_ =	shalt  }
0x47: {  	_ =	shalt  }
0x48: {  	_ =	shalt  }
0x49: {  	_ =	shalt  }
0x4a: {  	_ =	shalt  }
0x4b: {  	_ =	shalt  }
0x4c: {  	_ =	shalt  }
0x4d: {  	_ =	shalt  }
0x4e: {  	_ =	shalt  }
0x4f: {  	_ =	shalt  }
0x50: {  	_ =	shalt  }
0x51: {  	_ =	shalt  }
0x52: {  	_ =	shalt  }
0x53: {  	_ =	shalt  }
0x54: {  	_ =	shalt  }
0x55: {  	_ =	shalt  }
0x56: {  	_ =	shalt  }
0x57: {  	_ =	shalt  }
0x58: {  	_ =	shalt  }
0x59: {  	_ =	shalt  }
0x5a: {  	_ =	shalt  }
0x5b: {  	_ =	shalt  }
0x5c: {  	_ =	shalt  }
0x5d: {  	_ =	shalt  }
0x5e: {  	_ =	shalt  }
0x5f: {  	_ =	shalt  }
0x60: {  	_ =	shalt  }
0x61: {  	_ =	shalt  }
0x62: {  	_ =	shalt  }
0x63: {  	_ =	shalt  }
0x64: {  	_ =	shalt  }
0x65: {  	_ =	shalt  }
0x66: {  	_ =	shalt  }
0x67: {  	_ =	shalt  }
0x68: {  	_ =	shalt  }
0x69: {  	_ =	shalt  }
0x6a: {  	_ =	shalt  }
0x6b: {  	_ =	shalt  }
0x6c: {  	_ =	shalt  }
0x6d: {  	_ =	shalt  }
0x6e: {  	_ =	shalt  }
0x6f: {  	_ =	shalt  }
0x70: {  	_ =	shalt  }
0x71: {  	_ =	shalt  }
0x72: {  	_ =	shalt  }
0x73: {  	_ =	shalt  }
0x74: {  	_ =	shalt  }
0x75: {  	_ =	shalt  }
0x76: {  	_ =	shalt  }
0x77: {  	_ =	shalt  }
0x78: {  	_ =	shalt  }
0x79: {  	_ =	shalt  }
0x7a: {  	_ =	shalt  }
0x7b: {  	_ =	shalt  }
0x7c: {  	_ =	shalt  }
0x7d: {  	_ =	shalt  }
0x7e: {  	_ =	shalt  }
0x7f: {  	_ =	shalt  }
0x80: {  	_ =	shalt  }
0x81: {  	_ =	shalt  }
0x82: {  	_ =	shalt  }
0x83: {  	_ =	shalt  }
0x84: {  	_ =	shalt  }
0x85: {  	_ =	shalt  }
0x86: {  	_ =	shalt  }
0x87: {  	_ =	shalt  }
.Lfunc_end0:
.L_simem_size_0:
called_computation_lowered:
.L_overlay_start_0:
0x88: {  	s2 =	sld [smem:$0x3FD9]  }
0x89: {  	s3 =	sld [smem:$0x3FFE];
	_ =	sdelay $0x1  }
0x8a: {  	s1 =	srdreg.scid  }
0x8b: {  	s0 =	sand.u32 $0x1, s1  }
0x8c: {  	s18 =	sshll.u32 s0, $0xA;
	s2 =	sadd.s32 s3, s2  }
0x8d: {  	s3 =	sadd.s32 s2, s18  }
0x8e: {  	[smem:$0x3FBD] =	sst s3  }
0x8f: {  	_ = 	snop  }
0x90: {  	s3 =	sld [smem:$0x3FC9];
	(tm) =	ssettm $0x1  }
0x91: {  	s4 =	sld [smem:$0x3FFB];
	_ =	sdelay $0x3  }
0x92: {  	_ =	strace s4  }
0x93: {  	s4 =	sld [smem:$0x3FFC];
	_ =	sdelay $0x3  }
0x94: {  	_ =	strace s4  }
0x95: {  	s4 =	sld [smem:$0x3FFD];
	_ =	sdelay $0x3  }
0x96: {  	_ =	strace s4  }
0x97: {  	_ =	strace $0x8FFFFFFF  }
0x98: {  	s19 =	sld [smem:$0x3FDB];
	_ =	sdelay $0x1  }
0x99: {  	s5 =	simm.s32 $_scs_section_size  }
0x9a: {  	s6 =	simm.s32 $_size__tile_overlayer_lowered;
	s7 =	simm.s32 $_tile_overlayer_lowered  }
0x9b: {  	s22 =	simm.s32 $0x1BFF;
	s21 =	sshll.u32 s7, $0x1;
	s4 =	sadd.s32 s5, s19  }
0x9c: {  	s8 =	simm.s32 $0x0;
	s20 =	sshll.u32 s6, $0x1;
	s6 =	sadd.s32 s21, s4  }
0x9d: {  	[timem:s8], [sflag:s22] =	dma.local [hbm:s6], s20  }
0x9e: {  	_ =	swait.ge [sflag:s22], s20  }
0x9f: {  	s5 =	ssub.s32 $0x0, s20;
	[sflag:s22] =	ssyncset.done $0x0  }
0xa0: {  	[sflag:s22] =	ssyncadd.s32 s5;
	_ =	sdelay $0x1  }
0xa1: {  	s23 =	simm.s32 $0x1B8B  }
0xa2: {  	_ =	swait.ge [sflag:s23], $0x1  }
0xa3: {  	[sflag:s23] =	ssyncset.done $0x0  }
0xa4: {  	s25 =	simm.s32 $0x1B8E;
	s24 =	sld [smem:$0x3FFE];
	[sflag:s23] =	ssyncadd.s32 $0xFFFFFFFF  }
0xa5: {  	s26 =	simm.s32 $execute0_lowered;
	[smem:$0x3FD2] =	sst s25  }
0xa6: {  	s6 =	sshll.u32 s26, $0x1;
	_ =	strace $0x80000046;
	[dreg:$0x1] =	wrdreg $0xFFFFFFFF  }
0xa7: {  	s28 =	simm.s32 $_size_execute0_lowered;
	s4 =	sadd.s32 s4, s6;
	[dreg:$0x0] =	wrdreg $0x0  }
0xa8: {  	s6 =	sshll.u32 s28, $0x1;
	[dreg:$0x2] =	wrdreg s4  }
0xa9: {  	[dreg:$0x3] =	wrdreg s6  }
0xaa: {  	[dreg:$0x4] =	wrdreg $0xC0  }
0xab: {  	_ =	task [dreg:s8], $0x5FFFF  }
0xac: {  	[dreg:$0x1] =	wrdreg $0xFFFFFFFF  }
0xad: {  	[dreg:$0x0] =	wrdreg $0x60  }
0xae: {  	[dreg:$0x2] =	wrdreg s3  }
0xaf: {  	[dreg:$0x3] =	wrdreg s24  }
0xb0: {  	s2 =	sadd.s32 $0x800, s2;
	[dreg:$0x4] =	wrdreg $0x0  }
0xb1: {  	[dreg:$0x5] =	wrdreg s2  }
0xb2: {  	[dreg:$0x6] =	wrdreg $0x9  }
0xb3: {  	_ =	task.clear_ibuf [dreg:s8], $0x7FFFF;
	_ =	strace $0x90000046  }
0xb4: {  	s29 =	simm.s32 $0x9;
	_ =	strace $0x80000048  }
0xb5: {  	_ =	swait.ge [sflag:s29], $0x1  }
0xb6: {  	[sflag:s29] =	ssyncadd.s32 $0xFFFFFFFF  }
0xb7: {  	_ =	strace $0x90000048  }
0xb8: {  	_ =	sfence  }
0xb9: {  	s30 =	sld [smem:$0x0];
	_ =	sdelay $0x2  }
0xba: {  	s31 =	sshll.u32 s1, $0xD;
	s1 =	sshrl.u32 s1, $0x2  }
0xbb: {  	s3 =	sand.u32 $0x4000, s31;
	s1 =	sadd.s32 s1, s30  }
0xbc: {  	s0 =	sor.u32 s3, s0;
	s1 =	sshll.u32 s1, $0x11  }
0xbd: {  	s0 =	sor.u32 s1, s0  }
0xbe: {  	s0 =	sadd.s32 $0x8F2B, s0  }
0xbf: {  	[sflag:s0] =	ssyncadd.remote.s32 $0x1  }
0xc0: {  	_ =	sfence.sel $0xFFFF  }
0xc1: {  	[dreg:$0x0] =	wrdreg $0xFFFFFFFF;
	(pc) =	sbr.abs _section_cstart, $3  }
0xc2: {  	[dreg:$0x1] =	wrdreg $0xFFFFFFFF  }
0xc3: {  	_ =	task.clear_ibuf [dreg:s8], $0x2FFFF;
	_ =	strace $0x9FFFFFFF  }
0xc4: {  	(tm) =	ssettm $0x7FFFFFFF  }
0xc5: {  	_ =	shalt  }
tec
execute0_lowered:
.L_overlay_start_1:
0x0: {  	(tag) =	ssettag $0x1  }
0x1: {  	s22 =	stileid.u32  }
0x2: {  	s0 =	rddreg [dreg:$0x0];
	s7 =	smul.u32 $0x1F400, s22  }
0x3: {  	s1 =	rddreg [dreg:$0x1];
	s12 =	smul.u32 $0x2710, s22  }
0x4: {  	s2 =	srdreg.scid;
	s14 =	smul.u32 $0x7D000, s22  }
0x5: {  	s3 =	rddreg [dreg:$0x2];
	s2 =	sand.u32 $0x1, s2;
	s19 =	smul.u32 $0x2800, s22  }
0x6: {  	s23 =	rddreg [dreg:$0x3];
	s5 =	simm.s32 $0x0;
	s4 =	smul.u32 $0x138800, s2  }
0x7: {  	[smem:$0x7FF] =	sst s5;
	s6 =	sadd.s32 $0xCA00, s1;
	s8 =	smul.u32 $0x2800, s2  }
0x8: {  	s9 =	sshll.u32 s22, $0xB;
	p0 =	sgt.u32 s22, $0x9;
	s10 =	smul.u32 $0x27100, s2  }
0x9: {  	_ =	strace $0x80000047;
	s11 =	ssub.s32 $0x2, s2;
	s2 =	smul.u32 $0x28000, s2  }
0xa: {  	p1 =	sgt.u32 @!p0 s22, $0x4;
	s13 =	sshrl.u32 s11, $0x1;
	s16 =	sshrl.u32 s14, $0x2  }
0xb: {  	s4 =	sadd.s32 s7, s4;
	s7 =	sadd.s32 $0x2C00, s1;
	s8 =	sadd.s32 s9, s8  }
0xc: {  	s15 =	ssub.s32 s11, s13;
	s10 =	sadd.s32 s12, s10;
	s13 =	sadd.s32 s19, s2  }
0xd: {  	s2 =	sor.u32 s9, s2;
	s4 =	sshrl.u32 s4, $0x3;
	s8 =	sshrl.u32 s8, $0x3  }
0xe: {  	s17 =	sshrl.u32 s10, $0x3;
	s25 =	sshrl.u32 s13, $0x3;
	s4 =	sadd.s32 s4, s1  }
0xf: {  	s1 =	sadd.s32 s8, s1;
	s8 =	sadd.s32 s16, s3;
	s20 =	sadd.s32 s6, s17  }
0x10: {  	s18 =	sadd.s32 $0xA, s17;
	s11 =	sadd.s32 s7, s17;
	[dreg:$0x5] =	wrdreg s20  }
0x11: {  	s17 =	sadd.s32 $0xF0, s10;
	s16 =	smax.u32 s15, $0x1;
	[dreg:$0x6] =	wrdreg s11  }
0x12: {  	s21 =	sadd.s32 s6, s18;
	s24 =	sadd.s32 s7, s18;
	s13 =	sadd.s32 $0x17200, s4  }
0x13: {  	s11 =	sshrl.u32 s2, $0x3;
	s1 =	sadd.s32 $0x16800, s1;
	[dreg:$0x7] =	wrdreg s21  }
0x14: {  	s20 =	sadd.s32 s25, s23;
	[dreg:$0x8] =	wrdreg s24;
	s2 =	sadd.s32 $0x500, s11  }
0x15: {  	s26 =	sadd.s32 $0xA00, s11;
	s12 =	sadd.s32 $0xF00, s11;
	s19 =	sadd.s32 $0x1400, s11  }
0x16: {  	s21 =	sadd.s32 $0x1900, s11;
	[dreg:$0xa] =	wrdreg s1;
	s24 =	sshrl.u32 s17, $0x3  }
0x17: {  	s9 =	sadd.s32 $0x1E00, s11;
	s14 =	sadd.s32 $0x2300, s11;
	s15 =	sadd.s32 $0x2800, s11  }
0x18: {  	s22 =	sadd.s32 $0x3200, s11;
	[dreg:$0x9] =	wrdreg s11;
	s25 =	sadd.s32 s2, s23  }
0x19: {  	s17 =	sadd.s32 s24, s7;
	s26 =	sadd.s32 s26, s23;
	[dreg:$0xb] =	wrdreg s25  }
0x1a: {  	s18 =	sadd.s32 s24, s6;
	s2 =	sadd.s32 s12, s23;
	[dreg:$0xc] =	wrdreg s26  }
0x1b: {  	s4 =	sadd.s32 s19, s23;
	s12 =	sadd.s32 s21, s23;
	[dreg:$0xd] =	wrdreg s2  }
0x1c: {  	s1 =	sadd.s32 s9, s23;
	s19 =	sadd.s32 $0x2D00, s11;
	[dreg:$0xe] =	wrdreg s4  }
0x1d: {  	s24 =	sadd.s32 $0x3700, s11;
	s9 =	sadd.s32 $0x4B00, s11;
	[dreg:$0xf] =	wrdreg s12  }
0x1e: {  	[dreg:$0x10] =	wrdreg s1;
	s1 =	sadd.s32 s14, s23;
	s21 =	sadd.s32 s19, s23  }
0x1f: {  	s25 =	sadd.s32 $0x3C00, s11;
	s2 =	sadd.s32 $0x4100, s11;
	[dreg:$0x11] =	wrdreg s1  }
0x20: {  	s4 =	sadd.s32 $0x4600, s11;
	s11 =	sadd.s32 s9, s23;
	[dreg:$0x13] =	wrdreg s21  }
0x21: {  	s12 =	sadd.s32 $0x1400, s8;
	[dreg:$0x19] =	wrdreg s11  }
0x22: {  	s14 =	sadd.s32 $0x2800, s8;
	[dreg:$0x1a] =	wrdreg s12  }
0x23: {  	s19 =	sadd.s32 $0x5000, s8;
	[dreg:$0x1b] =	wrdreg s14  }
0x24: {  	s9 =	sadd.s32 $0x10400, s8;
	[dreg:$0x1d] =	wrdreg s19  }
0x25: {  	s1 =	sadd.s32 s15, s23;
	[smem:$0x7F2] =	sst s9  }
0x26: {  	s26 =	sadd.s32 s25, s23;
	[dreg:$0x12] =	wrdreg s1  }
0x27: {  	s15 =	sadd.s32 $0x3C00, s8;
	[dreg:$0x16] =	wrdreg s26  }
0x28: {  	s21 =	sadd.s32 $0x6400, s8;
	[dreg:$0x1c] =	wrdreg s15  }
0x29: {  	s25 =	sadd.s32 $0xB400, s8;
	[dreg:$0x1e] =	wrdreg s21  }
0x2a: {  	s11 =	sadd.s32 $0x11800, s8;
	[smem:$0x7EE] =	sst s25  }
0x2b: {  	s12 =	sadd.s32 $0x12C00, s8;
	[smem:$0x7F3] =	sst s11  }
0x2c: {  	s14 =	sadd.s32 $0x14000, s8;
	[smem:$0x7F4] =	sst s12  }
0x2d: {  	s19 =	sadd.s32 $0x16800, s8;
	[smem:$0x7F5] =	sst s14  }
0x2e: {  	s1 =	sadd.s32 s22, s23;
	[smem:$0x7F7] =	sst s19  }
0x2f: {  	s28 =	simm.s32 $0x13A80;
	s22 =	sadd.s32 $0x7800, s8;
	[dreg:$0x14] =	wrdreg s1  }
0x30: {  	s29 =	simm.s32 $0x13900;
	s26 =	sadd.s32 $0xC800, s8;
	[dreg:$0x1f] =	wrdreg s22  }
0x31: {  	s30 =	simm.s32 $0x13A00;
	s15 =	sadd.s32 $0x15400, s8;
	[smem:$0x7EF] =	sst s26  }
0x32: {  	s31 =	simm.s32 $0x16280;
	s21 =	sadd.s32 $0x17C00, s8;
	[smem:$0x7F6] =	sst s15  }
0x33: {  	p1 =	por p0, p1;
	s25 =	sadd.s32 $0x1CC00, s8;
	[smem:$0x7F8] =	sst s21  }
0x34: {  	s10 =	sadd.s32 $0xA0, s10;
	s1 =	sadd.s32 s24, s23;
	[smem:$0x7FC] =	sst s25  }
0x35: {  	s14 =	simm.s32 $0x0;
	s24 =	sadd.s32 $0xA000, s8;
	[dreg:$0x15] =	wrdreg s1  }
0x36: {  	s22 =	sadd.s32 $0x19000, s8;
	s26 =	sadd.s32 $0x1E000, s8;
	[smem:$0x7ED] =	sst s24  }
0x37: {  	s21 =	simm.s32 $0x18A80;
	s25 =	simm.s32 $0x13980;
	[smem:$0x7F9] =	sst s22  }
0x38: {  	s15 =	simm.s32 $0x2;
	s1 =	sadd.s32 s2, s23;
	[smem:$0x7FD] =	sst s26  }
0x39: {  	s2 =	sadd.s32 $0xDC00, s8;
	s24 =	sadd.s32 $0x1B800, s8;
	[dreg:$0x17] =	wrdreg s1  }
0x3a: {  	s22 =	simm.s32 $0x3;
	s26 =	simm.s32 $0x50;
	[smem:$0x7F0] =	sst s2  }
.Ltmp0:
0x3b: {  	s1 =	sadd.s32 s4, s23;
	[smem:$0x7FB] =	sst s24;
	(pc) =	sbr.rel .LBB2_1-.Ltmp0, $4  }
0x3c: {  	s23 =	sadd.s32 $0x8C00, s8;
	s4 =	sadd.s32 $0xF000, s8;
	[dreg:$0x18] =	wrdreg s1  }
0x3d: {  	s24 =	simm.s32 $0x4;
	s2 =	simm.s32 $0x1CE80;
	[smem:$0x7EC] =	sst s23  }
0x3e: {  	[smem:$0x7F1] =	sst s4;
	s23 =	sadd.s32 $0x1A400, s8;
	s1 =	simm.s32 $0x1  }
0x3f: {  	v0 =	vimm.f32 $0.0e+00;
	v1 =	vimm.f32 $1.000000000e+00;
	s4 =	simm.s32 $0x19E80;
	[smem:$0x7FA] =	sst s23;
	s23 =	simm.s32 $0x13880  }
.LBB2_41:
0x40: {  	v3 =	vld [tilespmem:s9+$0x1C680];
	_ =	sdelay $0x4  }
0x41: {  	v2 =	vadd.f32 v2, v3;
	_ =	sdelay $0x1  }
0x42: {  	s19 =	rddreg [dreg:$0xa];
	s11 =	simm.s32 $0x1C680;
	[tilespmem:s9+$0x1C680] =	vst v2  }
0x43: {  	[hbm4b:s19+s5] =	stream.linear.scatter [tilespmem:s11], [sflag:$0x4], $0x800, $0x38;
	[tilespmem:$0x1D680] =	vst v63  }
0x44: {  	_ =	swait.ge [sflag:s24], $0x800  }
0x45: {  	[sflag:s24] =	ssyncset.done $0x0  }
0x46: {  	[sflag:s24] =	ssyncadd.s32 $0xFFFFF800  }
.LBB2_42:
0x47: {  	s14 =	sadd.s32 $0x1, s14  }
0x48: {  	p2 =	sne.s32 s14, s16  }
.Ltmp1:
0x49: {  	_ = 	snop;
	(pc) =	sbr.rel @!p2 .LBB2_43-.Ltmp1, $1  }
0x4a: {  	_ =	sdelay $0x3  }
.LBB2_1:
0x4b: {  	s9 =	simm.s32 $0x70;
	s19 =	simm.s32 $0x3C0  }
.LBB2_2:
0x4c: {  	p2 =	sne.s32 s19, $0x4FC0;
	[tilespmem:s9+$0x18A80] =	vst v0  }
0x4d: {  	[tilespmem:s9+$0x18A10] =	vst v0  }
0x4e: {  	[tilespmem:s9+$0x18A20] =	vst v0  }
.Ltmp2:
0x4f: {  	[tilespmem:s9+$0x18A30] =	vst v0;
	(pc) =	sbr.rel @p2 .LBB2_2-.Ltmp2, $4  }
0x50: {  	[tilespmem:s9+$0x18A40] =	vst v0  }
0x51: {  	[tilespmem:s9+$0x18A50] =	vst v0  }
0x52: {  	[tilespmem:s9+$0x18A60] =	vst v0  }
0x53: {  	[tilespmem:s9+$0x18A70] =	vst v0;
	s9 =	sshra.s32 s19, $0x2;
	s19 =	sadd.s32 $0x200, s19  }
0x54: {  	[tilespmem:s9+$0x18A80] =	vst v0  }
0x55: {  	[tilespmem:s9+$0x18A10] =	vst v0  }
0x56: {  	[tilespmem:s9+$0x18A20] =	vst v0  }
0x57: {  	[tilespmem:s9+$0x18A30] =	vst v0  }
0x58: {  	[tilespmem:s9+$0x18A40] =	vst v0  }
0x59: {  	[tilespmem:s9+$0x18A50] =	vst v0  }
0x5a: {  	[tilespmem:s9+$0x18A60] =	vst v0  }
0x5b: {  	[tilespmem:s9+$0x18A70] =	vst v0;
	s9 =	simm.s32 $0x40;
	s19 =	simm.s32 $0x0  }
.LBB2_4:
0x5c: {  	p2 =	sne.s32 s9, $0x9FC0;
	[tilespmem:s19+$0x19E80] =	vst v0;
	s19 =	smov.u32 s9;
	s9 =	sadd.s32 $0x40, s9  }
.Ltmp3:
0x5d: {  	(pc) =	sbr.rel @p2 .LBB2_4-.Ltmp3, $2  }
0x5e: {  	_ =	sdelay $0x2  }
0x5f: {  	s19 =	sshra.s32 s19, $0x2  }
.Ltmp4:
0x60: {  	(pc) =	sbr.rel @p0 .LBB2_7-.Ltmp4, $2  }
0x61: {  	_ =	sdelay $0x2  }
0x62: {  	[tilespmem:s19+$0x19E80] =	vst v0  }
0x63: {  	[spmem:s8] =	stream.linear.scatter [tilespmem:s21], [sflag:$0x3], $0x1400, $0x38;
	[tilespmem:$0x1D680] =	vst v63  }
0x64: {  	s9 =	rddreg [dreg:$0x1a]  }
0x65: {  	s12 =	rddreg [dreg:$0x1b]  }
0x66: {  	[spmem:s9] =	stream.linear.scatter [tilespmem:s21], [sflag:$0x3], $0x1400, $0x38;
	[tilespmem:$0x1D680] =	vst v63  }
0x67: {  	s19 =	rddreg [dreg:$0x1c]  }
0x68: {  	[spmem:s12] =	stream.linear.scatter [tilespmem:s21], [sflag:$0x3], $0x1400, $0x38;
	[tilespmem:$0x1D680] =	vst v63  }
0x69: {  	s11 =	rddreg [dreg:$0x1d]  }
0x6a: {  	[spmem:s19] =	stream.linear.scatter [tilespmem:s21], [sflag:$0x3], $0x1400, $0x38;
	[tilespmem:$0x1D680] =	vst v63  }
0x6b: {  	s12 =	rddreg [dreg:$0x1e]  }
0x6c: {  	[spmem:s11] =	stream.linear.scatter [tilespmem:s21], [sflag:$0x3], $0x1400, $0x38;
	[tilespmem:$0x1D680] =	vst v63  }
0x6d: {  	s19 =	rddreg [dreg:$0x1f]  }
0x6e: {  	[spmem:s12] =	stream.linear.scatter [tilespmem:s21], [sflag:$0x3], $0x1400, $0x38;
	[tilespmem:$0x1D680] =	vst v63  }
0x6f: {  	s11 =	sld [smem:$0x7EC]  }
0x70: {  	[spmem:s19] =	stream.linear.scatter [tilespmem:s21], [sflag:$0x3], $0x1400, $0x38;
	[tilespmem:$0x1D680] =	vst v63  }
0x71: {  	s12 =	sld [smem:$0x7ED]  }
0x72: {  	[spmem:s11] =	stream.linear.scatter [tilespmem:s21], [sflag:$0x3], $0x1400, $0x38;
	[tilespmem:$0x1D680] =	vst v63  }
0x73: {  	s19 =	sld [smem:$0x7EE]  }
0x74: {  	[spmem:s12] =	stream.linear.scatter [tilespmem:s21], [sflag:$0x3], $0x1400, $0x38;
	[tilespmem:$0x1D680] =	vst v63  }
0x75: {  	s11 =	sld [smem:$0x7EF]  }
0x76: {  	[spmem:s19] =	stream.linear.scatter [tilespmem:s21], [sflag:$0x3], $0x1400, $0x38;
	[tilespmem:$0x1D680] =	vst v63  }
0x77: {  	s12 =	sld [smem:$0x7F0]  }
0x78: {  	[spmem:s11] =	stream.linear.scatter [tilespmem:s21], [sflag:$0x3], $0x1400, $0x38;
	[tilespmem:$0x1D680] =	vst v63  }
0x79: {  	s19 =	sld [smem:$0x7F1]  }
0x7a: {  	[spmem:s12] =	stream.linear.scatter [tilespmem:s21], [sflag:$0x3], $0x1400, $0x38;
	[tilespmem:$0x1D680] =	vst v63  }
0x7b: {  	s11 =	sld [smem:$0x7F2]  }
0x7c: {  	[spmem:s19] =	stream.linear.scatter [tilespmem:s21], [sflag:$0x3], $0x1400, $0x38;
	[tilespmem:$0x1D680] =	vst v63  }
0x7d: {  	s12 =	sld [smem:$0x7F3]  }
0x7e: {  	[spmem:s11] =	stream.linear.scatter [tilespmem:s21], [sflag:$0x3], $0x1400, $0x38;
	[tilespmem:$0x1D680] =	vst v63  }
0x7f: {  	s19 =	sld [smem:$0x7F4]  }
0x80: {  	[spmem:s12] =	stream.linear.scatter [tilespmem:s21], [sflag:$0x3], $0x1400, $0x38;
	[tilespmem:$0x1D680] =	vst v63  }
0x81: {  	s11 =	sld [smem:$0x7F5]  }
0x82: {  	[spmem:s19] =	stream.linear.scatter [tilespmem:s21], [sflag:$0x3], $0x1400, $0x38;
	[tilespmem:$0x1D680] =	vst v63  }
0x83: {  	s12 =	sld [smem:$0x7F6]  }
0x84: {  	[spmem:s11] =	stream.linear.scatter [tilespmem:s21], [sflag:$0x3], $0x1400, $0x38;
	[tilespmem:$0x1D680] =	vst v63  }
0x85: {  	s19 =	sld [smem:$0x7F7]  }
0x86: {  	[spmem:s12] =	stream.linear.scatter [tilespmem:s21], [sflag:$0x3], $0x1400, $0x38;
	[tilespmem:$0x1D680] =	vst v63  }
0x87: {  	s11 =	sld [smem:$0x7F8]  }
0x88: {  	[spmem:s19] =	stream.linear.scatter [tilespmem:s21], [sflag:$0x3], $0x1400, $0x38;
	[tilespmem:$0x1D680] =	vst v63  }
0x89: {  	s12 =	sld [smem:$0x7F9]  }
0x8a: {  	[spmem:s11] =	stream.linear.scatter [tilespmem:s21], [sflag:$0x3], $0x1400, $0x38;
	[tilespmem:$0x1D680] =	vst v63  }
0x8b: {  	s19 =	sld [smem:$0x7FA]  }
0x8c: {  	[spmem:s12] =	stream.linear.scatter [tilespmem:s21], [sflag:$0x3], $0x1400, $0x38;
	[tilespmem:$0x1D680] =	vst v63  }
0x8d: {  	s11 =	sld [smem:$0x7FB]  }
0x8e: {  	[spmem:s19] =	stream.linear.scatter [tilespmem:s21], [sflag:$0x3], $0x1400, $0x38;
	[tilespmem:$0x1D680] =	vst v63  }
0x8f: {  	s12 =	sld [smem:$0x7FC]  }
0x90: {  	[spmem:s11] =	stream.linear.scatter [tilespmem:s21], [sflag:$0x3], $0x1400, $0x38;
	[tilespmem:$0x1D680] =	vst v63  }
0x91: {  	s19 =	sld [smem:$0x7FD]  }
0x92: {  	[spmem:s12] =	stream.linear.scatter [tilespmem:s21], [sflag:$0x3], $0x1400, $0x38;
	[tilespmem:$0x1D680] =	vst v63  }
0x93: {  	_ = 	snop  }
0x94: {  	[spmem:s19] =	stream.linear.scatter [tilespmem:s21], [sflag:$0x3], $0x1400, $0x38;
	[tilespmem:$0x1D680] =	vst v63  }
0x95: {  	_ =	swait.ge [sflag:s22], $0x1400  }
0x96: {  	[sflag:s22] =	ssyncset.done $0x0  }
0x97: {  	[sflag:s22] =	ssyncadd.s32 $0xFFFFEC00  }
0x98: {  	_ =	swait.ge [sflag:s22], $0x1400  }
0x99: {  	[sflag:s22] =	ssyncset.done $0x0  }
0x9a: {  	[sflag:s22] =	ssyncadd.s32 $0xFFFFEC00  }
0x9b: {  	_ =	swait.ge [sflag:s22], $0x1400  }
0x9c: {  	[sflag:s22] =	ssyncset.done $0x0  }
0x9d: {  	[sflag:s22] =	ssyncadd.s32 $0xFFFFEC00  }
0x9e: {  	_ =	swait.ge [sflag:s22], $0x1400  }
0x9f: {  	[sflag:s22] =	ssyncset.done $0x0  }
0xa0: {  	[sflag:s22] =	ssyncadd.s32 $0xFFFFEC00  }
0xa1: {  	_ =	swait.ge [sflag:s22], $0x1400  }
0xa2: {  	[sflag:s22] =	ssyncset.done $0x0  }
0xa3: {  	[sflag:s22] =	ssyncadd.s32 $0xFFFFEC00  }
0xa4: {  	_ =	swait.ge [sflag:s22], $0x1400  }
0xa5: {  	[sflag:s22] =	ssyncset.done $0x0  }
0xa6: {  	[sflag:s22] =	ssyncadd.s32 $0xFFFFEC00  }
0xa7: {  	_ =	swait.ge [sflag:s22], $0x1400  }
0xa8: {  	[sflag:s22] =	ssyncset.done $0x0  }
0xa9: {  	[sflag:s22] =	ssyncadd.s32 $0xFFFFEC00  }
0xaa: {  	_ =	swait.ge [sflag:s22], $0x1400  }
0xab: {  	[sflag:s22] =	ssyncset.done $0x0  }
0xac: {  	[sflag:s22] =	ssyncadd.s32 $0xFFFFEC00  }
0xad: {  	_ =	swait.ge [sflag:s22], $0x1400  }
0xae: {  	[sflag:s22] =	ssyncset.done $0x0  }
0xaf: {  	[sflag:s22] =	ssyncadd.s32 $0xFFFFEC00  }
0xb0: {  	_ =	swait.ge [sflag:s22], $0x1400  }
0xb1: {  	[sflag:s22] =	ssyncset.done $0x0  }
0xb2: {  	[sflag:s22] =	ssyncadd.s32 $0xFFFFEC00  }
0xb3: {  	_ =	swait.ge [sflag:s22], $0x1400  }
0xb4: {  	[sflag:s22] =	ssyncset.done $0x0  }
0xb5: {  	[sflag:s22] =	ssyncadd.s32 $0xFFFFEC00  }
0xb6: {  	_ =	swait.ge [sflag:s22], $0x1400  }
0xb7: {  	[sflag:s22] =	ssyncset.done $0x0  }
0xb8: {  	[sflag:s22] =	ssyncadd.s32 $0xFFFFEC00  }
0xb9: {  	_ =	swait.ge [sflag:s22], $0x1400  }
0xba: {  	[sflag:s22] =	ssyncset.done $0x0  }
0xbb: {  	[sflag:s22] =	ssyncadd.s32 $0xFFFFEC00  }
0xbc: {  	_ =	swait.ge [sflag:s22], $0x1400  }
0xbd: {  	[sflag:s22] =	ssyncset.done $0x0  }
0xbe: {  	[sflag:s22] =	ssyncadd.s32 $0xFFFFEC00  }
0xbf: {  	_ =	swait.ge [sflag:s22], $0x1400  }
0xc0: {  	[sflag:s22] =	ssyncset.done $0x0  }
0xc1: {  	[sflag:s22] =	ssyncadd.s32 $0xFFFFEC00  }
0xc2: {  	_ =	swait.ge [sflag:s22], $0x1400  }
0xc3: {  	[sflag:s22] =	ssyncset.done $0x0  }
0xc4: {  	[sflag:s22] =	ssyncadd.s32 $0xFFFFEC00  }
0xc5: {  	_ =	swait.ge [sflag:s22], $0x1400  }
0xc6: {  	[sflag:s22] =	ssyncset.done $0x0  }
0xc7: {  	[sflag:s22] =	ssyncadd.s32 $0xFFFFEC00  }
0xc8: {  	_ =	swait.ge [sflag:s22], $0x1400  }
0xc9: {  	[sflag:s22] =	ssyncset.done $0x0  }
0xca: {  	[sflag:s22] =	ssyncadd.s32 $0xFFFFEC00  }
0xcb: {  	_ =	swait.ge [sflag:s22], $0x1400  }
0xcc: {  	[sflag:s22] =	ssyncset.done $0x0  }
0xcd: {  	[sflag:s22] =	ssyncadd.s32 $0xFFFFEC00  }
0xce: {  	_ =	swait.ge [sflag:s22], $0x1400  }
0xcf: {  	[sflag:s22] =	ssyncset.done $0x0  }
0xd0: {  	[sflag:s22] =	ssyncadd.s32 $0xFFFFEC00  }
0xd1: {  	_ =	swait.ge [sflag:s22], $0x1400  }
0xd2: {  	[sflag:s22] =	ssyncset.done $0x0  }
0xd3: {  	[sflag:s22] =	ssyncadd.s32 $0xFFFFEC00  }
0xd4: {  	_ =	swait.ge [sflag:s22], $0x1400  }
0xd5: {  	[sflag:s22] =	ssyncset.done $0x0  }
0xd6: {  	[sflag:s22] =	ssyncadd.s32 $0xFFFFEC00  }
0xd7: {  	_ =	swait.ge [sflag:s22], $0x1400  }
0xd8: {  	[sflag:s22] =	ssyncset.done $0x0  }
0xd9: {  	[sflag:s22] =	ssyncadd.s32 $0xFFFFEC00  }
0xda: {  	_ =	swait.ge [sflag:s22], $0x1400  }
0xdb: {  	[sflag:s22] =	ssyncset.done $0x0  }
0xdc: {  	[sflag:s22] =	ssyncadd.s32 $0xFFFFEC00  }
0xdd: {  	_ =	swait.ge [sflag:s22], $0x1400  }
0xde: {  	[sflag:s22] =	ssyncset.done $0x0  }
0xdf: {  	[sflag:s22] =	ssyncadd.s32 $0xFFFFEC00  }
.LBB2_7:
0xe0: {  	[bflag:$0x0] =	sbarrier.arrive $0xFFFF  }
0xe1: {  	s9 =	simm.s32 $0x0;
	s11 =	rddreg [dreg:$0x5]  }
0xe2: {  	[tilespmem:s23], [sflag:$0x4] =	stream.linear.gather [hbm4b:s11+s9], $0x50, $0x38;
	[tilespmem:$0x1D680] =	vst v63  }
0xe3: {  	_ =	swait.ge [sflag:s24], $0x50  }
0xe4: {  	[sflag:s24] =	ssyncset.done $0x0  }
0xe5: {  	s19 =	rddreg [dreg:$0x6];
	[sflag:s24] =	ssyncadd.s32 $0xFFFFFFB0  }
0xe6: {  	[tilespmem:s25], [sflag:$0x4] =	stream.linear.gather [hbm4b:s19+s9], $0x50, $0x38;
	[tilespmem:$0x1D680] =	vst v63  }
0xe7: {  	_ =	swait.ge [sflag:s24], $0x50  }
0xe8: {  	[sflag:s24] =	ssyncset.done $0x0  }
0xe9: {  	[sflag:s24] =	ssyncadd.s32 $0xFFFFFFB0  }
0xea: {  	[tilespmem:s28], [sflag:$0x1] =	stream.indirect.gather [hbm4b:s0+s26], $0x80, s23, s26, $0xb8;
	[tilespmem:$0x1D680] =	vst v63  }
0xeb: {  	s12 =	rddreg [dreg:$0x7]  }
0xec: {  	[tilespmem:s29], [sflag:$0x4] =	stream.linear.gather [hbm4b:s12+s9], $0x50, $0x38;
	[tilespmem:$0x1D680] =	vst v63  }
0xed: {  	_ =	swait.ge [sflag:s24], $0x50  }
0xee: {  	[sflag:s24] =	ssyncset.done $0x0  }
0xef: {  	s19 =	rddreg [dreg:$0x8];
	[sflag:s24] =	ssyncadd.s32 $0xFFFFFFB0  }
0xf0: {  	[tilespmem:s30], [sflag:$0x4] =	stream.linear.gather [hbm4b:s19+s9], $0x50, $0x38;
	[tilespmem:$0x1D680] =	vst v63  }
0xf1: {  	_ =	swait.ge [sflag:s24], $0x50  }
0xf2: {  	[sflag:s24] =	ssyncset.done $0x0  }
0xf3: {  	s19 =	smov.u32 s10;
	[sflag:s24] =	ssyncadd.s32 $0xFFFFFFB0  }
0xf4: {  	[tilespmem:s31], [sflag:$0x2] =	stream.indirect.gather [hbm4b:s0+s26], $0x80, s29, s26, $0xb8;
	[tilespmem:$0x1D680] =	vst v63  }
.LBB2_8:
0xf5: {  	_ =	swait.ge [sflag:s1], $0x2800  }
0xf6: {  	[sflag:s1] =	ssyncset.done $0x0  }
0xf7: {  	[sflag:s1] =	ssyncadd.s32 $0xFFFFD800  }
0xf8: {  	[spmem:s3] =	stream.indirect.scatter.add.f32 [tilespmem:s28], [sflag:$0x4], $0x80, s25, s26, $0xb8;
	[tilespmem:$0x1D680] =	vst v63  }
0xf9: {  	_ =	swait.ge [sflag:s24], $0x2800  }
0xfa: {  	[sflag:s24] =	ssyncset.done $0x0  }
0xfb: {  	[sflag:s24] =	ssyncadd.s32 $0xFFFFD800  }
0xfc: {  	v2 =	vld [tilespmem:$0x13980];
	_ =	sdelay $0x7  }
0xfd: {  	[tilespmem:v2+s4+$0x0] =	vst.idx.add.f32.msk $0xffff, v1  }
0xfe: {  	v2 =	vld [tilespmem:$0x13990];
	_ =	sdelay $0x7  }
0xff: {  	[tilespmem:v2+s4+$0x0] =	vst.idx.add.f32.msk $0xffff, v1  }
0x100: {  	v2 =	vld [tilespmem:$0x139A0];
	_ =	sdelay $0x7  }
0x101: {  	[tilespmem:v2+s4+$0x0] =	vst.idx.add.f32.msk $0xffff, v1  }
0x102: {  	v2 =	vld [tilespmem:$0x139B0];
	_ =	sdelay $0x7  }
0x103: {  	[tilespmem:v2+s4+$0x0] =	vst.idx.add.f32.msk $0xffff, v1  }
0x104: {  	v2 =	vld [tilespmem:$0x139C0];
	_ =	sdelay $0x6  }
0x105: {  	s11 =	sshrl.u32 s19, $0x3  }
0x106: {  	s12 =	sadd.s32 s6, s11;
	[tilespmem:v2+s4+$0x0] =	vst.idx.add.f32.msk $0xffff, v1  }
0x107: {  	[tilespmem:s23], [sflag:$0x4] =	stream.linear.gather [hbm4b:s12+s5], $0x50, $0x38;
	[tilespmem:$0x1D680] =	vst v63  }
0x108: {  	_ =	swait.ge [sflag:s24], $0x50  }
0x109: {  	[sflag:s24] =	ssyncset.done $0x0  }
0x10a: {  	s11 =	sadd.s32 s7, s11;
	[sflag:s24] =	ssyncadd.s32 $0xFFFFFFB0  }
0x10b: {  	[tilespmem:s25], [sflag:$0x4] =	stream.linear.gather [hbm4b:s11+s5], $0x50, $0x38;
	[tilespmem:$0x1D680] =	vst v63  }
0x10c: {  	_ =	swait.ge [sflag:s24], $0x50  }
0x10d: {  	[sflag:s24] =	ssyncset.done $0x0  }
0x10e: {  	[sflag:s24] =	ssyncadd.s32 $0xFFFFFFB0  }
0x10f: {  	[tilespmem:s28], [sflag:$0x1] =	stream.indirect.gather [hbm4b:s0+s26], $0x80, s23, s26, $0xb8;
	[tilespmem:$0x1D680] =	vst v63  }
0x110: {  	_ =	swait.ge [sflag:s15], $0x2800  }
0x111: {  	[sflag:s15] =	ssyncset.done $0x0  }
0x112: {  	[sflag:s15] =	ssyncadd.s32 $0xFFFFD800  }
0x113: {  	[spmem:s3] =	stream.indirect.scatter.add.f32 [tilespmem:s31], [sflag:$0x4], $0x80, s30, s26, $0xb8;
	[tilespmem:$0x1D680] =	vst v63  }
0x114: {  	_ =	swait.ge [sflag:s24], $0x2800  }
0x115: {  	[sflag:s24] =	ssyncset.done $0x0  }
0x116: {  	[sflag:s24] =	ssyncadd.s32 $0xFFFFD800  }
0x117: {  	v2 =	vld [tilespmem:$0x13A00];
	_ =	sdelay $0x7  }
0x118: {  	[tilespmem:v2+s4+$0x0] =	vst.idx.add.f32.msk $0xffff, v1  }
0x119: {  	v2 =	vld [tilespmem:$0x13A10];
	_ =	sdelay $0x7  }
0x11a: {  	[tilespmem:v2+s4+$0x0] =	vst.idx.add.f32.msk $0xffff, v1  }
0x11b: {  	v2 =	vld [tilespmem:$0x13A20];
	_ =	sdelay $0x7  }
0x11c: {  	[tilespmem:v2+s4+$0x0] =	vst.idx.add.f32.msk $0xffff, v1  }
0x11d: {  	v2 =	vld [tilespmem:$0x13A30];
	_ =	sdelay $0x7  }
0x11e: {  	[tilespmem:v2+s4+$0x0] =	vst.idx.add.f32.msk $0xffff, v1  }
0x11f: {  	v2 =	vld [tilespmem:$0x13A40];
	_ =	sdelay $0x2  }
0x120: {  	p2 =	seq.s32 s9, $0x4C4  }
.Ltmp5:
0x121: {  	_ = 	snop;
	(pc) =	sbr.rel @p2 .LBB2_10-.Ltmp5, $2  }
0x122: {  	_ =	sdelay $0x2  }
0x123: {  	[tilespmem:v2+s4+$0x0] =	vst.idx.add.f32.msk $0xffff, v1  }
0x124: {  	s11 =	sadd.s32 s9, s18  }
0x125: {  	[tilespmem:s29], [sflag:$0x4] =	stream.linear.gather [hbm4b:s11+s5], $0x50, $0x38;
	[tilespmem:$0x1D680] =	vst v63  }
0x126: {  	_ =	swait.ge [sflag:s24], $0x50  }
0x127: {  	[sflag:s24] =	ssyncset.done $0x0  }
0x128: {  	s12 =	sadd.s32 s9, s17;
	[sflag:s24] =	ssyncadd.s32 $0xFFFFFFB0  }
0x129: {  	[tilespmem:s30], [sflag:$0x4] =	stream.linear.gather [hbm4b:s12+s5], $0x50, $0x38;
	[tilespmem:$0x1D680] =	vst v63  }
.Ltmp6:
0x12a: {  	_ = 	snop;
	(pc) =	sbr.rel .LBB2_8-.Ltmp6, $4  }
0x12b: {  	_ =	swait.ge [sflag:s24], $0x50  }
0x12c: {  	[sflag:s24] =	ssyncset.done $0x0  }
0x12d: {  	s9 =	sadd.s32 $0x14, s9;
	s19 =	sadd.s32 $0xA0, s19;
	[sflag:s24] =	ssyncadd.s32 $0xFFFFFFB0  }
0x12e: {  	[tilespmem:s31], [sflag:$0x2] =	stream.indirect.gather [hbm4b:s0+s26], $0x80, s29, s26, $0xb8;
	[tilespmem:$0x1D680] =	vst v63  }
.LBB2_10:
0x12f: {  	_ =	swait.ge [sflag:s1], $0x2800  }
0x130: {  	[sflag:s1] =	ssyncset.done $0x0  }
0x131: {  	[sflag:s1] =	ssyncadd.s32 $0xFFFFD800  }
0x132: {  	[spmem:s3] =	stream.indirect.scatter.add.f32 [tilespmem:s28], [sflag:$0x4], $0x80, s25, s26, $0xb8;
	[tilespmem:$0x1D680] =	vst v63  }
0x133: {  	_ =	swait.ge [sflag:s24], $0x2800  }
0x134: {  	[sflag:s24] =	ssyncset.done $0x0  }
0x135: {  	[sflag:s24] =	ssyncadd.s32 $0xFFFFD800  }
0x136: {  	v2 =	vld [tilespmem:$0x13980];
	_ =	sdelay $0x7  }
0x137: {  	[tilespmem:v2+s4+$0x0] =	vst.idx.add.f32.msk $0xffff, v1  }
0x138: {  	v2 =	vld [tilespmem:$0x13990];
	_ =	sdelay $0x7  }
0x139: {  	[tilespmem:v2+s4+$0x0] =	vst.idx.add.f32.msk $0xffff, v1  }
0x13a: {  	v2 =	vld [tilespmem:$0x139A0];
	_ =	sdelay $0x7  }
0x13b: {  	[tilespmem:v2+s4+$0x0] =	vst.idx.add.f32.msk $0xffff, v1  }
0x13c: {  	v2 =	vld [tilespmem:$0x139B0];
	_ =	sdelay $0x7  }
0x13d: {  	[tilespmem:v2+s4+$0x0] =	vst.idx.add.f32.msk $0xffff, v1  }
0x13e: {  	v2 =	vld [tilespmem:$0x139C0];
	_ =	sdelay $0x7  }
0x13f: {  	[tilespmem:v2+s4+$0x0] =	vst.idx.add.f32.msk $0xffff, v1  }
0x140: {  	[hbm4b:s20+s5] =	stream.linear.scatter [tilespmem:s4], [sflag:$0x4], $0x2800, $0x38;
	[tilespmem:$0x1D680] =	vst v63  }
0x141: {  	_ =	swait.ge [sflag:s24], $0x2800  }
0x142: {  	s9 =	stileid.u32;
	[sflag:s24] =	ssyncset.done $0x0  }
0x143: {  	s9 =	sshll.u32 @!p0 s9, $0x6;
	[sflag:s24] =	ssyncadd.s32 $0xFFFFD800  }
0x144: {  	s11 =	sshrl.u32 @!p0 s8, $0x3;
	s9 =	sor.u32 @!p0 $0x1C04, s9;
	[bflag:$0x0] =	sbarrier.arrive $0xFFFF  }
0x145: {  	[hbm:s13], [sflag:s9] =	dma.local @!p0 [spmem:s11], $0x3E80  }
.Ltmp7:
0x146: {  	_ = 	snop;
	(pc) =	sbr.rel @p1 .LBB2_42-.Ltmp7, $4  }
0x147: {  	s9 =	simm.s32 @!p0 $0x4  }
0x148: {  	_ =	swait.ge @!p0 [sflag:s9], $0x3E80  }
0x149: {  	[sflag:s9] =	ssyncset.done @!p0 $0x0  }
0x14a: {  	[sflag:s9] =	ssyncadd.s32 @!p0 $0xFFFFC180  }
0x14b: {  	s9 =	rddreg [dreg:$0x3]  }
0x14c: {  	s11 =	rddreg [dreg:$0x9]  }
0x14d: {  	s12 =	simm.s32 $0x1C680;
	s9 =	sadd.s32 s11, s9;
	s11 =	simm.s32 $0x0  }
0x14e: {  	[tilespmem:s12], [sflag:$0x4] =	stream.linear.gather [hbm4b:s9+s11], $0x800, $0x38;
	[tilespmem:$0x1D680] =	vst v63  }
0x14f: {  	_ =	swait.ge [sflag:s24], $0x800  }
0x150: {  	[sflag:s24] =	ssyncset.done $0x0  }
0x151: {  	s19 =	rddreg [dreg:$0xb];
	[sflag:s24] =	ssyncadd.s32 $0xFFFFF800  }
0x152: {  	[tilespmem:s2], [sflag:$0x4] =	stream.linear.gather [hbm4b:s19+s11], $0x800, $0x38;
	[tilespmem:$0x1D680] =	vst v63  }
0x153: {  	_ =	swait.ge [sflag:s24], $0x800  }
0x154: {  	[sflag:s24] =	ssyncset.done $0x0  }
0x155: {  	s9 =	simm.s32 $0x0;
	[sflag:s24] =	ssyncadd.s32 $0xFFFFF800  }
0x156: {  	s19 =	simm.s32 $0x40;
	v2 =	vld [tilespmem:s9+$0x1CE80]  }
.LBB2_12:
0x157: {  	p2 =	sne.s32 s19, $0x1FC0;
	v3 =	vld [tilespmem:s9+$0x1C680];
	_ =	sdelay $0x2  }
.Ltmp8:
0x158: {  	(pc) =	sbr.rel @p2 .LBB2_12-.Ltmp8, $4  }
0x159: {  	_ = 	snop  }
0x15a: {  	v3 =	vadd.f32 v2, v3  }
0x15b: {  	s11 =	sshra.s32 s19, $0x2  }
0x15c: {  	s19 =	sadd.s32 $0x40, s19;
	v2 =	vld [tilespmem:s11+$0x1CE80];
	[tilespmem:s9+$0x1C680] =	vst v3;
	s9 =	smov.u32 s11  }
0x15d: {  	v3 =	vld [tilespmem:s9+$0x1C680];
	_ =	sdelay $0x4  }
0x15e: {  	v2 =	vadd.f32 v2, v3;
	_ =	sdelay $0x1  }
0x15f: {  	s19 =	simm.s32 $0x0;
	s11 =	rddreg [dreg:$0xc];
	[tilespmem:s9+$0x1C680] =	vst v2  }
0x160: {  	[tilespmem:s2], [sflag:$0x4] =	stream.linear.gather [hbm4b:s11+s19], $0x800, $0x38;
	[tilespmem:$0x1D680] =	vst v63  }
0x161: {  	_ =	swait.ge [sflag:s24], $0x800  }
0x162: {  	[sflag:s24] =	ssyncset.done $0x0  }
0x163: {  	s9 =	simm.s32 $0x0;
	[sflag:s24] =	ssyncadd.s32 $0xFFFFF800  }
0x164: {  	s19 =	simm.s32 $0x40;
	v2 =	vld [tilespmem:s9+$0x1CE80]  }
.LBB2_14:
0x165: {  	p2 =	sne.s32 s19, $0x1FC0;
	v3 =	vld [tilespmem:s9+$0x1C680];
	_ =	sdelay $0x2  }
.Ltmp9:
0x166: {  	(pc) =	sbr.rel @p2 .LBB2_14-.Ltmp9, $4  }
0x167: {  	_ = 	snop  }
0x168: {  	v3 =	vadd.f32 v2, v3  }
0x169: {  	s11 =	sshra.s32 s19, $0x2  }
0x16a: {  	s19 =	sadd.s32 $0x40, s19;
	v2 =	vld [tilespmem:s11+$0x1CE80];
	[tilespmem:s9+$0x1C680] =	vst v3;
	s9 =	smov.u32 s11  }
0x16b: {  	v3 =	vld [tilespmem:s9+$0x1C680];
	_ =	sdelay $0x4  }
0x16c: {  	v2 =	vadd.f32 v2, v3;
	_ =	sdelay $0x1  }
0x16d: {  	s19 =	simm.s32 $0x0;
	s11 =	rddreg [dreg:$0xd];
	[tilespmem:s9+$0x1C680] =	vst v2  }
0x16e: {  	[tilespmem:s2], [sflag:$0x4] =	stream.linear.gather [hbm4b:s11+s19], $0x800, $0x38;
	[tilespmem:$0x1D680] =	vst v63  }
0x16f: {  	_ =	swait.ge [sflag:s24], $0x800  }
0x170: {  	[sflag:s24] =	ssyncset.done $0x0  }
0x171: {  	s9 =	simm.s32 $0x0;
	[sflag:s24] =	ssyncadd.s32 $0xFFFFF800  }
0x172: {  	s19 =	simm.s32 $0x40;
	v2 =	vld [tilespmem:s9+$0x1CE80]  }
.LBB2_16:
0x173: {  	p2 =	sne.s32 s19, $0x1FC0;
	v3 =	vld [tilespmem:s9+$0x1C680];
	_ =	sdelay $0x2  }
.Ltmp10:
0x174: {  	(pc) =	sbr.rel @p2 .LBB2_16-.Ltmp10, $4  }
0x175: {  	_ = 	snop  }
0x176: {  	v3 =	vadd.f32 v2, v3  }
0x177: {  	s11 =	sshra.s32 s19, $0x2  }
0x178: {  	s19 =	sadd.s32 $0x40, s19;
	v2 =	vld [tilespmem:s11+$0x1CE80];
	[tilespmem:s9+$0x1C680] =	vst v3;
	s9 =	smov.u32 s11  }
0x179: {  	v3 =	vld [tilespmem:s9+$0x1C680];
	_ =	sdelay $0x4  }
0x17a: {  	v2 =	vadd.f32 v2, v3;
	_ =	sdelay $0x1  }
0x17b: {  	s19 =	simm.s32 $0x0;
	s11 =	rddreg [dreg:$0xe];
	[tilespmem:s9+$0x1C680] =	vst v2  }
0x17c: {  	[tilespmem:s2], [sflag:$0x4] =	stream.linear.gather [hbm4b:s11+s19], $0x800, $0x38;
	[tilespmem:$0x1D680] =	vst v63  }
0x17d: {  	_ =	swait.ge [sflag:s24], $0x800  }
0x17e: {  	[sflag:s24] =	ssyncset.done $0x0  }
0x17f: {  	s9 =	simm.s32 $0x0;
	[sflag:s24] =	ssyncadd.s32 $0xFFFFF800  }
0x180: {  	s19 =	simm.s32 $0x40;
	v2 =	vld [tilespmem:s9+$0x1CE80]  }
.LBB2_18:
0x181: {  	p2 =	sne.s32 s19, $0x1FC0;
	v3 =	vld [tilespmem:s9+$0x1C680];
	_ =	sdelay $0x2  }
.Ltmp11:
0x182: {  	(pc) =	sbr.rel @p2 .LBB2_18-.Ltmp11, $4  }
0x183: {  	_ = 	snop  }
0x184: {  	v3 =	vadd.f32 v2, v3  }
0x185: {  	s11 =	sshra.s32 s19, $0x2  }
0x186: {  	s19 =	sadd.s32 $0x40, s19;
	v2 =	vld [tilespmem:s11+$0x1CE80];
	[tilespmem:s9+$0x1C680] =	vst v3;
	s9 =	smov.u32 s11  }
0x187: {  	v3 =	vld [tilespmem:s9+$0x1C680];
	_ =	sdelay $0x4  }
0x188: {  	v2 =	vadd.f32 v2, v3;
	_ =	sdelay $0x1  }
0x189: {  	s19 =	simm.s32 $0x0;
	s11 =	rddreg [dreg:$0xf];
	[tilespmem:s9+$0x1C680] =	vst v2  }
0x18a: {  	[tilespmem:s2], [sflag:$0x4] =	stream.linear.gather [hbm4b:s11+s19], $0x800, $0x38;
	[tilespmem:$0x1D680] =	vst v63  }
0x18b: {  	_ =	swait.ge [sflag:s24], $0x800  }
0x18c: {  	[sflag:s24] =	ssyncset.done $0x0  }
0x18d: {  	s9 =	simm.s32 $0x0;
	[sflag:s24] =	ssyncadd.s32 $0xFFFFF800  }
0x18e: {  	s19 =	simm.s32 $0x40;
	v2 =	vld [tilespmem:s9+$0x1CE80]  }
.LBB2_20:
0x18f: {  	p2 =	sne.s32 s19, $0x1FC0;
	v3 =	vld [tilespmem:s9+$0x1C680];
	_ =	sdelay $0x2  }
.Ltmp12:
0x190: {  	(pc) =	sbr.rel @p2 .LBB2_20-.Ltmp12, $4  }
0x191: {  	_ = 	snop  }
0x192: {  	v3 =	vadd.f32 v2, v3  }
0x193: {  	s11 =	sshra.s32 s19, $0x2  }
0x194: {  	s19 =	sadd.s32 $0x40, s19;
	v2 =	vld [tilespmem:s11+$0x1CE80];
	[tilespmem:s9+$0x1C680] =	vst v3;
	s9 =	smov.u32 s11  }
0x195: {  	v3 =	vld [tilespmem:s9+$0x1C680];
	_ =	sdelay $0x4  }
0x196: {  	v2 =	vadd.f32 v2, v3;
	_ =	sdelay $0x1  }
0x197: {  	s19 =	simm.s32 $0x0;
	s11 =	rddreg [dreg:$0x10];
	[tilespmem:s9+$0x1C680] =	vst v2  }
0x198: {  	[tilespmem:s2], [sflag:$0x4] =	stream.linear.gather [hbm4b:s11+s19], $0x800, $0x38;
	[tilespmem:$0x1D680] =	vst v63  }
0x199: {  	_ =	swait.ge [sflag:s24], $0x800  }
0x19a: {  	[sflag:s24] =	ssyncset.done $0x0  }
0x19b: {  	s9 =	simm.s32 $0x0;
	[sflag:s24] =	ssyncadd.s32 $0xFFFFF800  }
0x19c: {  	s19 =	simm.s32 $0x40;
	v2 =	vld [tilespmem:s9+$0x1CE80]  }
.LBB2_22:
0x19d: {  	p2 =	sne.s32 s19, $0x1FC0;
	v3 =	vld [tilespmem:s9+$0x1C680];
	_ =	sdelay $0x2  }
.Ltmp13:
0x19e: {  	(pc) =	sbr.rel @p2 .LBB2_22-.Ltmp13, $4  }
0x19f: {  	_ = 	snop  }
0x1a0: {  	v3 =	vadd.f32 v2, v3  }
0x1a1: {  	s11 =	sshra.s32 s19, $0x2  }
0x1a2: {  	s19 =	sadd.s32 $0x40, s19;
	v2 =	vld [tilespmem:s11+$0x1CE80];
	[tilespmem:s9+$0x1C680] =	vst v3;
	s9 =	smov.u32 s11  }
0x1a3: {  	v3 =	vld [tilespmem:s9+$0x1C680];
	_ =	sdelay $0x4  }
0x1a4: {  	v2 =	vadd.f32 v2, v3;
	_ =	sdelay $0x1  }
0x1a5: {  	s19 =	simm.s32 $0x0;
	s11 =	rddreg [dreg:$0x11];
	[tilespmem:s9+$0x1C680] =	vst v2  }
0x1a6: {  	[tilespmem:s2], [sflag:$0x4] =	stream.linear.gather [hbm4b:s11+s19], $0x800, $0x38;
	[tilespmem:$0x1D680] =	vst v63  }
0x1a7: {  	_ =	swait.ge [sflag:s24], $0x800  }
0x1a8: {  	[sflag:s24] =	ssyncset.done $0x0  }
0x1a9: {  	s9 =	simm.s32 $0x0;
	[sflag:s24] =	ssyncadd.s32 $0xFFFFF800  }
0x1aa: {  	s19 =	simm.s32 $0x40;
	v2 =	vld [tilespmem:s9+$0x1CE80]  }
.LBB2_24:
0x1ab: {  	p2 =	sne.s32 s19, $0x1FC0;
	v3 =	vld [tilespmem:s9+$0x1C680];
	_ =	sdelay $0x2  }
.Ltmp14:
0x1ac: {  	(pc) =	sbr.rel @p2 .LBB2_24-.Ltmp14, $4  }
0x1ad: {  	_ = 	snop  }
0x1ae: {  	v3 =	vadd.f32 v2, v3  }
0x1af: {  	s11 =	sshra.s32 s19, $0x2  }
0x1b0: {  	s19 =	sadd.s32 $0x40, s19;
	v2 =	vld [tilespmem:s11+$0x1CE80];
	[tilespmem:s9+$0x1C680] =	vst v3;
	s9 =	smov.u32 s11  }
0x1b1: {  	v3 =	vld [tilespmem:s9+$0x1C680];
	_ =	sdelay $0x4  }
0x1b2: {  	v2 =	vadd.f32 v2, v3;
	_ =	sdelay $0x1  }
0x1b3: {  	s19 =	simm.s32 $0x0;
	s11 =	rddreg [dreg:$0x12];
	[tilespmem:s9+$0x1C680] =	vst v2  }
0x1b4: {  	[tilespmem:s2], [sflag:$0x4] =	stream.linear.gather [hbm4b:s11+s19], $0x800, $0x38;
	[tilespmem:$0x1D680] =	vst v63  }
0x1b5: {  	_ =	swait.ge [sflag:s24], $0x800  }
0x1b6: {  	[sflag:s24] =	ssyncset.done $0x0  }
0x1b7: {  	s9 =	simm.s32 $0x0;
	[sflag:s24] =	ssyncadd.s32 $0xFFFFF800  }
0x1b8: {  	s19 =	simm.s32 $0x40;
	v2 =	vld [tilespmem:s9+$0x1CE80]  }
.LBB2_26:
0x1b9: {  	p2 =	sne.s32 s19, $0x1FC0;
	v3 =	vld [tilespmem:s9+$0x1C680];
	_ =	sdelay $0x2  }
.Ltmp15:
0x1ba: {  	(pc) =	sbr.rel @p2 .LBB2_26-.Ltmp15, $4  }
0x1bb: {  	_ = 	snop  }
0x1bc: {  	v3 =	vadd.f32 v2, v3  }
0x1bd: {  	s11 =	sshra.s32 s19, $0x2  }
0x1be: {  	s19 =	sadd.s32 $0x40, s19;
	v2 =	vld [tilespmem:s11+$0x1CE80];
	[tilespmem:s9+$0x1C680] =	vst v3;
	s9 =	smov.u32 s11  }
0x1bf: {  	v3 =	vld [tilespmem:s9+$0x1C680];
	_ =	sdelay $0x4  }
0x1c0: {  	v2 =	vadd.f32 v2, v3;
	_ =	sdelay $0x1  }
0x1c1: {  	s19 =	simm.s32 $0x0;
	s11 =	rddreg [dreg:$0x13];
	[tilespmem:s9+$0x1C680] =	vst v2  }
0x1c2: {  	[tilespmem:s2], [sflag:$0x4] =	stream.linear.gather [hbm4b:s11+s19], $0x800, $0x38;
	[tilespmem:$0x1D680] =	vst v63  }
0x1c3: {  	_ =	swait.ge [sflag:s24], $0x800  }
0x1c4: {  	[sflag:s24] =	ssyncset.done $0x0  }
0x1c5: {  	s9 =	simm.s32 $0x0;
	[sflag:s24] =	ssyncadd.s32 $0xFFFFF800  }
0x1c6: {  	s19 =	simm.s32 $0x40;
	v2 =	vld [tilespmem:s9+$0x1CE80]  }
.LBB2_28:
0x1c7: {  	p2 =	sne.s32 s19, $0x1FC0;
	v3 =	vld [tilespmem:s9+$0x1C680];
	_ =	sdelay $0x2  }
.Ltmp16:
0x1c8: {  	(pc) =	sbr.rel @p2 .LBB2_28-.Ltmp16, $4  }
0x1c9: {  	_ = 	snop  }
0x1ca: {  	v3 =	vadd.f32 v2, v3  }
0x1cb: {  	s11 =	sshra.s32 s19, $0x2  }
0x1cc: {  	s19 =	sadd.s32 $0x40, s19;
	v2 =	vld [tilespmem:s11+$0x1CE80];
	[tilespmem:s9+$0x1C680] =	vst v3;
	s9 =	smov.u32 s11  }
0x1cd: {  	v3 =	vld [tilespmem:s9+$0x1C680];
	_ =	sdelay $0x4  }
0x1ce: {  	v2 =	vadd.f32 v2, v3;
	_ =	sdelay $0x1  }
0x1cf: {  	s19 =	simm.s32 $0x0;
	s11 =	rddreg [dreg:$0x14];
	[tilespmem:s9+$0x1C680] =	vst v2  }
0x1d0: {  	[tilespmem:s2], [sflag:$0x4] =	stream.linear.gather [hbm4b:s11+s19], $0x800, $0x38;
	[tilespmem:$0x1D680] =	vst v63  }
0x1d1: {  	_ =	swait.ge [sflag:s24], $0x800  }
0x1d2: {  	[sflag:s24] =	ssyncset.done $0x0  }
0x1d3: {  	s9 =	simm.s32 $0x0;
	[sflag:s24] =	ssyncadd.s32 $0xFFFFF800  }
0x1d4: {  	s19 =	simm.s32 $0x40;
	v2 =	vld [tilespmem:s9+$0x1CE80]  }
.LBB2_30:
0x1d5: {  	p2 =	sne.s32 s19, $0x1FC0;
	v3 =	vld [tilespmem:s9+$0x1C680];
	_ =	sdelay $0x2  }
.Ltmp17:
0x1d6: {  	(pc) =	sbr.rel @p2 .LBB2_30-.Ltmp17, $4  }
0x1d7: {  	_ = 	snop  }
0x1d8: {  	v3 =	vadd.f32 v2, v3  }
0x1d9: {  	s11 =	sshra.s32 s19, $0x2  }
0x1da: {  	s19 =	sadd.s32 $0x40, s19;
	v2 =	vld [tilespmem:s11+$0x1CE80];
	[tilespmem:s9+$0x1C680] =	vst v3;
	s9 =	smov.u32 s11  }
0x1db: {  	v3 =	vld [tilespmem:s9+$0x1C680];
	_ =	sdelay $0x4  }
0x1dc: {  	v2 =	vadd.f32 v2, v3;
	_ =	sdelay $0x1  }
0x1dd: {  	s19 =	simm.s32 $0x0;
	s11 =	rddreg [dreg:$0x15];
	[tilespmem:s9+$0x1C680] =	vst v2  }
0x1de: {  	[tilespmem:s2], [sflag:$0x4] =	stream.linear.gather [hbm4b:s11+s19], $0x800, $0x38;
	[tilespmem:$0x1D680] =	vst v63  }
0x1df: {  	_ =	swait.ge [sflag:s24], $0x800  }
0x1e0: {  	[sflag:s24] =	ssyncset.done $0x0  }
0x1e1: {  	s9 =	simm.s32 $0x0;
	[sflag:s24] =	ssyncadd.s32 $0xFFFFF800  }
0x1e2: {  	s19 =	simm.s32 $0x40;
	v2 =	vld [tilespmem:s9+$0x1CE80]  }
.LBB2_32:
0x1e3: {  	p2 =	sne.s32 s19, $0x1FC0;
	v3 =	vld [tilespmem:s9+$0x1C680];
	_ =	sdelay $0x2  }
.Ltmp18:
0x1e4: {  	(pc) =	sbr.rel @p2 .LBB2_32-.Ltmp18, $4  }
0x1e5: {  	_ = 	snop  }
0x1e6: {  	v3 =	vadd.f32 v2, v3  }
0x1e7: {  	s11 =	sshra.s32 s19, $0x2  }
0x1e8: {  	s19 =	sadd.s32 $0x40, s19;
	v2 =	vld [tilespmem:s11+$0x1CE80];
	[tilespmem:s9+$0x1C680] =	vst v3;
	s9 =	smov.u32 s11  }
0x1e9: {  	v3 =	vld [tilespmem:s9+$0x1C680];
	_ =	sdelay $0x4  }
0x1ea: {  	v2 =	vadd.f32 v2, v3;
	_ =	sdelay $0x1  }
0x1eb: {  	s19 =	simm.s32 $0x0;
	s11 =	rddreg [dreg:$0x16];
	[tilespmem:s9+$0x1C680] =	vst v2  }
0x1ec: {  	[tilespmem:s2], [sflag:$0x4] =	stream.linear.gather [hbm4b:s11+s19], $0x800, $0x38;
	[tilespmem:$0x1D680] =	vst v63  }
0x1ed: {  	_ =	swait.ge [sflag:s24], $0x800  }
0x1ee: {  	[sflag:s24] =	ssyncset.done $0x0  }
0x1ef: {  	s9 =	simm.s32 $0x0;
	[sflag:s24] =	ssyncadd.s32 $0xFFFFF800  }
0x1f0: {  	s19 =	simm.s32 $0x40;
	v2 =	vld [tilespmem:s9+$0x1CE80]  }
.LBB2_34:
0x1f1: {  	p2 =	sne.s32 s19, $0x1FC0;
	v3 =	vld [tilespmem:s9+$0x1C680];
	_ =	sdelay $0x2  }
.Ltmp19:
0x1f2: {  	(pc) =	sbr.rel @p2 .LBB2_34-.Ltmp19, $4  }
0x1f3: {  	_ = 	snop  }
0x1f4: {  	v3 =	vadd.f32 v2, v3  }
0x1f5: {  	s11 =	sshra.s32 s19, $0x2  }
0x1f6: {  	s19 =	sadd.s32 $0x40, s19;
	v2 =	vld [tilespmem:s11+$0x1CE80];
	[tilespmem:s9+$0x1C680] =	vst v3;
	s9 =	smov.u32 s11  }
0x1f7: {  	v3 =	vld [tilespmem:s9+$0x1C680];
	_ =	sdelay $0x4  }
0x1f8: {  	v2 =	vadd.f32 v2, v3;
	_ =	sdelay $0x1  }
0x1f9: {  	s19 =	simm.s32 $0x0;
	s11 =	rddreg [dreg:$0x17];
	[tilespmem:s9+$0x1C680] =	vst v2  }
0x1fa: {  	[tilespmem:s2], [sflag:$0x4] =	stream.linear.gather [hbm4b:s11+s19], $0x800, $0x38;
	[tilespmem:$0x1D680] =	vst v63  }
0x1fb: {  	_ =	swait.ge [sflag:s24], $0x800  }
0x1fc: {  	[sflag:s24] =	ssyncset.done $0x0  }
0x1fd: {  	s9 =	simm.s32 $0x0;
	[sflag:s24] =	ssyncadd.s32 $0xFFFFF800  }
0x1fe: {  	s19 =	simm.s32 $0x40;
	v2 =	vld [tilespmem:s9+$0x1CE80]  }
.LBB2_36:
0x1ff: {  	p2 =	sne.s32 s19, $0x1FC0;
	v3 =	vld [tilespmem:s9+$0x1C680];
	_ =	sdelay $0x2  }
.Ltmp20:
0x200: {  	(pc) =	sbr.rel @p2 .LBB2_36-.Ltmp20, $4  }
0x201: {  	_ = 	snop  }
0x202: {  	v3 =	vadd.f32 v2, v3  }
0x203: {  	s11 =	sshra.s32 s19, $0x2  }
0x204: {  	s19 =	sadd.s32 $0x40, s19;
	v2 =	vld [tilespmem:s11+$0x1CE80];
	[tilespmem:s9+$0x1C680] =	vst v3;
	s9 =	smov.u32 s11  }
0x205: {  	v3 =	vld [tilespmem:s9+$0x1C680];
	_ =	sdelay $0x4  }
0x206: {  	v2 =	vadd.f32 v2, v3;
	_ =	sdelay $0x1  }
0x207: {  	s19 =	simm.s32 $0x0;
	s11 =	rddreg [dreg:$0x18];
	[tilespmem:s9+$0x1C680] =	vst v2  }
0x208: {  	[tilespmem:s2], [sflag:$0x4] =	stream.linear.gather [hbm4b:s11+s19], $0x800, $0x38;
	[tilespmem:$0x1D680] =	vst v63  }
0x209: {  	_ =	swait.ge [sflag:s24], $0x800  }
0x20a: {  	[sflag:s24] =	ssyncset.done $0x0  }
0x20b: {  	s9 =	simm.s32 $0x0;
	[sflag:s24] =	ssyncadd.s32 $0xFFFFF800  }
0x20c: {  	s19 =	simm.s32 $0x40;
	v2 =	vld [tilespmem:s9+$0x1CE80]  }
.LBB2_38:
0x20d: {  	p2 =	sne.s32 s19, $0x1FC0;
	v3 =	vld [tilespmem:s9+$0x1C680];
	_ =	sdelay $0x2  }
.Ltmp21:
0x20e: {  	(pc) =	sbr.rel @p2 .LBB2_38-.Ltmp21, $4  }
0x20f: {  	_ = 	snop  }
0x210: {  	v3 =	vadd.f32 v2, v3  }
0x211: {  	s11 =	sshra.s32 s19, $0x2  }
0x212: {  	s19 =	sadd.s32 $0x40, s19;
	v2 =	vld [tilespmem:s11+$0x1CE80];
	[tilespmem:s9+$0x1C680] =	vst v3;
	s9 =	smov.u32 s11  }
0x213: {  	v3 =	vld [tilespmem:s9+$0x1C680];
	_ =	sdelay $0x4  }
0x214: {  	v2 =	vadd.f32 v2, v3;
	_ =	sdelay $0x1  }
0x215: {  	s19 =	simm.s32 $0x0;
	s11 =	rddreg [dreg:$0x19];
	[tilespmem:s9+$0x1C680] =	vst v2  }
0x216: {  	[tilespmem:s2], [sflag:$0x4] =	stream.linear.gather [hbm4b:s11+s19], $0x800, $0x38;
	[tilespmem:$0x1D680] =	vst v63  }
0x217: {  	_ =	swait.ge [sflag:s24], $0x800  }
0x218: {  	[sflag:s24] =	ssyncset.done $0x0  }
0x219: {  	s9 =	simm.s32 $0x0;
	[sflag:s24] =	ssyncadd.s32 $0xFFFFF800  }
0x21a: {  	s19 =	simm.s32 $0x40;
	v2 =	vld [tilespmem:s9+$0x1CE80]  }
.LBB2_40:
0x21b: {  	p2 =	sne.s32 s19, $0x1FC0;
	v3 =	vld [tilespmem:s9+$0x1C680];
	_ =	sdelay $0x2  }
.Ltmp22:
0x21c: {  	(pc) =	sbr.rel @p2 .LBB2_40-.Ltmp22, $4  }
0x21d: {  	_ = 	snop  }
0x21e: {  	v3 =	vadd.f32 v2, v3  }
0x21f: {  	s11 =	sshra.s32 s19, $0x2  }
0x220: {  	s19 =	sadd.s32 $0x40, s19;
	v2 =	vld [tilespmem:s11+$0x1CE80];
	[tilespmem:s9+$0x1C680] =	vst v3;
	s9 =	smov.u32 s11  }
.Ltmp23:
0x221: {  	_ = 	snop;
	(pc) =	sbr.rel .LBB2_41-.Ltmp23, $1  }
0x222: {  	_ =	sdelay $0x3  }
.LBB2_43:
0x223: {  	_ =	sfence.sel $0x180000  }
0x224: {  	[bflag:$0x0] =	sbarrier.arrive $0xFFFF  }
0x225: {  	_ =	strace $0x90000047  }
0x226: {  	s0 =	stileid.u32;
	[bflag:$0x2] =	sbarrier.arrive $0xFFFF  }
0x227: {  	p0 =	sne.s32 s0, $0x0;
	s0 =	rddreg [dreg:$0x4]  }
0x228: {  	s0 =	sadd.s32 @!p0 $0x100000, s0  }
0x229: {  	[sflag:s0] =	ssyncadd.tile.s32 @!p0 $0x1;
	_ =	shalt  }
.Lfunc_end2:
_tile_overlayer_lowered:
.L_overlay_start_2:
0x22a: {  	(tag) =	ssettag $0x2  }
0x22b: {  	s0 =	rddreg [dreg:$0x0];
	s2 =	stileid.u32  }
0x22c: {  	s1 =	rddreg [dreg:$0x1];
	p0 =	sne.s32 s2, $0x0  }
0x22d: {  	s3 =	rddreg [dreg:$0x2];
	[bflag:$0x3] =	sbarrier.arrive $0xFFFF;
	s2 =	simm.s32 @!p0 $0x1C04  }
0x22e: {  	[timem:s3], [sflag:s2] =	dma.local @!p0 [hbm:s0], s1  }
0x22f: {  	s0 =	simm.s32 @!p0 $0x4  }
0x230: {  	_ =	swait.ge @!p0 [sflag:s0], s1  }
0x231: {  	s1 =	ssub.s32 @!p0 $0x0, s1;
	[sflag:s0] =	ssyncset.done @!p0 $0x0  }
0x232: {  	[sflag:s0] =	ssyncadd.s32 @!p0 s1  }
0x233: {  	[bflag:$0x3] =	sbarrier.arrive $0xFFFF  }
0x234: {  	_ =	shalt  }

// kernel: kernel.9.cloned.1.call-start
scs
__scs_entry_jumppad:
0x0: {  	(pc) =	sbr.rel $0x88, $3  }
0x1: {  	(tag) =	ssettag $0x0;
	lr =	simm.s32 $0x1  }
0x2: {  	[smem:$0x3F96] =	sst lr;
	_ =	strace $0xD0000000  }
0x3: {  	_ = 	snop  }
0x4: {  	_ = 	snop  }
0x5: {  	_ = 	snop  }
0x6: {  	_ = 	snop  }
0x7: {  	_ = 	snop  }
__scs_overlays_trampoline_lowered:
0x8: {  	[smem:$0x3FA5] =	sst s0  }
0x9: {  	[smem:$0x3FA6] =	sst s1  }
0xa: {  	[smem:$0x3FA7] =	sst s2  }
0xb: {  	[smem:$0x3FA8] =	sst s3  }
0xc: {  	[smem:$0x3FA9] =	sst s4  }
0xd: {  	[smem:$0x3FAA] =	sst s5  }
0xe: {  	[smem:$0x3FAB] =	sst s6  }
0xf: {  	[smem:$0x3FAC] =	sst s7  }
0x10: {  	[smem:$0x3FAD] =	sst s8  }
0x11: {  	[smem:$0x3FAE] =	sst s9;
	s0 =	simm.s32 @!p0 $0x0  }
0x12: {  	s1 =	sld [smem:$0x3F94];
	s0 =	simm.s32 @p0 $0x1  }
0x13: {  	[smem:$0x3FAF] =	sst s0;
	s0 =	simm.s32 @!p1 $0x0  }
0x14: {  	s2 =	sld [smem:$0x3F93];
	s0 =	simm.s32 @p1 $0x1  }
0x15: {  	[smem:$0x3FB0] =	sst s0;
	s0 =	simm.s32 @!p2 $0x0  }
0x16: {  	s3 =	sld [smem:$0x3FDB];
	s0 =	simm.s32 @p2 $0x1  }
0x17: {  	s4 =	simm.s32 $0x1BF5;
	[smem:$0x3FB2] =	sst s0  }
0x18: {  	s0 =	sld [smem:$0x3F95];
	_ =	swait.ge [sflag:s4], $0x0  }
0x19: {  	s7 =	sld [smem:$0x3F96]  }
0x1a: {  	s8 =	sadd.s32 $0xFFFFE003, lr  }
0x1b: {  	s9 =	sadd.s32 $0xFFFFFEF7, lr;
	s5 =	simm.s32 $0xFFFFFFFF;
	p2 =	slt.u32 s8, $0xFFFFF086  }
0x1c: {  	p1 =	slt.u32 s9, $0xF7A;
	s5 =	simm.s32 @!p2 $0x0  }
0x1d: {  	s5 =	simm.s32 @p1 $0x1;
	p0 =	seq.s32 s7, s2  }
0x1e: {  	s7 =	smul.u32 @!p0 $0xF7A, s2;
	p2 =	seq.s32 @!p0 s5, $0x0  }
0x1f: {  	s9 =	smul.u32 $0xF7A, s1;
	s8 =	simm.s32 @!p0 $0x1BF5;
	p2 =	por !p2, p0  }
0x20: {  	[sflag:s8] =	ssyncset.s32 @!p0 $0xFFFFF086;
	s6 =	sadd.s32 @!p0 s3, s7;
	s7 =	simm.s32 @!p0 $0x108  }
0x21: {  	s3 =	sadd.s32 s3, s9;
	s6 =	sadd.s32 @!p0 $0x88, s6;
	s7 =	simm.s32 @p2 $0x1082  }
0x22: {  	[simem:s7], [sflag:s8] =	dma.local @!p0 [hbm:s6], $0xF7A  }
0x23: {  	s9 =	sor.u32 $0xD0000000, s2;
	s6 =	simm.s32 $0x108;
	_ =	swait.ge @!p0 [sflag:s8], $0x0  }
0x24: {  	s3 =	sadd.s32 $0x88, s3;
	s6 =	simm.s32 @!p1 $0x1082;
	[sflag:s4] =	ssyncset.s32 $0xFFFFF086  }
0x25: {  	[simem:s6], [sflag:s4] =	dma.local [hbm:s3], $0xF7A  }
0x26: {  	[smem:$0x3F96] =	sst s1;
	(tag) =	ssettag s2;
	_ =	strace s9  }
0x27: {  	s1 =	sld [smem:$0x3FA6]  }
0x28: {  	s2 =	sld [smem:$0x3FA7]  }
0x29: {  	s4 =	sld [smem:$0x3FA9]  }
0x2a: {  	p0 =	seq.s32 s5, $0x0;
	s5 =	sld [smem:$0x3FAA]  }
0x2b: {  	s6 =	sld [smem:$0x3FAB]  }
0x2c: {  	s7 =	sld [smem:$0x3FAC]  }
0x2d: {  	s3 =	simm.s32 $0x108;
	s8 =	sld [smem:$0x3FAD]  }
0x2e: {  	s3 =	simm.s32 @!p0 $0x1082;
	s9 =	sld [smem:$0x3FAE]  }
0x2f: {  	lr =	sadd.s32 s0, s3;
	s0 =	sld [smem:$0x3FA5]  }
0x30: {  	s3 =	sld [smem:$0x3FA8]  }
0x31: {  	[smem:$0x3FB1] =	sst s10  }
0x32: {  	s10 =	sld [smem:$0x3FAF];
	_ =	sdelay $0x3  }
0x33: {  	p0 =	seq.s32 s10, $0x1;
	s10 =	sld [smem:$0x3FB1];
	_ =	sdelay $0x3  }
0x34: {  	[smem:$0x3FB1] =	sst s10  }
0x35: {  	s10 =	sld [smem:$0x3FB0];
	_ =	sdelay $0x3  }
0x36: {  	p1 =	seq.s32 s10, $0x1;
	s10 =	sld [smem:$0x3FB1];
	_ =	sdelay $0x3  }
0x37: {  	[smem:$0x3FB1] =	sst s10  }
0x38: {  	s10 =	sld [smem:$0x3FB2]  }
0x39: {  	_ = 	snop;
	(pc) =	sbr.ind lr, $3  }
0x3a: {  	_ = 	snop  }
0x3b: {  	_ = 	snop  }
0x3c: {  	p2 =	seq.s32 s10, $0x1;
	s10 =	sld [smem:$0x3FB1]  }
0x3d: {  	_ =	shalt  }
0x3e: {  	_ =	shalt  }
0x3f: {  	_ =	shalt  }
0x40: {  	_ =	shalt  }
0x41: {  	_ =	shalt  }
0x42: {  	_ =	shalt  }
0x43: {  	_ =	shalt  }
0x44: {  	_ =	shalt  }
0x45: {  	_ =	shalt  }
0x46: {  	_ =	shalt  }
0x47: {  	_ =	shalt  }
0x48: {  	_ =	shalt  }
0x49: {  	_ =	shalt  }
0x4a: {  	_ =	shalt  }
0x4b: {  	_ =	shalt  }
0x4c: {  	_ =	shalt  }
0x4d: {  	_ =	shalt  }
0x4e: {  	_ =	shalt  }
0x4f: {  	_ =	shalt  }
0x50: {  	_ =	shalt  }
0x51: {  	_ =	shalt  }
0x52: {  	_ =	shalt  }
0x53: {  	_ =	shalt  }
0x54: {  	_ =	shalt  }
0x55: {  	_ =	shalt  }
0x56: {  	_ =	shalt  }
0x57: {  	_ =	shalt  }
0x58: {  	_ =	shalt  }
0x59: {  	_ =	shalt  }
0x5a: {  	_ =	shalt  }
0x5b: {  	_ =	shalt  }
0x5c: {  	_ =	shalt  }
0x5d: {  	_ =	shalt  }
0x5e: {  	_ =	shalt  }
0x5f: {  	_ =	shalt  }
0x60: {  	_ =	shalt  }
0x61: {  	_ =	shalt  }
0x62: {  	_ =	shalt  }
0x63: {  	_ =	shalt  }
0x64: {  	_ =	shalt  }
0x65: {  	_ =	shalt  }
0x66: {  	_ =	shalt  }
0x67: {  	_ =	shalt  }
0x68: {  	_ =	shalt  }
0x69: {  	_ =	shalt  }
0x6a: {  	_ =	shalt  }
0x6b: {  	_ =	shalt  }
0x6c: {  	_ =	shalt  }
0x6d: {  	_ =	shalt  }
0x6e: {  	_ =	shalt  }
0x6f: {  	_ =	shalt  }
0x70: {  	_ =	shalt  }
0x71: {  	_ =	shalt  }
0x72: {  	_ =	shalt  }
0x73: {  	_ =	shalt  }
0x74: {  	_ =	shalt  }
0x75: {  	_ =	shalt  }
0x76: {  	_ =	shalt  }
0x77: {  	_ =	shalt  }
0x78: {  	_ =	shalt  }
0x79: {  	_ =	shalt  }
0x7a: {  	_ =	shalt  }
0x7b: {  	_ =	shalt  }
0x7c: {  	_ =	shalt  }
0x7d: {  	_ =	shalt  }
0x7e: {  	_ =	shalt  }
0x7f: {  	_ =	shalt  }
0x80: {  	_ =	shalt  }
0x81: {  	_ =	shalt  }
0x82: {  	_ =	shalt  }
0x83: {  	_ =	shalt  }
0x84: {  	_ =	shalt  }
0x85: {  	_ =	shalt  }
0x86: {  	_ =	shalt  }
0x87: {  	_ =	shalt  }
.Lfunc_end0:
.L_simem_size_0:
called_computation.1_lowered:
.L_overlay_start_0:
0x88: {  	s2 =	sld [smem:$0x3FD9]  }
0x89: {  	s3 =	sld [smem:$0x3FFE];
	_ =	sdelay $0x1  }
0x8a: {  	s1 =	srdreg.scid  }
0x8b: {  	s0 =	sand.u32 $0x1, s1  }
0x8c: {  	s17 =	sshll.u32 s0, $0xA;
	s2 =	sadd.s32 s3, s2  }
0x8d: {  	s3 =	sadd.s32 s2, s17  }
0x8e: {  	[smem:$0x3FBD] =	sst s3  }
0x8f: {  	_ = 	snop  }
0x90: {  	(tm) =	ssettm $0x1  }
0x91: {  	s18 =	sld [smem:$0x3FFB];
	_ =	sdelay $0x3  }
0x92: {  	_ =	strace s18  }
0x93: {  	s3 =	sld [smem:$0x3FFC];
	_ =	sdelay $0x3  }
0x94: {  	_ =	strace s3  }
0x95: {  	s3 =	sld [smem:$0x3FFD];
	_ =	sdelay $0x3  }
0x96: {  	_ =	strace s3  }
0x97: {  	_ =	strace $0x8FFFFFFF  }
0x98: {  	s19 =	sld [smem:$0x3FDB];
	_ =	sdelay $0x1  }
0x99: {  	s4 =	simm.s32 $_scs_section_size  }
0x9a: {  	s5 =	simm.s32 $_size__tile_overlayer_lowered;
	s6 =	simm.s32 $_tile_overlayer_lowered  }
0x9b: {  	s22 =	simm.s32 $0x1BFF;
	s21 =	sshll.u32 s6, $0x1;
	s3 =	sadd.s32 s4, s19  }
0x9c: {  	s7 =	simm.s32 $0x0;
	s20 =	sshll.u32 s5, $0x1;
	s5 =	sadd.s32 s21, s3  }
0x9d: {  	[timem:s7], [sflag:s22] =	dma.local [hbm:s5], s20  }
0x9e: {  	_ =	swait.ge [sflag:s22], s20  }
0x9f: {  	s4 =	ssub.s32 $0x0, s20;
	[sflag:s22] =	ssyncset.done $0x0  }
0xa0: {  	[sflag:s22] =	ssyncadd.s32 s4;
	_ =	sdelay $0x1  }
0xa1: {  	s23 =	simm.s32 $0x1B8B  }
0xa2: {  	_ =	swait.ge [sflag:s23], $0x1  }
0xa3: {  	[sflag:s23] =	ssyncset.done $0x0  }
0xa4: {  	s25 =	simm.s32 $0x1B8E;
	s24 =	sld [smem:$0x3FFE];
	[sflag:s23] =	ssyncadd.s32 $0xFFFFFFFF  }
0xa5: {  	s26 =	simm.s32 $execute0_lowered;
	[smem:$0x3FD2] =	sst s25  }
0xa6: {  	s5 =	sshll.u32 s26, $0x1;
	_ =	strace $0x80000049;
	[dreg:$0x1] =	wrdreg $0xFFFFFFFF  }
0xa7: {  	s28 =	simm.s32 $_size_execute0_lowered;
	s3 =	sadd.s32 s3, s5;
	[dreg:$0x0] =	wrdreg $0x0  }
0xa8: {  	s5 =	sshll.u32 s28, $0x1;
	[dreg:$0x2] =	wrdreg s3  }
0xa9: {  	[dreg:$0x3] =	wrdreg s5  }
0xaa: {  	[dreg:$0x4] =	wrdreg $0xC0  }
0xab: {  	_ =	task [dreg:s7], $0x5FFFF  }
0xac: {  	[dreg:$0x1] =	wrdreg $0xFFFFFFFF  }
0xad: {  	[dreg:$0x0] =	wrdreg $0x60  }
0xae: {  	[dreg:$0x2] =	wrdreg s24  }
0xaf: {  	s2 =	sadd.s32 $0x800, s2;
	[dreg:$0x3] =	wrdreg $0x0  }
0xb0: {  	[dreg:$0x4] =	wrdreg s2  }
0xb1: {  	[dreg:$0x5] =	wrdreg $0x9  }
0xb2: {  	_ =	task.clear_ibuf [dreg:s7], $0x6FFFF;
	_ =	strace $0x90000049  }
0xb3: {  	s29 =	simm.s32 $0x9;
	_ =	strace $0x8000004B  }
0xb4: {  	_ =	swait.ge [sflag:s29], $0x1  }
0xb5: {  	[sflag:s29] =	ssyncadd.s32 $0xFFFFFFFF  }
0xb6: {  	_ =	strace $0x9000004B  }
0xb7: {  	_ =	sfence  }
0xb8: {  	s30 =	sld [smem:$0x0];
	_ =	sdelay $0x2  }
0xb9: {  	s31 =	sshll.u32 s1, $0xD;
	s1 =	sshrl.u32 s1, $0x2  }
0xba: {  	s3 =	sand.u32 $0x4000, s31;
	s1 =	sadd.s32 s1, s30  }
0xbb: {  	s0 =	sor.u32 s3, s0;
	s1 =	sshll.u32 s1, $0x11  }
0xbc: {  	s0 =	sor.u32 s1, s0  }
0xbd: {  	s0 =	sadd.s32 $0x8F2B, s0  }
0xbe: {  	[sflag:s0] =	ssyncadd.remote.s32 $0x1  }
0xbf: {  	_ =	sfence.sel $0xFFFF  }
0xc0: {  	[dreg:$0x0] =	wrdreg $0xFFFFFFFF;
	(pc) =	sbr.abs _section_cstart, $3  }
0xc1: {  	[dreg:$0x1] =	wrdreg $0xFFFFFFFF  }
0xc2: {  	_ =	task.clear_ibuf [dreg:s7], $0x2FFFF;
	_ =	strace $0x9FFFFFFF  }
0xc3: {  	(tm) =	ssettm $0x7FFFFFFF  }
tec
execute0_lowered:
.L_overlay_start_1:
0x0: {  	(tag) =	ssettag $0x1  }
0x1: {  	s0 =	rddreg [dreg:$0x0]  }
0x2: {  	s1 =	rddreg [dreg:$0x1]  }
0x3: {  	s23 =	rddreg [dreg:$0x2];
	s18 =	stileid.u32  }
0x4: {  	s2 =	srdreg.scid;
	s5 =	smul.u32 $0x1F400, s18  }
0x5: {  	s4 =	simm.s32 $0x0;
	s2 =	sand.u32 $0x1, s2;
	s8 =	smul.u32 $0x7D000, s18  }
0x6: {  	[smem:$0x7FF] =	sst s4;
	s11 =	sadd.s32 $0xCA00, s0;
	s12 =	smul.u32 $0x4E20, s18  }
0x7: {  	s14 =	sadd.s32 $0x2C00, s0;
	s13 =	sadd.s32 $0x64C00, s0;
	s3 =	smul.u32 $0x138800, s2  }
0x8: {  	s10 =	sshll.u32 s18, $0xB;
	p1 =	sgt.u32 s18, $0x9;
	s6 =	smul.u32 $0x2800, s2  }
0x9: {  	_ =	strace $0x8000004A;
	[dreg:$0x4] =	wrdreg s13;
	s20 =	smul.u32 $0x28000, s2  }
0xa: {  	s7 =	ssub.s32 $0x2, s2;
	s13 =	smul.u32 $0x2800, s18;
	p0 =	seq.s32 s2, $0x0  }
0xb: {  	p2 =	sgt.u32 @!p1 s18, $0x4;
	s9 =	sshrl.u32 s7, $0x1;
	s15 =	sshrl.u32 s8, $0x2  }
0xc: {  	s19 =	sshrl.u32 s12, $0x3;
	s3 =	sadd.s32 s5, s3;
	s6 =	sadd.s32 s10, s6  }
0xd: {  	s17 =	ssub.s32 s7, s9;
	s21 =	sadd.s32 s11, s19;
	s22 =	sadd.s32 s14, s19  }
0xe: {  	s24 =	sadd.s32 $0xA, s19;
	s13 =	sadd.s32 s13, s20;
	s12 =	sor.u32 s10, s20  }
0xf: {  	s3 =	sshrl.u32 s3, $0x3;
	s6 =	sshrl.u32 s6, $0x3;
	[dreg:$0x5] =	wrdreg s21  }
0x10: {  	[dreg:$0x6] =	wrdreg s22;
	s25 =	sadd.s32 s11, s24;
	s2 =	sadd.s32 s14, s24  }
0x11: {  	s26 =	sshrl.u32 s13, $0x3;
	s5 =	sshrl.u32 s12, $0x3;
	s13 =	simm.s32 $0x3DA00  }
0x12: {  	s3 =	sadd.s32 s3, s0;
	s16 =	sadd.s32 s6, s0;
	[dreg:$0x7] =	wrdreg s25  }
0x13: {  	s6 =	sadd.s32 s15, s1;
	[dreg:$0x8] =	wrdreg s2;
	s28 =	sadd.s32 $0x500, s5  }
0x14: {  	s19 =	sadd.s32 $0xA00, s5;
	s20 =	sadd.s32 $0xF00, s5;
	s15 =	smul.u32 $0x9C4, s18  }
0x15: {  	s21 =	sadd.s32 $0x1400, s5;
	[dreg:$0x9] =	wrdreg s5;
	s10 =	sadd.s32 $0x65200, s16  }
0x16: {  	s22 =	sadd.s32 $0x1900, s5;
	s16 =	sadd.s32 s28, s23;
	[dreg:$0xa] =	wrdreg s10  }
0x17: {  	s13 =	simm.s32 @!p0 $0x16800;
	s19 =	sadd.s32 s19, s23;
	[dreg:$0xb] =	wrdreg s16  }
0x18: {  	s8 =	sadd.s32 $0x1E00, s5;
	s24 =	sadd.s32 s20, s23;
	[dreg:$0xc] =	wrdreg s19  }
0x19: {  	s9 =	sadd.s32 $0x2300, s5;
	s25 =	sadd.s32 s21, s23;
	[dreg:$0xd] =	wrdreg s24  }
0x1a: {  	s18 =	sadd.s32 s26, s23;
	s26 =	sadd.s32 s22, s23;
	[dreg:$0xe] =	wrdreg s25  }
0x1b: {  	s13 =	sadd.s32 s13, s0;
	s0 =	sadd.s32 s8, s23;
	[dreg:$0xf] =	wrdreg s26  }
0x1c: {  	s12 =	sadd.s32 $0x65C00, s3;
	s3 =	sadd.s32 s9, s23;
	[dreg:$0x10] =	wrdreg s0  }
0x1d: {  	s7 =	sadd.s32 $0x2D00, s5;
	s22 =	sadd.s32 $0x1400, s6;
	[dreg:$0x11] =	wrdreg s3  }
0x1e: {  	s28 =	sadd.s32 $0x2800, s5;
	s2 =	sadd.s32 $0x8C00, s6;
	[dreg:$0x1a] =	wrdreg s22  }
0x1f: {  	s9 =	sadd.s32 $0x3700, s5;
	s0 =	sadd.s32 s28, s23;
	[smem:$0x7EC] =	sst s2  }
0x20: {  	s8 =	sadd.s32 $0x3200, s5;
	s10 =	sadd.s32 s9, s23;
	[dreg:$0x12] =	wrdreg s0  }
0x21: {  	s21 =	sadd.s32 $0x4B00, s5;
	s24 =	sadd.s32 $0x3C00, s6;
	[dreg:$0x15] =	wrdreg s10  }
0x22: {  	s14 =	sadd.s32 s15, s14;
	s25 =	sadd.s32 $0x5000, s6;
	[dreg:$0x1c] =	wrdreg s24  }
0x23: {  	s15 =	sadd.s32 s15, s11;
	s26 =	sadd.s32 $0x6400, s6;
	[dreg:$0x1d] =	wrdreg s25  }
0x24: {  	s11 =	sadd.s32 $0x3C00, s5;
	s28 =	sadd.s32 $0x7800, s6;
	[dreg:$0x1e] =	wrdreg s26  }
0x25: {  	s16 =	sadd.s32 $0x4100, s5;
	s3 =	sadd.s32 $0xA000, s6;
	[dreg:$0x1f] =	wrdreg s28  }
0x26: {  	s19 =	sadd.s32 $0x4600, s5;
	s5 =	sadd.s32 $0xB400, s6;
	[smem:$0x7ED] =	sst s3  }
0x27: {  	s9 =	sadd.s32 $0xF000, s6;
	[smem:$0x7EE] =	sst s5  }
0x28: {  	s22 =	sadd.s32 $0x17C00, s6;
	[smem:$0x7F1] =	sst s9  }
0x29: {  	s0 =	sadd.s32 s7, s23;
	[smem:$0x7F8] =	sst s22  }
0x2a: {  	s20 =	sadd.s32 s19, s23;
	[dreg:$0x13] =	wrdreg s0  }
0x2b: {  	s7 =	sadd.s32 $0xC800, s6;
	[dreg:$0x18] =	wrdreg s20  }
0x2c: {  	s10 =	sadd.s32 $0x10400, s6;
	[smem:$0x7EF] =	sst s7  }
0x2d: {  	s19 =	sadd.s32 $0x14000, s6;
	[smem:$0x7F2] =	sst s10  }
0x2e: {  	s29 =	simm.s32 $0x4;
	s24 =	sadd.s32 $0x1A400, s6;
	[smem:$0x7F5] =	sst s19  }
0x2f: {  	s30 =	simm.s32 $0x18A80;
	s25 =	sadd.s32 $0x1B800, s6;
	[smem:$0x7FA] =	sst s24  }
0x30: {  	s31 =	simm.s32 $0x3;
	s26 =	sadd.s32 $0x1CC00, s6;
	[smem:$0x7FB] =	sst s25  }
0x31: {  	p2 =	por p1, p2;
	s28 =	sadd.s32 $0x1E000, s6;
	[smem:$0x7FC] =	sst s26  }
0x32: {  	s17 =	smax.u32 s17, $0x1;
	s0 =	sadd.s32 s8, s23;
	[smem:$0x7FD] =	sst s28  }
0x33: {  	s2 =	simm.s32 $0x13980;
	s8 =	sadd.s32 $0xDC00, s6;
	[dreg:$0x14] =	wrdreg s0  }
0x34: {  	s22 =	simm.s32 $0x16280;
	s20 =	sadd.s32 $0x15400, s6;
	[smem:$0x7F0] =	sst s8  }
0x35: {  	s19 =	simm.s32 $0x13A80;
	s0 =	sadd.s32 s11, s23;
	[smem:$0x7F6] =	sst s20  }
0x36: {  	s24 =	simm.s32 $0x2;
	s11 =	sadd.s32 $0x11800, s6;
	[dreg:$0x16] =	wrdreg s0  }
0x37: {  	s25 =	simm.s32 $0x1F600;
	s0 =	sadd.s32 s16, s23;
	[smem:$0x7F3] =	sst s11  }
0x38: {  	s26 =	simm.s32 $0x0;
	s16 =	sadd.s32 $0x12C00, s6;
	[dreg:$0x17] =	wrdreg s0  }
.Ltmp0:
0x39: {  	s0 =	sadd.s32 s21, s23;
	[smem:$0x7F4] =	sst s16;
	(pc) =	sbr.rel .LBB2_1-.Ltmp0, $4  }
0x3a: {  	s20 =	simm.s32 $0x13900;
	s23 =	sadd.s32 $0x2800, s6;
	[dreg:$0x19] =	wrdreg s0  }
0x3b: {  	s21 =	sadd.s32 $0x16800, s6;
	s16 =	simm.s32 $0x50;
	[dreg:$0x1b] =	wrdreg s23  }
0x3c: {  	[smem:$0x7F7] =	sst s21;
	s23 =	sadd.s32 $0x19000, s6;
	s0 =	simm.s32 $0x13880  }
0x3d: {  	v0 =	vimm.f32 $0.0e+00;
	s21 =	simm.s32 $0x13A00;
	[smem:$0x7F9] =	sst s23;
	s23 =	simm.s32 $0x1  }
.LBB2_41:
0x3e: {  	v2 =	vld [tilespmem:s3+$0x1EE00];
	_ =	sdelay $0x4  }
0x3f: {  	v1 =	vadd.f32 v1, v2;
	_ =	sdelay $0x1  }
0x40: {  	s28 =	rddreg [dreg:$0xa];
	s5 =	simm.s32 $0x1EE00;
	[tilespmem:s3+$0x1EE00] =	vst v1  }
0x41: {  	[hbm4b:s28+s4] =	stream.linear.scatter [tilespmem:s5], [sflag:$0x4], $0x800, $0x38;
	[tilespmem:$0x1FE00] =	vst v63  }
0x42: {  	_ =	swait.ge [sflag:s29], $0x800  }
0x43: {  	[sflag:s29] =	ssyncset.done $0x0  }
0x44: {  	[sflag:s29] =	ssyncadd.s32 $0xFFFFF800  }
.LBB2_42:
0x45: {  	s26 =	sadd.s32 $0x1, s26  }
0x46: {  	p3 =	sne.s32 s26, s17  }
.Ltmp1:
0x47: {  	_ = 	snop;
	(pc) =	sbr.rel @!p3 .LBB2_43-.Ltmp1, $1  }
0x48: {  	_ =	sdelay $0x3  }
.LBB2_1:
0x49: {  	s3 =	simm.s32 $0x70;
	s11 =	simm.s32 $0x3C0  }
.LBB2_2:
0x4a: {  	p3 =	sne.s32 s11, $0x4FC0;
	[tilespmem:s3+$0x18A80] =	vst v0  }
0x4b: {  	[tilespmem:s3+$0x18A10] =	vst v0  }
0x4c: {  	[tilespmem:s3+$0x18A20] =	vst v0  }
.Ltmp2:
0x4d: {  	[tilespmem:s3+$0x18A30] =	vst v0;
	(pc) =	sbr.rel @p3 .LBB2_2-.Ltmp2, $4  }
0x4e: {  	[tilespmem:s3+$0x18A40] =	vst v0  }
0x4f: {  	[tilespmem:s3+$0x18A50] =	vst v0  }
0x50: {  	[tilespmem:s3+$0x18A60] =	vst v0  }
0x51: {  	[tilespmem:s3+$0x18A70] =	vst v0;
	s3 =	sshra.s32 s11, $0x2;
	s11 =	sadd.s32 $0x200, s11  }
0x52: {  	[tilespmem:s3+$0x18A80] =	vst v0  }
0x53: {  	[tilespmem:s3+$0x18A10] =	vst v0  }
0x54: {  	[tilespmem:s3+$0x18A20] =	vst v0  }
0x55: {  	[tilespmem:s3+$0x18A30] =	vst v0  }
0x56: {  	[tilespmem:s3+$0x18A40] =	vst v0  }
0x57: {  	[tilespmem:s3+$0x18A50] =	vst v0  }
0x58: {  	[tilespmem:s3+$0x18A60] =	vst v0  }
0x59: {  	[tilespmem:s3+$0x18A70] =	vst v0;
	s3 =	simm.s32 $0x40;
	s11 =	simm.s32 $0x0  }
.LBB2_4:
0x5a: {  	p3 =	sne.s32 s3, $0x9FC0;
	[tilespmem:s11+$0x19E80] =	vst v0;
	s11 =	smov.u32 s3;
	s3 =	sadd.s32 $0x40, s3  }
.Ltmp3:
0x5b: {  	(pc) =	sbr.rel @p3 .LBB2_4-.Ltmp3, $2  }
0x5c: {  	_ =	sdelay $0x2  }
0x5d: {  	s11 =	sshra.s32 s11, $0x2  }
.Ltmp4:
0x5e: {  	[tilespmem:s11+$0x19E80] =	vst v0;
	s3 =	rddreg [dreg:$0x4];
	s5 =	simm.s32 $0x1C680;
	(pc) =	sbr.rel @p1 .LBB2_7-.Ltmp4, $4  }
0x5f: {  	[tilespmem:s5], [sflag:$0x4] =	stream.linear.gather [hbm4b:s3+s4], $0x2780, $0x38;
	[tilespmem:$0x1FE00] =	vst v63  }
0x60: {  	_ =	swait.ge [sflag:s29], $0x2780  }
0x61: {  	[sflag:s29] =	ssyncset.done $0x0  }
0x62: {  	[sflag:s29] =	ssyncadd.s32 $0xFFFFD880  }
0x63: {  	[spmem:s6] =	stream.linear.scatter [tilespmem:s30], [sflag:$0x3], $0x1400, $0x38;
	[tilespmem:$0x1FE00] =	vst v63  }
0x64: {  	s3 =	rddreg [dreg:$0x1a]  }
0x65: {  	s11 =	rddreg [dreg:$0x1b]  }
0x66: {  	[spmem:s3] =	stream.linear.scatter [tilespmem:s30], [sflag:$0x3], $0x1400, $0x38;
	[tilespmem:$0x1FE00] =	vst v63  }
0x67: {  	s28 =	rddreg [dreg:$0x1c]  }
0x68: {  	[spmem:s11] =	stream.linear.scatter [tilespmem:s30], [sflag:$0x3], $0x1400, $0x38;
	[tilespmem:$0x1FE00] =	vst v63  }
0x69: {  	s5 =	rddreg [dreg:$0x1d]  }
0x6a: {  	[spmem:s28] =	stream.linear.scatter [tilespmem:s30], [sflag:$0x3], $0x1400, $0x38;
	[tilespmem:$0x1FE00] =	vst v63  }
0x6b: {  	s7 =	rddreg [dreg:$0x1e]  }
0x6c: {  	[spmem:s5] =	stream.linear.scatter [tilespmem:s30], [sflag:$0x3], $0x1400, $0x38;
	[tilespmem:$0x1FE00] =	vst v63  }
0x6d: {  	s8 =	rddreg [dreg:$0x1f]  }
0x6e: {  	[spmem:s7] =	stream.linear.scatter [tilespmem:s30], [sflag:$0x3], $0x1400, $0x38;
	[tilespmem:$0x1FE00] =	vst v63  }
0x6f: {  	s9 =	sld [smem:$0x7EC]  }
0x70: {  	[spmem:s8] =	stream.linear.scatter [tilespmem:s30], [sflag:$0x3], $0x1400, $0x38;
	[tilespmem:$0x1FE00] =	vst v63  }
0x71: {  	s10 =	sld [smem:$0x7ED]  }
0x72: {  	[spmem:s9] =	stream.linear.scatter [tilespmem:s30], [sflag:$0x3], $0x1400, $0x38;
	[tilespmem:$0x1FE00] =	vst v63  }
0x73: {  	s11 =	sld [smem:$0x7EE]  }
0x74: {  	[spmem:s10] =	stream.linear.scatter [tilespmem:s30], [sflag:$0x3], $0x1400, $0x38;
	[tilespmem:$0x1FE00] =	vst v63  }
0x75: {  	s28 =	sld [smem:$0x7EF]  }
0x76: {  	[spmem:s11] =	stream.linear.scatter [tilespmem:s30], [sflag:$0x3], $0x1400, $0x38;
	[tilespmem:$0x1FE00] =	vst v63  }
0x77: {  	s5 =	sld [smem:$0x7F0]  }
0x78: {  	[spmem:s28] =	stream.linear.scatter [tilespmem:s30], [sflag:$0x3], $0x1400, $0x38;
	[tilespmem:$0x1FE00] =	vst v63  }
0x79: {  	s7 =	sld [smem:$0x7F1]  }
0x7a: {  	[spmem:s5] =	stream.linear.scatter [tilespmem:s30], [sflag:$0x3], $0x1400, $0x38;
	[tilespmem:$0x1FE00] =	vst v63  }
0x7b: {  	s8 =	sld [smem:$0x7F2]  }
0x7c: {  	[spmem:s7] =	stream.linear.scatter [tilespmem:s30], [sflag:$0x3], $0x1400, $0x38;
	[tilespmem:$0x1FE00] =	vst v63  }
0x7d: {  	s9 =	sld [smem:$0x7F3]  }
0x7e: {  	[spmem:s8] =	stream.linear.scatter [tilespmem:s30], [sflag:$0x3], $0x1400, $0x38;
	[tilespmem:$0x1FE00] =	vst v63  }
0x7f: {  	s10 =	sld [smem:$0x7F4]  }
0x80: {  	[spmem:s9] =	stream.linear.scatter [tilespmem:s30], [sflag:$0x3], $0x1400, $0x38;
	[tilespmem:$0x1FE00] =	vst v63  }
0x81: {  	s11 =	sld [smem:$0x7F5]  }
0x82: {  	[spmem:s10] =	stream.linear.scatter [tilespmem:s30], [sflag:$0x3], $0x1400, $0x38;
	[tilespmem:$0x1FE00] =	vst v63  }
0x83: {  	s28 =	sld [smem:$0x7F6]  }
0x84: {  	[spmem:s11] =	stream.linear.scatter [tilespmem:s30], [sflag:$0x3], $0x1400, $0x38;
	[tilespmem:$0x1FE00] =	vst v63  }
0x85: {  	s5 =	sld [smem:$0x7F7]  }
0x86: {  	[spmem:s28] =	stream.linear.scatter [tilespmem:s30], [sflag:$0x3], $0x1400, $0x38;
	[tilespmem:$0x1FE00] =	vst v63  }
0x87: {  	s7 =	sld [smem:$0x7F8]  }
0x88: {  	[spmem:s5] =	stream.linear.scatter [tilespmem:s30], [sflag:$0x3], $0x1400, $0x38;
	[tilespmem:$0x1FE00] =	vst v63  }
0x89: {  	s8 =	sld [smem:$0x7F9]  }
0x8a: {  	[spmem:s7] =	stream.linear.scatter [tilespmem:s30], [sflag:$0x3], $0x1400, $0x38;
	[tilespmem:$0x1FE00] =	vst v63  }
0x8b: {  	s9 =	sld [smem:$0x7FA]  }
0x8c: {  	[spmem:s8] =	stream.linear.scatter [tilespmem:s30], [sflag:$0x3], $0x1400, $0x38;
	[tilespmem:$0x1FE00] =	vst v63  }
0x8d: {  	s10 =	sld [smem:$0x7FB]  }
0x8e: {  	[spmem:s9] =	stream.linear.scatter [tilespmem:s30], [sflag:$0x3], $0x1400, $0x38;
	[tilespmem:$0x1FE00] =	vst v63  }
0x8f: {  	s11 =	sld [smem:$0x7FC]  }
0x90: {  	[spmem:s10] =	stream.linear.scatter [tilespmem:s30], [sflag:$0x3], $0x1400, $0x38;
	[tilespmem:$0x1FE00] =	vst v63  }
0x91: {  	s28 =	sld [smem:$0x7FD]  }
0x92: {  	[spmem:s11] =	stream.linear.scatter [tilespmem:s30], [sflag:$0x3], $0x1400, $0x38;
	[tilespmem:$0x1FE00] =	vst v63  }
0x93: {  	_ = 	snop  }
0x94: {  	[spmem:s28] =	stream.linear.scatter [tilespmem:s30], [sflag:$0x3], $0x1400, $0x38;
	[tilespmem:$0x1FE00] =	vst v63  }
0x95: {  	_ =	swait.ge [sflag:s31], $0x1400  }
0x96: {  	[sflag:s31] =	ssyncset.done $0x0  }
0x97: {  	[sflag:s31] =	ssyncadd.s32 $0xFFFFEC00  }
0x98: {  	_ =	swait.ge [sflag:s31], $0x1400  }
0x99: {  	[sflag:s31] =	ssyncset.done $0x0  }
0x9a: {  	[sflag:s31] =	ssyncadd.s32 $0xFFFFEC00  }
0x9b: {  	_ =	swait.ge [sflag:s31], $0x1400  }
0x9c: {  	[sflag:s31] =	ssyncset.done $0x0  }
0x9d: {  	[sflag:s31] =	ssyncadd.s32 $0xFFFFEC00  }
0x9e: {  	_ =	swait.ge [sflag:s31], $0x1400  }
0x9f: {  	[sflag:s31] =	ssyncset.done $0x0  }
0xa0: {  	[sflag:s31] =	ssyncadd.s32 $0xFFFFEC00  }
0xa1: {  	_ =	swait.ge [sflag:s31], $0x1400  }
0xa2: {  	[sflag:s31] =	ssyncset.done $0x0  }
0xa3: {  	[sflag:s31] =	ssyncadd.s32 $0xFFFFEC00  }
0xa4: {  	_ =	swait.ge [sflag:s31], $0x1400  }
0xa5: {  	[sflag:s31] =	ssyncset.done $0x0  }
0xa6: {  	[sflag:s31] =	ssyncadd.s32 $0xFFFFEC00  }
0xa7: {  	_ =	swait.ge [sflag:s31], $0x1400  }
0xa8: {  	[sflag:s31] =	ssyncset.done $0x0  }
0xa9: {  	[sflag:s31] =	ssyncadd.s32 $0xFFFFEC00  }
0xaa: {  	_ =	swait.ge [sflag:s31], $0x1400  }
0xab: {  	[sflag:s31] =	ssyncset.done $0x0  }
0xac: {  	[sflag:s31] =	ssyncadd.s32 $0xFFFFEC00  }
0xad: {  	_ =	swait.ge [sflag:s31], $0x1400  }
0xae: {  	[sflag:s31] =	ssyncset.done $0x0  }
0xaf: {  	[sflag:s31] =	ssyncadd.s32 $0xFFFFEC00  }
0xb0: {  	_ =	swait.ge [sflag:s31], $0x1400  }
0xb1: {  	[sflag:s31] =	ssyncset.done $0x0  }
0xb2: {  	[sflag:s31] =	ssyncadd.s32 $0xFFFFEC00  }
0xb3: {  	_ =	swait.ge [sflag:s31], $0x1400  }
0xb4: {  	[sflag:s31] =	ssyncset.done $0x0  }
0xb5: {  	[sflag:s31] =	ssyncadd.s32 $0xFFFFEC00  }
0xb6: {  	_ =	swait.ge [sflag:s31], $0x1400  }
0xb7: {  	[sflag:s31] =	ssyncset.done $0x0  }
0xb8: {  	[sflag:s31] =	ssyncadd.s32 $0xFFFFEC00  }
0xb9: {  	_ =	swait.ge [sflag:s31], $0x1400  }
0xba: {  	[sflag:s31] =	ssyncset.done $0x0  }
0xbb: {  	[sflag:s31] =	ssyncadd.s32 $0xFFFFEC00  }
0xbc: {  	_ =	swait.ge [sflag:s31], $0x1400  }
0xbd: {  	[sflag:s31] =	ssyncset.done $0x0  }
0xbe: {  	[sflag:s31] =	ssyncadd.s32 $0xFFFFEC00  }
0xbf: {  	_ =	swait.ge [sflag:s31], $0x1400  }
0xc0: {  	[sflag:s31] =	ssyncset.done $0x0  }
0xc1: {  	[sflag:s31] =	ssyncadd.s32 $0xFFFFEC00  }
0xc2: {  	_ =	swait.ge [sflag:s31], $0x1400  }
0xc3: {  	[sflag:s31] =	ssyncset.done $0x0  }
0xc4: {  	[sflag:s31] =	ssyncadd.s32 $0xFFFFEC00  }
0xc5: {  	_ =	swait.ge [sflag:s31], $0x1400  }
0xc6: {  	[sflag:s31] =	ssyncset.done $0x0  }
0xc7: {  	[sflag:s31] =	ssyncadd.s32 $0xFFFFEC00  }
0xc8: {  	_ =	swait.ge [sflag:s31], $0x1400  }
0xc9: {  	[sflag:s31] =	ssyncset.done $0x0  }
0xca: {  	[sflag:s31] =	ssyncadd.s32 $0xFFFFEC00  }
0xcb: {  	_ =	swait.ge [sflag:s31], $0x1400  }
0xcc: {  	[sflag:s31] =	ssyncset.done $0x0  }
0xcd: {  	[sflag:s31] =	ssyncadd.s32 $0xFFFFEC00  }
0xce: {  	_ =	swait.ge [sflag:s31], $0x1400  }
0xcf: {  	[sflag:s31] =	ssyncset.done $0x0  }
0xd0: {  	[sflag:s31] =	ssyncadd.s32 $0xFFFFEC00  }
0xd1: {  	_ =	swait.ge [sflag:s31], $0x1400  }
0xd2: {  	[sflag:s31] =	ssyncset.done $0x0  }
0xd3: {  	[sflag:s31] =	ssyncadd.s32 $0xFFFFEC00  }
0xd4: {  	_ =	swait.ge [sflag:s31], $0x1400  }
0xd5: {  	[sflag:s31] =	ssyncset.done $0x0  }
0xd6: {  	[sflag:s31] =	ssyncadd.s32 $0xFFFFEC00  }
0xd7: {  	_ =	swait.ge [sflag:s31], $0x1400  }
0xd8: {  	[sflag:s31] =	ssyncset.done $0x0  }
0xd9: {  	[sflag:s31] =	ssyncadd.s32 $0xFFFFEC00  }
0xda: {  	_ =	swait.ge [sflag:s31], $0x1400  }
0xdb: {  	[sflag:s31] =	ssyncset.done $0x0  }
0xdc: {  	[sflag:s31] =	ssyncadd.s32 $0xFFFFEC00  }
0xdd: {  	_ =	swait.ge [sflag:s31], $0x1400  }
0xde: {  	[sflag:s31] =	ssyncset.done $0x0  }
0xdf: {  	[sflag:s31] =	ssyncadd.s32 $0xFFFFEC00  }
.LBB2_7:
0xe0: {  	[bflag:$0x0] =	sbarrier.arrive $0xFFFF  }
0xe1: {  	s3 =	rddreg [dreg:$0x5]  }
0xe2: {  	[tilespmem:s0], [sflag:$0x4] =	stream.linear.gather [hbm4b:s3+s4], $0x50, $0x38;
	[tilespmem:$0x1FE00] =	vst v63  }
0xe3: {  	_ =	swait.ge [sflag:s29], $0x50  }
0xe4: {  	[sflag:s29] =	ssyncset.done $0x0  }
0xe5: {  	s9 =	rddreg [dreg:$0x6];
	[sflag:s29] =	ssyncadd.s32 $0xFFFFFFB0  }
0xe6: {  	[tilespmem:s2], [sflag:$0x4] =	stream.linear.gather [hbm4b:s9+s4], $0x50, $0x38;
	[tilespmem:$0x1FE00] =	vst v63  }
0xe7: {  	_ =	swait.ge [sflag:s29], $0x50  }
0xe8: {  	[sflag:s29] =	ssyncset.done $0x0  }
0xe9: {  	[sflag:s29] =	ssyncadd.s32 $0xFFFFFFB0  }
0xea: {  	[tilespmem:s19], [sflag:$0x1] =	stream.indirect.gather [hbm4b:s13+s16], $0x80, s0, s16, $0xb8;
	[tilespmem:$0x1FE00] =	vst v63  }
0xeb: {  	s10 =	rddreg [dreg:$0x7]  }
0xec: {  	[tilespmem:s20], [sflag:$0x4] =	stream.linear.gather [hbm4b:s10+s4], $0x50, $0x38;
	[tilespmem:$0x1FE00] =	vst v63  }
0xed: {  	_ =	swait.ge [sflag:s29], $0x50  }
0xee: {  	[sflag:s29] =	ssyncset.done $0x0  }
0xef: {  	s11 =	rddreg [dreg:$0x8];
	[sflag:s29] =	ssyncadd.s32 $0xFFFFFFB0  }
0xf0: {  	[tilespmem:s21], [sflag:$0x4] =	stream.linear.gather [hbm4b:s11+s4], $0x50, $0x38;
	[tilespmem:$0x1FE00] =	vst v63  }
0xf1: {  	_ =	swait.ge [sflag:s29], $0x50  }
0xf2: {  	[sflag:s29] =	ssyncset.done $0x0  }
0xf3: {  	s28 =	simm.s32 $0xFFFFF650;
	[sflag:s29] =	ssyncadd.s32 $0xFFFFFFB0  }
0xf4: {  	[tilespmem:s22], [sflag:$0x2] =	stream.indirect.gather [hbm4b:s13+s16], $0x80, s20, s16, $0xb8;
	[tilespmem:$0x1FE00] =	vst v63  }
.LBB2_8:
0xf5: {  	_ =	swait.ge [sflag:s23], $0x2800  }
0xf6: {  	[sflag:s23] =	ssyncset.done $0x0  }
0xf7: {  	[sflag:s23] =	ssyncadd.s32 $0xFFFFD800  }
0xf8: {  	[spmem:s1] =	stream.indirect.scatter.add.f32 [tilespmem:s19], [sflag:$0x4], $0x80, s2, s16, $0xb8;
	[tilespmem:$0x1FE00] =	vst v63  }
0xf9: {  	_ =	swait.ge [sflag:s29], $0x2800  }
0xfa: {  	[sflag:s29] =	ssyncset.done $0x0  }
0xfb: {  	[sflag:s29] =	ssyncadd.s32 $0xFFFFD800  }
0xfc: {  	v1 =	vld @!p0 [tilespmem:$0x13980];
	_ =	sdelay $0x4  }
0xfd: {  	v2 =	vld @!p0 [tilespmem:$0x13880];
	_ =	sdelay $0x1  }
0xfe: {  	s3 =	simm.s32 @!p0 $0x1C680  }
0xff: {  	v1 =	vld.idx.msk @!p0 [tilespmem:v1+s3+$0x0], $0xffff;
	_ =	sdelay $0x3  }
0x100: {  	s11 =	simm.s32 @!p0 $0x19E80  }
0x101: {  	[tilespmem:v2+s11+$0x0] =	vst.idx.add.f32.msk @!p0 $0xffff, v1  }
0x102: {  	v1 =	vld @!p0 [tilespmem:$0x13990];
	_ =	sdelay $0x4  }
0x103: {  	v2 =	vld @!p0 [tilespmem:$0x13890];
	_ =	sdelay $0x2  }
0x104: {  	v1 =	vld.idx.msk @!p0 [tilespmem:v1+s3+$0x0], $0xffff;
	_ =	sdelay $0x4  }
0x105: {  	[tilespmem:v2+s11+$0x0] =	vst.idx.add.f32.msk @!p0 $0xffff, v1  }
0x106: {  	v1 =	vld @!p0 [tilespmem:$0x139A0];
	_ =	sdelay $0x4  }
0x107: {  	v2 =	vld @!p0 [tilespmem:$0x138A0];
	_ =	sdelay $0x2  }
0x108: {  	v1 =	vld.idx.msk @!p0 [tilespmem:v1+s3+$0x0], $0xffff;
	_ =	sdelay $0x4  }
0x109: {  	[tilespmem:v2+s11+$0x0] =	vst.idx.add.f32.msk @!p0 $0xffff, v1  }
0x10a: {  	v1 =	vld @!p0 [tilespmem:$0x139B0];
	_ =	sdelay $0x4  }
0x10b: {  	v2 =	vld @!p0 [tilespmem:$0x138B0];
	_ =	sdelay $0x2  }
0x10c: {  	v1 =	vld.idx.msk @!p0 [tilespmem:v1+s3+$0x0], $0xffff;
	_ =	sdelay $0x4  }
0x10d: {  	[tilespmem:v2+s11+$0x0] =	vst.idx.add.f32.msk @!p0 $0xffff, v1  }
0x10e: {  	v1 =	vld @!p0 [tilespmem:$0x139C0];
	_ =	sdelay $0x4  }
0x10f: {  	v2 =	vld @!p0 [tilespmem:$0x138C0];
	_ =	sdelay $0x2  }
0x110: {  	v1 =	vld.idx.msk @!p0 [tilespmem:v1+s3+$0x0], $0xffff;
	_ =	sdelay $0x2  }
0x111: {  	p3 =	seq.s32 s28, $0x0  }
0x112: {  	s5 =	sadd.s32 @!p3 s28, s15  }
0x113: {  	s7 =	simm.s32 @!p3 $0x0;
	s8 =	simm.s32 @!p3 $0x13880;
	s5 =	sadd.s32 @!p3 $0x9C4, s5;
	[tilespmem:v2+s11+$0x0] =	vst.idx.add.f32.msk @!p0 $0xffff, v1  }
0x114: {  	[tilespmem:s8], [sflag:$0x4] =	stream.linear.gather @!p3 [hbm4b:s5+s7], $0x50, $0x38;
	[tilespmem:$0x1FE00] =	vst v63  }
0x115: {  	s5 =	simm.s32 @!p3 $0x4  }
0x116: {  	_ =	swait.ge @!p3 [sflag:s5], $0x50  }
0x117: {  	s9 =	sadd.s32 @!p3 s28, s14;
	[sflag:s5] =	ssyncset.done @!p3 $0x0  }
0x118: {  	s10 =	simm.s32 @!p3 $0x13980;
	s9 =	sadd.s32 @!p3 $0x9C4, s9;
	[sflag:s5] =	ssyncadd.s32 @!p3 $0xFFFFFFB0  }
0x119: {  	[tilespmem:s10], [sflag:$0x4] =	stream.linear.gather @!p3 [hbm4b:s9+s7], $0x50, $0x38;
	[tilespmem:$0x1FE00] =	vst v63  }
0x11a: {  	_ =	swait.ge @!p3 [sflag:s5], $0x50  }
0x11b: {  	[sflag:s5] =	ssyncset.done @!p3 $0x0  }
0x11c: {  	s7 =	simm.s32 @!p3 $0x13A80;
	[sflag:s5] =	ssyncadd.s32 @!p3 $0xFFFFFFB0;
	s5 =	simm.s32 @!p3 $0x50  }
0x11d: {  	[tilespmem:s7], [sflag:$0x1] =	stream.indirect.gather @!p3 [hbm4b:s13+s5], $0x80, s8, s5, $0xb8;
	[tilespmem:$0x1FE00] =	vst v63  }
0x11e: {  	_ =	swait.ge [sflag:s24], $0x2800  }
0x11f: {  	[sflag:s24] =	ssyncset.done $0x0  }
0x120: {  	[sflag:s24] =	ssyncadd.s32 $0xFFFFD800  }
0x121: {  	[spmem:s1] =	stream.indirect.scatter.add.f32 [tilespmem:s22], [sflag:$0x4], $0x80, s21, s16, $0xb8;
	[tilespmem:$0x1FE00] =	vst v63  }
0x122: {  	_ =	swait.ge [sflag:s29], $0x2800  }
0x123: {  	[sflag:s29] =	ssyncset.done $0x0  }
0x124: {  	[sflag:s29] =	ssyncadd.s32 $0xFFFFD800  }
0x125: {  	v1 =	vld @!p0 [tilespmem:$0x13A00];
	_ =	sdelay $0x4  }
0x126: {  	v2 =	vld @!p0 [tilespmem:$0x13900];
	_ =	sdelay $0x2  }
0x127: {  	v1 =	vld.idx.msk @!p0 [tilespmem:v1+s3+$0x0], $0xffff;
	_ =	sdelay $0x4  }
0x128: {  	[tilespmem:v2+s11+$0x0] =	vst.idx.add.f32.msk @!p0 $0xffff, v1  }
0x129: {  	v1 =	vld @!p0 [tilespmem:$0x13A10];
	_ =	sdelay $0x4  }
0x12a: {  	v2 =	vld @!p0 [tilespmem:$0x13910];
	_ =	sdelay $0x2  }
0x12b: {  	v1 =	vld.idx.msk @!p0 [tilespmem:v1+s3+$0x0], $0xffff;
	_ =	sdelay $0x4  }
0x12c: {  	[tilespmem:v2+s11+$0x0] =	vst.idx.add.f32.msk @!p0 $0xffff, v1  }
0x12d: {  	v1 =	vld @!p0 [tilespmem:$0x13A20];
	_ =	sdelay $0x4  }
0x12e: {  	v2 =	vld @!p0 [tilespmem:$0x13920];
	_ =	sdelay $0x2  }
0x12f: {  	v1 =	vld.idx.msk @!p0 [tilespmem:v1+s3+$0x0], $0xffff;
	_ =	sdelay $0x4  }
0x130: {  	[tilespmem:v2+s11+$0x0] =	vst.idx.add.f32.msk @!p0 $0xffff, v1  }
0x131: {  	v1 =	vld @!p0 [tilespmem:$0x13A30];
	_ =	sdelay $0x4  }
0x132: {  	v2 =	vld @!p0 [tilespmem:$0x13930];
	_ =	sdelay $0x2  }
0x133: {  	v1 =	vld.idx.msk @!p0 [tilespmem:v1+s3+$0x0], $0xffff;
	_ =	sdelay $0x4  }
0x134: {  	[tilespmem:v2+s11+$0x0] =	vst.idx.add.f32.msk @!p0 $0xffff, v1  }
0x135: {  	v1 =	vld @!p0 [tilespmem:$0x13A40];
	_ =	sdelay $0x4  }
0x136: {  	v2 =	vld @!p0 [tilespmem:$0x13940];
	_ =	sdelay $0x2  }
0x137: {  	v1 =	vld.idx.msk @!p0 [tilespmem:v1+s3+$0x0], $0xffff  }
.Ltmp5:
0x138: {  	_ = 	snop;
	(pc) =	sbr.rel @p3 .LBB2_10-.Ltmp5, $2  }
0x139: {  	_ =	sdelay $0x2  }
0x13a: {  	[tilespmem:v2+s11+$0x0] =	vst.idx.add.f32.msk @!p0 $0xffff, v1  }
0x13b: {  	s3 =	sadd.s32 s28, s15  }
0x13c: {  	s3 =	sadd.s32 $0x9CE, s3  }
0x13d: {  	[tilespmem:s20], [sflag:$0x4] =	stream.linear.gather [hbm4b:s3+s4], $0x50, $0x38;
	[tilespmem:$0x1FE00] =	vst v63  }
0x13e: {  	_ =	swait.ge [sflag:s29], $0x50  }
0x13f: {  	s11 =	sadd.s32 s28, s14;
	[sflag:s29] =	ssyncset.done $0x0  }
0x140: {  	s3 =	sadd.s32 $0x9CE, s11;
	[sflag:s29] =	ssyncadd.s32 $0xFFFFFFB0  }
0x141: {  	[tilespmem:s21], [sflag:$0x4] =	stream.linear.gather [hbm4b:s3+s4], $0x50, $0x38;
	[tilespmem:$0x1FE00] =	vst v63  }
.Ltmp6:
0x142: {  	_ = 	snop;
	(pc) =	sbr.rel .LBB2_8-.Ltmp6, $4  }
0x143: {  	_ =	swait.ge [sflag:s29], $0x50  }
0x144: {  	[sflag:s29] =	ssyncset.done $0x0  }
0x145: {  	s28 =	sadd.s32 $0x14, s28;
	[sflag:s29] =	ssyncadd.s32 $0xFFFFFFB0  }
0x146: {  	[tilespmem:s22], [sflag:$0x2] =	stream.indirect.gather [hbm4b:s13+s16], $0x80, s20, s16, $0xb8;
	[tilespmem:$0x1FE00] =	vst v63  }
.LBB2_10:
0x147: {  	s3 =	simm.s32 $0x19E80  }
0x148: {  	[hbm4b:s18+s4] =	stream.linear.scatter [tilespmem:s3], [sflag:$0x4], $0x2800, $0x38;
	[tilespmem:$0x1FE00] =	vst v63  }
0x149: {  	_ =	swait.ge [sflag:s29], $0x2800  }
0x14a: {  	s3 =	stileid.u32;
	[sflag:s29] =	ssyncset.done $0x0  }
0x14b: {  	s3 =	sshll.u32 @!p1 s3, $0x6;
	[sflag:s29] =	ssyncadd.s32 $0xFFFFD800  }
0x14c: {  	s5 =	sshrl.u32 @!p1 s6, $0x3;
	s3 =	sor.u32 @!p1 $0x1C04, s3;
	[bflag:$0x0] =	sbarrier.arrive $0xFFFF  }
0x14d: {  	[hbm:s12], [sflag:s3] =	dma.local @!p1 [spmem:s5], $0x3E80  }
.Ltmp7:
0x14e: {  	_ = 	snop;
	(pc) =	sbr.rel @p2 .LBB2_42-.Ltmp7, $4  }
0x14f: {  	s3 =	simm.s32 @!p1 $0x4  }
0x150: {  	_ =	swait.ge @!p1 [sflag:s3], $0x3E80  }
0x151: {  	[sflag:s3] =	ssyncset.done @!p1 $0x0  }
0x152: {  	[sflag:s3] =	ssyncadd.s32 @!p1 $0xFFFFC180  }
0x153: {  	s3 =	rddreg [dreg:$0x2]  }
0x154: {  	s5 =	rddreg [dreg:$0x9]  }
0x155: {  	s11 =	simm.s32 $0x0;
	s7 =	simm.s32 $0x1EE00;
	s3 =	sadd.s32 s5, s3  }
0x156: {  	[tilespmem:s7], [sflag:$0x4] =	stream.linear.gather [hbm4b:s3+s11], $0x800, $0x38;
	[tilespmem:$0x1FE00] =	vst v63  }
0x157: {  	_ =	swait.ge [sflag:s29], $0x800  }
0x158: {  	[sflag:s29] =	ssyncset.done $0x0  }
0x159: {  	s28 =	rddreg [dreg:$0xb];
	[sflag:s29] =	ssyncadd.s32 $0xFFFFF800  }
0x15a: {  	[tilespmem:s25], [sflag:$0x4] =	stream.linear.gather [hbm4b:s28+s11], $0x800, $0x38;
	[tilespmem:$0x1FE00] =	vst v63  }
0x15b: {  	_ =	swait.ge [sflag:s29], $0x800  }
0x15c: {  	[sflag:s29] =	ssyncset.done $0x0  }
0x15d: {  	s3 =	simm.s32 $0x0;
	[sflag:s29] =	ssyncadd.s32 $0xFFFFF800  }
0x15e: {  	s11 =	simm.s32 $0x40;
	v1 =	vld [tilespmem:s3+$0x1F600]  }
.LBB2_12:
0x15f: {  	p3 =	sne.s32 s11, $0x1FC0;
	v2 =	vld [tilespmem:s3+$0x1EE00];
	_ =	sdelay $0x2  }
.Ltmp8:
0x160: {  	(pc) =	sbr.rel @p3 .LBB2_12-.Ltmp8, $4  }
0x161: {  	_ = 	snop  }
0x162: {  	v2 =	vadd.f32 v1, v2  }
0x163: {  	s5 =	sshra.s32 s11, $0x2  }
0x164: {  	s11 =	sadd.s32 $0x40, s11;
	v1 =	vld [tilespmem:s5+$0x1F600];
	[tilespmem:s3+$0x1EE00] =	vst v2;
	s3 =	smov.u32 s5  }
0x165: {  	v2 =	vld [tilespmem:s3+$0x1EE00];
	_ =	sdelay $0x4  }
0x166: {  	v1 =	vadd.f32 v1, v2;
	_ =	sdelay $0x1  }
0x167: {  	s28 =	simm.s32 $0x0;
	s5 =	rddreg [dreg:$0xc];
	[tilespmem:s3+$0x1EE00] =	vst v1  }
0x168: {  	[tilespmem:s25], [sflag:$0x4] =	stream.linear.gather [hbm4b:s5+s28], $0x800, $0x38;
	[tilespmem:$0x1FE00] =	vst v63  }
0x169: {  	_ =	swait.ge [sflag:s29], $0x800  }
0x16a: {  	[sflag:s29] =	ssyncset.done $0x0  }
0x16b: {  	s3 =	simm.s32 $0x0;
	[sflag:s29] =	ssyncadd.s32 $0xFFFFF800  }
0x16c: {  	s11 =	simm.s32 $0x40;
	v1 =	vld [tilespmem:s3+$0x1F600]  }
.LBB2_14:
0x16d: {  	p3 =	sne.s32 s11, $0x1FC0;
	v2 =	vld [tilespmem:s3+$0x1EE00];
	_ =	sdelay $0x2  }
.Ltmp9:
0x16e: {  	(pc) =	sbr.rel @p3 .LBB2_14-.Ltmp9, $4  }
0x16f: {  	_ = 	snop  }
0x170: {  	v2 =	vadd.f32 v1, v2  }
0x171: {  	s5 =	sshra.s32 s11, $0x2  }
0x172: {  	s11 =	sadd.s32 $0x40, s11;
	v1 =	vld [tilespmem:s5+$0x1F600];
	[tilespmem:s3+$0x1EE00] =	vst v2;
	s3 =	smov.u32 s5  }
0x173: {  	v2 =	vld [tilespmem:s3+$0x1EE00];
	_ =	sdelay $0x4  }
0x174: {  	v1 =	vadd.f32 v1, v2;
	_ =	sdelay $0x1  }
0x175: {  	s28 =	simm.s32 $0x0;
	s5 =	rddreg [dreg:$0xd];
	[tilespmem:s3+$0x1EE00] =	vst v1  }
0x176: {  	[tilespmem:s25], [sflag:$0x4] =	stream.linear.gather [hbm4b:s5+s28], $0x800, $0x38;
	[tilespmem:$0x1FE00] =	vst v63  }
0x177: {  	_ =	swait.ge [sflag:s29], $0x800  }
0x178: {  	[sflag:s29] =	ssyncset.done $0x0  }
0x179: {  	s3 =	simm.s32 $0x0;
	[sflag:s29] =	ssyncadd.s32 $0xFFFFF800  }
0x17a: {  	s11 =	simm.s32 $0x40;
	v1 =	vld [tilespmem:s3+$0x1F600]  }
.LBB2_16:
0x17b: {  	p3 =	sne.s32 s11, $0x1FC0;
	v2 =	vld [tilespmem:s3+$0x1EE00];
	_ =	sdelay $0x2  }
.Ltmp10:
0x17c: {  	(pc) =	sbr.rel @p3 .LBB2_16-.Ltmp10, $4  }
0x17d: {  	_ = 	snop  }
0x17e: {  	v2 =	vadd.f32 v1, v2  }
0x17f: {  	s5 =	sshra.s32 s11, $0x2  }
0x180: {  	s11 =	sadd.s32 $0x40, s11;
	v1 =	vld [tilespmem:s5+$0x1F600];
	[tilespmem:s3+$0x1EE00] =	vst v2;
	s3 =	smov.u32 s5  }
0x181: {  	v2 =	vld [tilespmem:s3+$0x1EE00];
	_ =	sdelay $0x4  }
0x182: {  	v1 =	vadd.f32 v1, v2;
	_ =	sdelay $0x1  }
0x183: {  	s28 =	simm.s32 $0x0;
	s5 =	rddreg [dreg:$0xe];
	[tilespmem:s3+$0x1EE00] =	vst v1  }
0x184: {  	[tilespmem:s25], [sflag:$0x4] =	stream.linear.gather [hbm4b:s5+s28], $0x800, $0x38;
	[tilespmem:$0x1FE00] =	vst v63  }
0x185: {  	_ =	swait.ge [sflag:s29], $0x800  }
0x186: {  	[sflag:s29] =	ssyncset.done $0x0  }
0x187: {  	s3 =	simm.s32 $0x0;
	[sflag:s29] =	ssyncadd.s32 $0xFFFFF800  }
0x188: {  	s11 =	simm.s32 $0x40;
	v1 =	vld [tilespmem:s3+$0x1F600]  }
.LBB2_18:
0x189: {  	p3 =	sne.s32 s11, $0x1FC0;
	v2 =	vld [tilespmem:s3+$0x1EE00];
	_ =	sdelay $0x2  }
.Ltmp11:
0x18a: {  	(pc) =	sbr.rel @p3 .LBB2_18-.Ltmp11, $4  }
0x18b: {  	_ = 	snop  }
0x18c: {  	v2 =	vadd.f32 v1, v2  }
0x18d: {  	s5 =	sshra.s32 s11, $0x2  }
0x18e: {  	s11 =	sadd.s32 $0x40, s11;
	v1 =	vld [tilespmem:s5+$0x1F600];
	[tilespmem:s3+$0x1EE00] =	vst v2;
	s3 =	smov.u32 s5  }
0x18f: {  	v2 =	vld [tilespmem:s3+$0x1EE00];
	_ =	sdelay $0x4  }
0x190: {  	v1 =	vadd.f32 v1, v2;
	_ =	sdelay $0x1  }
0x191: {  	s28 =	simm.s32 $0x0;
	s5 =	rddreg [dreg:$0xf];
	[tilespmem:s3+$0x1EE00] =	vst v1  }
0x192: {  	[tilespmem:s25], [sflag:$0x4] =	stream.linear.gather [hbm4b:s5+s28], $0x800, $0x38;
	[tilespmem:$0x1FE00] =	vst v63  }
0x193: {  	_ =	swait.ge [sflag:s29], $0x800  }
0x194: {  	[sflag:s29] =	ssyncset.done $0x0  }
0x195: {  	s3 =	simm.s32 $0x0;
	[sflag:s29] =	ssyncadd.s32 $0xFFFFF800  }
0x196: {  	s11 =	simm.s32 $0x40;
	v1 =	vld [tilespmem:s3+$0x1F600]  }
.LBB2_20:
0x197: {  	p3 =	sne.s32 s11, $0x1FC0;
	v2 =	vld [tilespmem:s3+$0x1EE00];
	_ =	sdelay $0x2  }
.Ltmp12:
0x198: {  	(pc) =	sbr.rel @p3 .LBB2_20-.Ltmp12, $4  }
0x199: {  	_ = 	snop  }
0x19a: {  	v2 =	vadd.f32 v1, v2  }
0x19b: {  	s5 =	sshra.s32 s11, $0x2  }
0x19c: {  	s11 =	sadd.s32 $0x40, s11;
	v1 =	vld [tilespmem:s5+$0x1F600];
	[tilespmem:s3+$0x1EE00] =	vst v2;
	s3 =	smov.u32 s5  }
0x19d: {  	v2 =	vld [tilespmem:s3+$0x1EE00];
	_ =	sdelay $0x4  }
0x19e: {  	v1 =	vadd.f32 v1, v2;
	_ =	sdelay $0x1  }
0x19f: {  	s28 =	simm.s32 $0x0;
	s5 =	rddreg [dreg:$0x10];
	[tilespmem:s3+$0x1EE00] =	vst v1  }
0x1a0: {  	[tilespmem:s25], [sflag:$0x4] =	stream.linear.gather [hbm4b:s5+s28], $0x800, $0x38;
	[tilespmem:$0x1FE00] =	vst v63  }
0x1a1: {  	_ =	swait.ge [sflag:s29], $0x800  }
0x1a2: {  	[sflag:s29] =	ssyncset.done $0x0  }
0x1a3: {  	s3 =	simm.s32 $0x0;
	[sflag:s29] =	ssyncadd.s32 $0xFFFFF800  }
0x1a4: {  	s11 =	simm.s32 $0x40;
	v1 =	vld [tilespmem:s3+$0x1F600]  }
.LBB2_22:
0x1a5: {  	p3 =	sne.s32 s11, $0x1FC0;
	v2 =	vld [tilespmem:s3+$0x1EE00];
	_ =	sdelay $0x2  }
.Ltmp13:
0x1a6: {  	(pc) =	sbr.rel @p3 .LBB2_22-.Ltmp13, $4  }
0x1a7: {  	_ = 	snop  }
0x1a8: {  	v2 =	vadd.f32 v1, v2  }
0x1a9: {  	s5 =	sshra.s32 s11, $0x2  }
0x1aa: {  	s11 =	sadd.s32 $0x40, s11;
	v1 =	vld [tilespmem:s5+$0x1F600];
	[tilespmem:s3+$0x1EE00] =	vst v2;
	s3 =	smov.u32 s5  }
0x1ab: {  	v2 =	vld [tilespmem:s3+$0x1EE00];
	_ =	sdelay $0x4  }
0x1ac: {  	v1 =	vadd.f32 v1, v2;
	_ =	sdelay $0x1  }
0x1ad: {  	s28 =	simm.s32 $0x0;
	s5 =	rddreg [dreg:$0x11];
	[tilespmem:s3+$0x1EE00] =	vst v1  }
0x1ae: {  	[tilespmem:s25], [sflag:$0x4] =	stream.linear.gather [hbm4b:s5+s28], $0x800, $0x38;
	[tilespmem:$0x1FE00] =	vst v63  }
0x1af: {  	_ =	swait.ge [sflag:s29], $0x800  }
0x1b0: {  	[sflag:s29] =	ssyncset.done $0x0  }
0x1b1: {  	s3 =	simm.s32 $0x0;
	[sflag:s29] =	ssyncadd.s32 $0xFFFFF800  }
0x1b2: {  	s11 =	simm.s32 $0x40;
	v1 =	vld [tilespmem:s3+$0x1F600]  }
.LBB2_24:
0x1b3: {  	p3 =	sne.s32 s11, $0x1FC0;
	v2 =	vld [tilespmem:s3+$0x1EE00];
	_ =	sdelay $0x2  }
.Ltmp14:
0x1b4: {  	(pc) =	sbr.rel @p3 .LBB2_24-.Ltmp14, $4  }
0x1b5: {  	_ = 	snop  }
0x1b6: {  	v2 =	vadd.f32 v1, v2  }
0x1b7: {  	s5 =	sshra.s32 s11, $0x2  }
0x1b8: {  	s11 =	sadd.s32 $0x40, s11;
	v1 =	vld [tilespmem:s5+$0x1F600];
	[tilespmem:s3+$0x1EE00] =	vst v2;
	s3 =	smov.u32 s5  }
0x1b9: {  	v2 =	vld [tilespmem:s3+$0x1EE00];
	_ =	sdelay $0x4  }
0x1ba: {  	v1 =	vadd.f32 v1, v2;
	_ =	sdelay $0x1  }
0x1bb: {  	s28 =	simm.s32 $0x0;
	s5 =	rddreg [dreg:$0x12];
	[tilespmem:s3+$0x1EE00] =	vst v1  }
0x1bc: {  	[tilespmem:s25], [sflag:$0x4] =	stream.linear.gather [hbm4b:s5+s28], $0x800, $0x38;
	[tilespmem:$0x1FE00] =	vst v63  }
0x1bd: {  	_ =	swait.ge [sflag:s29], $0x800  }
0x1be: {  	[sflag:s29] =	ssyncset.done $0x0  }
0x1bf: {  	s3 =	simm.s32 $0x0;
	[sflag:s29] =	ssyncadd.s32 $0xFFFFF800  }
0x1c0: {  	s11 =	simm.s32 $0x40;
	v1 =	vld [tilespmem:s3+$0x1F600]  }
.LBB2_26:
0x1c1: {  	p3 =	sne.s32 s11, $0x1FC0;
	v2 =	vld [tilespmem:s3+$0x1EE00];
	_ =	sdelay $0x2  }
.Ltmp15:
0x1c2: {  	(pc) =	sbr.rel @p3 .LBB2_26-.Ltmp15, $4  }
0x1c3: {  	_ = 	snop  }
0x1c4: {  	v2 =	vadd.f32 v1, v2  }
0x1c5: {  	s5 =	sshra.s32 s11, $0x2  }
0x1c6: {  	s11 =	sadd.s32 $0x40, s11;
	v1 =	vld [tilespmem:s5+$0x1F600];
	[tilespmem:s3+$0x1EE00] =	vst v2;
	s3 =	smov.u32 s5  }
0x1c7: {  	v2 =	vld [tilespmem:s3+$0x1EE00];
	_ =	sdelay $0x4  }
0x1c8: {  	v1 =	vadd.f32 v1, v2;
	_ =	sdelay $0x1  }
0x1c9: {  	s28 =	simm.s32 $0x0;
	s5 =	rddreg [dreg:$0x13];
	[tilespmem:s3+$0x1EE00] =	vst v1  }
0x1ca: {  	[tilespmem:s25], [sflag:$0x4] =	stream.linear.gather [hbm4b:s5+s28], $0x800, $0x38;
	[tilespmem:$0x1FE00] =	vst v63  }
0x1cb: {  	_ =	swait.ge [sflag:s29], $0x800  }
0x1cc: {  	[sflag:s29] =	ssyncset.done $0x0  }
0x1cd: {  	s3 =	simm.s32 $0x0;
	[sflag:s29] =	ssyncadd.s32 $0xFFFFF800  }
0x1ce: {  	s11 =	simm.s32 $0x40;
	v1 =	vld [tilespmem:s3+$0x1F600]  }
.LBB2_28:
0x1cf: {  	p3 =	sne.s32 s11, $0x1FC0;
	v2 =	vld [tilespmem:s3+$0x1EE00];
	_ =	sdelay $0x2  }
.Ltmp16:
0x1d0: {  	(pc) =	sbr.rel @p3 .LBB2_28-.Ltmp16, $4  }
0x1d1: {  	_ = 	snop  }
0x1d2: {  	v2 =	vadd.f32 v1, v2  }
0x1d3: {  	s5 =	sshra.s32 s11, $0x2  }
0x1d4: {  	s11 =	sadd.s32 $0x40, s11;
	v1 =	vld [tilespmem:s5+$0x1F600];
	[tilespmem:s3+$0x1EE00] =	vst v2;
	s3 =	smov.u32 s5  }
0x1d5: {  	v2 =	vld [tilespmem:s3+$0x1EE00];
	_ =	sdelay $0x4  }
0x1d6: {  	v1 =	vadd.f32 v1, v2;
	_ =	sdelay $0x1  }
0x1d7: {  	s28 =	simm.s32 $0x0;
	s5 =	rddreg [dreg:$0x14];
	[tilespmem:s3+$0x1EE00] =	vst v1  }
0x1d8: {  	[tilespmem:s25], [sflag:$0x4] =	stream.linear.gather [hbm4b:s5+s28], $0x800, $0x38;
	[tilespmem:$0x1FE00] =	vst v63  }
0x1d9: {  	_ =	swait.ge [sflag:s29], $0x800  }
0x1da: {  	[sflag:s29] =	ssyncset.done $0x0  }
0x1db: {  	s3 =	simm.s32 $0x0;
	[sflag:s29] =	ssyncadd.s32 $0xFFFFF800  }
0x1dc: {  	s11 =	simm.s32 $0x40;
	v1 =	vld [tilespmem:s3+$0x1F600]  }
.LBB2_30:
0x1dd: {  	p3 =	sne.s32 s11, $0x1FC0;
	v2 =	vld [tilespmem:s3+$0x1EE00];
	_ =	sdelay $0x2  }
.Ltmp17:
0x1de: {  	(pc) =	sbr.rel @p3 .LBB2_30-.Ltmp17, $4  }
0x1df: {  	_ = 	snop  }
0x1e0: {  	v2 =	vadd.f32 v1, v2  }
0x1e1: {  	s5 =	sshra.s32 s11, $0x2  }
0x1e2: {  	s11 =	sadd.s32 $0x40, s11;
	v1 =	vld [tilespmem:s5+$0x1F600];
	[tilespmem:s3+$0x1EE00] =	vst v2;
	s3 =	smov.u32 s5  }
0x1e3: {  	v2 =	vld [tilespmem:s3+$0x1EE00];
	_ =	sdelay $0x4  }
0x1e4: {  	v1 =	vadd.f32 v1, v2;
	_ =	sdelay $0x1  }
0x1e5: {  	s28 =	simm.s32 $0x0;
	s5 =	rddreg [dreg:$0x15];
	[tilespmem:s3+$0x1EE00] =	vst v1  }
0x1e6: {  	[tilespmem:s25], [sflag:$0x4] =	stream.linear.gather [hbm4b:s5+s28], $0x800, $0x38;
	[tilespmem:$0x1FE00] =	vst v63  }
0x1e7: {  	_ =	swait.ge [sflag:s29], $0x800  }
0x1e8: {  	[sflag:s29] =	ssyncset.done $0x0  }
0x1e9: {  	s3 =	simm.s32 $0x0;
	[sflag:s29] =	ssyncadd.s32 $0xFFFFF800  }
0x1ea: {  	s11 =	simm.s32 $0x40;
	v1 =	vld [tilespmem:s3+$0x1F600]  }
.LBB2_32:
0x1eb: {  	p3 =	sne.s32 s11, $0x1FC0;
	v2 =	vld [tilespmem:s3+$0x1EE00];
	_ =	sdelay $0x2  }
.Ltmp18:
0x1ec: {  	(pc) =	sbr.rel @p3 .LBB2_32-.Ltmp18, $4  }
0x1ed: {  	_ = 	snop  }
0x1ee: {  	v2 =	vadd.f32 v1, v2  }
0x1ef: {  	s5 =	sshra.s32 s11, $0x2  }
0x1f0: {  	s11 =	sadd.s32 $0x40, s11;
	v1 =	vld [tilespmem:s5+$0x1F600];
	[tilespmem:s3+$0x1EE00] =	vst v2;
	s3 =	smov.u32 s5  }
0x1f1: {  	v2 =	vld [tilespmem:s3+$0x1EE00];
	_ =	sdelay $0x4  }
0x1f2: {  	v1 =	vadd.f32 v1, v2;
	_ =	sdelay $0x1  }
0x1f3: {  	s28 =	simm.s32 $0x0;
	s5 =	rddreg [dreg:$0x16];
	[tilespmem:s3+$0x1EE00] =	vst v1  }
0x1f4: {  	[tilespmem:s25], [sflag:$0x4] =	stream.linear.gather [hbm4b:s5+s28], $0x800, $0x38;
	[tilespmem:$0x1FE00] =	vst v63  }
0x1f5: {  	_ =	swait.ge [sflag:s29], $0x800  }
0x1f6: {  	[sflag:s29] =	ssyncset.done $0x0  }
0x1f7: {  	s3 =	simm.s32 $0x0;
	[sflag:s29] =	ssyncadd.s32 $0xFFFFF800  }
0x1f8: {  	s11 =	simm.s32 $0x40;
	v1 =	vld [tilespmem:s3+$0x1F600]  }
.LBB2_34:
0x1f9: {  	p3 =	sne.s32 s11, $0x1FC0;
	v2 =	vld [tilespmem:s3+$0x1EE00];
	_ =	sdelay $0x2  }
.Ltmp19:
0x1fa: {  	(pc) =	sbr.rel @p3 .LBB2_34-.Ltmp19, $4  }
0x1fb: {  	_ = 	snop  }
0x1fc: {  	v2 =	vadd.f32 v1, v2  }
0x1fd: {  	s5 =	sshra.s32 s11, $0x2  }
0x1fe: {  	s11 =	sadd.s32 $0x40, s11;
	v1 =	vld [tilespmem:s5+$0x1F600];
	[tilespmem:s3+$0x1EE00] =	vst v2;
	s3 =	smov.u32 s5  }
0x1ff: {  	v2 =	vld [tilespmem:s3+$0x1EE00];
	_ =	sdelay $0x4  }
0x200: {  	v1 =	vadd.f32 v1, v2;
	_ =	sdelay $0x1  }
0x201: {  	s28 =	simm.s32 $0x0;
	s5 =	rddreg [dreg:$0x17];
	[tilespmem:s3+$0x1EE00] =	vst v1  }
0x202: {  	[tilespmem:s25], [sflag:$0x4] =	stream.linear.gather [hbm4b:s5+s28], $0x800, $0x38;
	[tilespmem:$0x1FE00] =	vst v63  }
0x203: {  	_ =	swait.ge [sflag:s29], $0x800  }
0x204: {  	[sflag:s29] =	ssyncset.done $0x0  }
0x205: {  	s3 =	simm.s32 $0x0;
	[sflag:s29] =	ssyncadd.s32 $0xFFFFF800  }
0x206: {  	s11 =	simm.s32 $0x40;
	v1 =	vld [tilespmem:s3+$0x1F600]  }
.LBB2_36:
0x207: {  	p3 =	sne.s32 s11, $0x1FC0;
	v2 =	vld [tilespmem:s3+$0x1EE00];
	_ =	sdelay $0x2  }
.Ltmp20:
0x208: {  	(pc) =	sbr.rel @p3 .LBB2_36-.Ltmp20, $4  }
0x209: {  	_ = 	snop  }
0x20a: {  	v2 =	vadd.f32 v1, v2  }
0x20b: {  	s5 =	sshra.s32 s11, $0x2  }
0x20c: {  	s11 =	sadd.s32 $0x40, s11;
	v1 =	vld [tilespmem:s5+$0x1F600];
	[tilespmem:s3+$0x1EE00] =	vst v2;
	s3 =	smov.u32 s5  }
0x20d: {  	v2 =	vld [tilespmem:s3+$0x1EE00];
	_ =	sdelay $0x4  }
0x20e: {  	v1 =	vadd.f32 v1, v2;
	_ =	sdelay $0x1  }
0x20f: {  	s28 =	simm.s32 $0x0;
	s5 =	rddreg [dreg:$0x18];
	[tilespmem:s3+$0x1EE00] =	vst v1  }
0x210: {  	[tilespmem:s25], [sflag:$0x4] =	stream.linear.gather [hbm4b:s5+s28], $0x800, $0x38;
	[tilespmem:$0x1FE00] =	vst v63  }
0x211: {  	_ =	swait.ge [sflag:s29], $0x800  }
0x212: {  	[sflag:s29] =	ssyncset.done $0x0  }
0x213: {  	s3 =	simm.s32 $0x0;
	[sflag:s29] =	ssyncadd.s32 $0xFFFFF800  }
0x214: {  	s11 =	simm.s32 $0x40;
	v1 =	vld [tilespmem:s3+$0x1F600]  }
.LBB2_38:
0x215: {  	p3 =	sne.s32 s11, $0x1FC0;
	v2 =	vld [tilespmem:s3+$0x1EE00];
	_ =	sdelay $0x2  }
.Ltmp21:
0x216: {  	(pc) =	sbr.rel @p3 .LBB2_38-.Ltmp21, $4  }
0x217: {  	_ = 	snop  }
0x218: {  	v2 =	vadd.f32 v1, v2  }
0x219: {  	s5 =	sshra.s32 s11, $0x2  }
0x21a: {  	s11 =	sadd.s32 $0x40, s11;
	v1 =	vld [tilespmem:s5+$0x1F600];
	[tilespmem:s3+$0x1EE00] =	vst v2;
	s3 =	smov.u32 s5  }
0x21b: {  	v2 =	vld [tilespmem:s3+$0x1EE00];
	_ =	sdelay $0x4  }
0x21c: {  	v1 =	vadd.f32 v1, v2;
	_ =	sdelay $0x1  }
0x21d: {  	s28 =	simm.s32 $0x0;
	s5 =	rddreg [dreg:$0x19];
	[tilespmem:s3+$0x1EE00] =	vst v1  }
0x21e: {  	[tilespmem:s25], [sflag:$0x4] =	stream.linear.gather [hbm4b:s5+s28], $0x800, $0x38;
	[tilespmem:$0x1FE00] =	vst v63  }
0x21f: {  	_ =	swait.ge [sflag:s29], $0x800  }
0x220: {  	[sflag:s29] =	ssyncset.done $0x0  }
0x221: {  	s3 =	simm.s32 $0x0;
	[sflag:s29] =	ssyncadd.s32 $0xFFFFF800  }
0x222: {  	s11 =	simm.s32 $0x40;
	v1 =	vld [tilespmem:s3+$0x1F600]  }
.LBB2_40:
0x223: {  	p3 =	sne.s32 s11, $0x1FC0;
	v2 =	vld [tilespmem:s3+$0x1EE00];
	_ =	sdelay $0x2  }
.Ltmp22:
0x224: {  	(pc) =	sbr.rel @p3 .LBB2_40-.Ltmp22, $4  }
0x225: {  	_ = 	snop  }
0x226: {  	v2 =	vadd.f32 v1, v2  }
0x227: {  	s5 =	sshra.s32 s11, $0x2  }
0x228: {  	s11 =	sadd.s32 $0x40, s11;
	v1 =	vld [tilespmem:s5+$0x1F600];
	[tilespmem:s3+$0x1EE00] =	vst v2;
	s3 =	smov.u32 s5  }
.Ltmp23:
0x229: {  	_ = 	snop;
	(pc) =	sbr.rel .LBB2_41-.Ltmp23, $1  }
0x22a: {  	_ =	sdelay $0x3  }
.LBB2_43:
0x22b: {  	_ =	sfence.sel $0x180000  }
0x22c: {  	[bflag:$0x0] =	sbarrier.arrive $0xFFFF  }
0x22d: {  	_ =	strace $0x9000004A  }
0x22e: {  	s0 =	stileid.u32;
	[bflag:$0x2] =	sbarrier.arrive $0xFFFF  }
0x22f: {  	p0 =	sne.s32 s0, $0x0;
	s0 =	rddreg [dreg:$0x3]  }
0x230: {  	s0 =	sadd.s32 @!p0 $0x100000, s0  }
0x231: {  	[sflag:s0] =	ssyncadd.tile.s32 @!p0 $0x1;
	_ =	shalt  }
.Lfunc_end2:
_tile_overlayer_lowered:
.L_overlay_start_2:
0x232: {  	(tag) =	ssettag $0x2  }
0x233: {  	s0 =	rddreg [dreg:$0x0];
	s2 =	stileid.u32  }
0x234: {  	s1 =	rddreg [dreg:$0x1];
	p0 =	sne.s32 s2, $0x0  }
0x235: {  	s3 =	rddreg [dreg:$0x2];
	[bflag:$0x3] =	sbarrier.arrive $0xFFFF;
	s2 =	simm.s32 @!p0 $0x1C04  }
0x236: {  	[timem:s3], [sflag:s2] =	dma.local @!p0 [hbm:s0], s1  }
0x237: {  	s0 =	simm.s32 @!p0 $0x4  }
0x238: {  	_ =	swait.ge @!p0 [sflag:s0], s1  }
0x239: {  	s1 =	ssub.s32 @!p0 $0x0, s1;
	[sflag:s0] =	ssyncset.done @!p0 $0x0  }
0x23a: {  	[sflag:s0] =	ssyncadd.s32 @!p0 s1  }
0x23b: {  	[bflag:$0x3] =	sbarrier.arrive $0xFFFF  }
0x23c: {  	_ =	shalt  }

</sc_bundles>
